<compile_context>
chip_gen: v7x
topology: tpu7x:2x2x1
jax: 0.10.2.dev20260603
libtpu: 0.0.44.dev20260713+nightly
codegen_flags: <defaults>
</compile_context>

<pallas_src>
import jax
import jax.numpy as jnp
from jax import lax
from jax.experimental import pallas as pl
from jax.experimental.pallas import tpu as pltpu
from jax.experimental.pallas import tpu_sc as plsc

_NC = 2
_NS = 16
_NW = _NC * _NS
_CHUNK = 128


def _stream_gather(table, idx_hbm, out_hbm, wid, nch, depth, idx_v, bufs,
                   gsems, wsems, didx_hbm=None, didx_v=None):
    pltpu.sync_copy(idx_hbm.at[wid], idx_v)
    if didx_hbm is not None:
        pltpu.sync_copy(didx_hbm.at[wid], didx_v)
    base = wid * nch * _CHUNK

    def _gather(c, k):
        return pltpu.make_async_copy(table.at[idx_v.at[c]], bufs[k], gsems[k])

    def _wb(c, k):
        if didx_hbm is not None:
            dst = out_hbm.at[didx_v.at[c]]
        else:
            dst = out_hbm.at[pl.ds(base + c * _CHUNK, _CHUNK)]
        return pltpu.make_async_copy(bufs[k], dst, wsems[k])

    for k in range(depth):
        _gather(k, k).start()

    def outer(i, carry):
        for k in range(depth):
            c = i * depth + k
            _gather(c, k).wait()
            _wb(c, k).start()

            @pl.when(c + depth < nch)
            def _():
                _wb(c, k).wait()
                _gather(c + depth, k).start()

        return carry

    lax.fori_loop(0, nch // depth, outer, 0, unroll=False)

    for k in range(depth):
        _wb(nch - depth + k, k).wait()


def _sc_gather_body(ent_hbm, rel_hbm, tidx_hbm, sidx_hbm, ridx_hbm,
                    tdest_hbm, sdest_hbm,
                    tails_out, s_out, r_out,
                    iv_t, iv_s, iv_r, dv_t, dv_s, buf0, buf1, buf2, buf3, buf4,
                    g0, g1, g2, g3, g4, w0, w1, w2, w3, w4):
    wid = lax.axis_index("s") * _NC + lax.axis_index("c")
    bufs = (buf0, buf1, buf2, buf3, buf4)
    gsems = (g0, g1, g2, g3, g4)
    wsems = (w0, w1, w2, w3, w4)
    nch_t = iv_t.shape[0]
    nch_s = iv_s.shape[0]
    nch_r = iv_r.shape[0]

    def depth_for(nch):
        for d in (5, 4, 3, 2, 1):
            if nch % d == 0 and nch >= d:
                return d
        return 1

    _stream_gather(ent_hbm, tidx_hbm, tails_out, wid, nch_t, depth_for(nch_t),
                   iv_t, bufs, gsems, wsems, didx_hbm=tdest_hbm, didx_v=dv_t)
    _stream_gather(ent_hbm, sidx_hbm, s_out, wid, nch_s, depth_for(nch_s),
                   iv_s, bufs, gsems, wsems, didx_hbm=sdest_hbm, didx_v=dv_s)
    _stream_gather(rel_hbm, ridx_hbm, r_out, wid, nch_r, depth_for(nch_r),
                   iv_r, bufs, gsems, wsems, didx_hbm=sdest_hbm, didx_v=dv_s)


def _sc_gather(entity_embeddings, relation_embeddings, tidx, sidx, ridx,
               tdest, sdest, H):
    nch_t = tidx.shape[1]
    nch_s = sidx.shape[1]
    nch_r = ridx.shape[1]
    mesh = plsc.VectorSubcoreMesh(core_axis_name="c", subcore_axis_name="s",
                                  num_cores=_NC, num_subcores=_NS)
    f32 = jnp.float32
    kern = pl.kernel(
        _sc_gather_body,
        out_type=(
            jax.ShapeDtypeStruct((_NW * nch_t * _CHUNK, H), f32),
            jax.ShapeDtypeStruct((_NW * nch_s * _CHUNK, H), f32),
            jax.ShapeDtypeStruct((_NW * nch_r * _CHUNK, H), f32),
        ),
        mesh=mesh,
        scratch_types=[
            pltpu.VMEM((nch_t, _CHUNK), jnp.int32),
            pltpu.VMEM((nch_s, _CHUNK), jnp.int32),
            pltpu.VMEM((nch_r, _CHUNK), jnp.int32),
            pltpu.VMEM((nch_t, _CHUNK), jnp.int32),
            pltpu.VMEM((nch_s, _CHUNK), jnp.int32),
            pltpu.VMEM((_CHUNK, H), f32),
            pltpu.VMEM((_CHUNK, H), f32),
            pltpu.VMEM((_CHUNK, H), f32),
            pltpu.VMEM((_CHUNK, H), f32),
            pltpu.VMEM((_CHUNK, H), f32),
            pltpu.SemaphoreType.DMA,
            pltpu.SemaphoreType.DMA,
            pltpu.SemaphoreType.DMA,
            pltpu.SemaphoreType.DMA,
            pltpu.SemaphoreType.DMA,
            pltpu.SemaphoreType.DMA,
            pltpu.SemaphoreType.DMA,
            pltpu.SemaphoreType.DMA,
            pltpu.SemaphoreType.DMA,
            pltpu.SemaphoreType.DMA,
        ],
    )
    return kern(entity_embeddings, relation_embeddings, tidx, sidx, ridx,
                tdest, sdest)


def _sc_unperm_body(src_hbm, idx_hbm, out_hbm, iv, buf0, buf1, g0, g1, w0, w1):
    wid = lax.axis_index("s") * _NC + lax.axis_index("c")
    nch = iv.shape[0]
    _stream_gather(src_hbm, idx_hbm, out_hbm, wid, nch, 2 if nch % 2 == 0 else 1,
                   iv, (buf0, buf1), (g0, g1), (w0, w1))


def _sc_unperm(src, idx3):
    nch = idx3.shape[1]
    H = src.shape[1]
    mesh = plsc.VectorSubcoreMesh(core_axis_name="c", subcore_axis_name="s",
                                  num_cores=_NC, num_subcores=_NS)
    kern = pl.kernel(
        _sc_unperm_body,
        out_type=jax.ShapeDtypeStruct((_NW * nch * _CHUNK, H), jnp.float32),
        mesh=mesh,
        scratch_types=[
            pltpu.VMEM((nch, _CHUNK), jnp.int32),
            pltpu.VMEM((_CHUNK, H), jnp.float32),
            pltpu.VMEM((_CHUNK, H), jnp.float32),
            pltpu.SemaphoreType.DMA,
            pltpu.SemaphoreType.DMA,
            pltpu.SemaphoreType.DMA,
            pltpu.SemaphoreType.DMA,
        ],
    )
    return kern(src, idx3)


def _gru_body(ml_ref, tails_ref, s_ref, r_ref, hl_ref, wt_ref, whh_ref,
              bih_ref, bhh_ref, out_ref, gib_ref):
    b = pl.program_id(0)
    t = pl.program_id(1)
    H = out_ref.shape[1]
    f32 = jnp.float32
    bf16 = jnp.bfloat16
    ml = ml_ref[b]

    @pl.when(t == 0)
    def _():
        out_ref[...] = jnp.zeros_like(out_ref)

    @pl.when(jnp.logical_and(t == 0, ml > 0))
    def _():
        s = s_ref[...].astype(bf16)
        r = r_ref[...].astype(bf16)
        gib_ref[...] = (
            jnp.dot(s, wt_ref[0:H, :], preferred_element_type=f32)
            + jnp.dot(r, wt_ref[H:2 * H, :], preferred_element_type=f32)
            + bih_ref[...]
        )

    @pl.when(t < ml)
    def _():
        h = out_ref[...]
        x_t = tails_ref[0].astype(bf16)
        gi = gib_ref[...] + jnp.dot(x_t, wt_ref[2 * H:3 * H, :],
                                    preferred_element_type=f32)
        gh = jnp.dot(h.astype(bf16), whh_ref[...],
                     preferred_element_type=f32) + bhh_ref[...]
        i_r, i_z, i_n = gi[:, :H], gi[:, H:2 * H], gi[:, 2 * H:]
        h_r, h_z, h_n = gh[:, :H], gh[:, H:2 * H], gh[:, 2 * H:]
        rg = 0.5 * jnp.tanh(0.5 * (i_r + h_r)) + 0.5
        z = 0.5 * jnp.tanh(0.5 * (i_z + h_z)) + 0.5
        n = jnp.tanh(i_n + rg * h_n)
        h_new = (1.0 - z) * n + z * h
        m = hl_ref[0] > t
        out_ref[...] = jnp.where(m, h_new, h)


def _gru(tails, s_rows, r_rows, hist_len, maxlens, W_ih, W_hh, b_ih, b_hh, BB):
    T, B, H = tails.shape
    NB = B // BB
    wt = W_ih.T.astype(jnp.bfloat16)
    whh = W_hh.T.astype(jnp.bfloat16)
    bih = b_ih.reshape(1, 3 * H).astype(jnp.float32)
    bhh = b_hh.reshape(1, 3 * H).astype(jnp.float32)
    hl3 = hist_len.astype(jnp.int32).reshape(NB, BB, 1)

    def tails_map(b, t, ml):
        return (jnp.maximum(jnp.minimum(t, ml[b] - 1), 0), b, 0)

    grid = (NB, T)
    return pl.pallas_call(
        _gru_body,
        grid_spec=pltpu.PrefetchScalarGridSpec(
            num_scalar_prefetch=1,
            grid=grid,
            in_specs=[
                pl.BlockSpec((1, BB, H), tails_map),
                pl.BlockSpec((BB, H), lambda b, t, ml: (b, 0)),
                pl.BlockSpec((BB, H), lambda b, t, ml: (b, 0)),
                pl.BlockSpec((1, BB, 1), lambda b, t, ml: (b, 0, 0)),
                pl.BlockSpec((3 * H, 3 * H), lambda b, t, ml: (0, 0)),
                pl.BlockSpec((H, 3 * H), lambda b, t, ml: (0, 0)),
                pl.BlockSpec((1, 3 * H), lambda b, t, ml: (0, 0)),
                pl.BlockSpec((1, 3 * H), lambda b, t, ml: (0, 0)),
            ],
            out_specs=pl.BlockSpec((BB, H), lambda b, t, ml: (b, 0)),
            scratch_shapes=[pltpu.VMEM((BB, 3 * H), jnp.float32)],
        ),
        out_shape=jax.ShapeDtypeStruct((B, H), jnp.float32),
        compiler_params=pltpu.CompilerParams(
            dimension_semantics=("arbitrary", "arbitrary"),
        ),
    )(maxlens, tails, s_rows, r_rows, hl3, wt, whh, bih, bhh)


@jax.jit
def kernel(all_triples, hist_tails, hist_len, entity_embeddings,
           relation_embeddings, W_ih, W_hh, b_ih, b_hh):
    B, T = hist_tails.shape
    H = entity_embeddings.shape[1]

    NSPLIT = 2
    BB = 4096
    BC = B // NSPLIT
    outs = []
    gathered = []
    meta = []
    for c in range(NSPLIT):
        sl = slice(c * BC, (c + 1) * BC)
        hl_c = hist_len[sl].astype(jnp.int32)

        i32 = jnp.int32
        kk = jnp.arange(T + 1, dtype=i32)
        eq = hl_c[:, None] == kk[None, :]
        csum = jnp.cumsum(eq.astype(i32), axis=0)
        rank = jnp.sum(jnp.where(eq, csum, 0), axis=1) - 1
        d = jnp.sum(hl_c[:, None] >= kk[None, 1:], axis=0,
                    dtype=i32)
        d_ext = jnp.concatenate([d, jnp.zeros((1,), i32)])
        n_gt = jnp.sum(jnp.where(eq, d_ext[None, :], 0), axis=1)
        pos = n_gt + rank

        hl_p = jnp.sum(jnp.arange(BC, dtype=i32)[:, None] < d[None, :],
                       axis=1, dtype=i32)
        maxlens = hl_p[::BB]

        nch_t = (T * BC) // (_NW * _CHUNK)
        nch_s = BC // (_NW * _CHUNK)
        tidx = hist_tails[sl].T.astype(i32).reshape(_NW, nch_t, _CHUNK)
        sidx = all_triples[sl, 0].astype(i32).reshape(_NW, nch_s, _CHUNK)
        ridx = all_triples[sl, 1].astype(i32).reshape(_NW, nch_s, _CHUNK)
        tdest = (jnp.arange(T, dtype=i32)[:, None] * BC
                 + pos[None, :]).reshape(_NW, nch_t, _CHUNK)
        sdest = pos.reshape(_NW, nch_s, _CHUNK)

        gathered.append(_sc_gather(
            entity_embeddings, relation_embeddings, tidx, sidx, ridx,
            tdest, sdest, H))
        meta.append((hl_p, maxlens, pos.reshape(_NW, nch_s, _CHUNK)))

    for c in range(NSPLIT):
        tails_flat, s_rows, r_rows = gathered[c]
        hl_p, maxlens, pidx = meta[c]
        tails = tails_flat.reshape(T, BC, H)
        out_sorted = _gru(tails, s_rows, r_rows, hl_p, maxlens,
                          W_ih, W_hh, b_ih, b_hh, BB=BB)
        outs.append(_sc_unperm(out_sorted, pidx))
    return jnp.concatenate(outs, axis=0)

# --- scband reference (transcript-rebuilt; emitter-appended) ---
"""Pipeline reference for scband-evolve-net-47777216201147 (READ-ONLY COPY).

The authoritative reference and input builder live on the scoring server;
editing this copy changes nothing except your own understanding.
"""

import jax, jax.numpy as jnp
import numpy as np

B = 16384
T = 10
H = 128
NE = 1000000
NR = 500


def setup_inputs(seed: int = 0) -> dict:
    key = jax.random.key(seed)
    ks = jax.random.split(key, 9)
    return {
        "all_triples": jax.random.randint(ks[0], (B, 3), 0, NR),
        "hist_tails": jax.random.randint(ks[1], (B, T), 0, NE),
        "hist_len": jax.random.randint(ks[2], (B,), 0, T + 1),
        "entity_embeddings": jax.random.normal(ks[3], (NE, H), dtype=jnp.float32),
        "relation_embeddings": jax.random.normal(ks[4], (NR, H), dtype=jnp.float32),
        "W_ih": jax.random.normal(ks[5], (3 * H, 3 * H), dtype=jnp.float32) * 0.05,
        "W_hh": jax.random.normal(ks[6], (3 * H, H), dtype=jnp.float32) * 0.05,
        "b_ih": jnp.zeros((3 * H,), dtype=jnp.float32),
        "b_hh": jnp.zeros((3 * H,), dtype=jnp.float32),
    }


def _gru_step(h, x, W_ih, W_hh, b_ih, b_hh):
    # PyTorch nn.GRU cell convention (gates ordered r, z, n)
    gi = x @ W_ih.T + b_ih
    gh = h @ W_hh.T + b_hh
    i_r, i_z, i_n = jnp.split(gi, 3, axis=-1)
    h_r, h_z, h_n = jnp.split(gh, 3, axis=-1)
    r = jax.nn.sigmoid(i_r + h_r)
    z = jax.nn.sigmoid(i_z + h_z)
    n = jnp.tanh(i_n + r * h_n)
    return (1.0 - z) * n + z * h


def reference(all_triples, hist_tails, hist_len, entity_embeddings, relation_embeddings, W_ih, W_hh, b_ih, b_hh):
    # EvolveNet.forward: per-subject ragged history -> MeanAggregator (one tail per
    # timestep) -> packed GRU -> final hidden of each sequence, zeros for empty
    # histories, restored to original triple order. The sort-by-length + packed
    # sequence + inverse-permutation in the torch code is mathematically equivalent
    # to a masked GRU scan that freezes the hidden state past each sequence length.
    s = all_triples[:, 0]
    r = all_triples[:, 1]
    s_emb = jnp.take(entity_embeddings, s, axis=0)            # [B, H] gather
    r_emb = jnp.take(relation_embeddings, r, axis=0)          # [B, H] gather
    tail_emb = jnp.take(entity_embeddings, hist_tails, axis=0)  # [B, T, H] large gather
    x = jnp.concatenate(
        [
            jnp.broadcast_to(s_emb[:, None, :], tail_emb.shape),
            jnp.broadcast_to(r_emb[:, None, :], tail_emb.shape),
            tail_emb,
        ],
        axis=-1,
    )  # [B, T, 3H]
    mask = (jnp.arange(T)[None, :] < hist_len[:, None]).astype(x.dtype)  # [B, T]

    def step(h, inp):
        x_t, m_t = inp
        h_new = _gru_step(h, x_t, W_ih, W_hh, b_ih, b_hh)
        h_out = m_t[:, None] * h_new + (1.0 - m_t[:, None]) * h
        return h_out, None

    h0 = jnp.zeros((x.shape[0], H), dtype=x.dtype)
    hT, _ = jax.lax.scan(step, h0, (jnp.swapaxes(x, 0, 1), jnp.swapaxes(mask, 0, 1)))
    # dropout is identity in eval mode; zero-length histories yield zeros (h0)
    return hT  # local_hidden: [B, H]

if __name__ == "__main__":
    import jax
    _d = setup_inputs()
    print(jax.jit(kernel)(*tuple(_d.values())))

</pallas_src>

<mosaic_0001>
#map = affine_map<(d0, d1) -> (0, 0)>
#map1 = affine_map<(d0, d1) -> (0, 0, 0)>
module attributes {stable_mosaic.version = 14 : i64} {
  func.func @_sc_gather_body(%arg0: i32, %arg1: i32, %arg2: memref<1000000x128xf32, #tpu.memory_space<hbm>>, %arg3: memref<500x128xf32, #tpu.memory_space<hbm>>, %arg4: memref<32x20x128xi32, #tpu.memory_space<hbm>>, %arg5: memref<32x2x128xi32, #tpu.memory_space<hbm>>, %arg6: memref<32x2x128xi32, #tpu.memory_space<hbm>>, %arg7: memref<32x20x128xi32, #tpu.memory_space<hbm>>, %arg8: memref<32x2x128xi32, #tpu.memory_space<hbm>>, %arg9: memref<81920x128xf32, #tpu.memory_space<hbm>>, %arg10: memref<8192x128xf32, #tpu.memory_space<hbm>>, %arg11: memref<8192x128xf32, #tpu.memory_space<hbm>>, %arg12: memref<20x128xi32, #tpu.memory_space<vmem>>, %arg13: memref<2x128xi32, #tpu.memory_space<vmem>>, %arg14: memref<2x128xi32, #tpu.memory_space<vmem>>, %arg15: memref<20x128xi32, #tpu.memory_space<vmem>>, %arg16: memref<2x128xi32, #tpu.memory_space<vmem>>, %arg17: memref<128x128xf32, #tpu.memory_space<vmem>>, %arg18: memref<128x128xf32, #tpu.memory_space<vmem>>, %arg19: memref<128x128xf32, #tpu.memory_space<vmem>>, %arg20: memref<128x128xf32, #tpu.memory_space<vmem>>, %arg21: memref<128x128xf32, #tpu.memory_space<vmem>>, %arg22: memref<!tpu.dma_semaphore, #tpu.memory_space<semaphore_mem>>, %arg23: memref<!tpu.dma_semaphore, #tpu.memory_space<semaphore_mem>>, %arg24: memref<!tpu.dma_semaphore, #tpu.memory_space<semaphore_mem>>, %arg25: memref<!tpu.dma_semaphore, #tpu.memory_space<semaphore_mem>>, %arg26: memref<!tpu.dma_semaphore, #tpu.memory_space<semaphore_mem>>, %arg27: memref<!tpu.dma_semaphore, #tpu.memory_space<semaphore_mem>>, %arg28: memref<!tpu.dma_semaphore, #tpu.memory_space<semaphore_mem>>, %arg29: memref<!tpu.dma_semaphore, #tpu.memory_space<semaphore_mem>>, %arg30: memref<!tpu.dma_semaphore, #tpu.memory_space<semaphore_mem>>, %arg31: memref<!tpu.dma_semaphore, #tpu.memory_space<semaphore_mem>>) attributes {dimension_semantics = [#tpu.dimension_semantics<core_parallel>, #tpu.dimension_semantics<subcore_parallel>], iteration_bounds = array<i64: 2, 16>, scalar_prefetch = 0 : i64, scratch_operands = 20 : i64, tpu.core_type = #tpu.core_type<sc_vector_subcore>, window_params = [{transform_indices = #map}, {transform_indices = #map}, {transform_indices = #map1}, {transform_indices = #map1}, {transform_indices = #map1}, {transform_indices = #map1}, {transform_indices = #map1}, {transform_indices = #map}, {transform_indices = #map}, {transform_indices = #map}]} {
    %mul3A = arith.constant 2 : i32
    %mul3A_0 = arith.muli %arg1, %mul3A : i32
    %add3A = arith.addi %mul3A_0, %arg0 : i32
    "tpu.region"() ({
      %run_scoped3A = tpu.sem_alloc : memref<!tpu.dma_semaphore, #tpu.memory_space<semaphore_mem>>
      %dma_start3A_237 = arith.constant 0 : i32
      %dma_start3A_238 = arith.constant 0 : i32
      %dma_start3A_239 = tpu.memref_slice %arg4[%add3A, %dma_start3A_237, %dma_start3A_238] : memref<32x20x128xi32, #tpu.memory_space<hbm>> -> memref<1x20x128xi32, #tpu.memory_space<hbm>>
      %dma_start3A_240 = tpu.memref_squeeze %dma_start3A_239 : memref<1x20x128xi32, #tpu.memory_space<hbm>> -> memref<20x128xi32, #tpu.memory_space<hbm>>
      %dma_start3A_241 = arith.constant 0 : i32
      %dma_start3A_242 = arith.constant 0 : i32
      %dma_start3A_243 = tpu.memref_slice %arg4[%add3A, %dma_start3A_241, %dma_start3A_242] : memref<32x20x128xi32, #tpu.memory_space<hbm>> -> memref<1x20x128xi32, #tpu.memory_space<hbm>>
      %dma_start3A_244 = tpu.memref_squeeze %dma_start3A_243 : memref<1x20x128xi32, #tpu.memory_space<hbm>> -> memref<20x128xi32, #tpu.memory_space<hbm>>
      tpu.enqueue_dma source(%dma_start3A_244 : memref<20x128xi32, #tpu.memory_space<hbm>>) target(%arg12 : memref<20x128xi32, #tpu.memory_space<vmem>>) target_semaphore(%run_scoped3A : memref<!tpu.dma_semaphore, #tpu.memory_space<semaphore_mem>>)
      %dma_wait3A_245 = arith.constant 0 : i32
      %dma_wait3A_246 = arith.constant 0 : i32
      %dma_wait3A_247 = tpu.memref_slice %arg4[%add3A, %dma_wait3A_245, %dma_wait3A_246] : memref<32x20x128xi32, #tpu.memory_space<hbm>> -> memref<1x20x128xi32, #tpu.memory_space<hbm>>
      %dma_wait3A_248 = tpu.memref_squeeze %dma_wait3A_247 : memref<1x20x128xi32, #tpu.memory_space<hbm>> -> memref<20x128xi32, #tpu.memory_space<hbm>>
      %dma_wait3A_249 = arith.constant 0 : i32
      %dma_wait3A_250 = arith.constant 0 : i32
      %dma_wait3A_251 = tpu.memref_slice %arg4[%add3A, %dma_wait3A_249, %dma_wait3A_250] : memref<32x20x128xi32, #tpu.memory_space<hbm>> -> memref<1x20x128xi32, #tpu.memory_space<hbm>>
      %dma_wait3A_252 = tpu.memref_squeeze %dma_wait3A_251 : memref<1x20x128xi32, #tpu.memory_space<hbm>> -> memref<20x128xi32, #tpu.memory_space<hbm>>
      tpu.wait_dma2 semaphore(%run_scoped3A : memref<!tpu.dma_semaphore, #tpu.memory_space<semaphore_mem>>) src(%dma_wait3A_252 : memref<20x128xi32, #tpu.memory_space<hbm>>) dst(%arg12 : memref<20x128xi32, #tpu.memory_space<vmem>>)
      tpu.yield
    }) : () -> ()
    "tpu.region"() ({
      %run_scoped3A = tpu.sem_alloc : memref<!tpu.dma_semaphore, #tpu.memory_space<semaphore_mem>>
      %dma_start3A_237 = arith.constant 0 : i32
      %dma_start3A_238 = arith.constant 0 : i32
      %dma_start3A_239 = tpu.memref_slice %arg7[%add3A, %dma_start3A_237, %dma_start3A_238] : memref<32x20x128xi32, #tpu.memory_space<hbm>> -> memref<1x20x128xi32, #tpu.memory_space<hbm>>
      %dma_start3A_240 = tpu.memref_squeeze %dma_start3A_239 : memref<1x20x128xi32, #tpu.memory_space<hbm>> -> memref<20x128xi32, #tpu.memory_space<hbm>>
      %dma_start3A_241 = arith.constant 0 : i32
      %dma_start3A_242 = arith.constant 0 : i32
      %dma_start3A_243 = tpu.memref_slice %arg7[%add3A, %dma_start3A_241, %dma_start3A_242] : memref<32x20x128xi32, #tpu.memory_space<hbm>> -> memref<1x20x128xi32, #tpu.memory_space<hbm>>
      %dma_start3A_244 = tpu.memref_squeeze %dma_start3A_243 : memref<1x20x128xi32, #tpu.memory_space<hbm>> -> memref<20x128xi32, #tpu.memory_space<hbm>>
      tpu.enqueue_dma source(%dma_start3A_244 : memref<20x128xi32, #tpu.memory_space<hbm>>) target(%arg15 : memref<20x128xi32, #tpu.memory_space<vmem>>) target_semaphore(%run_scoped3A : memref<!tpu.dma_semaphore, #tpu.memory_space<semaphore_mem>>)
      %dma_wait3A_245 = arith.constant 0 : i32
      %dma_wait3A_246 = arith.constant 0 : i32
      %dma_wait3A_247 = tpu.memref_slice %arg7[%add3A, %dma_wait3A_245, %dma_wait3A_246] : memref<32x20x128xi32, #tpu.memory_space<hbm>> -> memref<1x20x128xi32, #tpu.memory_space<hbm>>
      %dma_wait3A_248 = tpu.memref_squeeze %dma_wait3A_247 : memref<1x20x128xi32, #tpu.memory_space<hbm>> -> memref<20x128xi32, #tpu.memory_space<hbm>>
      %dma_wait3A_249 = arith.constant 0 : i32
      %dma_wait3A_250 = arith.constant 0 : i32
      %dma_wait3A_251 = tpu.memref_slice %arg7[%add3A, %dma_wait3A_249, %dma_wait3A_250] : memref<32x20x128xi32, #tpu.memory_space<hbm>> -> memref<1x20x128xi32, #tpu.memory_space<hbm>>
      %dma_wait3A_252 = tpu.memref_squeeze %dma_wait3A_251 : memref<1x20x128xi32, #tpu.memory_space<hbm>> -> memref<20x128xi32, #tpu.memory_space<hbm>>
      tpu.wait_dma2 semaphore(%run_scoped3A : memref<!tpu.dma_semaphore, #tpu.memory_space<semaphore_mem>>) src(%dma_wait3A_252 : memref<20x128xi32, #tpu.memory_space<hbm>>) dst(%arg15 : memref<20x128xi32, #tpu.memory_space<vmem>>)
      tpu.yield
    }) : () -> ()
    %mul3A_1 = arith.constant 20 : i32
    %mul3A_2 = arith.muli %add3A, %mul3A_1 : i32
    %mul3A_3 = arith.constant 128 : i32
    %mul3A_4 = arith.muli %mul3A_2, %mul3A_3 : i32
    %dma_start3A = arith.constant 0 : i32
    %dma_start3A_5 = arith.constant 0 : i32
    %dma_start3A_6 = tpu.memref_slice %arg12[%dma_start3A, %dma_start3A_5] : memref<20x128xi32, #tpu.memory_space<vmem>> -> memref<1x128xi32, #tpu.memory_space<vmem>>
    %dma_start3A_7 = tpu.memref_squeeze %dma_start3A_6 : memref<1x128xi32, #tpu.memory_space<vmem>> -> memref<128xi32, #tpu.memory_space<vmem>>
    %dma_start3A_8 = arith.constant 0 : i32
    %dma_start3A_9 = arith.constant 0 : i32
    %dma_start3A_10 = tpu.memref_slice %arg2[%dma_start3A_8, %dma_start3A_9] : memref<1000000x128xf32, #tpu.memory_space<hbm>> -> memref<1000000x128xf32, #tpu.memory_space<hbm>>
    tpu.enqueue_indirect_dma source(%dma_start3A_10 : memref<1000000x128xf32, #tpu.memory_space<hbm>>) target(%arg17 : memref<128x128xf32, #tpu.memory_space<vmem>>) offsets(%dma_start3A_7 : memref<128xi32, #tpu.memory_space<vmem>>) semaphore(%arg22 : memref<!tpu.dma_semaphore, #tpu.memory_space<semaphore_mem>>)
    %dma_start3A_11 = arith.constant 1 : i32
    %dma_start3A_12 = arith.constant 0 : i32
    %dma_start3A_13 = tpu.memref_slice %arg12[%dma_start3A_11, %dma_start3A_12] : memref<20x128xi32, #tpu.memory_space<vmem>> -> memref<1x128xi32, #tpu.memory_space<vmem>>
    %dma_start3A_14 = tpu.memref_squeeze %dma_start3A_13 : memref<1x128xi32, #tpu.memory_space<vmem>> -> memref<128xi32, #tpu.memory_space<vmem>>
    %dma_start3A_15 = arith.constant 0 : i32
    %dma_start3A_16 = arith.constant 0 : i32
    %dma_start3A_17 = tpu.memref_slice %arg2[%dma_start3A_15, %dma_start3A_16] : memref<1000000x128xf32, #tpu.memory_space<hbm>> -> memref<1000000x128xf32, #tpu.memory_space<hbm>>
    tpu.enqueue_indirect_dma source(%dma_start3A_17 : memref<1000000x128xf32, #tpu.memory_space<hbm>>) target(%arg18 : memref<128x128xf32, #tpu.memory_space<vmem>>) offsets(%dma_start3A_14 : memref<128xi32, #tpu.memory_space<vmem>>) semaphore(%arg23 : memref<!tpu.dma_semaphore, #tpu.memory_space<semaphore_mem>>)
    %dma_start3A_18 = arith.constant 2 : i32
    %dma_start3A_19 = arith.constant 0 : i32
    %dma_start3A_20 = tpu.memref_slice %arg12[%dma_start3A_18, %dma_start3A_19] : memref<20x128xi32, #tpu.memory_space<vmem>> -> memref<1x128xi32, #tpu.memory_space<vmem>>
    %dma_start3A_21 = tpu.memref_squeeze %dma_start3A_20 : memref<1x128xi32, #tpu.memory_space<vmem>> -> memref<128xi32, #tpu.memory_space<vmem>>
    %dma_start3A_22 = arith.constant 0 : i32
    %dma_start3A_23 = arith.constant 0 : i32
    %dma_start3A_24 = tpu.memref_slice %arg2[%dma_start3A_22, %dma_start3A_23] : memref<1000000x128xf32, #tpu.memory_space<hbm>> -> memref<1000000x128xf32, #tpu.memory_space<hbm>>
    tpu.enqueue_indirect_dma source(%dma_start3A_24 : memref<1000000x128xf32, #tpu.memory_space<hbm>>) target(%arg19 : memref<128x128xf32, #tpu.memory_space<vmem>>) offsets(%dma_start3A_21 : memref<128xi32, #tpu.memory_space<vmem>>) semaphore(%arg24 : memref<!tpu.dma_semaphore, #tpu.memory_space<semaphore_mem>>)
    %dma_start3A_25 = arith.constant 3 : i32
    %dma_start3A_26 = arith.constant 0 : i32
    %dma_start3A_27 = tpu.memref_slice %arg12[%dma_start3A_25, %dma_start3A_26] : memref<20x128xi32, #tpu.memory_space<vmem>> -> memref<1x128xi32, #tpu.memory_space<vmem>>
    %dma_start3A_28 = tpu.memref_squeeze %dma_start3A_27 : memref<1x128xi32, #tpu.memory_space<vmem>> -> memref<128xi32, #tpu.memory_space<vmem>>
    %dma_start3A_29 = arith.constant 0 : i32
    %dma_start3A_30 = arith.constant 0 : i32
    %dma_start3A_31 = tpu.memref_slice %arg2[%dma_start3A_29, %dma_start3A_30] : memref<1000000x128xf32, #tpu.memory_space<hbm>> -> memref<1000000x128xf32, #tpu.memory_space<hbm>>
    tpu.enqueue_indirect_dma source(%dma_start3A_31 : memref<1000000x128xf32, #tpu.memory_space<hbm>>) target(%arg20 : memref<128x128xf32, #tpu.memory_space<vmem>>) offsets(%dma_start3A_28 : memref<128xi32, #tpu.memory_space<vmem>>) semaphore(%arg25 : memref<!tpu.dma_semaphore, #tpu.memory_space<semaphore_mem>>)
    %dma_start3A_32 = arith.constant 4 : i32
    %dma_start3A_33 = arith.constant 0 : i32
    %dma_start3A_34 = tpu.memref_slice %arg12[%dma_start3A_32, %dma_start3A_33] : memref<20x128xi32, #tpu.memory_space<vmem>> -> memref<1x128xi32, #tpu.memory_space<vmem>>
    %dma_start3A_35 = tpu.memref_squeeze %dma_start3A_34 : memref<1x128xi32, #tpu.memory_space<vmem>> -> memref<128xi32, #tpu.memory_space<vmem>>
    %dma_start3A_36 = arith.constant 0 : i32
    %dma_start3A_37 = arith.constant 0 : i32
    %dma_start3A_38 = tpu.memref_slice %arg2[%dma_start3A_36, %dma_start3A_37] : memref<1000000x128xf32, #tpu.memory_space<hbm>> -> memref<1000000x128xf32, #tpu.memory_space<hbm>>
    tpu.enqueue_indirect_dma source(%dma_start3A_38 : memref<1000000x128xf32, #tpu.memory_space<hbm>>) target(%arg21 : memref<128x128xf32, #tpu.memory_space<vmem>>) offsets(%dma_start3A_35 : memref<128xi32, #tpu.memory_space<vmem>>) semaphore(%arg26 : memref<!tpu.dma_semaphore, #tpu.memory_space<semaphore_mem>>)
    %scan3A = arith.constant 0 : i32
    %scan3A_39 = arith.constant 0 : i32
    %scan3A_40 = arith.constant 4 : i32
    %scan3A_41 = arith.addi %scan3A_39, %scan3A_40 : i32
    %scan3A_42 = arith.constant 1 : i32
    scf.for %scan3A_237 = %scan3A_39 to %scan3A_41 step %scan3A_42  : i32 {
      %mul3A_238 = arith.constant 5 : i32
      %mul3A_239 = arith.muli %scan3A_237, %mul3A_238 : i32
      %add3A_240 = arith.constant 0 : i32
      %add3A_241 = arith.addi %mul3A_239, %add3A_240 : i32
      %dma_wait3A_242 = arith.constant 0 : i32
      %dma_wait3A_243 = tpu.memref_slice %arg12[%add3A_241, %dma_wait3A_242] : memref<20x128xi32, #tpu.memory_space<vmem>> -> memref<1x128xi32, #tpu.memory_space<vmem>>
      %dma_wait3A_244 = tpu.memref_squeeze %dma_wait3A_243 : memref<1x128xi32, #tpu.memory_space<vmem>> -> memref<128xi32, #tpu.memory_space<vmem>>
      %dma_wait3A_245 = arith.constant 0 : i32
      %dma_wait3A_246 = arith.constant 0 : i32
      %dma_wait3A_247 = tpu.memref_slice %arg2[%dma_wait3A_245, %dma_wait3A_246] : memref<1000000x128xf32, #tpu.memory_space<hbm>> -> memref<1000000x128xf32, #tpu.memory_space<hbm>>
      tpu.wait_indirect_dma semaphore(%arg22 : memref<!tpu.dma_semaphore, #tpu.memory_space<semaphore_mem>>) src(%dma_wait3A_247 : memref<1000000x128xf32, #tpu.memory_space<hbm>>) dst(%arg17 : memref<128x128xf32, #tpu.memory_space<vmem>>)
      %dma_start3A_248 = arith.constant 0 : i32
      %dma_start3A_249 = tpu.memref_slice %arg15[%add3A_241, %dma_start3A_248] : memref<20x128xi32, #tpu.memory_space<vmem>> -> memref<1x128xi32, #tpu.memory_space<vmem>>
      %dma_start3A_250 = tpu.memref_squeeze %dma_start3A_249 : memref<1x128xi32, #tpu.memory_space<vmem>> -> memref<128xi32, #tpu.memory_space<vmem>>
      %dma_start3A_251 = arith.constant 0 : i32
      %dma_start3A_252 = arith.constant 0 : i32
      %dma_start3A_253 = tpu.memref_slice %arg9[%dma_start3A_251, %dma_start3A_252] : memref<81920x128xf32, #tpu.memory_space<hbm>> -> memref<81920x128xf32, #tpu.memory_space<hbm>>
      tpu.enqueue_indirect_dma source(%arg17 : memref<128x128xf32, #tpu.memory_space<vmem>>) target(%dma_start3A_253 : memref<81920x128xf32, #tpu.memory_space<hbm>>) offsets(%dma_start3A_250 : memref<128xi32, #tpu.memory_space<vmem>>) semaphore(%arg27 : memref<!tpu.dma_semaphore, #tpu.memory_space<semaphore_mem>>)
      %add3A_254 = arith.constant 5 : i32
      %add3A_255 = arith.addi %add3A_241, %add3A_254 : i32
      %lt3A_256 = arith.constant 20 : i32
      %lt3A_257 = arith.cmpi slt, %add3A_255, %lt3A_256 : i32
      %convert_element_type3A_258 = arith.extui %lt3A_257 : i1 to i32
      %cond3A_259 = arith.constant 0 : i32
      %cond3A_260 = arith.cmpi ne, %convert_element_type3A_258, %cond3A_259 : i32
      scf.if %cond3A_260 {
        %dma_wait3A_353 = arith.constant 0 : i32
        %dma_wait3A_354 = tpu.memref_slice %arg15[%add3A_241, %dma_wait3A_353] : memref<20x128xi32, #tpu.memory_space<vmem>> -> memref<1x128xi32, #tpu.memory_space<vmem>>
        %dma_wait3A_355 = tpu.memref_squeeze %dma_wait3A_354 : memref<1x128xi32, #tpu.memory_space<vmem>> -> memref<128xi32, #tpu.memory_space<vmem>>
        %dma_wait3A_356 = arith.constant 0 : i32
        %dma_wait3A_357 = arith.constant 0 : i32
        %dma_wait3A_358 = tpu.memref_slice %arg9[%dma_wait3A_356, %dma_wait3A_357] : memref<81920x128xf32, #tpu.memory_space<hbm>> -> memref<81920x128xf32, #tpu.memory_space<hbm>>
        tpu.wait_indirect_dma semaphore(%arg27 : memref<!tpu.dma_semaphore, #tpu.memory_space<semaphore_mem>>) src(%arg17 : memref<128x128xf32, #tpu.memory_space<vmem>>) dst(%dma_wait3A_358 : memref<81920x128xf32, #tpu.memory_space<hbm>>)
        %add3A_359 = arith.constant 5 : i32
        %add3A_360 = arith.addi %add3A_241, %add3A_359 : i32
        %dma_start3A_361 = arith.constant 0 : i32
        %dma_start3A_362 = tpu.memref_slice %arg12[%add3A_360, %dma_start3A_361] : memref<20x128xi32, #tpu.memory_space<vmem>> -> memref<1x128xi32, #tpu.memory_space<vmem>>
        %dma_start3A_363 = tpu.memref_squeeze %dma_start3A_362 : memref<1x128xi32, #tpu.memory_space<vmem>> -> memref<128xi32, #tpu.memory_space<vmem>>
        %dma_start3A_364 = arith.constant 0 : i32
        %dma_start3A_365 = arith.constant 0 : i32
        %dma_start3A_366 = tpu.memref_slice %arg2[%dma_start3A_364, %dma_start3A_365] : memref<1000000x128xf32, #tpu.memory_space<hbm>> -> memref<1000000x128xf32, #tpu.memory_space<hbm>>
        tpu.enqueue_indirect_dma source(%dma_start3A_366 : memref<1000000x128xf32, #tpu.memory_space<hbm>>) target(%arg17 : memref<128x128xf32, #tpu.memory_space<vmem>>) offsets(%dma_start3A_363 : memref<128xi32, #tpu.memory_space<vmem>>) semaphore(%arg22 : memref<!tpu.dma_semaphore, #tpu.memory_space<semaphore_mem>>)
      } else {
      }
      %mul3A_261 = arith.constant 5 : i32
      %mul3A_262 = arith.muli %scan3A_237, %mul3A_261 : i32
      %add3A_263 = arith.constant 1 : i32
      %add3A_264 = arith.addi %mul3A_262, %add3A_263 : i32
      %dma_wait3A_265 = arith.constant 0 : i32
      %dma_wait3A_266 = tpu.memref_slice %arg12[%add3A_264, %dma_wait3A_265] : memref<20x128xi32, #tpu.memory_space<vmem>> -> memref<1x128xi32, #tpu.memory_space<vmem>>
      %dma_wait3A_267 = tpu.memref_squeeze %dma_wait3A_266 : memref<1x128xi32, #tpu.memory_space<vmem>> -> memref<128xi32, #tpu.memory_space<vmem>>
      %dma_wait3A_268 = arith.constant 0 : i32
      %dma_wait3A_269 = arith.constant 0 : i32
      %dma_wait3A_270 = tpu.memref_slice %arg2[%dma_wait3A_268, %dma_wait3A_269] : memref<1000000x128xf32, #tpu.memory_space<hbm>> -> memref<1000000x128xf32, #tpu.memory_space<hbm>>
      tpu.wait_indirect_dma semaphore(%arg23 : memref<!tpu.dma_semaphore, #tpu.memory_space<semaphore_mem>>) src(%dma_wait3A_270 : memref<1000000x128xf32, #tpu.memory_space<hbm>>) dst(%arg18 : memref<128x128xf32, #tpu.memory_space<vmem>>)
      %dma_start3A_271 = arith.constant 0 : i32
      %dma_start3A_272 = tpu.memref_slice %arg15[%add3A_264, %dma_start3A_271] : memref<20x128xi32, #tpu.memory_space<vmem>> -> memref<1x128xi32, #tpu.memory_space<vmem>>
      %dma_start3A_273 = tpu.memref_squeeze %dma_start3A_272 : memref<1x128xi32, #tpu.memory_space<vmem>> -> memref<128xi32, #tpu.memory_space<vmem>>
      %dma_start3A_274 = arith.constant 0 : i32
      %dma_start3A_275 = arith.constant 0 : i32
      %dma_start3A_276 = tpu.memref_slice %arg9[%dma_start3A_274, %dma_start3A_275] : memref<81920x128xf32, #tpu.memory_space<hbm>> -> memref<81920x128xf32, #tpu.memory_space<hbm>>
      tpu.enqueue_indirect_dma source(%arg18 : memref<128x128xf32, #tpu.memory_space<vmem>>) target(%dma_start3A_276 : memref<81920x128xf32, #tpu.memory_space<hbm>>) offsets(%dma_start3A_273 : memref<128xi32, #tpu.memory_space<vmem>>) semaphore(%arg28 : memref<!tpu.dma_semaphore, #tpu.memory_space<semaphore_mem>>)
      %add3A_277 = arith.constant 5 : i32
      %add3A_278 = arith.addi %add3A_264, %add3A_277 : i32
      %lt3A_279 = arith.constant 20 : i32
      %lt3A_280 = arith.cmpi slt, %add3A_278, %lt3A_279 : i32
      %convert_element_type3A_281 = arith.extui %lt3A_280 : i1 to i32
      %cond3A_282 = arith.constant 0 : i32
      %cond3A_283 = arith.cmpi ne, %convert_element_type3A_281, %cond3A_282 : i32
      scf.if %cond3A_283 {
        %dma_wait3A_353 = arith.constant 0 : i32
        %dma_wait3A_354 = tpu.memref_slice %arg15[%add3A_264, %dma_wait3A_353] : memref<20x128xi32, #tpu.memory_space<vmem>> -> memref<1x128xi32, #tpu.memory_space<vmem>>
        %dma_wait3A_355 = tpu.memref_squeeze %dma_wait3A_354 : memref<1x128xi32, #tpu.memory_space<vmem>> -> memref<128xi32, #tpu.memory_space<vmem>>
        %dma_wait3A_356 = arith.constant 0 : i32
        %dma_wait3A_357 = arith.constant 0 : i32
        %dma_wait3A_358 = tpu.memref_slice %arg9[%dma_wait3A_356, %dma_wait3A_357] : memref<81920x128xf32, #tpu.memory_space<hbm>> -> memref<81920x128xf32, #tpu.memory_space<hbm>>
        tpu.wait_indirect_dma semaphore(%arg28 : memref<!tpu.dma_semaphore, #tpu.memory_space<semaphore_mem>>) src(%arg18 : memref<128x128xf32, #tpu.memory_space<vmem>>) dst(%dma_wait3A_358 : memref<81920x128xf32, #tpu.memory_space<hbm>>)
        %add3A_359 = arith.constant 5 : i32
        %add3A_360 = arith.addi %add3A_264, %add3A_359 : i32
        %dma_start3A_361 = arith.constant 0 : i32
        %dma_start3A_362 = tpu.memref_slice %arg12[%add3A_360, %dma_start3A_361] : memref<20x128xi32, #tpu.memory_space<vmem>> -> memref<1x128xi32, #tpu.memory_space<vmem>>
        %dma_start3A_363 = tpu.memref_squeeze %dma_start3A_362 : memref<1x128xi32, #tpu.memory_space<vmem>> -> memref<128xi32, #tpu.memory_space<vmem>>
        %dma_start3A_364 = arith.constant 0 : i32
        %dma_start3A_365 = arith.constant 0 : i32
        %dma_start3A_366 = tpu.memref_slice %arg2[%dma_start3A_364, %dma_start3A_365] : memref<1000000x128xf32, #tpu.memory_space<hbm>> -> memref<1000000x128xf32, #tpu.memory_space<hbm>>
        tpu.enqueue_indirect_dma source(%dma_start3A_366 : memref<1000000x128xf32, #tpu.memory_space<hbm>>) target(%arg18 : memref<128x128xf32, #tpu.memory_space<vmem>>) offsets(%dma_start3A_363 : memref<128xi32, #tpu.memory_space<vmem>>) semaphore(%arg23 : memref<!tpu.dma_semaphore, #tpu.memory_space<semaphore_mem>>)
      } else {
      }
      %mul3A_284 = arith.constant 5 : i32
      %mul3A_285 = arith.muli %scan3A_237, %mul3A_284 : i32
      %add3A_286 = arith.constant 2 : i32
      %add3A_287 = arith.addi %mul3A_285, %add3A_286 : i32
      %dma_wait3A_288 = arith.constant 0 : i32
      %dma_wait3A_289 = tpu.memref_slice %arg12[%add3A_287, %dma_wait3A_288] : memref<20x128xi32, #tpu.memory_space<vmem>> -> memref<1x128xi32, #tpu.memory_space<vmem>>
      %dma_wait3A_290 = tpu.memref_squeeze %dma_wait3A_289 : memref<1x128xi32, #tpu.memory_space<vmem>> -> memref<128xi32, #tpu.memory_space<vmem>>
      %dma_wait3A_291 = arith.constant 0 : i32
      %dma_wait3A_292 = arith.constant 0 : i32
      %dma_wait3A_293 = tpu.memref_slice %arg2[%dma_wait3A_291, %dma_wait3A_292] : memref<1000000x128xf32, #tpu.memory_space<hbm>> -> memref<1000000x128xf32, #tpu.memory_space<hbm>>
      tpu.wait_indirect_dma semaphore(%arg24 : memref<!tpu.dma_semaphore, #tpu.memory_space<semaphore_mem>>) src(%dma_wait3A_293 : memref<1000000x128xf32, #tpu.memory_space<hbm>>) dst(%arg19 : memref<128x128xf32, #tpu.memory_space<vmem>>)
      %dma_start3A_294 = arith.constant 0 : i32
      %dma_start3A_295 = tpu.memref_slice %arg15[%add3A_287, %dma_start3A_294] : memref<20x128xi32, #tpu.memory_space<vmem>> -> memref<1x128xi32, #tpu.memory_space<vmem>>
      %dma_start3A_296 = tpu.memref_squeeze %dma_start3A_295 : memref<1x128xi32, #tpu.memory_space<vmem>> -> memref<128xi32, #tpu.memory_space<vmem>>
      %dma_start3A_297 = arith.constant 0 : i32
      %dma_start3A_298 = arith.constant 0 : i32
      %dma_start3A_299 = tpu.memref_slice %arg9[%dma_start3A_297, %dma_start3A_298] : memref<81920x128xf32, #tpu.memory_space<hbm>> -> memref<81920x128xf32, #tpu.memory_space<hbm>>
      tpu.enqueue_indirect_dma source(%arg19 : memref<128x128xf32, #tpu.memory_space<vmem>>) target(%dma_start3A_299 : memref<81920x128xf32, #tpu.memory_space<hbm>>) offsets(%dma_start3A_296 : memref<128xi32, #tpu.memory_space<vmem>>) semaphore(%arg29 : memref<!tpu.dma_semaphore, #tpu.memory_space<semaphore_mem>>)
      %add3A_300 = arith.constant 5 : i32
      %add3A_301 = arith.addi %add3A_287, %add3A_300 : i32
      %lt3A_302 = arith.constant 20 : i32
      %lt3A_303 = arith.cmpi slt, %add3A_301, %lt3A_302 : i32
      %convert_element_type3A_304 = arith.extui %lt3A_303 : i1 to i32
      %cond3A_305 = arith.constant 0 : i32
      %cond3A_306 = arith.cmpi ne, %convert_element_type3A_304, %cond3A_305 : i32
      scf.if %cond3A_306 {
        %dma_wait3A_353 = arith.constant 0 : i32
        %dma_wait3A_354 = tpu.memref_slice %arg15[%add3A_287, %dma_wait3A_353] : memref<20x128xi32, #tpu.memory_space<vmem>> -> memref<1x128xi32, #tpu.memory_space<vmem>>
        %dma_wait3A_355 = tpu.memref_squeeze %dma_wait3A_354 : memref<1x128xi32, #tpu.memory_space<vmem>> -> memref<128xi32, #tpu.memory_space<vmem>>
        %dma_wait3A_356 = arith.constant 0 : i32
        %dma_wait3A_357 = arith.constant 0 : i32
        %dma_wait3A_358 = tpu.memref_slice %arg9[%dma_wait3A_356, %dma_wait3A_357] : memref<81920x128xf32, #tpu.memory_space<hbm>> -> memref<81920x128xf32, #tpu.memory_space<hbm>>
        tpu.wait_indirect_dma semaphore(%arg29 : memref<!tpu.dma_semaphore, #tpu.memory_space<semaphore_mem>>) src(%arg19 : memref<128x128xf32, #tpu.memory_space<vmem>>) dst(%dma_wait3A_358 : memref<81920x128xf32, #tpu.memory_space<hbm>>)
        %add3A_359 = arith.constant 5 : i32
        %add3A_360 = arith.addi %add3A_287, %add3A_359 : i32
        %dma_start3A_361 = arith.constant 0 : i32
        %dma_start3A_362 = tpu.memref_slice %arg12[%add3A_360, %dma_start3A_361] : memref<20x128xi32, #tpu.memory_space<vmem>> -> memref<1x128xi32, #tpu.memory_space<vmem>>
        %dma_start3A_363 = tpu.memref_squeeze %dma_start3A_362 : memref<1x128xi32, #tpu.memory_space<vmem>> -> memref<128xi32, #tpu.memory_space<vmem>>
        %dma_start3A_364 = arith.constant 0 : i32
        %dma_start3A_365 = arith.constant 0 : i32
        %dma_start3A_366 = tpu.memref_slice %arg2[%dma_start3A_364, %dma_start3A_365] : memref<1000000x128xf32, #tpu.memory_space<hbm>> -> memref<1000000x128xf32, #tpu.memory_space<hbm>>
        tpu.enqueue_indirect_dma source(%dma_start3A_366 : memref<1000000x128xf32, #tpu.memory_space<hbm>>) target(%arg19 : memref<128x128xf32, #tpu.memory_space<vmem>>) offsets(%dma_start3A_363 : memref<128xi32, #tpu.memory_space<vmem>>) semaphore(%arg24 : memref<!tpu.dma_semaphore, #tpu.memory_space<semaphore_mem>>)
      } else {
      }
      %mul3A_307 = arith.constant 5 : i32
      %mul3A_308 = arith.muli %scan3A_237, %mul3A_307 : i32
      %add3A_309 = arith.constant 3 : i32
      %add3A_310 = arith.addi %mul3A_308, %add3A_309 : i32
      %dma_wait3A_311 = arith.constant 0 : i32
      %dma_wait3A_312 = tpu.memref_slice %arg12[%add3A_310, %dma_wait3A_311] : memref<20x128xi32, #tpu.memory_space<vmem>> -> memref<1x128xi32, #tpu.memory_space<vmem>>
      %dma_wait3A_313 = tpu.memref_squeeze %dma_wait3A_312 : memref<1x128xi32, #tpu.memory_space<vmem>> -> memref<128xi32, #tpu.memory_space<vmem>>
      %dma_wait3A_314 = arith.constant 0 : i32
      %dma_wait3A_315 = arith.constant 0 : i32
      %dma_wait3A_316 = tpu.memref_slice %arg2[%dma_wait3A_314, %dma_wait3A_315] : memref<1000000x128xf32, #tpu.memory_space<hbm>> -> memref<1000000x128xf32, #tpu.memory_space<hbm>>
      tpu.wait_indirect_dma semaphore(%arg25 : memref<!tpu.dma_semaphore, #tpu.memory_space<semaphore_mem>>) src(%dma_wait3A_316 : memref<1000000x128xf32, #tpu.memory_space<hbm>>) dst(%arg20 : memref<128x128xf32, #tpu.memory_space<vmem>>)
      %dma_start3A_317 = arith.constant 0 : i32
      %dma_start3A_318 = tpu.memref_slice %arg15[%add3A_310, %dma_start3A_317] : memref<20x128xi32, #tpu.memory_space<vmem>> -> memref<1x128xi32, #tpu.memory_space<vmem>>
      %dma_start3A_319 = tpu.memref_squeeze %dma_start3A_318 : memref<1x128xi32, #tpu.memory_space<vmem>> -> memref<128xi32, #tpu.memory_space<vmem>>
      %dma_start3A_320 = arith.constant 0 : i32
      %dma_start3A_321 = arith.constant 0 : i32
      %dma_start3A_322 = tpu.memref_slice %arg9[%dma_start3A_320, %dma_start3A_321] : memref<81920x128xf32, #tpu.memory_space<hbm>> -> memref<81920x128xf32, #tpu.memory_space<hbm>>
      tpu.enqueue_indirect_dma source(%arg20 : memref<128x128xf32, #tpu.memory_space<vmem>>) target(%dma_start3A_322 : memref<81920x128xf32, #tpu.memory_space<hbm>>) offsets(%dma_start3A_319 : memref<128xi32, #tpu.memory_space<vmem>>) semaphore(%arg30 : memref<!tpu.dma_semaphore, #tpu.memory_space<semaphore_mem>>)
      %add3A_323 = arith.constant 5 : i32
      %add3A_324 = arith.addi %add3A_310, %add3A_323 : i32
      %lt3A_325 = arith.constant 20 : i32
      %lt3A_326 = arith.cmpi slt, %add3A_324, %lt3A_325 : i32
      %convert_element_type3A_327 = arith.extui %lt3A_326 : i1 to i32
      %cond3A_328 = arith.constant 0 : i32
      %cond3A_329 = arith.cmpi ne, %convert_element_type3A_327, %cond3A_328 : i32
      scf.if %cond3A_329 {
        %dma_wait3A_353 = arith.constant 0 : i32
        %dma_wait3A_354 = tpu.memref_slice %arg15[%add3A_310, %dma_wait3A_353] : memref<20x128xi32, #tpu.memory_space<vmem>> -> memref<1x128xi32, #tpu.memory_space<vmem>>
        %dma_wait3A_355 = tpu.memref_squeeze %dma_wait3A_354 : memref<1x128xi32, #tpu.memory_space<vmem>> -> memref<128xi32, #tpu.memory_space<vmem>>
        %dma_wait3A_356 = arith.constant 0 : i32
        %dma_wait3A_357 = arith.constant 0 : i32
        %dma_wait3A_358 = tpu.memref_slice %arg9[%dma_wait3A_356, %dma_wait3A_357] : memref<81920x128xf32, #tpu.memory_space<hbm>> -> memref<81920x128xf32, #tpu.memory_space<hbm>>
        tpu.wait_indirect_dma semaphore(%arg30 : memref<!tpu.dma_semaphore, #tpu.memory_space<semaphore_mem>>) src(%arg20 : memref<128x128xf32, #tpu.memory_space<vmem>>) dst(%dma_wait3A_358 : memref<81920x128xf32, #tpu.memory_space<hbm>>)
        %add3A_359 = arith.constant 5 : i32
        %add3A_360 = arith.addi %add3A_310, %add3A_359 : i32
        %dma_start3A_361 = arith.constant 0 : i32
        %dma_start3A_362 = tpu.memref_slice %arg12[%add3A_360, %dma_start3A_361] : memref<20x128xi32, #tpu.memory_space<vmem>> -> memref<1x128xi32, #tpu.memory_space<vmem>>
        %dma_start3A_363 = tpu.memref_squeeze %dma_start3A_362 : memref<1x128xi32, #tpu.memory_space<vmem>> -> memref<128xi32, #tpu.memory_space<vmem>>
        %dma_start3A_364 = arith.constant 0 : i32
        %dma_start3A_365 = arith.constant 0 : i32
        %dma_start3A_366 = tpu.memref_slice %arg2[%dma_start3A_364, %dma_start3A_365] : memref<1000000x128xf32, #tpu.memory_space<hbm>> -> memref<1000000x128xf32, #tpu.memory_space<hbm>>
        tpu.enqueue_indirect_dma source(%dma_start3A_366 : memref<1000000x128xf32, #tpu.memory_space<hbm>>) target(%arg20 : memref<128x128xf32, #tpu.memory_space<vmem>>) offsets(%dma_start3A_363 : memref<128xi32, #tpu.memory_space<vmem>>) semaphore(%arg25 : memref<!tpu.dma_semaphore, #tpu.memory_space<semaphore_mem>>)
      } else {
      }
      %mul3A_330 = arith.constant 5 : i32
      %mul3A_331 = arith.muli %scan3A_237, %mul3A_330 : i32
      %add3A_332 = arith.constant 4 : i32
      %add3A_333 = arith.addi %mul3A_331, %add3A_332 : i32
      %dma_wait3A_334 = arith.constant 0 : i32
      %dma_wait3A_335 = tpu.memref_slice %arg12[%add3A_333, %dma_wait3A_334] : memref<20x128xi32, #tpu.memory_space<vmem>> -> memref<1x128xi32, #tpu.memory_space<vmem>>
      %dma_wait3A_336 = tpu.memref_squeeze %dma_wait3A_335 : memref<1x128xi32, #tpu.memory_space<vmem>> -> memref<128xi32, #tpu.memory_space<vmem>>
      %dma_wait3A_337 = arith.constant 0 : i32
      %dma_wait3A_338 = arith.constant 0 : i32
      %dma_wait3A_339 = tpu.memref_slice %arg2[%dma_wait3A_337, %dma_wait3A_338] : memref<1000000x128xf32, #tpu.memory_space<hbm>> -> memref<1000000x128xf32, #tpu.memory_space<hbm>>
      tpu.wait_indirect_dma semaphore(%arg26 : memref<!tpu.dma_semaphore, #tpu.memory_space<semaphore_mem>>) src(%dma_wait3A_339 : memref<1000000x128xf32, #tpu.memory_space<hbm>>) dst(%arg21 : memref<128x128xf32, #tpu.memory_space<vmem>>)
      %dma_start3A_340 = arith.constant 0 : i32
      %dma_start3A_341 = tpu.memref_slice %arg15[%add3A_333, %dma_start3A_340] : memref<20x128xi32, #tpu.memory_space<vmem>> -> memref<1x128xi32, #tpu.memory_space<vmem>>
      %dma_start3A_342 = tpu.memref_squeeze %dma_start3A_341 : memref<1x128xi32, #tpu.memory_space<vmem>> -> memref<128xi32, #tpu.memory_space<vmem>>
      %dma_start3A_343 = arith.constant 0 : i32
      %dma_start3A_344 = arith.constant 0 : i32
      %dma_start3A_345 = tpu.memref_slice %arg9[%dma_start3A_343, %dma_start3A_344] : memref<81920x128xf32, #tpu.memory_space<hbm>> -> memref<81920x128xf32, #tpu.memory_space<hbm>>
      tpu.enqueue_indirect_dma source(%arg21 : memref<128x128xf32, #tpu.memory_space<vmem>>) target(%dma_start3A_345 : memref<81920x128xf32, #tpu.memory_space<hbm>>) offsets(%dma_start3A_342 : memref<128xi32, #tpu.memory_space<vmem>>) semaphore(%arg31 : memref<!tpu.dma_semaphore, #tpu.memory_space<semaphore_mem>>)
      %add3A_346 = arith.constant 5 : i32
      %add3A_347 = arith.addi %add3A_333, %add3A_346 : i32
      %lt3A_348 = arith.constant 20 : i32
      %lt3A_349 = arith.cmpi slt, %add3A_347, %lt3A_348 : i32
      %convert_element_type3A_350 = arith.extui %lt3A_349 : i1 to i32
      %cond3A_351 = arith.constant 0 : i32
      %cond3A_352 = arith.cmpi ne, %convert_element_type3A_350, %cond3A_351 : i32
      scf.if %cond3A_352 {
        %dma_wait3A_353 = arith.constant 0 : i32
        %dma_wait3A_354 = tpu.memref_slice %arg15[%add3A_333, %dma_wait3A_353] : memref<20x128xi32, #tpu.memory_space<vmem>> -> memref<1x128xi32, #tpu.memory_space<vmem>>
        %dma_wait3A_355 = tpu.memref_squeeze %dma_wait3A_354 : memref<1x128xi32, #tpu.memory_space<vmem>> -> memref<128xi32, #tpu.memory_space<vmem>>
        %dma_wait3A_356 = arith.constant 0 : i32
        %dma_wait3A_357 = arith.constant 0 : i32
        %dma_wait3A_358 = tpu.memref_slice %arg9[%dma_wait3A_356, %dma_wait3A_357] : memref<81920x128xf32, #tpu.memory_space<hbm>> -> memref<81920x128xf32, #tpu.memory_space<hbm>>
        tpu.wait_indirect_dma semaphore(%arg31 : memref<!tpu.dma_semaphore, #tpu.memory_space<semaphore_mem>>) src(%arg21 : memref<128x128xf32, #tpu.memory_space<vmem>>) dst(%dma_wait3A_358 : memref<81920x128xf32, #tpu.memory_space<hbm>>)
        %add3A_359 = arith.constant 5 : i32
        %add3A_360 = arith.addi %add3A_333, %add3A_359 : i32
        %dma_start3A_361 = arith.constant 0 : i32
        %dma_start3A_362 = tpu.memref_slice %arg12[%add3A_360, %dma_start3A_361] : memref<20x128xi32, #tpu.memory_space<vmem>> -> memref<1x128xi32, #tpu.memory_space<vmem>>
        %dma_start3A_363 = tpu.memref_squeeze %dma_start3A_362 : memref<1x128xi32, #tpu.memory_space<vmem>> -> memref<128xi32, #tpu.memory_space<vmem>>
        %dma_start3A_364 = arith.constant 0 : i32
        %dma_start3A_365 = arith.constant 0 : i32
        %dma_start3A_366 = tpu.memref_slice %arg2[%dma_start3A_364, %dma_start3A_365] : memref<1000000x128xf32, #tpu.memory_space<hbm>> -> memref<1000000x128xf32, #tpu.memory_space<hbm>>
        tpu.enqueue_indirect_dma source(%dma_start3A_366 : memref<1000000x128xf32, #tpu.memory_space<hbm>>) target(%arg21 : memref<128x128xf32, #tpu.memory_space<vmem>>) offsets(%dma_start3A_363 : memref<128xi32, #tpu.memory_space<vmem>>) semaphore(%arg26 : memref<!tpu.dma_semaphore, #tpu.memory_space<semaphore_mem>>)
      } else {
      }
    }
    %scan3A_43 = arith.constant 4 : i32
    %dma_wait3A = arith.constant 15 : i32
    %dma_wait3A_44 = arith.constant 0 : i32
    %dma_wait3A_45 = tpu.memref_slice %arg15[%dma_wait3A, %dma_wait3A_44] : memref<20x128xi32, #tpu.memory_space<vmem>> -> memref<1x128xi32, #tpu.memory_space<vmem>>
    %dma_wait3A_46 = tpu.memref_squeeze %dma_wait3A_45 : memref<1x128xi32, #tpu.memory_space<vmem>> -> memref<128xi32, #tpu.memory_space<vmem>>
    %dma_wait3A_47 = arith.constant 0 : i32
    %dma_wait3A_48 = arith.constant 0 : i32
    %dma_wait3A_49 = tpu.memref_slice %arg9[%dma_wait3A_47, %dma_wait3A_48] : memref<81920x128xf32, #tpu.memory_space<hbm>> -> memref<81920x128xf32, #tpu.memory_space<hbm>>
    tpu.wait_indirect_dma semaphore(%arg27 : memref<!tpu.dma_semaphore, #tpu.memory_space<semaphore_mem>>) src(%arg17 : memref<128x128xf32, #tpu.memory_space<vmem>>) dst(%dma_wait3A_49 : memref<81920x128xf32, #tpu.memory_space<hbm>>)
    %dma_wait3A_50 = arith.constant 16 : i32
    %dma_wait3A_51 = arith.constant 0 : i32
    %dma_wait3A_52 = tpu.memref_slice %arg15[%dma_wait3A_50, %dma_wait3A_51] : memref<20x128xi32, #tpu.memory_space<vmem>> -> memref<1x128xi32, #tpu.memory_space<vmem>>
    %dma_wait3A_53 = tpu.memref_squeeze %dma_wait3A_52 : memref<1x128xi32, #tpu.memory_space<vmem>> -> memref<128xi32, #tpu.memory_space<vmem>>
    %dma_wait3A_54 = arith.constant 0 : i32
    %dma_wait3A_55 = arith.constant 0 : i32
    %dma_wait3A_56 = tpu.memref_slice %arg9[%dma_wait3A_54, %dma_wait3A_55] : memref<81920x128xf32, #tpu.memory_space<hbm>> -> memref<81920x128xf32, #tpu.memory_space<hbm>>
    tpu.wait_indirect_dma semaphore(%arg28 : memref<!tpu.dma_semaphore, #tpu.memory_space<semaphore_mem>>) src(%arg18 : memref<128x128xf32, #tpu.memory_space<vmem>>) dst(%dma_wait3A_56 : memref<81920x128xf32, #tpu.memory_space<hbm>>)
    %dma_wait3A_57 = arith.constant 17 : i32
    %dma_wait3A_58 = arith.constant 0 : i32
    %dma_wait3A_59 = tpu.memref_slice %arg15[%dma_wait3A_57, %dma_wait3A_58] : memref<20x128xi32, #tpu.memory_space<vmem>> -> memref<1x128xi32, #tpu.memory_space<vmem>>
    %dma_wait3A_60 = tpu.memref_squeeze %dma_wait3A_59 : memref<1x128xi32, #tpu.memory_space<vmem>> -> memref<128xi32, #tpu.memory_space<vmem>>
    %dma_wait3A_61 = arith.constant 0 : i32
    %dma_wait3A_62 = arith.constant 0 : i32
    %dma_wait3A_63 = tpu.memref_slice %arg9[%dma_wait3A_61, %dma_wait3A_62] : memref<81920x128xf32, #tpu.memory_space<hbm>> -> memref<81920x128xf32, #tpu.memory_space<hbm>>
    tpu.wait_indirect_dma semaphore(%arg29 : memref<!tpu.dma_semaphore, #tpu.memory_space<semaphore_mem>>) src(%arg19 : memref<128x128xf32, #tpu.memory_space<vmem>>) dst(%dma_wait3A_63 : memref<81920x128xf32, #tpu.memory_space<hbm>>)
    %dma_wait3A_64 = arith.constant 18 : i32
    %dma_wait3A_65 = arith.constant 0 : i32
    %dma_wait3A_66 = tpu.memref_slice %arg15[%dma_wait3A_64, %dma_wait3A_65] : memref<20x128xi32, #tpu.memory_space<vmem>> -> memref<1x128xi32, #tpu.memory_space<vmem>>
    %dma_wait3A_67 = tpu.memref_squeeze %dma_wait3A_66 : memref<1x128xi32, #tpu.memory_space<vmem>> -> memref<128xi32, #tpu.memory_space<vmem>>
    %dma_wait3A_68 = arith.constant 0 : i32
    %dma_wait3A_69 = arith.constant 0 : i32
    %dma_wait3A_70 = tpu.memref_slice %arg9[%dma_wait3A_68, %dma_wait3A_69] : memref<81920x128xf32, #tpu.memory_space<hbm>> -> memref<81920x128xf32, #tpu.memory_space<hbm>>
    tpu.wait_indirect_dma semaphore(%arg30 : memref<!tpu.dma_semaphore, #tpu.memory_space<semaphore_mem>>) src(%arg20 : memref<128x128xf32, #tpu.memory_space<vmem>>) dst(%dma_wait3A_70 : memref<81920x128xf32, #tpu.memory_space<hbm>>)
    %dma_wait3A_71 = arith.constant 19 : i32
    %dma_wait3A_72 = arith.constant 0 : i32
    %dma_wait3A_73 = tpu.memref_slice %arg15[%dma_wait3A_71, %dma_wait3A_72] : memref<20x128xi32, #tpu.memory_space<vmem>> -> memref<1x128xi32, #tpu.memory_space<vmem>>
    %dma_wait3A_74 = tpu.memref_squeeze %dma_wait3A_73 : memref<1x128xi32, #tpu.memory_space<vmem>> -> memref<128xi32, #tpu.memory_space<vmem>>
    %dma_wait3A_75 = arith.constant 0 : i32
    %dma_wait3A_76 = arith.constant 0 : i32
    %dma_wait3A_77 = tpu.memref_slice %arg9[%dma_wait3A_75, %dma_wait3A_76] : memref<81920x128xf32, #tpu.memory_space<hbm>> -> memref<81920x128xf32, #tpu.memory_space<hbm>>
    tpu.wait_indirect_dma semaphore(%arg31 : memref<!tpu.dma_semaphore, #tpu.memory_space<semaphore_mem>>) src(%arg21 : memref<128x128xf32, #tpu.memory_space<vmem>>) dst(%dma_wait3A_77 : memref<81920x128xf32, #tpu.memory_space<hbm>>)
    "tpu.region"() ({
      %run_scoped3A = tpu.sem_alloc : memref<!tpu.dma_semaphore, #tpu.memory_space<semaphore_mem>>
      %dma_start3A_237 = arith.constant 0 : i32
      %dma_start3A_238 = arith.constant 0 : i32
      %dma_start3A_239 = tpu.memref_slice %arg5[%add3A, %dma_start3A_237, %dma_start3A_238] : memref<32x2x128xi32, #tpu.memory_space<hbm>> -> memref<1x2x128xi32, #tpu.memory_space<hbm>>
      %dma_start3A_240 = tpu.memref_squeeze %dma_start3A_239 : memref<1x2x128xi32, #tpu.memory_space<hbm>> -> memref<2x128xi32, #tpu.memory_space<hbm>>
      %dma_start3A_241 = arith.constant 0 : i32
      %dma_start3A_242 = arith.constant 0 : i32
      %dma_start3A_243 = tpu.memref_slice %arg5[%add3A, %dma_start3A_241, %dma_start3A_242] : memref<32x2x128xi32, #tpu.memory_space<hbm>> -> memref<1x2x128xi32, #tpu.memory_space<hbm>>
      %dma_start3A_244 = tpu.memref_squeeze %dma_start3A_243 : memref<1x2x128xi32, #tpu.memory_space<hbm>> -> memref<2x128xi32, #tpu.memory_space<hbm>>
      tpu.enqueue_dma source(%dma_start3A_244 : memref<2x128xi32, #tpu.memory_space<hbm>>) target(%arg13 : memref<2x128xi32, #tpu.memory_space<vmem>>) target_semaphore(%run_scoped3A : memref<!tpu.dma_semaphore, #tpu.memory_space<semaphore_mem>>)
      %dma_wait3A_245 = arith.constant 0 : i32
      %dma_wait3A_246 = arith.constant 0 : i32
      %dma_wait3A_247 = tpu.memref_slice %arg5[%add3A, %dma_wait3A_245, %dma_wait3A_246] : memref<32x2x128xi32, #tpu.memory_space<hbm>> -> memref<1x2x128xi32, #tpu.memory_space<hbm>>
      %dma_wait3A_248 = tpu.memref_squeeze %dma_wait3A_247 : memref<1x2x128xi32, #tpu.memory_space<hbm>> -> memref<2x128xi32, #tpu.memory_space<hbm>>
      %dma_wait3A_249 = arith.constant 0 : i32
      %dma_wait3A_250 = arith.constant 0 : i32
      %dma_wait3A_251 = tpu.memref_slice %arg5[%add3A, %dma_wait3A_249, %dma_wait3A_250] : memref<32x2x128xi32, #tpu.memory_space<hbm>> -> memref<1x2x128xi32, #tpu.memory_space<hbm>>
      %dma_wait3A_252 = tpu.memref_squeeze %dma_wait3A_251 : memref<1x2x128xi32, #tpu.memory_space<hbm>> -> memref<2x128xi32, #tpu.memory_space<hbm>>
      tpu.wait_dma2 semaphore(%run_scoped3A : memref<!tpu.dma_semaphore, #tpu.memory_space<semaphore_mem>>) src(%dma_wait3A_252 : memref<2x128xi32, #tpu.memory_space<hbm>>) dst(%arg13 : memref<2x128xi32, #tpu.memory_space<vmem>>)
      tpu.yield
    }) : () -> ()
    "tpu.region"() ({
      %run_scoped3A = tpu.sem_alloc : memref<!tpu.dma_semaphore, #tpu.memory_space<semaphore_mem>>
      %dma_start3A_237 = arith.constant 0 : i32
      %dma_start3A_238 = arith.constant 0 : i32
      %dma_start3A_239 = tpu.memref_slice %arg8[%add3A, %dma_start3A_237, %dma_start3A_238] : memref<32x2x128xi32, #tpu.memory_space<hbm>> -> memref<1x2x128xi32, #tpu.memory_space<hbm>>
      %dma_start3A_240 = tpu.memref_squeeze %dma_start3A_239 : memref<1x2x128xi32, #tpu.memory_space<hbm>> -> memref<2x128xi32, #tpu.memory_space<hbm>>
      %dma_start3A_241 = arith.constant 0 : i32
      %dma_start3A_242 = arith.constant 0 : i32
      %dma_start3A_243 = tpu.memref_slice %arg8[%add3A, %dma_start3A_241, %dma_start3A_242] : memref<32x2x128xi32, #tpu.memory_space<hbm>> -> memref<1x2x128xi32, #tpu.memory_space<hbm>>
      %dma_start3A_244 = tpu.memref_squeeze %dma_start3A_243 : memref<1x2x128xi32, #tpu.memory_space<hbm>> -> memref<2x128xi32, #tpu.memory_space<hbm>>
      tpu.enqueue_dma source(%dma_start3A_244 : memref<2x128xi32, #tpu.memory_space<hbm>>) target(%arg16 : memref<2x128xi32, #tpu.memory_space<vmem>>) target_semaphore(%run_scoped3A : memref<!tpu.dma_semaphore, #tpu.memory_space<semaphore_mem>>)
      %dma_wait3A_245 = arith.constant 0 : i32
      %dma_wait3A_246 = arith.constant 0 : i32
      %dma_wait3A_247 = tpu.memref_slice %arg8[%add3A, %dma_wait3A_245, %dma_wait3A_246] : memref<32x2x128xi32, #tpu.memory_space<hbm>> -> memref<1x2x128xi32, #tpu.memory_space<hbm>>
      %dma_wait3A_248 = tpu.memref_squeeze %dma_wait3A_247 : memref<1x2x128xi32, #tpu.memory_space<hbm>> -> memref<2x128xi32, #tpu.memory_space<hbm>>
      %dma_wait3A_249 = arith.constant 0 : i32
      %dma_wait3A_250 = arith.constant 0 : i32
      %dma_wait3A_251 = tpu.memref_slice %arg8[%add3A, %dma_wait3A_249, %dma_wait3A_250] : memref<32x2x128xi32, #tpu.memory_space<hbm>> -> memref<1x2x128xi32, #tpu.memory_space<hbm>>
      %dma_wait3A_252 = tpu.memref_squeeze %dma_wait3A_251 : memref<1x2x128xi32, #tpu.memory_space<hbm>> -> memref<2x128xi32, #tpu.memory_space<hbm>>
      tpu.wait_dma2 semaphore(%run_scoped3A : memref<!tpu.dma_semaphore, #tpu.memory_space<semaphore_mem>>) src(%dma_wait3A_252 : memref<2x128xi32, #tpu.memory_space<hbm>>) dst(%arg16 : memref<2x128xi32, #tpu.memory_space<vmem>>)
      tpu.yield
    }) : () -> ()
    %mul3A_78 = arith.constant 2 : i32
    %mul3A_79 = arith.muli %add3A, %mul3A_78 : i32
    %mul3A_80 = arith.constant 128 : i32
    %mul3A_81 = arith.muli %mul3A_79, %mul3A_80 : i32
    %dma_start3A_82 = arith.constant 0 : i32
    %dma_start3A_83 = arith.constant 0 : i32
    %dma_start3A_84 = tpu.memref_slice %arg13[%dma_start3A_82, %dma_start3A_83] : memref<2x128xi32, #tpu.memory_space<vmem>> -> memref<1x128xi32, #tpu.memory_space<vmem>>
    %dma_start3A_85 = tpu.memref_squeeze %dma_start3A_84 : memref<1x128xi32, #tpu.memory_space<vmem>> -> memref<128xi32, #tpu.memory_space<vmem>>
    %dma_start3A_86 = arith.constant 0 : i32
    %dma_start3A_87 = arith.constant 0 : i32
    %dma_start3A_88 = tpu.memref_slice %arg2[%dma_start3A_86, %dma_start3A_87] : memref<1000000x128xf32, #tpu.memory_space<hbm>> -> memref<1000000x128xf32, #tpu.memory_space<hbm>>
    tpu.enqueue_indirect_dma source(%dma_start3A_88 : memref<1000000x128xf32, #tpu.memory_space<hbm>>) target(%arg17 : memref<128x128xf32, #tpu.memory_space<vmem>>) offsets(%dma_start3A_85 : memref<128xi32, #tpu.memory_space<vmem>>) semaphore(%arg22 : memref<!tpu.dma_semaphore, #tpu.memory_space<semaphore_mem>>)
    %dma_start3A_89 = arith.constant 1 : i32
    %dma_start3A_90 = arith.constant 0 : i32
    %dma_start3A_91 = tpu.memref_slice %arg13[%dma_start3A_89, %dma_start3A_90] : memref<2x128xi32, #tpu.memory_space<vmem>> -> memref<1x128xi32, #tpu.memory_space<vmem>>
    %dma_start3A_92 = tpu.memref_squeeze %dma_start3A_91 : memref<1x128xi32, #tpu.memory_space<vmem>> -> memref<128xi32, #tpu.memory_space<vmem>>
    %dma_start3A_93 = arith.constant 0 : i32
    %dma_start3A_94 = arith.constant 0 : i32
    %dma_start3A_95 = tpu.memref_slice %arg2[%dma_start3A_93, %dma_start3A_94] : memref<1000000x128xf32, #tpu.memory_space<hbm>> -> memref<1000000x128xf32, #tpu.memory_space<hbm>>
    tpu.enqueue_indirect_dma source(%dma_start3A_95 : memref<1000000x128xf32, #tpu.memory_space<hbm>>) target(%arg18 : memref<128x128xf32, #tpu.memory_space<vmem>>) offsets(%dma_start3A_92 : memref<128xi32, #tpu.memory_space<vmem>>) semaphore(%arg23 : memref<!tpu.dma_semaphore, #tpu.memory_space<semaphore_mem>>)
    %scan3A_96 = arith.constant 0 : i32
    %scan3A_97 = arith.constant 0 : i32
    %mul3A_98 = arith.constant 2 : i32
    %mul3A_99 = arith.muli %scan3A_97, %mul3A_98 : i32
    %add3A_100 = arith.constant 0 : i32
    %add3A_101 = arith.addi %mul3A_99, %add3A_100 : i32
    %dma_wait3A_102 = arith.constant 0 : i32
    %dma_wait3A_103 = tpu.memref_slice %arg13[%add3A_101, %dma_wait3A_102] : memref<2x128xi32, #tpu.memory_space<vmem>> -> memref<1x128xi32, #tpu.memory_space<vmem>>
    %dma_wait3A_104 = tpu.memref_squeeze %dma_wait3A_103 : memref<1x128xi32, #tpu.memory_space<vmem>> -> memref<128xi32, #tpu.memory_space<vmem>>
    %dma_wait3A_105 = arith.constant 0 : i32
    %dma_wait3A_106 = arith.constant 0 : i32
    %dma_wait3A_107 = tpu.memref_slice %arg2[%dma_wait3A_105, %dma_wait3A_106] : memref<1000000x128xf32, #tpu.memory_space<hbm>> -> memref<1000000x128xf32, #tpu.memory_space<hbm>>
    tpu.wait_indirect_dma semaphore(%arg22 : memref<!tpu.dma_semaphore, #tpu.memory_space<semaphore_mem>>) src(%dma_wait3A_107 : memref<1000000x128xf32, #tpu.memory_space<hbm>>) dst(%arg17 : memref<128x128xf32, #tpu.memory_space<vmem>>)
    %dma_start3A_108 = arith.constant 0 : i32
    %dma_start3A_109 = tpu.memref_slice %arg16[%add3A_101, %dma_start3A_108] : memref<2x128xi32, #tpu.memory_space<vmem>> -> memref<1x128xi32, #tpu.memory_space<vmem>>
    %dma_start3A_110 = tpu.memref_squeeze %dma_start3A_109 : memref<1x128xi32, #tpu.memory_space<vmem>> -> memref<128xi32, #tpu.memory_space<vmem>>
    %dma_start3A_111 = arith.constant 0 : i32
    %dma_start3A_112 = arith.constant 0 : i32
    %dma_start3A_113 = tpu.memref_slice %arg10[%dma_start3A_111, %dma_start3A_112] : memref<8192x128xf32, #tpu.memory_space<hbm>> -> memref<8192x128xf32, #tpu.memory_space<hbm>>
    tpu.enqueue_indirect_dma source(%arg17 : memref<128x128xf32, #tpu.memory_space<vmem>>) target(%dma_start3A_113 : memref<8192x128xf32, #tpu.memory_space<hbm>>) offsets(%dma_start3A_110 : memref<128xi32, #tpu.memory_space<vmem>>) semaphore(%arg27 : memref<!tpu.dma_semaphore, #tpu.memory_space<semaphore_mem>>)
    %add3A_114 = arith.constant 2 : i32
    %add3A_115 = arith.addi %add3A_101, %add3A_114 : i32
    %lt3A = arith.constant 2 : i32
    %lt3A_116 = arith.cmpi slt, %add3A_115, %lt3A : i32
    %convert_element_type3A = arith.extui %lt3A_116 : i1 to i32
    %cond3A = arith.constant 0 : i32
    %cond3A_117 = arith.cmpi ne, %convert_element_type3A, %cond3A : i32
    scf.if %cond3A_117 {
      %dma_wait3A_237 = arith.constant 0 : i32
      %dma_wait3A_238 = tpu.memref_slice %arg16[%add3A_101, %dma_wait3A_237] : memref<2x128xi32, #tpu.memory_space<vmem>> -> memref<1x128xi32, #tpu.memory_space<vmem>>
      %dma_wait3A_239 = tpu.memref_squeeze %dma_wait3A_238 : memref<1x128xi32, #tpu.memory_space<vmem>> -> memref<128xi32, #tpu.memory_space<vmem>>
      %dma_wait3A_240 = arith.constant 0 : i32
      %dma_wait3A_241 = arith.constant 0 : i32
      %dma_wait3A_242 = tpu.memref_slice %arg10[%dma_wait3A_240, %dma_wait3A_241] : memref<8192x128xf32, #tpu.memory_space<hbm>> -> memref<8192x128xf32, #tpu.memory_space<hbm>>
      tpu.wait_indirect_dma semaphore(%arg27 : memref<!tpu.dma_semaphore, #tpu.memory_space<semaphore_mem>>) src(%arg17 : memref<128x128xf32, #tpu.memory_space<vmem>>) dst(%dma_wait3A_242 : memref<8192x128xf32, #tpu.memory_space<hbm>>)
      %add3A_243 = arith.constant 2 : i32
      %add3A_244 = arith.addi %add3A_101, %add3A_243 : i32
      %dma_start3A_245 = arith.constant 0 : i32
      %dma_start3A_246 = tpu.memref_slice %arg13[%add3A_244, %dma_start3A_245] : memref<2x128xi32, #tpu.memory_space<vmem>> -> memref<1x128xi32, #tpu.memory_space<vmem>>
      %dma_start3A_247 = tpu.memref_squeeze %dma_start3A_246 : memref<1x128xi32, #tpu.memory_space<vmem>> -> memref<128xi32, #tpu.memory_space<vmem>>
      %dma_start3A_248 = arith.constant 0 : i32
      %dma_start3A_249 = arith.constant 0 : i32
      %dma_start3A_250 = tpu.memref_slice %arg2[%dma_start3A_248, %dma_start3A_249] : memref<1000000x128xf32, #tpu.memory_space<hbm>> -> memref<1000000x128xf32, #tpu.memory_space<hbm>>
      tpu.enqueue_indirect_dma source(%dma_start3A_250 : memref<1000000x128xf32, #tpu.memory_space<hbm>>) target(%arg17 : memref<128x128xf32, #tpu.memory_space<vmem>>) offsets(%dma_start3A_247 : memref<128xi32, #tpu.memory_space<vmem>>) semaphore(%arg22 : memref<!tpu.dma_semaphore, #tpu.memory_space<semaphore_mem>>)
    } else {
    }
    %mul3A_118 = arith.constant 2 : i32
    %mul3A_119 = arith.muli %scan3A_97, %mul3A_118 : i32
    %add3A_120 = arith.constant 1 : i32
    %add3A_121 = arith.addi %mul3A_119, %add3A_120 : i32
    %dma_wait3A_122 = arith.constant 0 : i32
    %dma_wait3A_123 = tpu.memref_slice %arg13[%add3A_121, %dma_wait3A_122] : memref<2x128xi32, #tpu.memory_space<vmem>> -> memref<1x128xi32, #tpu.memory_space<vmem>>
    %dma_wait3A_124 = tpu.memref_squeeze %dma_wait3A_123 : memref<1x128xi32, #tpu.memory_space<vmem>> -> memref<128xi32, #tpu.memory_space<vmem>>
    %dma_wait3A_125 = arith.constant 0 : i32
    %dma_wait3A_126 = arith.constant 0 : i32
    %dma_wait3A_127 = tpu.memref_slice %arg2[%dma_wait3A_125, %dma_wait3A_126] : memref<1000000x128xf32, #tpu.memory_space<hbm>> -> memref<1000000x128xf32, #tpu.memory_space<hbm>>
    tpu.wait_indirect_dma semaphore(%arg23 : memref<!tpu.dma_semaphore, #tpu.memory_space<semaphore_mem>>) src(%dma_wait3A_127 : memref<1000000x128xf32, #tpu.memory_space<hbm>>) dst(%arg18 : memref<128x128xf32, #tpu.memory_space<vmem>>)
    %dma_start3A_128 = arith.constant 0 : i32
    %dma_start3A_129 = tpu.memref_slice %arg16[%add3A_121, %dma_start3A_128] : memref<2x128xi32, #tpu.memory_space<vmem>> -> memref<1x128xi32, #tpu.memory_space<vmem>>
    %dma_start3A_130 = tpu.memref_squeeze %dma_start3A_129 : memref<1x128xi32, #tpu.memory_space<vmem>> -> memref<128xi32, #tpu.memory_space<vmem>>
    %dma_start3A_131 = arith.constant 0 : i32
    %dma_start3A_132 = arith.constant 0 : i32
    %dma_start3A_133 = tpu.memref_slice %arg10[%dma_start3A_131, %dma_start3A_132] : memref<8192x128xf32, #tpu.memory_space<hbm>> -> memref<8192x128xf32, #tpu.memory_space<hbm>>
    tpu.enqueue_indirect_dma source(%arg18 : memref<128x128xf32, #tpu.memory_space<vmem>>) target(%dma_start3A_133 : memref<8192x128xf32, #tpu.memory_space<hbm>>) offsets(%dma_start3A_130 : memref<128xi32, #tpu.memory_space<vmem>>) semaphore(%arg28 : memref<!tpu.dma_semaphore, #tpu.memory_space<semaphore_mem>>)
    %add3A_134 = arith.constant 2 : i32
    %add3A_135 = arith.addi %add3A_121, %add3A_134 : i32
    %lt3A_136 = arith.constant 2 : i32
    %lt3A_137 = arith.cmpi slt, %add3A_135, %lt3A_136 : i32
    %convert_element_type3A_138 = arith.extui %lt3A_137 : i1 to i32
    %cond3A_139 = arith.constant 0 : i32
    %cond3A_140 = arith.cmpi ne, %convert_element_type3A_138, %cond3A_139 : i32
    scf.if %cond3A_140 {
      %dma_wait3A_237 = arith.constant 0 : i32
      %dma_wait3A_238 = tpu.memref_slice %arg16[%add3A_121, %dma_wait3A_237] : memref<2x128xi32, #tpu.memory_space<vmem>> -> memref<1x128xi32, #tpu.memory_space<vmem>>
      %dma_wait3A_239 = tpu.memref_squeeze %dma_wait3A_238 : memref<1x128xi32, #tpu.memory_space<vmem>> -> memref<128xi32, #tpu.memory_space<vmem>>
      %dma_wait3A_240 = arith.constant 0 : i32
      %dma_wait3A_241 = arith.constant 0 : i32
      %dma_wait3A_242 = tpu.memref_slice %arg10[%dma_wait3A_240, %dma_wait3A_241] : memref<8192x128xf32, #tpu.memory_space<hbm>> -> memref<8192x128xf32, #tpu.memory_space<hbm>>
      tpu.wait_indirect_dma semaphore(%arg28 : memref<!tpu.dma_semaphore, #tpu.memory_space<semaphore_mem>>) src(%arg18 : memref<128x128xf32, #tpu.memory_space<vmem>>) dst(%dma_wait3A_242 : memref<8192x128xf32, #tpu.memory_space<hbm>>)
      %add3A_243 = arith.constant 2 : i32
      %add3A_244 = arith.addi %add3A_121, %add3A_243 : i32
      %dma_start3A_245 = arith.constant 0 : i32
      %dma_start3A_246 = tpu.memref_slice %arg13[%add3A_244, %dma_start3A_245] : memref<2x128xi32, #tpu.memory_space<vmem>> -> memref<1x128xi32, #tpu.memory_space<vmem>>
      %dma_start3A_247 = tpu.memref_squeeze %dma_start3A_246 : memref<1x128xi32, #tpu.memory_space<vmem>> -> memref<128xi32, #tpu.memory_space<vmem>>
      %dma_start3A_248 = arith.constant 0 : i32
      %dma_start3A_249 = arith.constant 0 : i32
      %dma_start3A_250 = tpu.memref_slice %arg2[%dma_start3A_248, %dma_start3A_249] : memref<1000000x128xf32, #tpu.memory_space<hbm>> -> memref<1000000x128xf32, #tpu.memory_space<hbm>>
      tpu.enqueue_indirect_dma source(%dma_start3A_250 : memref<1000000x128xf32, #tpu.memory_space<hbm>>) target(%arg18 : memref<128x128xf32, #tpu.memory_space<vmem>>) offsets(%dma_start3A_247 : memref<128xi32, #tpu.memory_space<vmem>>) semaphore(%arg23 : memref<!tpu.dma_semaphore, #tpu.memory_space<semaphore_mem>>)
    } else {
    }
    %scan3A_141 = arith.constant 1 : i32
    %dma_wait3A_142 = arith.constant 0 : i32
    %dma_wait3A_143 = arith.constant 0 : i32
    %dma_wait3A_144 = tpu.memref_slice %arg16[%dma_wait3A_142, %dma_wait3A_143] : memref<2x128xi32, #tpu.memory_space<vmem>> -> memref<1x128xi32, #tpu.memory_space<vmem>>
    %dma_wait3A_145 = tpu.memref_squeeze %dma_wait3A_144 : memref<1x128xi32, #tpu.memory_space<vmem>> -> memref<128xi32, #tpu.memory_space<vmem>>
    %dma_wait3A_146 = arith.constant 0 : i32
    %dma_wait3A_147 = arith.constant 0 : i32
    %dma_wait3A_148 = tpu.memref_slice %arg10[%dma_wait3A_146, %dma_wait3A_147] : memref<8192x128xf32, #tpu.memory_space<hbm>> -> memref<8192x128xf32, #tpu.memory_space<hbm>>
    tpu.wait_indirect_dma semaphore(%arg27 : memref<!tpu.dma_semaphore, #tpu.memory_space<semaphore_mem>>) src(%arg17 : memref<128x128xf32, #tpu.memory_space<vmem>>) dst(%dma_wait3A_148 : memref<8192x128xf32, #tpu.memory_space<hbm>>)
    %dma_wait3A_149 = arith.constant 1 : i32
    %dma_wait3A_150 = arith.constant 0 : i32
    %dma_wait3A_151 = tpu.memref_slice %arg16[%dma_wait3A_149, %dma_wait3A_150] : memref<2x128xi32, #tpu.memory_space<vmem>> -> memref<1x128xi32, #tpu.memory_space<vmem>>
    %dma_wait3A_152 = tpu.memref_squeeze %dma_wait3A_151 : memref<1x128xi32, #tpu.memory_space<vmem>> -> memref<128xi32, #tpu.memory_space<vmem>>
    %dma_wait3A_153 = arith.constant 0 : i32
    %dma_wait3A_154 = arith.constant 0 : i32
    %dma_wait3A_155 = tpu.memref_slice %arg10[%dma_wait3A_153, %dma_wait3A_154] : memref<8192x128xf32, #tpu.memory_space<hbm>> -> memref<8192x128xf32, #tpu.memory_space<hbm>>
    tpu.wait_indirect_dma semaphore(%arg28 : memref<!tpu.dma_semaphore, #tpu.memory_space<semaphore_mem>>) src(%arg18 : memref<128x128xf32, #tpu.memory_space<vmem>>) dst(%dma_wait3A_155 : memref<8192x128xf32, #tpu.memory_space<hbm>>)
    "tpu.region"() ({
      %run_scoped3A = tpu.sem_alloc : memref<!tpu.dma_semaphore, #tpu.memory_space<semaphore_mem>>
      %dma_start3A_237 = arith.constant 0 : i32
      %dma_start3A_238 = arith.constant 0 : i32
      %dma_start3A_239 = tpu.memref_slice %arg6[%add3A, %dma_start3A_237, %dma_start3A_238] : memref<32x2x128xi32, #tpu.memory_space<hbm>> -> memref<1x2x128xi32, #tpu.memory_space<hbm>>
      %dma_start3A_240 = tpu.memref_squeeze %dma_start3A_239 : memref<1x2x128xi32, #tpu.memory_space<hbm>> -> memref<2x128xi32, #tpu.memory_space<hbm>>
      %dma_start3A_241 = arith.constant 0 : i32
      %dma_start3A_242 = arith.constant 0 : i32
      %dma_start3A_243 = tpu.memref_slice %arg6[%add3A, %dma_start3A_241, %dma_start3A_242] : memref<32x2x128xi32, #tpu.memory_space<hbm>> -> memref<1x2x128xi32, #tpu.memory_space<hbm>>
      %dma_start3A_244 = tpu.memref_squeeze %dma_start3A_243 : memref<1x2x128xi32, #tpu.memory_space<hbm>> -> memref<2x128xi32, #tpu.memory_space<hbm>>
      tpu.enqueue_dma source(%dma_start3A_244 : memref<2x128xi32, #tpu.memory_space<hbm>>) target(%arg14 : memref<2x128xi32, #tpu.memory_space<vmem>>) target_semaphore(%run_scoped3A : memref<!tpu.dma_semaphore, #tpu.memory_space<semaphore_mem>>)
      %dma_wait3A_245 = arith.constant 0 : i32
      %dma_wait3A_246 = arith.constant 0 : i32
      %dma_wait3A_247 = tpu.memref_slice %arg6[%add3A, %dma_wait3A_245, %dma_wait3A_246] : memref<32x2x128xi32, #tpu.memory_space<hbm>> -> memref<1x2x128xi32, #tpu.memory_space<hbm>>
      %dma_wait3A_248 = tpu.memref_squeeze %dma_wait3A_247 : memref<1x2x128xi32, #tpu.memory_space<hbm>> -> memref<2x128xi32, #tpu.memory_space<hbm>>
      %dma_wait3A_249 = arith.constant 0 : i32
      %dma_wait3A_250 = arith.constant 0 : i32
      %dma_wait3A_251 = tpu.memref_slice %arg6[%add3A, %dma_wait3A_249, %dma_wait3A_250] : memref<32x2x128xi32, #tpu.memory_space<hbm>> -> memref<1x2x128xi32, #tpu.memory_space<hbm>>
      %dma_wait3A_252 = tpu.memref_squeeze %dma_wait3A_251 : memref<1x2x128xi32, #tpu.memory_space<hbm>> -> memref<2x128xi32, #tpu.memory_space<hbm>>
      tpu.wait_dma2 semaphore(%run_scoped3A : memref<!tpu.dma_semaphore, #tpu.memory_space<semaphore_mem>>) src(%dma_wait3A_252 : memref<2x128xi32, #tpu.memory_space<hbm>>) dst(%arg14 : memref<2x128xi32, #tpu.memory_space<vmem>>)
      tpu.yield
    }) : () -> ()
    "tpu.region"() ({
      %run_scoped3A = tpu.sem_alloc : memref<!tpu.dma_semaphore, #tpu.memory_space<semaphore_mem>>
      %dma_start3A_237 = arith.constant 0 : i32
      %dma_start3A_238 = arith.constant 0 : i32
      %dma_start3A_239 = tpu.memref_slice %arg8[%add3A, %dma_start3A_237, %dma_start3A_238] : memref<32x2x128xi32, #tpu.memory_space<hbm>> -> memref<1x2x128xi32, #tpu.memory_space<hbm>>
      %dma_start3A_240 = tpu.memref_squeeze %dma_start3A_239 : memref<1x2x128xi32, #tpu.memory_space<hbm>> -> memref<2x128xi32, #tpu.memory_space<hbm>>
      %dma_start3A_241 = arith.constant 0 : i32
      %dma_start3A_242 = arith.constant 0 : i32
      %dma_start3A_243 = tpu.memref_slice %arg8[%add3A, %dma_start3A_241, %dma_start3A_242] : memref<32x2x128xi32, #tpu.memory_space<hbm>> -> memref<1x2x128xi32, #tpu.memory_space<hbm>>
      %dma_start3A_244 = tpu.memref_squeeze %dma_start3A_243 : memref<1x2x128xi32, #tpu.memory_space<hbm>> -> memref<2x128xi32, #tpu.memory_space<hbm>>
      tpu.enqueue_dma source(%dma_start3A_244 : memref<2x128xi32, #tpu.memory_space<hbm>>) target(%arg16 : memref<2x128xi32, #tpu.memory_space<vmem>>) target_semaphore(%run_scoped3A : memref<!tpu.dma_semaphore, #tpu.memory_space<semaphore_mem>>)
      %dma_wait3A_245 = arith.constant 0 : i32
      %dma_wait3A_246 = arith.constant 0 : i32
      %dma_wait3A_247 = tpu.memref_slice %arg8[%add3A, %dma_wait3A_245, %dma_wait3A_246] : memref<32x2x128xi32, #tpu.memory_space<hbm>> -> memref<1x2x128xi32, #tpu.memory_space<hbm>>
      %dma_wait3A_248 = tpu.memref_squeeze %dma_wait3A_247 : memref<1x2x128xi32, #tpu.memory_space<hbm>> -> memref<2x128xi32, #tpu.memory_space<hbm>>
      %dma_wait3A_249 = arith.constant 0 : i32
      %dma_wait3A_250 = arith.constant 0 : i32
      %dma_wait3A_251 = tpu.memref_slice %arg8[%add3A, %dma_wait3A_249, %dma_wait3A_250] : memref<32x2x128xi32, #tpu.memory_space<hbm>> -> memref<1x2x128xi32, #tpu.memory_space<hbm>>
      %dma_wait3A_252 = tpu.memref_squeeze %dma_wait3A_251 : memref<1x2x128xi32, #tpu.memory_space<hbm>> -> memref<2x128xi32, #tpu.memory_space<hbm>>
      tpu.wait_dma2 semaphore(%run_scoped3A : memref<!tpu.dma_semaphore, #tpu.memory_space<semaphore_mem>>) src(%dma_wait3A_252 : memref<2x128xi32, #tpu.memory_space<hbm>>) dst(%arg16 : memref<2x128xi32, #tpu.memory_space<vmem>>)
      tpu.yield
    }) : () -> ()
    %mul3A_156 = arith.constant 2 : i32
    %mul3A_157 = arith.muli %add3A, %mul3A_156 : i32
    %mul3A_158 = arith.constant 128 : i32
    %mul3A_159 = arith.muli %mul3A_157, %mul3A_158 : i32
    %dma_start3A_160 = arith.constant 0 : i32
    %dma_start3A_161 = arith.constant 0 : i32
    %dma_start3A_162 = tpu.memref_slice %arg14[%dma_start3A_160, %dma_start3A_161] : memref<2x128xi32, #tpu.memory_space<vmem>> -> memref<1x128xi32, #tpu.memory_space<vmem>>
    %dma_start3A_163 = tpu.memref_squeeze %dma_start3A_162 : memref<1x128xi32, #tpu.memory_space<vmem>> -> memref<128xi32, #tpu.memory_space<vmem>>
    %dma_start3A_164 = arith.constant 0 : i32
    %dma_start3A_165 = arith.constant 0 : i32
    %dma_start3A_166 = tpu.memref_slice %arg3[%dma_start3A_164, %dma_start3A_165] : memref<500x128xf32, #tpu.memory_space<hbm>> -> memref<500x128xf32, #tpu.memory_space<hbm>>
    tpu.enqueue_indirect_dma source(%dma_start3A_166 : memref<500x128xf32, #tpu.memory_space<hbm>>) target(%arg17 : memref<128x128xf32, #tpu.memory_space<vmem>>) offsets(%dma_start3A_163 : memref<128xi32, #tpu.memory_space<vmem>>) semaphore(%arg22 : memref<!tpu.dma_semaphore, #tpu.memory_space<semaphore_mem>>)
    %dma_start3A_167 = arith.constant 1 : i32
    %dma_start3A_168 = arith.constant 0 : i32
    %dma_start3A_169 = tpu.memref_slice %arg14[%dma_start3A_167, %dma_start3A_168] : memref<2x128xi32, #tpu.memory_space<vmem>> -> memref<1x128xi32, #tpu.memory_space<vmem>>
    %dma_start3A_170 = tpu.memref_squeeze %dma_start3A_169 : memref<1x128xi32, #tpu.memory_space<vmem>> -> memref<128xi32, #tpu.memory_space<vmem>>
    %dma_start3A_171 = arith.constant 0 : i32
    %dma_start3A_172 = arith.constant 0 : i32
    %dma_start3A_173 = tpu.memref_slice %arg3[%dma_start3A_171, %dma_start3A_172] : memref<500x128xf32, #tpu.memory_space<hbm>> -> memref<500x128xf32, #tpu.memory_space<hbm>>
    tpu.enqueue_indirect_dma source(%dma_start3A_173 : memref<500x128xf32, #tpu.memory_space<hbm>>) target(%arg18 : memref<128x128xf32, #tpu.memory_space<vmem>>) offsets(%dma_start3A_170 : memref<128xi32, #tpu.memory_space<vmem>>) semaphore(%arg23 : memref<!tpu.dma_semaphore, #tpu.memory_space<semaphore_mem>>)
    %scan3A_174 = arith.constant 0 : i32
    %scan3A_175 = arith.constant 0 : i32
    %mul3A_176 = arith.constant 2 : i32
    %mul3A_177 = arith.muli %scan3A_175, %mul3A_176 : i32
    %add3A_178 = arith.constant 0 : i32
    %add3A_179 = arith.addi %mul3A_177, %add3A_178 : i32
    %dma_wait3A_180 = arith.constant 0 : i32
    %dma_wait3A_181 = tpu.memref_slice %arg14[%add3A_179, %dma_wait3A_180] : memref<2x128xi32, #tpu.memory_space<vmem>> -> memref<1x128xi32, #tpu.memory_space<vmem>>
    %dma_wait3A_182 = tpu.memref_squeeze %dma_wait3A_181 : memref<1x128xi32, #tpu.memory_space<vmem>> -> memref<128xi32, #tpu.memory_space<vmem>>
    %dma_wait3A_183 = arith.constant 0 : i32
    %dma_wait3A_184 = arith.constant 0 : i32
    %dma_wait3A_185 = tpu.memref_slice %arg3[%dma_wait3A_183, %dma_wait3A_184] : memref<500x128xf32, #tpu.memory_space<hbm>> -> memref<500x128xf32, #tpu.memory_space<hbm>>
    tpu.wait_indirect_dma semaphore(%arg22 : memref<!tpu.dma_semaphore, #tpu.memory_space<semaphore_mem>>) src(%dma_wait3A_185 : memref<500x128xf32, #tpu.memory_space<hbm>>) dst(%arg17 : memref<128x128xf32, #tpu.memory_space<vmem>>)
    %dma_start3A_186 = arith.constant 0 : i32
    %dma_start3A_187 = tpu.memref_slice %arg16[%add3A_179, %dma_start3A_186] : memref<2x128xi32, #tpu.memory_space<vmem>> -> memref<1x128xi32, #tpu.memory_space<vmem>>
    %dma_start3A_188 = tpu.memref_squeeze %dma_start3A_187 : memref<1x128xi32, #tpu.memory_space<vmem>> -> memref<128xi32, #tpu.memory_space<vmem>>
    %dma_start3A_189 = arith.constant 0 : i32
    %dma_start3A_190 = arith.constant 0 : i32
    %dma_start3A_191 = tpu.memref_slice %arg11[%dma_start3A_189, %dma_start3A_190] : memref<8192x128xf32, #tpu.memory_space<hbm>> -> memref<8192x128xf32, #tpu.memory_space<hbm>>
    tpu.enqueue_indirect_dma source(%arg17 : memref<128x128xf32, #tpu.memory_space<vmem>>) target(%dma_start3A_191 : memref<8192x128xf32, #tpu.memory_space<hbm>>) offsets(%dma_start3A_188 : memref<128xi32, #tpu.memory_space<vmem>>) semaphore(%arg27 : memref<!tpu.dma_semaphore, #tpu.memory_space<semaphore_mem>>)
    %add3A_192 = arith.constant 2 : i32
    %add3A_193 = arith.addi %add3A_179, %add3A_192 : i32
    %lt3A_194 = arith.constant 2 : i32
    %lt3A_195 = arith.cmpi slt, %add3A_193, %lt3A_194 : i32
    %convert_element_type3A_196 = arith.extui %lt3A_195 : i1 to i32
    %cond3A_197 = arith.constant 0 : i32
    %cond3A_198 = arith.cmpi ne, %convert_element_type3A_196, %cond3A_197 : i32
    scf.if %cond3A_198 {
      %dma_wait3A_237 = arith.constant 0 : i32
      %dma_wait3A_238 = tpu.memref_slice %arg16[%add3A_179, %dma_wait3A_237] : memref<2x128xi32, #tpu.memory_space<vmem>> -> memref<1x128xi32, #tpu.memory_space<vmem>>
      %dma_wait3A_239 = tpu.memref_squeeze %dma_wait3A_238 : memref<1x128xi32, #tpu.memory_space<vmem>> -> memref<128xi32, #tpu.memory_space<vmem>>
      %dma_wait3A_240 = arith.constant 0 : i32
      %dma_wait3A_241 = arith.constant 0 : i32
      %dma_wait3A_242 = tpu.memref_slice %arg11[%dma_wait3A_240, %dma_wait3A_241] : memref<8192x128xf32, #tpu.memory_space<hbm>> -> memref<8192x128xf32, #tpu.memory_space<hbm>>
      tpu.wait_indirect_dma semaphore(%arg27 : memref<!tpu.dma_semaphore, #tpu.memory_space<semaphore_mem>>) src(%arg17 : memref<128x128xf32, #tpu.memory_space<vmem>>) dst(%dma_wait3A_242 : memref<8192x128xf32, #tpu.memory_space<hbm>>)
      %add3A_243 = arith.constant 2 : i32
      %add3A_244 = arith.addi %add3A_179, %add3A_243 : i32
      %dma_start3A_245 = arith.constant 0 : i32
      %dma_start3A_246 = tpu.memref_slice %arg14[%add3A_244, %dma_start3A_245] : memref<2x128xi32, #tpu.memory_space<vmem>> -> memref<1x128xi32, #tpu.memory_space<vmem>>
      %dma_start3A_247 = tpu.memref_squeeze %dma_start3A_246 : memref<1x128xi32, #tpu.memory_space<vmem>> -> memref<128xi32, #tpu.memory_space<vmem>>
      %dma_start3A_248 = arith.constant 0 : i32
      %dma_start3A_249 = arith.constant 0 : i32
      %dma_start3A_250 = tpu.memref_slice %arg3[%dma_start3A_248, %dma_start3A_249] : memref<500x128xf32, #tpu.memory_space<hbm>> -> memref<500x128xf32, #tpu.memory_space<hbm>>
      tpu.enqueue_indirect_dma source(%dma_start3A_250 : memref<500x128xf32, #tpu.memory_space<hbm>>) target(%arg17 : memref<128x128xf32, #tpu.memory_space<vmem>>) offsets(%dma_start3A_247 : memref<128xi32, #tpu.memory_space<vmem>>) semaphore(%arg22 : memref<!tpu.dma_semaphore, #tpu.memory_space<semaphore_mem>>)
    } else {
    }
    %mul3A_199 = arith.constant 2 : i32
    %mul3A_200 = arith.muli %scan3A_175, %mul3A_199 : i32
    %add3A_201 = arith.constant 1 : i32
    %add3A_202 = arith.addi %mul3A_200, %add3A_201 : i32
    %dma_wait3A_203 = arith.constant 0 : i32
    %dma_wait3A_204 = tpu.memref_slice %arg14[%add3A_202, %dma_wait3A_203] : memref<2x128xi32, #tpu.memory_space<vmem>> -> memref<1x128xi32, #tpu.memory_space<vmem>>
    %dma_wait3A_205 = tpu.memref_squeeze %dma_wait3A_204 : memref<1x128xi32, #tpu.memory_space<vmem>> -> memref<128xi32, #tpu.memory_space<vmem>>
    %dma_wait3A_206 = arith.constant 0 : i32
    %dma_wait3A_207 = arith.constant 0 : i32
    %dma_wait3A_208 = tpu.memref_slice %arg3[%dma_wait3A_206, %dma_wait3A_207] : memref<500x128xf32, #tpu.memory_space<hbm>> -> memref<500x128xf32, #tpu.memory_space<hbm>>
    tpu.wait_indirect_dma semaphore(%arg23 : memref<!tpu.dma_semaphore, #tpu.memory_space<semaphore_mem>>) src(%dma_wait3A_208 : memref<500x128xf32, #tpu.memory_space<hbm>>) dst(%arg18 : memref<128x128xf32, #tpu.memory_space<vmem>>)
    %dma_start3A_209 = arith.constant 0 : i32
    %dma_start3A_210 = tpu.memref_slice %arg16[%add3A_202, %dma_start3A_209] : memref<2x128xi32, #tpu.memory_space<vmem>> -> memref<1x128xi32, #tpu.memory_space<vmem>>
    %dma_start3A_211 = tpu.memref_squeeze %dma_start3A_210 : memref<1x128xi32, #tpu.memory_space<vmem>> -> memref<128xi32, #tpu.memory_space<vmem>>
    %dma_start3A_212 = arith.constant 0 : i32
    %dma_start3A_213 = arith.constant 0 : i32
    %dma_start3A_214 = tpu.memref_slice %arg11[%dma_start3A_212, %dma_start3A_213] : memref<8192x128xf32, #tpu.memory_space<hbm>> -> memref<8192x128xf32, #tpu.memory_space<hbm>>
    tpu.enqueue_indirect_dma source(%arg18 : memref<128x128xf32, #tpu.memory_space<vmem>>) target(%dma_start3A_214 : memref<8192x128xf32, #tpu.memory_space<hbm>>) offsets(%dma_start3A_211 : memref<128xi32, #tpu.memory_space<vmem>>) semaphore(%arg28 : memref<!tpu.dma_semaphore, #tpu.memory_space<semaphore_mem>>)
    %add3A_215 = arith.constant 2 : i32
    %add3A_216 = arith.addi %add3A_202, %add3A_215 : i32
    %lt3A_217 = arith.constant 2 : i32
    %lt3A_218 = arith.cmpi slt, %add3A_216, %lt3A_217 : i32
    %convert_element_type3A_219 = arith.extui %lt3A_218 : i1 to i32
    %cond3A_220 = arith.constant 0 : i32
    %cond3A_221 = arith.cmpi ne, %convert_element_type3A_219, %cond3A_220 : i32
    scf.if %cond3A_221 {
      %dma_wait3A_237 = arith.constant 0 : i32
      %dma_wait3A_238 = tpu.memref_slice %arg16[%add3A_202, %dma_wait3A_237] : memref<2x128xi32, #tpu.memory_space<vmem>> -> memref<1x128xi32, #tpu.memory_space<vmem>>
      %dma_wait3A_239 = tpu.memref_squeeze %dma_wait3A_238 : memref<1x128xi32, #tpu.memory_space<vmem>> -> memref<128xi32, #tpu.memory_space<vmem>>
      %dma_wait3A_240 = arith.constant 0 : i32
      %dma_wait3A_241 = arith.constant 0 : i32
      %dma_wait3A_242 = tpu.memref_slice %arg11[%dma_wait3A_240, %dma_wait3A_241] : memref<8192x128xf32, #tpu.memory_space<hbm>> -> memref<8192x128xf32, #tpu.memory_space<hbm>>
      tpu.wait_indirect_dma semaphore(%arg28 : memref<!tpu.dma_semaphore, #tpu.memory_space<semaphore_mem>>) src(%arg18 : memref<128x128xf32, #tpu.memory_space<vmem>>) dst(%dma_wait3A_242 : memref<8192x128xf32, #tpu.memory_space<hbm>>)
      %add3A_243 = arith.constant 2 : i32
      %add3A_244 = arith.addi %add3A_202, %add3A_243 : i32
      %dma_start3A_245 = arith.constant 0 : i32
      %dma_start3A_246 = tpu.memref_slice %arg14[%add3A_244, %dma_start3A_245] : memref<2x128xi32, #tpu.memory_space<vmem>> -> memref<1x128xi32, #tpu.memory_space<vmem>>
      %dma_start3A_247 = tpu.memref_squeeze %dma_start3A_246 : memref<1x128xi32, #tpu.memory_space<vmem>> -> memref<128xi32, #tpu.memory_space<vmem>>
      %dma_start3A_248 = arith.constant 0 : i32
      %dma_start3A_249 = arith.constant 0 : i32
      %dma_start3A_250 = tpu.memref_slice %arg3[%dma_start3A_248, %dma_start3A_249] : memref<500x128xf32, #tpu.memory_space<hbm>> -> memref<500x128xf32, #tpu.memory_space<hbm>>
      tpu.enqueue_indirect_dma source(%dma_start3A_250 : memref<500x128xf32, #tpu.memory_space<hbm>>) target(%arg18 : memref<128x128xf32, #tpu.memory_space<vmem>>) offsets(%dma_start3A_247 : memref<128xi32, #tpu.memory_space<vmem>>) semaphore(%arg23 : memref<!tpu.dma_semaphore, #tpu.memory_space<semaphore_mem>>)
    } else {
    }
    %scan3A_222 = arith.constant 1 : i32
    %dma_wait3A_223 = arith.constant 0 : i32
    %dma_wait3A_224 = arith.constant 0 : i32
    %dma_wait3A_225 = tpu.memref_slice %arg16[%dma_wait3A_223, %dma_wait3A_224] : memref<2x128xi32, #tpu.memory_space<vmem>> -> memref<1x128xi32, #tpu.memory_space<vmem>>
    %dma_wait3A_226 = tpu.memref_squeeze %dma_wait3A_225 : memref<1x128xi32, #tpu.memory_space<vmem>> -> memref<128xi32, #tpu.memory_space<vmem>>
    %dma_wait3A_227 = arith.constant 0 : i32
    %dma_wait3A_228 = arith.constant 0 : i32
    %dma_wait3A_229 = tpu.memref_slice %arg11[%dma_wait3A_227, %dma_wait3A_228] : memref<8192x128xf32, #tpu.memory_space<hbm>> -> memref<8192x128xf32, #tpu.memory_space<hbm>>
    tpu.wait_indirect_dma semaphore(%arg27 : memref<!tpu.dma_semaphore, #tpu.memory_space<semaphore_mem>>) src(%arg17 : memref<128x128xf32, #tpu.memory_space<vmem>>) dst(%dma_wait3A_229 : memref<8192x128xf32, #tpu.memory_space<hbm>>)
    %dma_wait3A_230 = arith.constant 1 : i32
    %dma_wait3A_231 = arith.constant 0 : i32
    %dma_wait3A_232 = tpu.memref_slice %arg16[%dma_wait3A_230, %dma_wait3A_231] : memref<2x128xi32, #tpu.memory_space<vmem>> -> memref<1x128xi32, #tpu.memory_space<vmem>>
    %dma_wait3A_233 = tpu.memref_squeeze %dma_wait3A_232 : memref<1x128xi32, #tpu.memory_space<vmem>> -> memref<128xi32, #tpu.memory_space<vmem>>
    %dma_wait3A_234 = arith.constant 0 : i32
    %dma_wait3A_235 = arith.constant 0 : i32
    %dma_wait3A_236 = tpu.memref_slice %arg11[%dma_wait3A_234, %dma_wait3A_235] : memref<8192x128xf32, #tpu.memory_space<hbm>> -> memref<8192x128xf32, #tpu.memory_space<hbm>>
    tpu.wait_indirect_dma semaphore(%arg28 : memref<!tpu.dma_semaphore, #tpu.memory_space<semaphore_mem>>) src(%arg18 : memref<128x128xf32, #tpu.memory_space<vmem>>) dst(%dma_wait3A_236 : memref<8192x128xf32, #tpu.memory_space<hbm>>)
    return
  }
}

#map = affine_map<(d0, d1) -> (0, 0)>
#map1 = affine_map<(d0, d1) -> (0, 0, 0)>
module attributes {stable_mosaic.version = 14 : i64} {
  func.func @_sc_gather_body(%arg0: i32, %arg1: i32, %arg2: memref<1000000x128xf32, #tpu.memory_space<hbm>>, %arg3: memref<500x128xf32, #tpu.memory_space<hbm>>, %arg4: memref<32x20x128xi32, #tpu.memory_space<hbm>>, %arg5: memref<32x2x128xi32, #tpu.memory_space<hbm>>, %arg6: memref<32x2x128xi32, #tpu.memory_space<hbm>>, %arg7: memref<32x20x128xi32, #tpu.memory_space<hbm>>, %arg8: memref<32x2x128xi32, #tpu.memory_space<hbm>>, %arg9: memref<81920x128xf32, #tpu.memory_space<hbm>>, %arg10: memref<8192x128xf32, #tpu.memory_space<hbm>>, %arg11: memref<8192x128xf32, #tpu.memory_space<hbm>>, %arg12: memref<20x128xi32, #tpu.memory_space<vmem>>, %arg13: memref<2x128xi32, #tpu.memory_space<vmem>>, %arg14: memref<2x128xi32, #tpu.memory_space<vmem>>, %arg15: memref<20x128xi32, #tpu.memory_space<vmem>>, %arg16: memref<2x128xi32, #tpu.memory_space<vmem>>, %arg17: memref<128x128xf32, #tpu.memory_space<vmem>>, %arg18: memref<128x128xf32, #tpu.memory_space<vmem>>, %arg19: memref<128x128xf32, #tpu.memory_space<vmem>>, %arg20: memref<128x128xf32, #tpu.memory_space<vmem>>, %arg21: memref<128x128xf32, #tpu.memory_space<vmem>>, %arg22: memref<!tpu.dma_semaphore, #tpu.memory_space<semaphore_mem>>, %arg23: memref<!tpu.dma_semaphore, #tpu.memory_space<semaphore_mem>>, %arg24: memref<!tpu.dma_semaphore, #tpu.memory_space<semaphore_mem>>, %arg25: memref<!tpu.dma_semaphore, #tpu.memory_space<semaphore_mem>>, %arg26: memref<!tpu.dma_semaphore, #tpu.memory_space<semaphore_mem>>, %arg27: memref<!tpu.dma_semaphore, #tpu.memory_space<semaphore_mem>>, %arg28: memref<!tpu.dma_semaphore, #tpu.memory_space<semaphore_mem>>, %arg29: memref<!tpu.dma_semaphore, #tpu.memory_space<semaphore_mem>>, %arg30: memref<!tpu.dma_semaphore, #tpu.memory_space<semaphore_mem>>, %arg31: memref<!tpu.dma_semaphore, #tpu.memory_space<semaphore_mem>>) attributes {dimension_semantics = [#tpu.dimension_semantics<core_parallel>, #tpu.dimension_semantics<subcore_parallel>], iteration_bounds = array<i64: 2, 16>, scalar_prefetch = 0 : i64, scratch_operands = 20 : i64, tpu.core_type = #tpu.core_type<sc_vector_subcore>, window_params = [{transform_indices = #map}, {transform_indices = #map}, {transform_indices = #map1}, {transform_indices = #map1}, {transform_indices = #map1}, {transform_indices = #map1}, {transform_indices = #map1}, {transform_indices = #map}, {transform_indices = #map}, {transform_indices = #map}]} {
    %mul3A = arith.constant 2 : i32
    %mul3A_0 = arith.muli %arg1, %mul3A : i32
    %add3A = arith.addi %mul3A_0, %arg0 : i32
    "tpu.region"() ({
      %run_scoped3A = tpu.sem_alloc : memref<!tpu.dma_semaphore, #tpu.memory_space<semaphore_mem>>
      %dma_start3A_237 = arith.constant 0 : i32
      %dma_start3A_238 = arith.constant 0 : i32
      %dma_start3A_239 = tpu.memref_slice %arg4[%add3A, %dma_start3A_237, %dma_start3A_238] : memref<32x20x128xi32, #tpu.memory_space<hbm>> -> memref<1x20x128xi32, #tpu.memory_space<hbm>>
      %dma_start3A_240 = tpu.memref_squeeze %dma_start3A_239 : memref<1x20x128xi32, #tpu.memory_space<hbm>> -> memref<20x128xi32, #tpu.memory_space<hbm>>
      %dma_start3A_241 = arith.constant 0 : i32
      %dma_start3A_242 = arith.constant 0 : i32
      %dma_start3A_243 = tpu.memref_slice %arg4[%add3A, %dma_start3A_241, %dma_start3A_242] : memref<32x20x128xi32, #tpu.memory_space<hbm>> -> memref<1x20x128xi32, #tpu.memory_space<hbm>>
      %dma_start3A_244 = tpu.memref_squeeze %dma_start3A_243 : memref<1x20x128xi32, #tpu.memory_space<hbm>> -> memref<20x128xi32, #tpu.memory_space<hbm>>
      tpu.enqueue_dma source(%dma_start3A_244 : memref<20x128xi32, #tpu.memory_space<hbm>>) target(%arg12 : memref<20x128xi32, #tpu.memory_space<vmem>>) target_semaphore(%run_scoped3A : memref<!tpu.dma_semaphore, #tpu.memory_space<semaphore_mem>>)
      %dma_wait3A_245 = arith.constant 0 : i32
      %dma_wait3A_246 = arith.constant 0 : i32
      %dma_wait3A_247 = tpu.memref_slice %arg4[%add3A, %dma_wait3A_245, %dma_wait3A_246] : memref<32x20x128xi32, #tpu.memory_space<hbm>> -> memref<1x20x128xi32, #tpu.memory_space<hbm>>
      %dma_wait3A_248 = tpu.memref_squeeze %dma_wait3A_247 : memref<1x20x128xi32, #tpu.memory_space<hbm>> -> memref<20x128xi32, #tpu.memory_space<hbm>>
      %dma_wait3A_249 = arith.constant 0 : i32
      %dma_wait3A_250 = arith.constant 0 : i32
      %dma_wait3A_251 = tpu.memref_slice %arg4[%add3A, %dma_wait3A_249, %dma_wait3A_250] : memref<32x20x128xi32, #tpu.memory_space<hbm>> -> memref<1x20x128xi32, #tpu.memory_space<hbm>>
      %dma_wait3A_252 = tpu.memref_squeeze %dma_wait3A_251 : memref<1x20x128xi32, #tpu.memory_space<hbm>> -> memref<20x128xi32, #tpu.memory_space<hbm>>
      tpu.wait_dma2 semaphore(%run_scoped3A : memref<!tpu.dma_semaphore, #tpu.memory_space<semaphore_mem>>) src(%dma_wait3A_252 : memref<20x128xi32, #tpu.memory_space<hbm>>) dst(%arg12 : memref<20x128xi32, #tpu.memory_space<vmem>>)
      tpu.yield
    }) : () -> ()
    "tpu.region"() ({
      %run_scoped3A = tpu.sem_alloc : memref<!tpu.dma_semaphore, #tpu.memory_space<semaphore_mem>>
      %dma_start3A_237 = arith.constant 0 : i32
      %dma_start3A_238 = arith.constant 0 : i32
      %dma_start3A_239 = tpu.memref_slice %arg7[%add3A, %dma_start3A_237, %dma_start3A_238] : memref<32x20x128xi32, #tpu.memory_space<hbm>> -> memref<1x20x128xi32, #tpu.memory_space<hbm>>
      %dma_start3A_240 = tpu.memref_squeeze %dma_start3A_239 : memref<1x20x128xi32, #tpu.memory_space<hbm>> -> memref<20x128xi32, #tpu.memory_space<hbm>>
      %dma_start3A_241 = arith.constant 0 : i32
      %dma_start3A_242 = arith.constant 0 : i32
      %dma_start3A_243 = tpu.memref_slice %arg7[%add3A, %dma_start3A_241, %dma_start3A_242] : memref<32x20x128xi32, #tpu.memory_space<hbm>> -> memref<1x20x128xi32, #tpu.memory_space<hbm>>
      %dma_start3A_244 = tpu.memref_squeeze %dma_start3A_243 : memref<1x20x128xi32, #tpu.memory_space<hbm>> -> memref<20x128xi32, #tpu.memory_space<hbm>>
      tpu.enqueue_dma source(%dma_start3A_244 : memref<20x128xi32, #tpu.memory_space<hbm>>) target(%arg15 : memref<20x128xi32, #tpu.memory_space<vmem>>) target_semaphore(%run_scoped3A : memref<!tpu.dma_semaphore, #tpu.memory_space<semaphore_mem>>)
      %dma_wait3A_245 = arith.constant 0 : i32
      %dma_wait3A_246 = arith.constant 0 : i32
      %dma_wait3A_247 = tpu.memref_slice %arg7[%add3A, %dma_wait3A_245, %dma_wait3A_246] : memref<32x20x128xi32, #tpu.memory_space<hbm>> -> memref<1x20x128xi32, #tpu.memory_space<hbm>>
      %dma_wait3A_248 = tpu.memref_squeeze %dma_wait3A_247 : memref<1x20x128xi32, #tpu.memory_space<hbm>> -> memref<20x128xi32, #tpu.memory_space<hbm>>
      %dma_wait3A_249 = arith.constant 0 : i32
      %dma_wait3A_250 = arith.constant 0 : i32
      %dma_wait3A_251 = tpu.memref_slice %arg7[%add3A, %dma_wait3A_249, %dma_wait3A_250] : memref<32x20x128xi32, #tpu.memory_space<hbm>> -> memref<1x20x128xi32, #tpu.memory_space<hbm>>
      %dma_wait3A_252 = tpu.memref_squeeze %dma_wait3A_251 : memref<1x20x128xi32, #tpu.memory_space<hbm>> -> memref<20x128xi32, #tpu.memory_space<hbm>>
      tpu.wait_dma2 semaphore(%run_scoped3A : memref<!tpu.dma_semaphore, #tpu.memory_space<semaphore_mem>>) src(%dma_wait3A_252 : memref<20x128xi32, #tpu.memory_space<hbm>>) dst(%arg15 : memref<20x128xi32, #tpu.memory_space<vmem>>)
      tpu.yield
    }) : () -> ()
    %mul3A_1 = arith.constant 20 : i32
    %mul3A_2 = arith.muli %add3A, %mul3A_1 : i32
    %mul3A_3 = arith.constant 128 : i32
    %mul3A_4 = arith.muli %mul3A_2, %mul3A_3 : i32
    %dma_start3A = arith.constant 0 : i32
    %dma_start3A_5 = arith.constant 0 : i32
    %dma_start3A_6 = tpu.memref_slice %arg12[%dma_start3A, %dma_start3A_5] : memref<20x128xi32, #tpu.memory_space<vmem>> -> memref<1x128xi32, #tpu.memory_space<vmem>>
    %dma_start3A_7 = tpu.memref_squeeze %dma_start3A_6 : memref<1x128xi32, #tpu.memory_space<vmem>> -> memref<128xi32, #tpu.memory_space<vmem>>
    %dma_start3A_8 = arith.constant 0 : i32
    %dma_start3A_9 = arith.constant 0 : i32
    %dma_start3A_10 = tpu.memref_slice %arg2[%dma_start3A_8, %dma_start3A_9] : memref<1000000x128xf32, #tpu.memory_space<hbm>> -> memref<1000000x128xf32, #tpu.memory_space<hbm>>
    tpu.enqueue_indirect_dma source(%dma_start3A_10 : memref<1000000x128xf32, #tpu.memory_space<hbm>>) target(%arg17 : memref<128x128xf32, #tpu.memory_space<vmem>>) offsets(%dma_start3A_7 : memref<128xi32, #tpu.memory_space<vmem>>) semaphore(%arg22 : memref<!tpu.dma_semaphore, #tpu.memory_space<semaphore_mem>>)
    %dma_start3A_11 = arith.constant 1 : i32
    %dma_start3A_12 = arith.constant 0 : i32
    %dma_start3A_13 = tpu.memref_slice %arg12[%dma_start3A_11, %dma_start3A_12] : memref<20x128xi32, #tpu.memory_space<vmem>> -> memref<1x128xi32, #tpu.memory_space<vmem>>
    %dma_start3A_14 = tpu.memref_squeeze %dma_start3A_13 : memref<1x128xi32, #tpu.memory_space<vmem>> -> memref<128xi32, #tpu.memory_space<vmem>>
    %dma_start3A_15 = arith.constant 0 : i32
    %dma_start3A_16 = arith.constant 0 : i32
    %dma_start3A_17 = tpu.memref_slice %arg2[%dma_start3A_15, %dma_start3A_16] : memref<1000000x128xf32, #tpu.memory_space<hbm>> -> memref<1000000x128xf32, #tpu.memory_space<hbm>>
    tpu.enqueue_indirect_dma source(%dma_start3A_17 : memref<1000000x128xf32, #tpu.memory_space<hbm>>) target(%arg18 : memref<128x128xf32, #tpu.memory_space<vmem>>) offsets(%dma_start3A_14 : memref<128xi32, #tpu.memory_space<vmem>>) semaphore(%arg23 : memref<!tpu.dma_semaphore, #tpu.memory_space<semaphore_mem>>)
    %dma_start3A_18 = arith.constant 2 : i32
    %dma_start3A_19 = arith.constant 0 : i32
    %dma_start3A_20 = tpu.memref_slice %arg12[%dma_start3A_18, %dma_start3A_19] : memref<20x128xi32, #tpu.memory_space<vmem>> -> memref<1x128xi32, #tpu.memory_space<vmem>>
    %dma_start3A_21 = tpu.memref_squeeze %dma_start3A_20 : memref<1x128xi32, #tpu.memory_space<vmem>> -> memref<128xi32, #tpu.memory_space<vmem>>
    %dma_start3A_22 = arith.constant 0 : i32
    %dma_start3A_23 = arith.constant 0 : i32
    %dma_start3A_24 = tpu.memref_slice %arg2[%dma_start3A_22, %dma_start3A_23] : memref<1000000x128xf32, #tpu.memory_space<hbm>> -> memref<1000000x128xf32, #tpu.memory_space<hbm>>
    tpu.enqueue_indirect_dma source(%dma_start3A_24 : memref<1000000x128xf32, #tpu.memory_space<hbm>>) target(%arg19 : memref<128x128xf32, #tpu.memory_space<vmem>>) offsets(%dma_start3A_21 : memref<128xi32, #tpu.memory_space<vmem>>) semaphore(%arg24 : memref<!tpu.dma_semaphore, #tpu.memory_space<semaphore_mem>>)
    %dma_start3A_25 = arith.constant 3 : i32
    %dma_start3A_26 = arith.constant 0 : i32
    %dma_start3A_27 = tpu.memref_slice %arg12[%dma_start3A_25, %dma_start3A_26] : memref<20x128xi32, #tpu.memory_space<vmem>> -> memref<1x128xi32, #tpu.memory_space<vmem>>
    %dma_start3A_28 = tpu.memref_squeeze %dma_start3A_27 : memref<1x128xi32, #tpu.memory_space<vmem>> -> memref<128xi32, #tpu.memory_space<vmem>>
    %dma_start3A_29 = arith.constant 0 : i32
    %dma_start3A_30 = arith.constant 0 : i32
    %dma_start3A_31 = tpu.memref_slice %arg2[%dma_start3A_29, %dma_start3A_30] : memref<1000000x128xf32, #tpu.memory_space<hbm>> -> memref<1000000x128xf32, #tpu.memory_space<hbm>>
    tpu.enqueue_indirect_dma source(%dma_start3A_31 : memref<1000000x128xf32, #tpu.memory_space<hbm>>) target(%arg20 : memref<128x128xf32, #tpu.memory_space<vmem>>) offsets(%dma_start3A_28 : memref<128xi32, #tpu.memory_space<vmem>>) semaphore(%arg25 : memref<!tpu.dma_semaphore, #tpu.memory_space<semaphore_mem>>)
    %dma_start3A_32 = arith.constant 4 : i32
    %dma_start3A_33 = arith.constant 0 : i32
    %dma_start3A_34 = tpu.memref_slice %arg12[%dma_start3A_32, %dma_start3A_33] : memref<20x128xi32, #tpu.memory_space<vmem>> -> memref<1x128xi32, #tpu.memory_space<vmem>>
    %dma_start3A_35 = tpu.memref_squeeze %dma_start3A_34 : memref<1x128xi32, #tpu.memory_space<vmem>> -> memref<128xi32, #tpu.memory_space<vmem>>
    %dma_start3A_36 = arith.constant 0 : i32
    %dma_start3A_37 = arith.constant 0 : i32
    %dma_start3A_38 = tpu.memref_slice %arg2[%dma_start3A_36, %dma_start3A_37] : memref<1000000x128xf32, #tpu.memory_space<hbm>> -> memref<1000000x128xf32, #tpu.memory_space<hbm>>
    tpu.enqueue_indirect_dma source(%dma_start3A_38 : memref<1000000x128xf32, #tpu.memory_space<hbm>>) target(%arg21 : memref<128x128xf32, #tpu.memory_space<vmem>>) offsets(%dma_start3A_35 : memref<128xi32, #tpu.memory_space<vmem>>) semaphore(%arg26 : memref<!tpu.dma_semaphore, #tpu.memory_space<semaphore_mem>>)
    %scan3A = arith.constant 0 : i32
    %scan3A_39 = arith.constant 0 : i32
    %scan3A_40 = arith.constant 4 : i32
    %scan3A_41 = arith.addi %scan3A_39, %scan3A_40 : i32
    %scan3A_42 = arith.constant 1 : i32
    scf.for %scan3A_237 = %scan3A_39 to %scan3A_41 step %scan3A_42  : i32 {
      %mul3A_238 = arith.constant 5 : i32
      %mul3A_239 = arith.muli %scan3A_237, %mul3A_238 : i32
      %add3A_240 = arith.constant 0 : i32
      %add3A_241 = arith.addi %mul3A_239, %add3A_240 : i32
      %dma_wait3A_242 = arith.constant 0 : i32
      %dma_wait3A_243 = tpu.memref_slice %arg12[%add3A_241, %dma_wait3A_242] : memref<20x128xi32, #tpu.memory_space<vmem>> -> memref<1x128xi32, #tpu.memory_space<vmem>>
      %dma_wait3A_244 = tpu.memref_squeeze %dma_wait3A_243 : memref<1x128xi32, #tpu.memory_space<vmem>> -> memref<128xi32, #tpu.memory_space<vmem>>
      %dma_wait3A_245 = arith.constant 0 : i32
      %dma_wait3A_246 = arith.constant 0 : i32
      %dma_wait3A_247 = tpu.memref_slice %arg2[%dma_wait3A_245, %dma_wait3A_246] : memref<1000000x128xf32, #tpu.memory_space<hbm>> -> memref<1000000x128xf32, #tpu.memory_space<hbm>>
      tpu.wait_indirect_dma semaphore(%arg22 : memref<!tpu.dma_semaphore, #tpu.memory_space<semaphore_mem>>) src(%dma_wait3A_247 : memref<1000000x128xf32, #tpu.memory_space<hbm>>) dst(%arg17 : memref<128x128xf32, #tpu.memory_space<vmem>>)
      %dma_start3A_248 = arith.constant 0 : i32
      %dma_start3A_249 = tpu.memref_slice %arg15[%add3A_241, %dma_start3A_248] : memref<20x128xi32, #tpu.memory_space<vmem>> -> memref<1x128xi32, #tpu.memory_space<vmem>>
      %dma_start3A_250 = tpu.memref_squeeze %dma_start3A_249 : memref<1x128xi32, #tpu.memory_space<vmem>> -> memref<128xi32, #tpu.memory_space<vmem>>
      %dma_start3A_251 = arith.constant 0 : i32
      %dma_start3A_252 = arith.constant 0 : i32
      %dma_start3A_253 = tpu.memref_slice %arg9[%dma_start3A_251, %dma_start3A_252] : memref<81920x128xf32, #tpu.memory_space<hbm>> -> memref<81920x128xf32, #tpu.memory_space<hbm>>
      tpu.enqueue_indirect_dma source(%arg17 : memref<128x128xf32, #tpu.memory_space<vmem>>) target(%dma_start3A_253 : memref<81920x128xf32, #tpu.memory_space<hbm>>) offsets(%dma_start3A_250 : memref<128xi32, #tpu.memory_space<vmem>>) semaphore(%arg27 : memref<!tpu.dma_semaphore, #tpu.memory_space<semaphore_mem>>)
      %add3A_254 = arith.constant 5 : i32
      %add3A_255 = arith.addi %add3A_241, %add3A_254 : i32
      %lt3A_256 = arith.constant 20 : i32
      %lt3A_257 = arith.cmpi slt, %add3A_255, %lt3A_256 : i32
      %convert_element_type3A_258 = arith.extui %lt3A_257 : i1 to i32
      %cond3A_259 = arith.constant 0 : i32
      %cond3A_260 = arith.cmpi ne, %convert_element_type3A_258, %cond3A_259 : i32
      scf.if %cond3A_260 {
        %dma_wait3A_353 = arith.constant 0 : i32
        %dma_wait3A_354 = tpu.memref_slice %arg15[%add3A_241, %dma_wait3A_353] : memref<20x128xi32, #tpu.memory_space<vmem>> -> memref<1x128xi32, #tpu.memory_space<vmem>>
        %dma_wait3A_355 = tpu.memref_squeeze %dma_wait3A_354 : memref<1x128xi32, #tpu.memory_space<vmem>> -> memref<128xi32, #tpu.memory_space<vmem>>
        %dma_wait3A_356 = arith.constant 0 : i32
        %dma_wait3A_357 = arith.constant 0 : i32
        %dma_wait3A_358 = tpu.memref_slice %arg9[%dma_wait3A_356, %dma_wait3A_357] : memref<81920x128xf32, #tpu.memory_space<hbm>> -> memref<81920x128xf32, #tpu.memory_space<hbm>>
        tpu.wait_indirect_dma semaphore(%arg27 : memref<!tpu.dma_semaphore, #tpu.memory_space<semaphore_mem>>) src(%arg17 : memref<128x128xf32, #tpu.memory_space<vmem>>) dst(%dma_wait3A_358 : memref<81920x128xf32, #tpu.memory_space<hbm>>)
        %add3A_359 = arith.constant 5 : i32
        %add3A_360 = arith.addi %add3A_241, %add3A_359 : i32
        %dma_start3A_361 = arith.constant 0 : i32
        %dma_start3A_362 = tpu.memref_slice %arg12[%add3A_360, %dma_start3A_361] : memref<20x128xi32, #tpu.memory_space<vmem>> -> memref<1x128xi32, #tpu.memory_space<vmem>>
        %dma_start3A_363 = tpu.memref_squeeze %dma_start3A_362 : memref<1x128xi32, #tpu.memory_space<vmem>> -> memref<128xi32, #tpu.memory_space<vmem>>
        %dma_start3A_364 = arith.constant 0 : i32
        %dma_start3A_365 = arith.constant 0 : i32
        %dma_start3A_366 = tpu.memref_slice %arg2[%dma_start3A_364, %dma_start3A_365] : memref<1000000x128xf32, #tpu.memory_space<hbm>> -> memref<1000000x128xf32, #tpu.memory_space<hbm>>
        tpu.enqueue_indirect_dma source(%dma_start3A_366 : memref<1000000x128xf32, #tpu.memory_space<hbm>>) target(%arg17 : memref<128x128xf32, #tpu.memory_space<vmem>>) offsets(%dma_start3A_363 : memref<128xi32, #tpu.memory_space<vmem>>) semaphore(%arg22 : memref<!tpu.dma_semaphore, #tpu.memory_space<semaphore_mem>>)
      } else {
      }
      %mul3A_261 = arith.constant 5 : i32
      %mul3A_262 = arith.muli %scan3A_237, %mul3A_261 : i32
      %add3A_263 = arith.constant 1 : i32
      %add3A_264 = arith.addi %mul3A_262, %add3A_263 : i32
      %dma_wait3A_265 = arith.constant 0 : i32
      %dma_wait3A_266 = tpu.memref_slice %arg12[%add3A_264, %dma_wait3A_265] : memref<20x128xi32, #tpu.memory_space<vmem>> -> memref<1x128xi32, #tpu.memory_space<vmem>>
      %dma_wait3A_267 = tpu.memref_squeeze %dma_wait3A_266 : memref<1x128xi32, #tpu.memory_space<vmem>> -> memref<128xi32, #tpu.memory_space<vmem>>
      %dma_wait3A_268 = arith.constant 0 : i32
      %dma_wait3A_269 = arith.constant 0 : i32
      %dma_wait3A_270 = tpu.memref_slice %arg2[%dma_wait3A_268, %dma_wait3A_269] : memref<1000000x128xf32, #tpu.memory_space<hbm>> -> memref<1000000x128xf32, #tpu.memory_space<hbm>>
      tpu.wait_indirect_dma semaphore(%arg23 : memref<!tpu.dma_semaphore, #tpu.memory_space<semaphore_mem>>) src(%dma_wait3A_270 : memref<1000000x128xf32, #tpu.memory_space<hbm>>) dst(%arg18 : memref<128x128xf32, #tpu.memory_space<vmem>>)
      %dma_start3A_271 = arith.constant 0 : i32
      %dma_start3A_272 = tpu.memref_slice %arg15[%add3A_264, %dma_start3A_271] : memref<20x128xi32, #tpu.memory_space<vmem>> -> memref<1x128xi32, #tpu.memory_space<vmem>>
      %dma_start3A_273 = tpu.memref_squeeze %dma_start3A_272 : memref<1x128xi32, #tpu.memory_space<vmem>> -> memref<128xi32, #tpu.memory_space<vmem>>
      %dma_start3A_274 = arith.constant 0 : i32
      %dma_start3A_275 = arith.constant 0 : i32
      %dma_start3A_276 = tpu.memref_slice %arg9[%dma_start3A_274, %dma_start3A_275] : memref<81920x128xf32, #tpu.memory_space<hbm>> -> memref<81920x128xf32, #tpu.memory_space<hbm>>
      tpu.enqueue_indirect_dma source(%arg18 : memref<128x128xf32, #tpu.memory_space<vmem>>) target(%dma_start3A_276 : memref<81920x128xf32, #tpu.memory_space<hbm>>) offsets(%dma_start3A_273 : memref<128xi32, #tpu.memory_space<vmem>>) semaphore(%arg28 : memref<!tpu.dma_semaphore, #tpu.memory_space<semaphore_mem>>)
      %add3A_277 = arith.constant 5 : i32
      %add3A_278 = arith.addi %add3A_264, %add3A_277 : i32
      %lt3A_279 = arith.constant 20 : i32
      %lt3A_280 = arith.cmpi slt, %add3A_278, %lt3A_279 : i32
      %convert_element_type3A_281 = arith.extui %lt3A_280 : i1 to i32
      %cond3A_282 = arith.constant 0 : i32
      %cond3A_283 = arith.cmpi ne, %convert_element_type3A_281, %cond3A_282 : i32
      scf.if %cond3A_283 {
        %dma_wait3A_353 = arith.constant 0 : i32
        %dma_wait3A_354 = tpu.memref_slice %arg15[%add3A_264, %dma_wait3A_353] : memref<20x128xi32, #tpu.memory_space<vmem>> -> memref<1x128xi32, #tpu.memory_space<vmem>>
        %dma_wait3A_355 = tpu.memref_squeeze %dma_wait3A_354 : memref<1x128xi32, #tpu.memory_space<vmem>> -> memref<128xi32, #tpu.memory_space<vmem>>
        %dma_wait3A_356 = arith.constant 0 : i32
        %dma_wait3A_357 = arith.constant 0 : i32
        %dma_wait3A_358 = tpu.memref_slice %arg9[%dma_wait3A_356, %dma_wait3A_357] : memref<81920x128xf32, #tpu.memory_space<hbm>> -> memref<81920x128xf32, #tpu.memory_space<hbm>>
        tpu.wait_indirect_dma semaphore(%arg28 : memref<!tpu.dma_semaphore, #tpu.memory_space<semaphore_mem>>) src(%arg18 : memref<128x128xf32, #tpu.memory_space<vmem>>) dst(%dma_wait3A_358 : memref<81920x128xf32, #tpu.memory_space<hbm>>)
        %add3A_359 = arith.constant 5 : i32
        %add3A_360 = arith.addi %add3A_264, %add3A_359 : i32
        %dma_start3A_361 = arith.constant 0 : i32
        %dma_start3A_362 = tpu.memref_slice %arg12[%add3A_360, %dma_start3A_361] : memref<20x128xi32, #tpu.memory_space<vmem>> -> memref<1x128xi32, #tpu.memory_space<vmem>>
        %dma_start3A_363 = tpu.memref_squeeze %dma_start3A_362 : memref<1x128xi32, #tpu.memory_space<vmem>> -> memref<128xi32, #tpu.memory_space<vmem>>
        %dma_start3A_364 = arith.constant 0 : i32
        %dma_start3A_365 = arith.constant 0 : i32
        %dma_start3A_366 = tpu.memref_slice %arg2[%dma_start3A_364, %dma_start3A_365] : memref<1000000x128xf32, #tpu.memory_space<hbm>> -> memref<1000000x128xf32, #tpu.memory_space<hbm>>
        tpu.enqueue_indirect_dma source(%dma_start3A_366 : memref<1000000x128xf32, #tpu.memory_space<hbm>>) target(%arg18 : memref<128x128xf32, #tpu.memory_space<vmem>>) offsets(%dma_start3A_363 : memref<128xi32, #tpu.memory_space<vmem>>) semaphore(%arg23 : memref<!tpu.dma_semaphore, #tpu.memory_space<semaphore_mem>>)
      } else {
      }
      %mul3A_284 = arith.constant 5 : i32
      %mul3A_285 = arith.muli %scan3A_237, %mul3A_284 : i32
      %add3A_286 = arith.constant 2 : i32
      %add3A_287 = arith.addi %mul3A_285, %add3A_286 : i32
      %dma_wait3A_288 = arith.constant 0 : i32
      %dma_wait3A_289 = tpu.memref_slice %arg12[%add3A_287, %dma_wait3A_288] : memref<20x128xi32, #tpu.memory_space<vmem>> -> memref<1x128xi32, #tpu.memory_space<vmem>>
      %dma_wait3A_290 = tpu.memref_squeeze %dma_wait3A_289 : memref<1x128xi32, #tpu.memory_space<vmem>> -> memref<128xi32, #tpu.memory_space<vmem>>
      %dma_wait3A_291 = arith.constant 0 : i32
      %dma_wait3A_292 = arith.constant 0 : i32
      %dma_wait3A_293 = tpu.memref_slice %arg2[%dma_wait3A_291, %dma_wait3A_292] : memref<1000000x128xf32, #tpu.memory_space<hbm>> -> memref<1000000x128xf32, #tpu.memory_space<hbm>>
      tpu.wait_indirect_dma semaphore(%arg24 : memref<!tpu.dma_semaphore, #tpu.memory_space<semaphore_mem>>) src(%dma_wait3A_293 : memref<1000000x128xf32, #tpu.memory_space<hbm>>) dst(%arg19 : memref<128x128xf32, #tpu.memory_space<vmem>>)
      %dma_start3A_294 = arith.constant 0 : i32
      %dma_start3A_295 = tpu.memref_slice %arg15[%add3A_287, %dma_start3A_294] : memref<20x128xi32, #tpu.memory_space<vmem>> -> memref<1x128xi32, #tpu.memory_space<vmem>>
      %dma_start3A_296 = tpu.memref_squeeze %dma_start3A_295 : memref<1x128xi32, #tpu.memory_space<vmem>> -> memref<128xi32, #tpu.memory_space<vmem>>
      %dma_start3A_297 = arith.constant 0 : i32
      %dma_start3A_298 = arith.constant 0 : i32
      %dma_start3A_299 = tpu.memref_slice %arg9[%dma_start3A_297, %dma_start3A_298] : memref<81920x128xf32, #tpu.memory_space<hbm>> -> memref<81920x128xf32, #tpu.memory_space<hbm>>
      tpu.enqueue_indirect_dma source(%arg19 : memref<128x128xf32, #tpu.memory_space<vmem>>) target(%dma_start3A_299 : memref<81920x128xf32, #tpu.memory_space<hbm>>) offsets(%dma_start3A_296 : memref<128xi32, #tpu.memory_space<vmem>>) semaphore(%arg29 : memref<!tpu.dma_semaphore, #tpu.memory_space<semaphore_mem>>)
      %add3A_300 = arith.constant 5 : i32
      %add3A_301 = arith.addi %add3A_287, %add3A_300 : i32
      %lt3A_302 = arith.constant 20 : i32
      %lt3A_303 = arith.cmpi slt, %add3A_301, %lt3A_302 : i32
      %convert_element_type3A_304 = arith.extui %lt3A_303 : i1 to i32
      %cond3A_305 = arith.constant 0 : i32
      %cond3A_306 = arith.cmpi ne, %convert_element_type3A_304, %cond3A_305 : i32
      scf.if %cond3A_306 {
        %dma_wait3A_353 = arith.constant 0 : i32
        %dma_wait3A_354 = tpu.memref_slice %arg15[%add3A_287, %dma_wait3A_353] : memref<20x128xi32, #tpu.memory_space<vmem>> -> memref<1x128xi32, #tpu.memory_space<vmem>>
        %dma_wait3A_355 = tpu.memref_squeeze %dma_wait3A_354 : memref<1x128xi32, #tpu.memory_space<vmem>> -> memref<128xi32, #tpu.memory_space<vmem>>
        %dma_wait3A_356 = arith.constant 0 : i32
        %dma_wait3A_357 = arith.constant 0 : i32
        %dma_wait3A_358 = tpu.memref_slice %arg9[%dma_wait3A_356, %dma_wait3A_357] : memref<81920x128xf32, #tpu.memory_space<hbm>> -> memref<81920x128xf32, #tpu.memory_space<hbm>>
        tpu.wait_indirect_dma semaphore(%arg29 : memref<!tpu.dma_semaphore, #tpu.memory_space<semaphore_mem>>) src(%arg19 : memref<128x128xf32, #tpu.memory_space<vmem>>) dst(%dma_wait3A_358 : memref<81920x128xf32, #tpu.memory_space<hbm>>)
        %add3A_359 = arith.constant 5 : i32
        %add3A_360 = arith.addi %add3A_287, %add3A_359 : i32
        %dma_start3A_361 = arith.constant 0 : i32
        %dma_start3A_362 = tpu.memref_slice %arg12[%add3A_360, %dma_start3A_361] : memref<20x128xi32, #tpu.memory_space<vmem>> -> memref<1x128xi32, #tpu.memory_space<vmem>>
        %dma_start3A_363 = tpu.memref_squeeze %dma_start3A_362 : memref<1x128xi32, #tpu.memory_space<vmem>> -> memref<128xi32, #tpu.memory_space<vmem>>
        %dma_start3A_364 = arith.constant 0 : i32
        %dma_start3A_365 = arith.constant 0 : i32
        %dma_start3A_366 = tpu.memref_slice %arg2[%dma_start3A_364, %dma_start3A_365] : memref<1000000x128xf32, #tpu.memory_space<hbm>> -> memref<1000000x128xf32, #tpu.memory_space<hbm>>
        tpu.enqueue_indirect_dma source(%dma_start3A_366 : memref<1000000x128xf32, #tpu.memory_space<hbm>>) target(%arg19 : memref<128x128xf32, #tpu.memory_space<vmem>>) offsets(%dma_start3A_363 : memref<128xi32, #tpu.memory_space<vmem>>) semaphore(%arg24 : memref<!tpu.dma_semaphore, #tpu.memory_space<semaphore_mem>>)
      } else {
      }
      %mul3A_307 = arith.constant 5 : i32
      %mul3A_308 = arith.muli %scan3A_237, %mul3A_307 : i32
      %add3A_309 = arith.constant 3 : i32
      %add3A_310 = arith.addi %mul3A_308, %add3A_309 : i32
      %dma_wait3A_311 = arith.constant 0 : i32
      %dma_wait3A_312 = tpu.memref_slice %arg12[%add3A_310, %dma_wait3A_311] : memref<20x128xi32, #tpu.memory_space<vmem>> -> memref<1x128xi32, #tpu.memory_space<vmem>>
      %dma_wait3A_313 = tpu.memref_squeeze %dma_wait3A_312 : memref<1x128xi32, #tpu.memory_space<vmem>> -> memref<128xi32, #tpu.memory_space<vmem>>
      %dma_wait3A_314 = arith.constant 0 : i32
      %dma_wait3A_315 = arith.constant 0 : i32
      %dma_wait3A_316 = tpu.memref_slice %arg2[%dma_wait3A_314, %dma_wait3A_315] : memref<1000000x128xf32, #tpu.memory_space<hbm>> -> memref<1000000x128xf32, #tpu.memory_space<hbm>>
      tpu.wait_indirect_dma semaphore(%arg25 : memref<!tpu.dma_semaphore, #tpu.memory_space<semaphore_mem>>) src(%dma_wait3A_316 : memref<1000000x128xf32, #tpu.memory_space<hbm>>) dst(%arg20 : memref<128x128xf32, #tpu.memory_space<vmem>>)
      %dma_start3A_317 = arith.constant 0 : i32
      %dma_start3A_318 = tpu.memref_slice %arg15[%add3A_310, %dma_start3A_317] : memref<20x128xi32, #tpu.memory_space<vmem>> -> memref<1x128xi32, #tpu.memory_space<vmem>>
      %dma_start3A_319 = tpu.memref_squeeze %dma_start3A_318 : memref<1x128xi32, #tpu.memory_space<vmem>> -> memref<128xi32, #tpu.memory_space<vmem>>
      %dma_start3A_320 = arith.constant 0 : i32
      %dma_start3A_321 = arith.constant 0 : i32
      %dma_start3A_322 = tpu.memref_slice %arg9[%dma_start3A_320, %dma_start3A_321] : memref<81920x128xf32, #tpu.memory_space<hbm>> -> memref<81920x128xf32, #tpu.memory_space<hbm>>
      tpu.enqueue_indirect_dma source(%arg20 : memref<128x128xf32, #tpu.memory_space<vmem>>) target(%dma_start3A_322 : memref<81920x128xf32, #tpu.memory_space<hbm>>) offsets(%dma_start3A_319 : memref<128xi32, #tpu.memory_space<vmem>>) semaphore(%arg30 : memref<!tpu.dma_semaphore, #tpu.memory_space<semaphore_mem>>)
      %add3A_323 = arith.constant 5 : i32
      %add3A_324 = arith.addi %add3A_310, %add3A_323 : i32
      %lt3A_325 = arith.constant 20 : i32
      %lt3A_326 = arith.cmpi slt, %add3A_324, %lt3A_325 : i32
      %convert_element_type3A_327 = arith.extui %lt3A_326 : i1 to i32
      %cond3A_328 = arith.constant 0 : i32
      %cond3A_329 = arith.cmpi ne, %convert_element_type3A_327, %cond3A_328 : i32
      scf.if %cond3A_329 {
        %dma_wait3A_353 = arith.constant 0 : i32
        %dma_wait3A_354 = tpu.memref_slice %arg15[%add3A_310, %dma_wait3A_353] : memref<20x128xi32, #tpu.memory_space<vmem>> -> memref<1x128xi32, #tpu.memory_space<vmem>>
        %dma_wait3A_355 = tpu.memref_squeeze %dma_wait3A_354 : memref<1x128xi32, #tpu.memory_space<vmem>> -> memref<128xi32, #tpu.memory_space<vmem>>
        %dma_wait3A_356 = arith.constant 0 : i32
        %dma_wait3A_357 = arith.constant 0 : i32
        %dma_wait3A_358 = tpu.memref_slice %arg9[%dma_wait3A_356, %dma_wait3A_357] : memref<81920x128xf32, #tpu.memory_space<hbm>> -> memref<81920x128xf32, #tpu.memory_space<hbm>>
        tpu.wait_indirect_dma semaphore(%arg30 : memref<!tpu.dma_semaphore, #tpu.memory_space<semaphore_mem>>) src(%arg20 : memref<128x128xf32, #tpu.memory_space<vmem>>) dst(%dma_wait3A_358 : memref<81920x128xf32, #tpu.memory_space<hbm>>)
        %add3A_359 = arith.constant 5 : i32
        %add3A_360 = arith.addi %add3A_310, %add3A_359 : i32
        %dma_start3A_361 = arith.constant 0 : i32
        %dma_start3A_362 = tpu.memref_slice %arg12[%add3A_360, %dma_start3A_361] : memref<20x128xi32, #tpu.memory_space<vmem>> -> memref<1x128xi32, #tpu.memory_space<vmem>>
        %dma_start3A_363 = tpu.memref_squeeze %dma_start3A_362 : memref<1x128xi32, #tpu.memory_space<vmem>> -> memref<128xi32, #tpu.memory_space<vmem>>
        %dma_start3A_364 = arith.constant 0 : i32
        %dma_start3A_365 = arith.constant 0 : i32
        %dma_start3A_366 = tpu.memref_slice %arg2[%dma_start3A_364, %dma_start3A_365] : memref<1000000x128xf32, #tpu.memory_space<hbm>> -> memref<1000000x128xf32, #tpu.memory_space<hbm>>
        tpu.enqueue_indirect_dma source(%dma_start3A_366 : memref<1000000x128xf32, #tpu.memory_space<hbm>>) target(%arg20 : memref<128x128xf32, #tpu.memory_space<vmem>>) offsets(%dma_start3A_363 : memref<128xi32, #tpu.memory_space<vmem>>) semaphore(%arg25 : memref<!tpu.dma_semaphore, #tpu.memory_space<semaphore_mem>>)
      } else {
      }
      %mul3A_330 = arith.constant 5 : i32
      %mul3A_331 = arith.muli %scan3A_237, %mul3A_330 : i32
      %add3A_332 = arith.constant 4 : i32
      %add3A_333 = arith.addi %mul3A_331, %add3A_332 : i32
      %dma_wait3A_334 = arith.constant 0 : i32
      %dma_wait3A_335 = tpu.memref_slice %arg12[%add3A_333, %dma_wait3A_334] : memref<20x128xi32, #tpu.memory_space<vmem>> -> memref<1x128xi32, #tpu.memory_space<vmem>>
      %dma_wait3A_336 = tpu.memref_squeeze %dma_wait3A_335 : memref<1x128xi32, #tpu.memory_space<vmem>> -> memref<128xi32, #tpu.memory_space<vmem>>
      %dma_wait3A_337 = arith.constant 0 : i32
      %dma_wait3A_338 = arith.constant 0 : i32
      %dma_wait3A_339 = tpu.memref_slice %arg2[%dma_wait3A_337, %dma_wait3A_338] : memref<1000000x128xf32, #tpu.memory_space<hbm>> -> memref<1000000x128xf32, #tpu.memory_space<hbm>>
      tpu.wait_indirect_dma semaphore(%arg26 : memref<!tpu.dma_semaphore, #tpu.memory_space<semaphore_mem>>) src(%dma_wait3A_339 : memref<1000000x128xf32, #tpu.memory_space<hbm>>) dst(%arg21 : memref<128x128xf32, #tpu.memory_space<vmem>>)
      %dma_start3A_340 = arith.constant 0 : i32
      %dma_start3A_341 = tpu.memref_slice %arg15[%add3A_333, %dma_start3A_340] : memref<20x128xi32, #tpu.memory_space<vmem>> -> memref<1x128xi32, #tpu.memory_space<vmem>>
      %dma_start3A_342 = tpu.memref_squeeze %dma_start3A_341 : memref<1x128xi32, #tpu.memory_space<vmem>> -> memref<128xi32, #tpu.memory_space<vmem>>
      %dma_start3A_343 = arith.constant 0 : i32
      %dma_start3A_344 = arith.constant 0 : i32
      %dma_start3A_345 = tpu.memref_slice %arg9[%dma_start3A_343, %dma_start3A_344] : memref<81920x128xf32, #tpu.memory_space<hbm>> -> memref<81920x128xf32, #tpu.memory_space<hbm>>
      tpu.enqueue_indirect_dma source(%arg21 : memref<128x128xf32, #tpu.memory_space<vmem>>) target(%dma_start3A_345 : memref<81920x128xf32, #tpu.memory_space<hbm>>) offsets(%dma_start3A_342 : memref<128xi32, #tpu.memory_space<vmem>>) semaphore(%arg31 : memref<!tpu.dma_semaphore, #tpu.memory_space<semaphore_mem>>)
      %add3A_346 = arith.constant 5 : i32
      %add3A_347 = arith.addi %add3A_333, %add3A_346 : i32
      %lt3A_348 = arith.constant 20 : i32
      %lt3A_349 = arith.cmpi slt, %add3A_347, %lt3A_348 : i32
      %convert_element_type3A_350 = arith.extui %lt3A_349 : i1 to i32
      %cond3A_351 = arith.constant 0 : i32
      %cond3A_352 = arith.cmpi ne, %convert_element_type3A_350, %cond3A_351 : i32
      scf.if %cond3A_352 {
        %dma_wait3A_353 = arith.constant 0 : i32
        %dma_wait3A_354 = tpu.memref_slice %arg15[%add3A_333, %dma_wait3A_353] : memref<20x128xi32, #tpu.memory_space<vmem>> -> memref<1x128xi32, #tpu.memory_space<vmem>>
        %dma_wait3A_355 = tpu.memref_squeeze %dma_wait3A_354 : memref<1x128xi32, #tpu.memory_space<vmem>> -> memref<128xi32, #tpu.memory_space<vmem>>
        %dma_wait3A_356 = arith.constant 0 : i32
        %dma_wait3A_357 = arith.constant 0 : i32
        %dma_wait3A_358 = tpu.memref_slice %arg9[%dma_wait3A_356, %dma_wait3A_357] : memref<81920x128xf32, #tpu.memory_space<hbm>> -> memref<81920x128xf32, #tpu.memory_space<hbm>>
        tpu.wait_indirect_dma semaphore(%arg31 : memref<!tpu.dma_semaphore, #tpu.memory_space<semaphore_mem>>) src(%arg21 : memref<128x128xf32, #tpu.memory_space<vmem>>) dst(%dma_wait3A_358 : memref<81920x128xf32, #tpu.memory_space<hbm>>)
        %add3A_359 = arith.constant 5 : i32
        %add3A_360 = arith.addi %add3A_333, %add3A_359 : i32
        %dma_start3A_361 = arith.constant 0 : i32
        %dma_start3A_362 = tpu.memref_slice %arg12[%add3A_360, %dma_start3A_361] : memref<20x128xi32, #tpu.memory_space<vmem>> -> memref<1x128xi32, #tpu.memory_space<vmem>>
        %dma_start3A_363 = tpu.memref_squeeze %dma_start3A_362 : memref<1x128xi32, #tpu.memory_space<vmem>> -> memref<128xi32, #tpu.memory_space<vmem>>
        %dma_start3A_364 = arith.constant 0 : i32
        %dma_start3A_365 = arith.constant 0 : i32
        %dma_start3A_366 = tpu.memref_slice %arg2[%dma_start3A_364, %dma_start3A_365] : memref<1000000x128xf32, #tpu.memory_space<hbm>> -> memref<1000000x128xf32, #tpu.memory_space<hbm>>
        tpu.enqueue_indirect_dma source(%dma_start3A_366 : memref<1000000x128xf32, #tpu.memory_space<hbm>>) target(%arg21 : memref<128x128xf32, #tpu.memory_space<vmem>>) offsets(%dma_start3A_363 : memref<128xi32, #tpu.memory_space<vmem>>) semaphore(%arg26 : memref<!tpu.dma_semaphore, #tpu.memory_space<semaphore_mem>>)
      } else {
      }
    }
    %scan3A_43 = arith.constant 4 : i32
    %dma_wait3A = arith.constant 15 : i32
    %dma_wait3A_44 = arith.constant 0 : i32
    %dma_wait3A_45 = tpu.memref_slice %arg15[%dma_wait3A, %dma_wait3A_44] : memref<20x128xi32, #tpu.memory_space<vmem>> -> memref<1x128xi32, #tpu.memory_space<vmem>>
    %dma_wait3A_46 = tpu.memref_squeeze %dma_wait3A_45 : memref<1x128xi32, #tpu.memory_space<vmem>> -> memref<128xi32, #tpu.memory_space<vmem>>
    %dma_wait3A_47 = arith.constant 0 : i32
    %dma_wait3A_48 = arith.constant 0 : i32
    %dma_wait3A_49 = tpu.memref_slice %arg9[%dma_wait3A_47, %dma_wait3A_48] : memref<81920x128xf32, #tpu.memory_space<hbm>> -> memref<81920x128xf32, #tpu.memory_space<hbm>>
    tpu.wait_indirect_dma semaphore(%arg27 : memref<!tpu.dma_semaphore, #tpu.memory_space<semaphore_mem>>) src(%arg17 : memref<128x128xf32, #tpu.memory_space<vmem>>) dst(%dma_wait3A_49 : memref<81920x128xf32, #tpu.memory_space<hbm>>)
    %dma_wait3A_50 = arith.constant 16 : i32
    %dma_wait3A_51 = arith.constant 0 : i32
    %dma_wait3A_52 = tpu.memref_slice %arg15[%dma_wait3A_50, %dma_wait3A_51] : memref<20x128xi32, #tpu.memory_space<vmem>> -> memref<1x128xi32, #tpu.memory_space<vmem>>
    %dma_wait3A_53 = tpu.memref_squeeze %dma_wait3A_52 : memref<1x128xi32, #tpu.memory_space<vmem>> -> memref<128xi32, #tpu.memory_space<vmem>>
    %dma_wait3A_54 = arith.constant 0 : i32
    %dma_wait3A_55 = arith.constant 0 : i32
    %dma_wait3A_56 = tpu.memref_slice %arg9[%dma_wait3A_54, %dma_wait3A_55] : memref<81920x128xf32, #tpu.memory_space<hbm>> -> memref<81920x128xf32, #tpu.memory_space<hbm>>
    tpu.wait_indirect_dma semaphore(%arg28 : memref<!tpu.dma_semaphore, #tpu.memory_space<semaphore_mem>>) src(%arg18 : memref<128x128xf32, #tpu.memory_space<vmem>>) dst(%dma_wait3A_56 : memref<81920x128xf32, #tpu.memory_space<hbm>>)
    %dma_wait3A_57 = arith.constant 17 : i32
    %dma_wait3A_58 = arith.constant 0 : i32
    %dma_wait3A_59 = tpu.memref_slice %arg15[%dma_wait3A_57, %dma_wait3A_58] : memref<20x128xi32, #tpu.memory_space<vmem>> -> memref<1x128xi32, #tpu.memory_space<vmem>>
    %dma_wait3A_60 = tpu.memref_squeeze %dma_wait3A_59 : memref<1x128xi32, #tpu.memory_space<vmem>> -> memref<128xi32, #tpu.memory_space<vmem>>
    %dma_wait3A_61 = arith.constant 0 : i32
    %dma_wait3A_62 = arith.constant 0 : i32
    %dma_wait3A_63 = tpu.memref_slice %arg9[%dma_wait3A_61, %dma_wait3A_62] : memref<81920x128xf32, #tpu.memory_space<hbm>> -> memref<81920x128xf32, #tpu.memory_space<hbm>>
    tpu.wait_indirect_dma semaphore(%arg29 : memref<!tpu.dma_semaphore, #tpu.memory_space<semaphore_mem>>) src(%arg19 : memref<128x128xf32, #tpu.memory_space<vmem>>) dst(%dma_wait3A_63 : memref<81920x128xf32, #tpu.memory_space<hbm>>)
    %dma_wait3A_64 = arith.constant 18 : i32
    %dma_wait3A_65 = arith.constant 0 : i32
    %dma_wait3A_66 = tpu.memref_slice %arg15[%dma_wait3A_64, %dma_wait3A_65] : memref<20x128xi32, #tpu.memory_space<vmem>> -> memref<1x128xi32, #tpu.memory_space<vmem>>
    %dma_wait3A_67 = tpu.memref_squeeze %dma_wait3A_66 : memref<1x128xi32, #tpu.memory_space<vmem>> -> memref<128xi32, #tpu.memory_space<vmem>>
    %dma_wait3A_68 = arith.constant 0 : i32
    %dma_wait3A_69 = arith.constant 0 : i32
    %dma_wait3A_70 = tpu.memref_slice %arg9[%dma_wait3A_68, %dma_wait3A_69] : memref<81920x128xf32, #tpu.memory_space<hbm>> -> memref<81920x128xf32, #tpu.memory_space<hbm>>
    tpu.wait_indirect_dma semaphore(%arg30 : memref<!tpu.dma_semaphore, #tpu.memory_space<semaphore_mem>>) src(%arg20 : memref<128x128xf32, #tpu.memory_space<vmem>>) dst(%dma_wait3A_70 : memref<81920x128xf32, #tpu.memory_space<hbm>>)
    %dma_wait3A_71 = arith.constant 19 : i32
    %dma_wait3A_72 = arith.constant 0 : i32
    %dma_wait3A_73 = tpu.memref_slice %arg15[%dma_wait3A_71, %dma_wait3A_72] : memref<20x128xi32, #tpu.memory_space<vmem>> -> memref<1x128xi32, #tpu.memory_space<vmem>>
    %dma_wait3A_74 = tpu.memref_squeeze %dma_wait3A_73 : memref<1x128xi32, #tpu.memory_space<vmem>> -> memref<128xi32, #tpu.memory_space<vmem>>
    %dma_wait3A_75 = arith.constant 0 : i32
    %dma_wait3A_76 = arith.constant 0 : i32
    %dma_wait3A_77 = tpu.memref_slice %arg9[%dma_wait3A_75, %dma_wait3A_76] : memref<81920x128xf32, #tpu.memory_space<hbm>> -> memref<81920x128xf32, #tpu.memory_space<hbm>>
    tpu.wait_indirect_dma semaphore(%arg31 : memref<!tpu.dma_semaphore, #tpu.memory_space<semaphore_mem>>) src(%arg21 : memref<128x128xf32, #tpu.memory_space<vmem>>) dst(%dma_wait3A_77 : memref<81920x128xf32, #tpu.memory_space<hbm>>)
    "tpu.region"() ({
      %run_scoped3A = tpu.sem_alloc : memref<!tpu.dma_semaphore, #tpu.memory_space<semaphore_mem>>
      %dma_start3A_237 = arith.constant 0 : i32
      %dma_start3A_238 = arith.constant 0 : i32
      %dma_start3A_239 = tpu.memref_slice %arg5[%add3A, %dma_start3A_237, %dma_start3A_238] : memref<32x2x128xi32, #tpu.memory_space<hbm>> -> memref<1x2x128xi32, #tpu.memory_space<hbm>>
      %dma_start3A_240 = tpu.memref_squeeze %dma_start3A_239 : memref<1x2x128xi32, #tpu.memory_space<hbm>> -> memref<2x128xi32, #tpu.memory_space<hbm>>
      %dma_start3A_241 = arith.constant 0 : i32
      %dma_start3A_242 = arith.constant 0 : i32
      %dma_start3A_243 = tpu.memref_slice %arg5[%add3A, %dma_start3A_241, %dma_start3A_242] : memref<32x2x128xi32, #tpu.memory_space<hbm>> -> memref<1x2x128xi32, #tpu.memory_space<hbm>>
      %dma_start3A_244 = tpu.memref_squeeze %dma_start3A_243 : memref<1x2x128xi32, #tpu.memory_space<hbm>> -> memref<2x128xi32, #tpu.memory_space<hbm>>
      tpu.enqueue_dma source(%dma_start3A_244 : memref<2x128xi32, #tpu.memory_space<hbm>>) target(%arg13 : memref<2x128xi32, #tpu.memory_space<vmem>>) target_semaphore(%run_scoped3A : memref<!tpu.dma_semaphore, #tpu.memory_space<semaphore_mem>>)
      %dma_wait3A_245 = arith.constant 0 : i32
      %dma_wait3A_246 = arith.constant 0 : i32
      %dma_wait3A_247 = tpu.memref_slice %arg5[%add3A, %dma_wait3A_245, %dma_wait3A_246] : memref<32x2x128xi32, #tpu.memory_space<hbm>> -> memref<1x2x128xi32, #tpu.memory_space<hbm>>
      %dma_wait3A_248 = tpu.memref_squeeze %dma_wait3A_247 : memref<1x2x128xi32, #tpu.memory_space<hbm>> -> memref<2x128xi32, #tpu.memory_space<hbm>>
      %dma_wait3A_249 = arith.constant 0 : i32
      %dma_wait3A_250 = arith.constant 0 : i32
      %dma_wait3A_251 = tpu.memref_slice %arg5[%add3A, %dma_wait3A_249, %dma_wait3A_250] : memref<32x2x128xi32, #tpu.memory_space<hbm>> -> memref<1x2x128xi32, #tpu.memory_space<hbm>>
      %dma_wait3A_252 = tpu.memref_squeeze %dma_wait3A_251 : memref<1x2x128xi32, #tpu.memory_space<hbm>> -> memref<2x128xi32, #tpu.memory_space<hbm>>
      tpu.wait_dma2 semaphore(%run_scoped3A : memref<!tpu.dma_semaphore, #tpu.memory_space<semaphore_mem>>) src(%dma_wait3A_252 : memref<2x128xi32, #tpu.memory_space<hbm>>) dst(%arg13 : memref<2x128xi32, #tpu.memory_space<vmem>>)
      tpu.yield
    }) : () -> ()
    "tpu.region"() ({
      %run_scoped3A = tpu.sem_alloc : memref<!tpu.dma_semaphore, #tpu.memory_space<semaphore_mem>>
      %dma_start3A_237 = arith.constant 0 : i32
      %dma_start3A_238 = arith.constant 0 : i32
      %dma_start3A_239 = tpu.memref_slice %arg8[%add3A, %dma_start3A_237, %dma_start3A_238] : memref<32x2x128xi32, #tpu.memory_space<hbm>> -> memref<1x2x128xi32, #tpu.memory_space<hbm>>
      %dma_start3A_240 = tpu.memref_squeeze %dma_start3A_239 : memref<1x2x128xi32, #tpu.memory_space<hbm>> -> memref<2x128xi32, #tpu.memory_space<hbm>>
      %dma_start3A_241 = arith.constant 0 : i32
      %dma_start3A_242 = arith.constant 0 : i32
      %dma_start3A_243 = tpu.memref_slice %arg8[%add3A, %dma_start3A_241, %dma_start3A_242] : memref<32x2x128xi32, #tpu.memory_space<hbm>> -> memref<1x2x128xi32, #tpu.memory_space<hbm>>
      %dma_start3A_244 = tpu.memref_squeeze %dma_start3A_243 : memref<1x2x128xi32, #tpu.memory_space<hbm>> -> memref<2x128xi32, #tpu.memory_space<hbm>>
      tpu.enqueue_dma source(%dma_start3A_244 : memref<2x128xi32, #tpu.memory_space<hbm>>) target(%arg16 : memref<2x128xi32, #tpu.memory_space<vmem>>) target_semaphore(%run_scoped3A : memref<!tpu.dma_semaphore, #tpu.memory_space<semaphore_mem>>)
      %dma_wait3A_245 = arith.constant 0 : i32
      %dma_wait3A_246 = arith.constant 0 : i32
      %dma_wait3A_247 = tpu.memref_slice %arg8[%add3A, %dma_wait3A_245, %dma_wait3A_246] : memref<32x2x128xi32, #tpu.memory_space<hbm>> -> memref<1x2x128xi32, #tpu.memory_space<hbm>>
      %dma_wait3A_248 = tpu.memref_squeeze %dma_wait3A_247 : memref<1x2x128xi32, #tpu.memory_space<hbm>> -> memref<2x128xi32, #tpu.memory_space<hbm>>
      %dma_wait3A_249 = arith.constant 0 : i32
      %dma_wait3A_250 = arith.constant 0 : i32
      %dma_wait3A_251 = tpu.memref_slice %arg8[%add3A, %dma_wait3A_249, %dma_wait3A_250] : memref<32x2x128xi32, #tpu.memory_space<hbm>> -> memref<1x2x128xi32, #tpu.memory_space<hbm>>
      %dma_wait3A_252 = tpu.memref_squeeze %dma_wait3A_251 : memref<1x2x128xi32, #tpu.memory_space<hbm>> -> memref<2x128xi32, #tpu.memory_space<hbm>>
      tpu.wait_dma2 semaphore(%run_scoped3A : memref<!tpu.dma_semaphore, #tpu.memory_space<semaphore_mem>>) src(%dma_wait3A_252 : memref<2x128xi32, #tpu.memory_space<hbm>>) dst(%arg16 : memref<2x128xi32, #tpu.memory_space<vmem>>)
      tpu.yield
    }) : () -> ()
    %mul3A_78 = arith.constant 2 : i32
    %mul3A_79 = arith.muli %add3A, %mul3A_78 : i32
    %mul3A_80 = arith.constant 128 : i32
    %mul3A_81 = arith.muli %mul3A_79, %mul3A_80 : i32
    %dma_start3A_82 = arith.constant 0 : i32
    %dma_start3A_83 = arith.constant 0 : i32
    %dma_start3A_84 = tpu.memref_slice %arg13[%dma_start3A_82, %dma_start3A_83] : memref<2x128xi32, #tpu.memory_space<vmem>> -> memref<1x128xi32, #tpu.memory_space<vmem>>
    %dma_start3A_85 = tpu.memref_squeeze %dma_start3A_84 : memref<1x128xi32, #tpu.memory_space<vmem>> -> memref<128xi32, #tpu.memory_space<vmem>>
    %dma_start3A_86 = arith.constant 0 : i32
    %dma_start3A_87 = arith.constant 0 : i32
    %dma_start3A_88 = tpu.memref_slice %arg2[%dma_start3A_86, %dma_start3A_87] : memref<1000000x128xf32, #tpu.memory_space<hbm>> -> memref<1000000x128xf32, #tpu.memory_space<hbm>>
    tpu.enqueue_indirect_dma source(%dma_start3A_88 : memref<1000000x128xf32, #tpu.memory_space<hbm>>) target(%arg17 : memref<128x128xf32, #tpu.memory_space<vmem>>) offsets(%dma_start3A_85 : memref<128xi32, #tpu.memory_space<vmem>>) semaphore(%arg22 : memref<!tpu.dma_semaphore, #tpu.memory_space<semaphore_mem>>)
    %dma_start3A_89 = arith.constant 1 : i32
    %dma_start3A_90 = arith.constant 0 : i32
    %dma_start3A_91 = tpu.memref_slice %arg13[%dma_start3A_89, %dma_start3A_90] : memref<2x128xi32, #tpu.memory_space<vmem>> -> memref<1x128xi32, #tpu.memory_space<vmem>>
    %dma_start3A_92 = tpu.memref_squeeze %dma_start3A_91 : memref<1x128xi32, #tpu.memory_space<vmem>> -> memref<128xi32, #tpu.memory_space<vmem>>
    %dma_start3A_93 = arith.constant 0 : i32
    %dma_start3A_94 = arith.constant 0 : i32
    %dma_start3A_95 = tpu.memref_slice %arg2[%dma_start3A_93, %dma_start3A_94] : memref<1000000x128xf32, #tpu.memory_space<hbm>> -> memref<1000000x128xf32, #tpu.memory_space<hbm>>
    tpu.enqueue_indirect_dma source(%dma_start3A_95 : memref<1000000x128xf32, #tpu.memory_space<hbm>>) target(%arg18 : memref<128x128xf32, #tpu.memory_space<vmem>>) offsets(%dma_start3A_92 : memref<128xi32, #tpu.memory_space<vmem>>) semaphore(%arg23 : memref<!tpu.dma_semaphore, #tpu.memory_space<semaphore_mem>>)
    %scan3A_96 = arith.constant 0 : i32
    %scan3A_97 = arith.constant 0 : i32
    %mul3A_98 = arith.constant 2 : i32
    %mul3A_99 = arith.muli %scan3A_97, %mul3A_98 : i32
    %add3A_100 = arith.constant 0 : i32
    %add3A_101 = arith.addi %mul3A_99, %add3A_100 : i32
    %dma_wait3A_102 = arith.constant 0 : i32
    %dma_wait3A_103 = tpu.memref_slice %arg13[%add3A_101, %dma_wait3A_102] : memref<2x128xi32, #tpu.memory_space<vmem>> -> memref<1x128xi32, #tpu.memory_space<vmem>>
    %dma_wait3A_104 = tpu.memref_squeeze %dma_wait3A_103 : memref<1x128xi32, #tpu.memory_space<vmem>> -> memref<128xi32, #tpu.memory_space<vmem>>
    %dma_wait3A_105 = arith.constant 0 : i32
    %dma_wait3A_106 = arith.constant 0 : i32
    %dma_wait3A_107 = tpu.memref_slice %arg2[%dma_wait3A_105, %dma_wait3A_106] : memref<1000000x128xf32, #tpu.memory_space<hbm>> -> memref<1000000x128xf32, #tpu.memory_space<hbm>>
    tpu.wait_indirect_dma semaphore(%arg22 : memref<!tpu.dma_semaphore, #tpu.memory_space<semaphore_mem>>) src(%dma_wait3A_107 : memref<1000000x128xf32, #tpu.memory_space<hbm>>) dst(%arg17 : memref<128x128xf32, #tpu.memory_space<vmem>>)
    %dma_start3A_108 = arith.constant 0 : i32
    %dma_start3A_109 = tpu.memref_slice %arg16[%add3A_101, %dma_start3A_108] : memref<2x128xi32, #tpu.memory_space<vmem>> -> memref<1x128xi32, #tpu.memory_space<vmem>>
    %dma_start3A_110 = tpu.memref_squeeze %dma_start3A_109 : memref<1x128xi32, #tpu.memory_space<vmem>> -> memref<128xi32, #tpu.memory_space<vmem>>
    %dma_start3A_111 = arith.constant 0 : i32
    %dma_start3A_112 = arith.constant 0 : i32
    %dma_start3A_113 = tpu.memref_slice %arg10[%dma_start3A_111, %dma_start3A_112] : memref<8192x128xf32, #tpu.memory_space<hbm>> -> memref<8192x128xf32, #tpu.memory_space<hbm>>
    tpu.enqueue_indirect_dma source(%arg17 : memref<128x128xf32, #tpu.memory_space<vmem>>) target(%dma_start3A_113 : memref<8192x128xf32, #tpu.memory_space<hbm>>) offsets(%dma_start3A_110 : memref<128xi32, #tpu.memory_space<vmem>>) semaphore(%arg27 : memref<!tpu.dma_semaphore, #tpu.memory_space<semaphore_mem>>)
    %add3A_114 = arith.constant 2 : i32
    %add3A_115 = arith.addi %add3A_101, %add3A_114 : i32
    %lt3A = arith.constant 2 : i32
    %lt3A_116 = arith.cmpi slt, %add3A_115, %lt3A : i32
    %convert_element_type3A = arith.extui %lt3A_116 : i1 to i32
    %cond3A = arith.constant 0 : i32
    %cond3A_117 = arith.cmpi ne, %convert_element_type3A, %cond3A : i32
    scf.if %cond3A_117 {
      %dma_wait3A_237 = arith.constant 0 : i32
      %dma_wait3A_238 = tpu.memref_slice %arg16[%add3A_101, %dma_wait3A_237] : memref<2x128xi32, #tpu.memory_space<vmem>> -> memref<1x128xi32, #tpu.memory_space<vmem>>
      %dma_wait3A_239 = tpu.memref_squeeze %dma_wait3A_238 : memref<1x128xi32, #tpu.memory_space<vmem>> -> memref<128xi32, #tpu.memory_space<vmem>>
      %dma_wait3A_240 = arith.constant 0 : i32
      %dma_wait3A_241 = arith.constant 0 : i32
      %dma_wait3A_242 = tpu.memref_slice %arg10[%dma_wait3A_240, %dma_wait3A_241] : memref<8192x128xf32, #tpu.memory_space<hbm>> -> memref<8192x128xf32, #tpu.memory_space<hbm>>
      tpu.wait_indirect_dma semaphore(%arg27 : memref<!tpu.dma_semaphore, #tpu.memory_space<semaphore_mem>>) src(%arg17 : memref<128x128xf32, #tpu.memory_space<vmem>>) dst(%dma_wait3A_242 : memref<8192x128xf32, #tpu.memory_space<hbm>>)
      %add3A_243 = arith.constant 2 : i32
      %add3A_244 = arith.addi %add3A_101, %add3A_243 : i32
      %dma_start3A_245 = arith.constant 0 : i32
      %dma_start3A_246 = tpu.memref_slice %arg13[%add3A_244, %dma_start3A_245] : memref<2x128xi32, #tpu.memory_space<vmem>> -> memref<1x128xi32, #tpu.memory_space<vmem>>
      %dma_start3A_247 = tpu.memref_squeeze %dma_start3A_246 : memref<1x128xi32, #tpu.memory_space<vmem>> -> memref<128xi32, #tpu.memory_space<vmem>>
      %dma_start3A_248 = arith.constant 0 : i32
      %dma_start3A_249 = arith.constant 0 : i32
      %dma_start3A_250 = tpu.memref_slice %arg2[%dma_start3A_248, %dma_start3A_249] : memref<1000000x128xf32, #tpu.memory_space<hbm>> -> memref<1000000x128xf32, #tpu.memory_space<hbm>>
      tpu.enqueue_indirect_dma source(%dma_start3A_250 : memref<1000000x128xf32, #tpu.memory_space<hbm>>) target(%arg17 : memref<128x128xf32, #tpu.memory_space<vmem>>) offsets(%dma_start3A_247 : memref<128xi32, #tpu.memory_space<vmem>>) semaphore(%arg22 : memref<!tpu.dma_semaphore, #tpu.memory_space<semaphore_mem>>)
    } else {
    }
    %mul3A_118 = arith.constant 2 : i32
    %mul3A_119 = arith.muli %scan3A_97, %mul3A_118 : i32
    %add3A_120 = arith.constant 1 : i32
    %add3A_121 = arith.addi %mul3A_119, %add3A_120 : i32
    %dma_wait3A_122 = arith.constant 0 : i32
    %dma_wait3A_123 = tpu.memref_slice %arg13[%add3A_121, %dma_wait3A_122] : memref<2x128xi32, #tpu.memory_space<vmem>> -> memref<1x128xi32, #tpu.memory_space<vmem>>
    %dma_wait3A_124 = tpu.memref_squeeze %dma_wait3A_123 : memref<1x128xi32, #tpu.memory_space<vmem>> -> memref<128xi32, #tpu.memory_space<vmem>>
    %dma_wait3A_125 = arith.constant 0 : i32
    %dma_wait3A_126 = arith.constant 0 : i32
    %dma_wait3A_127 = tpu.memref_slice %arg2[%dma_wait3A_125, %dma_wait3A_126] : memref<1000000x128xf32, #tpu.memory_space<hbm>> -> memref<1000000x128xf32, #tpu.memory_space<hbm>>
    tpu.wait_indirect_dma semaphore(%arg23 : memref<!tpu.dma_semaphore, #tpu.memory_space<semaphore_mem>>) src(%dma_wait3A_127 : memref<1000000x128xf32, #tpu.memory_space<hbm>>) dst(%arg18 : memref<128x128xf32, #tpu.memory_space<vmem>>)
    %dma_start3A_128 = arith.constant 0 : i32
    %dma_start3A_129 = tpu.memref_slice %arg16[%add3A_121, %dma_start3A_128] : memref<2x128xi32, #tpu.memory_space<vmem>> -> memref<1x128xi32, #tpu.memory_space<vmem>>
    %dma_start3A_130 = tpu.memref_squeeze %dma_start3A_129 : memref<1x128xi32, #tpu.memory_space<vmem>> -> memref<128xi32, #tpu.memory_space<vmem>>
    %dma_start3A_131 = arith.constant 0 : i32
    %dma_start3A_132 = arith.constant 0 : i32
    %dma_start3A_133 = tpu.memref_slice %arg10[%dma_start3A_131, %dma_start3A_132] : memref<8192x128xf32, #tpu.memory_space<hbm>> -> memref<8192x128xf32, #tpu.memory_space<hbm>>
    tpu.enqueue_indirect_dma source(%arg18 : memref<128x128xf32, #tpu.memory_space<vmem>>) target(%dma_start3A_133 : memref<8192x128xf32, #tpu.memory_space<hbm>>) offsets(%dma_start3A_130 : memref<128xi32, #tpu.memory_space<vmem>>) semaphore(%arg28 : memref<!tpu.dma_semaphore, #tpu.memory_space<semaphore_mem>>)
    %add3A_134 = arith.constant 2 : i32
    %add3A_135 = arith.addi %add3A_121, %add3A_134 : i32
    %lt3A_136 = arith.constant 2 : i32
    %lt3A_137 = arith.cmpi slt, %add3A_135, %lt3A_136 : i32
    %convert_element_type3A_138 = arith.extui %lt3A_137 : i1 to i32
    %cond3A_139 = arith.constant 0 : i32
    %cond3A_140 = arith.cmpi ne, %convert_element_type3A_138, %cond3A_139 : i32
    scf.if %cond3A_140 {
      %dma_wait3A_237 = arith.constant 0 : i32
      %dma_wait3A_238 = tpu.memref_slice %arg16[%add3A_121, %dma_wait3A_237] : memref<2x128xi32, #tpu.memory_space<vmem>> -> memref<1x128xi32, #tpu.memory_space<vmem>>
      %dma_wait3A_239 = tpu.memref_squeeze %dma_wait3A_238 : memref<1x128xi32, #tpu.memory_space<vmem>> -> memref<128xi32, #tpu.memory_space<vmem>>
      %dma_wait3A_240 = arith.constant 0 : i32
      %dma_wait3A_241 = arith.constant 0 : i32
      %dma_wait3A_242 = tpu.memref_slice %arg10[%dma_wait3A_240, %dma_wait3A_241] : memref<8192x128xf32, #tpu.memory_space<hbm>> -> memref<8192x128xf32, #tpu.memory_space<hbm>>
      tpu.wait_indirect_dma semaphore(%arg28 : memref<!tpu.dma_semaphore, #tpu.memory_space<semaphore_mem>>) src(%arg18 : memref<128x128xf32, #tpu.memory_space<vmem>>) dst(%dma_wait3A_242 : memref<8192x128xf32, #tpu.memory_space<hbm>>)
      %add3A_243 = arith.constant 2 : i32
      %add3A_244 = arith.addi %add3A_121, %add3A_243 : i32
      %dma_start3A_245 = arith.constant 0 : i32
      %dma_start3A_246 = tpu.memref_slice %arg13[%add3A_244, %dma_start3A_245] : memref<2x128xi32, #tpu.memory_space<vmem>> -> memref<1x128xi32, #tpu.memory_space<vmem>>
      %dma_start3A_247 = tpu.memref_squeeze %dma_start3A_246 : memref<1x128xi32, #tpu.memory_space<vmem>> -> memref<128xi32, #tpu.memory_space<vmem>>
      %dma_start3A_248 = arith.constant 0 : i32
      %dma_start3A_249 = arith.constant 0 : i32
      %dma_start3A_250 = tpu.memref_slice %arg2[%dma_start3A_248, %dma_start3A_249] : memref<1000000x128xf32, #tpu.memory_space<hbm>> -> memref<1000000x128xf32, #tpu.memory_space<hbm>>
      tpu.enqueue_indirect_dma source(%dma_start3A_250 : memref<1000000x128xf32, #tpu.memory_space<hbm>>) target(%arg18 : memref<128x128xf32, #tpu.memory_space<vmem>>) offsets(%dma_start3A_247 : memref<128xi32, #tpu.memory_space<vmem>>) semaphore(%arg23 : memref<!tpu.dma_semaphore, #tpu.memory_space<semaphore_mem>>)
    } else {
    }
    %scan3A_141 = arith.constant 1 : i32
    %dma_wait3A_142 = arith.constant 0 : i32
    %dma_wait3A_143 = arith.constant 0 : i32
    %dma_wait3A_144 = tpu.memref_slice %arg16[%dma_wait3A_142, %dma_wait3A_143] : memref<2x128xi32, #tpu.memory_space<vmem>> -> memref<1x128xi32, #tpu.memory_space<vmem>>
    %dma_wait3A_145 = tpu.memref_squeeze %dma_wait3A_144 : memref<1x128xi32, #tpu.memory_space<vmem>> -> memref<128xi32, #tpu.memory_space<vmem>>
    %dma_wait3A_146 = arith.constant 0 : i32
    %dma_wait3A_147 = arith.constant 0 : i32
    %dma_wait3A_148 = tpu.memref_slice %arg10[%dma_wait3A_146, %dma_wait3A_147] : memref<8192x128xf32, #tpu.memory_space<hbm>> -> memref<8192x128xf32, #tpu.memory_space<hbm>>
    tpu.wait_indirect_dma semaphore(%arg27 : memref<!tpu.dma_semaphore, #tpu.memory_space<semaphore_mem>>) src(%arg17 : memref<128x128xf32, #tpu.memory_space<vmem>>) dst(%dma_wait3A_148 : memref<8192x128xf32, #tpu.memory_space<hbm>>)
    %dma_wait3A_149 = arith.constant 1 : i32
    %dma_wait3A_150 = arith.constant 0 : i32
    %dma_wait3A_151 = tpu.memref_slice %arg16[%dma_wait3A_149, %dma_wait3A_150] : memref<2x128xi32, #tpu.memory_space<vmem>> -> memref<1x128xi32, #tpu.memory_space<vmem>>
    %dma_wait3A_152 = tpu.memref_squeeze %dma_wait3A_151 : memref<1x128xi32, #tpu.memory_space<vmem>> -> memref<128xi32, #tpu.memory_space<vmem>>
    %dma_wait3A_153 = arith.constant 0 : i32
    %dma_wait3A_154 = arith.constant 0 : i32
    %dma_wait3A_155 = tpu.memref_slice %arg10[%dma_wait3A_153, %dma_wait3A_154] : memref<8192x128xf32, #tpu.memory_space<hbm>> -> memref<8192x128xf32, #tpu.memory_space<hbm>>
    tpu.wait_indirect_dma semaphore(%arg28 : memref<!tpu.dma_semaphore, #tpu.memory_space<semaphore_mem>>) src(%arg18 : memref<128x128xf32, #tpu.memory_space<vmem>>) dst(%dma_wait3A_155 : memref<8192x128xf32, #tpu.memory_space<hbm>>)
    "tpu.region"() ({
      %run_scoped3A = tpu.sem_alloc : memref<!tpu.dma_semaphore, #tpu.memory_space<semaphore_mem>>
      %dma_start3A_237 = arith.constant 0 : i32
      %dma_start3A_238 = arith.constant 0 : i32
      %dma_start3A_239 = tpu.memref_slice %arg6[%add3A, %dma_start3A_237, %dma_start3A_238] : memref<32x2x128xi32, #tpu.memory_space<hbm>> -> memref<1x2x128xi32, #tpu.memory_space<hbm>>
      %dma_start3A_240 = tpu.memref_squeeze %dma_start3A_239 : memref<1x2x128xi32, #tpu.memory_space<hbm>> -> memref<2x128xi32, #tpu.memory_space<hbm>>
      %dma_start3A_241 = arith.constant 0 : i32
      %dma_start3A_242 = arith.constant 0 : i32
      %dma_start3A_243 = tpu.memref_slice %arg6[%add3A, %dma_start3A_241, %dma_start3A_242] : memref<32x2x128xi32, #tpu.memory_space<hbm>> -> memref<1x2x128xi32, #tpu.memory_space<hbm>>
      %dma_start3A_244 = tpu.memref_squeeze %dma_start3A_243 : memref<1x2x128xi32, #tpu.memory_space<hbm>> -> memref<2x128xi32, #tpu.memory_space<hbm>>
      tpu.enqueue_dma source(%dma_start3A_244 : memref<2x128xi32, #tpu.memory_space<hbm>>) target(%arg14 : memref<2x128xi32, #tpu.memory_space<vmem>>) target_semaphore(%run_scoped3A : memref<!tpu.dma_semaphore, #tpu.memory_space<semaphore_mem>>)
      %dma_wait3A_245 = arith.constant 0 : i32
      %dma_wait3A_246 = arith.constant 0 : i32
      %dma_wait3A_247 = tpu.memref_slice %arg6[%add3A, %dma_wait3A_245, %dma_wait3A_246] : memref<32x2x128xi32, #tpu.memory_space<hbm>> -> memref<1x2x128xi32, #tpu.memory_space<hbm>>
      %dma_wait3A_248 = tpu.memref_squeeze %dma_wait3A_247 : memref<1x2x128xi32, #tpu.memory_space<hbm>> -> memref<2x128xi32, #tpu.memory_space<hbm>>
      %dma_wait3A_249 = arith.constant 0 : i32
      %dma_wait3A_250 = arith.constant 0 : i32
      %dma_wait3A_251 = tpu.memref_slice %arg6[%add3A, %dma_wait3A_249, %dma_wait3A_250] : memref<32x2x128xi32, #tpu.memory_space<hbm>> -> memref<1x2x128xi32, #tpu.memory_space<hbm>>
      %dma_wait3A_252 = tpu.memref_squeeze %dma_wait3A_251 : memref<1x2x128xi32, #tpu.memory_space<hbm>> -> memref<2x128xi32, #tpu.memory_space<hbm>>
      tpu.wait_dma2 semaphore(%run_scoped3A : memref<!tpu.dma_semaphore, #tpu.memory_space<semaphore_mem>>) src(%dma_wait3A_252 : memref<2x128xi32, #tpu.memory_space<hbm>>) dst(%arg14 : memref<2x128xi32, #tpu.memory_space<vmem>>)
      tpu.yield
    }) : () -> ()
    "tpu.region"() ({
      %run_scoped3A = tpu.sem_alloc : memref<!tpu.dma_semaphore, #tpu.memory_space<semaphore_mem>>
      %dma_start3A_237 = arith.constant 0 : i32
      %dma_start3A_238 = arith.constant 0 : i32
      %dma_start3A_239 = tpu.memref_slice %arg8[%add3A, %dma_start3A_237, %dma_start3A_238] : memref<32x2x128xi32, #tpu.memory_space<hbm>> -> memref<1x2x128xi32, #tpu.memory_space<hbm>>
      %dma_start3A_240 = tpu.memref_squeeze %dma_start3A_239 : memref<1x2x128xi32, #tpu.memory_space<hbm>> -> memref<2x128xi32, #tpu.memory_space<hbm>>
      %dma_start3A_241 = arith.constant 0 : i32
      %dma_start3A_242 = arith.constant 0 : i32
      %dma_start3A_243 = tpu.memref_slice %arg8[%add3A, %dma_start3A_241, %dma_start3A_242] : memref<32x2x128xi32, #tpu.memory_space<hbm>> -> memref<1x2x128xi32, #tpu.memory_space<hbm>>
      %dma_start3A_244 = tpu.memref_squeeze %dma_start3A_243 : memref<1x2x128xi32, #tpu.memory_space<hbm>> -> memref<2x128xi32, #tpu.memory_space<hbm>>
      tpu.enqueue_dma source(%dma_start3A_244 : memref<2x128xi32, #tpu.memory_space<hbm>>) target(%arg16 : memref<2x128xi32, #tpu.memory_space<vmem>>) target_semaphore(%run_scoped3A : memref<!tpu.dma_semaphore, #tpu.memory_space<semaphore_mem>>)
      %dma_wait3A_245 = arith.constant 0 : i32
      %dma_wait3A_246 = arith.constant 0 : i32
      %dma_wait3A_247 = tpu.memref_slice %arg8[%add3A, %dma_wait3A_245, %dma_wait3A_246] : memref<32x2x128xi32, #tpu.memory_space<hbm>> -> memref<1x2x128xi32, #tpu.memory_space<hbm>>
      %dma_wait3A_248 = tpu.memref_squeeze %dma_wait3A_247 : memref<1x2x128xi32, #tpu.memory_space<hbm>> -> memref<2x128xi32, #tpu.memory_space<hbm>>
      %dma_wait3A_249 = arith.constant 0 : i32
      %dma_wait3A_250 = arith.constant 0 : i32
      %dma_wait3A_251 = tpu.memref_slice %arg8[%add3A, %dma_wait3A_249, %dma_wait3A_250] : memref<32x2x128xi32, #tpu.memory_space<hbm>> -> memref<1x2x128xi32, #tpu.memory_space<hbm>>
      %dma_wait3A_252 = tpu.memref_squeeze %dma_wait3A_251 : memref<1x2x128xi32, #tpu.memory_space<hbm>> -> memref<2x128xi32, #tpu.memory_space<hbm>>
      tpu.wait_dma2 semaphore(%run_scoped3A : memref<!tpu.dma_semaphore, #tpu.memory_space<semaphore_mem>>) src(%dma_wait3A_252 : memref<2x128xi32, #tpu.memory_space<hbm>>) dst(%arg16 : memref<2x128xi32, #tpu.memory_space<vmem>>)
      tpu.yield
    }) : () -> ()
    %mul3A_156 = arith.constant 2 : i32
    %mul3A_157 = arith.muli %add3A, %mul3A_156 : i32
    %mul3A_158 = arith.constant 128 : i32
    %mul3A_159 = arith.muli %mul3A_157, %mul3A_158 : i32
    %dma_start3A_160 = arith.constant 0 : i32
    %dma_start3A_161 = arith.constant 0 : i32
    %dma_start3A_162 = tpu.memref_slice %arg14[%dma_start3A_160, %dma_start3A_161] : memref<2x128xi32, #tpu.memory_space<vmem>> -> memref<1x128xi32, #tpu.memory_space<vmem>>
    %dma_start3A_163 = tpu.memref_squeeze %dma_start3A_162 : memref<1x128xi32, #tpu.memory_space<vmem>> -> memref<128xi32, #tpu.memory_space<vmem>>
    %dma_start3A_164 = arith.constant 0 : i32
    %dma_start3A_165 = arith.constant 0 : i32
    %dma_start3A_166 = tpu.memref_slice %arg3[%dma_start3A_164, %dma_start3A_165] : memref<500x128xf32, #tpu.memory_space<hbm>> -> memref<500x128xf32, #tpu.memory_space<hbm>>
    tpu.enqueue_indirect_dma source(%dma_start3A_166 : memref<500x128xf32, #tpu.memory_space<hbm>>) target(%arg17 : memref<128x128xf32, #tpu.memory_space<vmem>>) offsets(%dma_start3A_163 : memref<128xi32, #tpu.memory_space<vmem>>) semaphore(%arg22 : memref<!tpu.dma_semaphore, #tpu.memory_space<semaphore_mem>>)
    %dma_start3A_167 = arith.constant 1 : i32
    %dma_start3A_168 = arith.constant 0 : i32
    %dma_start3A_169 = tpu.memref_slice %arg14[%dma_start3A_167, %dma_start3A_168] : memref<2x128xi32, #tpu.memory_space<vmem>> -> memref<1x128xi32, #tpu.memory_space<vmem>>
    %dma_start3A_170 = tpu.memref_squeeze %dma_start3A_169 : memref<1x128xi32, #tpu.memory_space<vmem>> -> memref<128xi32, #tpu.memory_space<vmem>>
    %dma_start3A_171 = arith.constant 0 : i32
    %dma_start3A_172 = arith.constant 0 : i32
    %dma_start3A_173 = tpu.memref_slice %arg3[%dma_start3A_171, %dma_start3A_172] : memref<500x128xf32, #tpu.memory_space<hbm>> -> memref<500x128xf32, #tpu.memory_space<hbm>>
    tpu.enqueue_indirect_dma source(%dma_start3A_173 : memref<500x128xf32, #tpu.memory_space<hbm>>) target(%arg18 : memref<128x128xf32, #tpu.memory_space<vmem>>) offsets(%dma_start3A_170 : memref<128xi32, #tpu.memory_space<vmem>>) semaphore(%arg23 : memref<!tpu.dma_semaphore, #tpu.memory_space<semaphore_mem>>)
    %scan3A_174 = arith.constant 0 : i32
    %scan3A_175 = arith.constant 0 : i32
    %mul3A_176 = arith.constant 2 : i32
    %mul3A_177 = arith.muli %scan3A_175, %mul3A_176 : i32
    %add3A_178 = arith.constant 0 : i32
    %add3A_179 = arith.addi %mul3A_177, %add3A_178 : i32
    %dma_wait3A_180 = arith.constant 0 : i32
    %dma_wait3A_181 = tpu.memref_slice %arg14[%add3A_179, %dma_wait3A_180] : memref<2x128xi32, #tpu.memory_space<vmem>> -> memref<1x128xi32, #tpu.memory_space<vmem>>
    %dma_wait3A_182 = tpu.memref_squeeze %dma_wait3A_181 : memref<1x128xi32, #tpu.memory_space<vmem>> -> memref<128xi32, #tpu.memory_space<vmem>>
    %dma_wait3A_183 = arith.constant 0 : i32
    %dma_wait3A_184 = arith.constant 0 : i32
    %dma_wait3A_185 = tpu.memref_slice %arg3[%dma_wait3A_183, %dma_wait3A_184] : memref<500x128xf32, #tpu.memory_space<hbm>> -> memref<500x128xf32, #tpu.memory_space<hbm>>
    tpu.wait_indirect_dma semaphore(%arg22 : memref<!tpu.dma_semaphore, #tpu.memory_space<semaphore_mem>>) src(%dma_wait3A_185 : memref<500x128xf32, #tpu.memory_space<hbm>>) dst(%arg17 : memref<128x128xf32, #tpu.memory_space<vmem>>)
    %dma_start3A_186 = arith.constant 0 : i32
    %dma_start3A_187 = tpu.memref_slice %arg16[%add3A_179, %dma_start3A_186] : memref<2x128xi32, #tpu.memory_space<vmem>> -> memref<1x128xi32, #tpu.memory_space<vmem>>
    %dma_start3A_188 = tpu.memref_squeeze %dma_start3A_187 : memref<1x128xi32, #tpu.memory_space<vmem>> -> memref<128xi32, #tpu.memory_space<vmem>>
    %dma_start3A_189 = arith.constant 0 : i32
    %dma_start3A_190 = arith.constant 0 : i32
    %dma_start3A_191 = tpu.memref_slice %arg11[%dma_start3A_189, %dma_start3A_190] : memref<8192x128xf32, #tpu.memory_space<hbm>> -> memref<8192x128xf32, #tpu.memory_space<hbm>>
    tpu.enqueue_indirect_dma source(%arg17 : memref<128x128xf32, #tpu.memory_space<vmem>>) target(%dma_start3A_191 : memref<8192x128xf32, #tpu.memory_space<hbm>>) offsets(%dma_start3A_188 : memref<128xi32, #tpu.memory_space<vmem>>) semaphore(%arg27 : memref<!tpu.dma_semaphore, #tpu.memory_space<semaphore_mem>>)
    %add3A_192 = arith.constant 2 : i32
    %add3A_193 = arith.addi %add3A_179, %add3A_192 : i32
    %lt3A_194 = arith.constant 2 : i32
    %lt3A_195 = arith.cmpi slt, %add3A_193, %lt3A_194 : i32
    %convert_element_type3A_196 = arith.extui %lt3A_195 : i1 to i32
    %cond3A_197 = arith.constant 0 : i32
    %cond3A_198 = arith.cmpi ne, %convert_element_type3A_196, %cond3A_197 : i32
    scf.if %cond3A_198 {
      %dma_wait3A_237 = arith.constant 0 : i32
      %dma_wait3A_238 = tpu.memref_slice %arg16[%add3A_179, %dma_wait3A_237] : memref<2x128xi32, #tpu.memory_space<vmem>> -> memref<1x128xi32, #tpu.memory_space<vmem>>
      %dma_wait3A_239 = tpu.memref_squeeze %dma_wait3A_238 : memref<1x128xi32, #tpu.memory_space<vmem>> -> memref<128xi32, #tpu.memory_space<vmem>>
      %dma_wait3A_240 = arith.constant 0 : i32
      %dma_wait3A_241 = arith.constant 0 : i32
      %dma_wait3A_242 = tpu.memref_slice %arg11[%dma_wait3A_240, %dma_wait3A_241] : memref<8192x128xf32, #tpu.memory_space<hbm>> -> memref<8192x128xf32, #tpu.memory_space<hbm>>
      tpu.wait_indirect_dma semaphore(%arg27 : memref<!tpu.dma_semaphore, #tpu.memory_space<semaphore_mem>>) src(%arg17 : memref<128x128xf32, #tpu.memory_space<vmem>>) dst(%dma_wait3A_242 : memref<8192x128xf32, #tpu.memory_space<hbm>>)
      %add3A_243 = arith.constant 2 : i32
      %add3A_244 = arith.addi %add3A_179, %add3A_243 : i32
      %dma_start3A_245 = arith.constant 0 : i32
      %dma_start3A_246 = tpu.memref_slice %arg14[%add3A_244, %dma_start3A_245] : memref<2x128xi32, #tpu.memory_space<vmem>> -> memref<1x128xi32, #tpu.memory_space<vmem>>
      %dma_start3A_247 = tpu.memref_squeeze %dma_start3A_246 : memref<1x128xi32, #tpu.memory_space<vmem>> -> memref<128xi32, #tpu.memory_space<vmem>>
      %dma_start3A_248 = arith.constant 0 : i32
      %dma_start3A_249 = arith.constant 0 : i32
      %dma_start3A_250 = tpu.memref_slice %arg3[%dma_start3A_248, %dma_start3A_249] : memref<500x128xf32, #tpu.memory_space<hbm>> -> memref<500x128xf32, #tpu.memory_space<hbm>>
      tpu.enqueue_indirect_dma source(%dma_start3A_250 : memref<500x128xf32, #tpu.memory_space<hbm>>) target(%arg17 : memref<128x128xf32, #tpu.memory_space<vmem>>) offsets(%dma_start3A_247 : memref<128xi32, #tpu.memory_space<vmem>>) semaphore(%arg22 : memref<!tpu.dma_semaphore, #tpu.memory_space<semaphore_mem>>)
    } else {
    }
    %mul3A_199 = arith.constant 2 : i32
    %mul3A_200 = arith.muli %scan3A_175, %mul3A_199 : i32
    %add3A_201 = arith.constant 1 : i32
    %add3A_202 = arith.addi %mul3A_200, %add3A_201 : i32
    %dma_wait3A_203 = arith.constant 0 : i32
    %dma_wait3A_204 = tpu.memref_slice %arg14[%add3A_202, %dma_wait3A_203] : memref<2x128xi32, #tpu.memory_space<vmem>> -> memref<1x128xi32, #tpu.memory_space<vmem>>
    %dma_wait3A_205 = tpu.memref_squeeze %dma_wait3A_204 : memref<1x128xi32, #tpu.memory_space<vmem>> -> memref<128xi32, #tpu.memory_space<vmem>>
    %dma_wait3A_206 = arith.constant 0 : i32
    %dma_wait3A_207 = arith.constant 0 : i32
    %dma_wait3A_208 = tpu.memref_slice %arg3[%dma_wait3A_206, %dma_wait3A_207] : memref<500x128xf32, #tpu.memory_space<hbm>> -> memref<500x128xf32, #tpu.memory_space<hbm>>
    tpu.wait_indirect_dma semaphore(%arg23 : memref<!tpu.dma_semaphore, #tpu.memory_space<semaphore_mem>>) src(%dma_wait3A_208 : memref<500x128xf32, #tpu.memory_space<hbm>>) dst(%arg18 : memref<128x128xf32, #tpu.memory_space<vmem>>)
    %dma_start3A_209 = arith.constant 0 : i32
    %dma_start3A_210 = tpu.memref_slice %arg16[%add3A_202, %dma_start3A_209] : memref<2x128xi32, #tpu.memory_space<vmem>> -> memref<1x128xi32, #tpu.memory_space<vmem>>
    %dma_start3A_211 = tpu.memref_squeeze %dma_start3A_210 : memref<1x128xi32, #tpu.memory_space<vmem>> -> memref<128xi32, #tpu.memory_space<vmem>>
    %dma_start3A_212 = arith.constant 0 : i32
    %dma_start3A_213 = arith.constant 0 : i32
    %dma_start3A_214 = tpu.memref_slice %arg11[%dma_start3A_212, %dma_start3A_213] : memref<8192x128xf32, #tpu.memory_space<hbm>> -> memref<8192x128xf32, #tpu.memory_space<hbm>>
    tpu.enqueue_indirect_dma source(%arg18 : memref<128x128xf32, #tpu.memory_space<vmem>>) target(%dma_start3A_214 : memref<8192x128xf32, #tpu.memory_space<hbm>>) offsets(%dma_start3A_211 : memref<128xi32, #tpu.memory_space<vmem>>) semaphore(%arg28 : memref<!tpu.dma_semaphore, #tpu.memory_space<semaphore_mem>>)
    %add3A_215 = arith.constant 2 : i32
    %add3A_216 = arith.addi %add3A_202, %add3A_215 : i32
    %lt3A_217 = arith.constant 2 : i32
    %lt3A_218 = arith.cmpi slt, %add3A_216, %lt3A_217 : i32
    %convert_element_type3A_219 = arith.extui %lt3A_218 : i1 to i32
    %cond3A_220 = arith.constant 0 : i32
    %cond3A_221 = arith.cmpi ne, %convert_element_type3A_219, %cond3A_220 : i32
    scf.if %cond3A_221 {
      %dma_wait3A_237 = arith.constant 0 : i32
      %dma_wait3A_238 = tpu.memref_slice %arg16[%add3A_202, %dma_wait3A_237] : memref<2x128xi32, #tpu.memory_space<vmem>> -> memref<1x128xi32, #tpu.memory_space<vmem>>
      %dma_wait3A_239 = tpu.memref_squeeze %dma_wait3A_238 : memref<1x128xi32, #tpu.memory_space<vmem>> -> memref<128xi32, #tpu.memory_space<vmem>>
      %dma_wait3A_240 = arith.constant 0 : i32
      %dma_wait3A_241 = arith.constant 0 : i32
      %dma_wait3A_242 = tpu.memref_slice %arg11[%dma_wait3A_240, %dma_wait3A_241] : memref<8192x128xf32, #tpu.memory_space<hbm>> -> memref<8192x128xf32, #tpu.memory_space<hbm>>
      tpu.wait_indirect_dma semaphore(%arg28 : memref<!tpu.dma_semaphore, #tpu.memory_space<semaphore_mem>>) src(%arg18 : memref<128x128xf32, #tpu.memory_space<vmem>>) dst(%dma_wait3A_242 : memref<8192x128xf32, #tpu.memory_space<hbm>>)
      %add3A_243 = arith.constant 2 : i32
      %add3A_244 = arith.addi %add3A_202, %add3A_243 : i32
      %dma_start3A_245 = arith.constant 0 : i32
      %dma_start3A_246 = tpu.memref_slice %arg14[%add3A_244, %dma_start3A_245] : memref<2x128xi32, #tpu.memory_space<vmem>> -> memref<1x128xi32, #tpu.memory_space<vmem>>
      %dma_start3A_247 = tpu.memref_squeeze %dma_start3A_246 : memref<1x128xi32, #tpu.memory_space<vmem>> -> memref<128xi32, #tpu.memory_space<vmem>>
      %dma_start3A_248 = arith.constant 0 : i32
      %dma_start3A_249 = arith.constant 0 : i32
      %dma_start3A_250 = tpu.memref_slice %arg3[%dma_start3A_248, %dma_start3A_249] : memref<500x128xf32, #tpu.memory_space<hbm>> -> memref<500x128xf32, #tpu.memory_space<hbm>>
      tpu.enqueue_indirect_dma source(%dma_start3A_250 : memref<500x128xf32, #tpu.memory_space<hbm>>) target(%arg18 : memref<128x128xf32, #tpu.memory_space<vmem>>) offsets(%dma_start3A_247 : memref<128xi32, #tpu.memory_space<vmem>>) semaphore(%arg23 : memref<!tpu.dma_semaphore, #tpu.memory_space<semaphore_mem>>)
    } else {
    }
    %scan3A_222 = arith.constant 1 : i32
    %dma_wait3A_223 = arith.constant 0 : i32
    %dma_wait3A_224 = arith.constant 0 : i32
    %dma_wait3A_225 = tpu.memref_slice %arg16[%dma_wait3A_223, %dma_wait3A_224] : memref<2x128xi32, #tpu.memory_space<vmem>> -> memref<1x128xi32, #tpu.memory_space<vmem>>
    %dma_wait3A_226 = tpu.memref_squeeze %dma_wait3A_225 : memref<1x128xi32, #tpu.memory_space<vmem>> -> memref<128xi32, #tpu.memory_space<vmem>>
    %dma_wait3A_227 = arith.constant 0 : i32
    %dma_wait3A_228 = arith.constant 0 : i32
    %dma_wait3A_229 = tpu.memref_slice %arg11[%dma_wait3A_227, %dma_wait3A_228] : memref<8192x128xf32, #tpu.memory_space<hbm>> -> memref<8192x128xf32, #tpu.memory_space<hbm>>
    tpu.wait_indirect_dma semaphore(%arg27 : memref<!tpu.dma_semaphore, #tpu.memory_space<semaphore_mem>>) src(%arg17 : memref<128x128xf32, #tpu.memory_space<vmem>>) dst(%dma_wait3A_229 : memref<8192x128xf32, #tpu.memory_space<hbm>>)
    %dma_wait3A_230 = arith.constant 1 : i32
    %dma_wait3A_231 = arith.constant 0 : i32
    %dma_wait3A_232 = tpu.memref_slice %arg16[%dma_wait3A_230, %dma_wait3A_231] : memref<2x128xi32, #tpu.memory_space<vmem>> -> memref<1x128xi32, #tpu.memory_space<vmem>>
    %dma_wait3A_233 = tpu.memref_squeeze %dma_wait3A_232 : memref<1x128xi32, #tpu.memory_space<vmem>> -> memref<128xi32, #tpu.memory_space<vmem>>
    %dma_wait3A_234 = arith.constant 0 : i32
    %dma_wait3A_235 = arith.constant 0 : i32
    %dma_wait3A_236 = tpu.memref_slice %arg11[%dma_wait3A_234, %dma_wait3A_235] : memref<8192x128xf32, #tpu.memory_space<hbm>> -> memref<8192x128xf32, #tpu.memory_space<hbm>>
    tpu.wait_indirect_dma semaphore(%arg28 : memref<!tpu.dma_semaphore, #tpu.memory_space<semaphore_mem>>) src(%arg18 : memref<128x128xf32, #tpu.memory_space<vmem>>) dst(%dma_wait3A_236 : memref<8192x128xf32, #tpu.memory_space<hbm>>)
    return
  }
}

#map = affine_map<(d0, d1) -> (0, 0)>
#map1 = affine_map<(d0, d1) -> (0, 0, 0)>
module attributes {stable_mosaic.version = 14 : i64} {
  func.func @_sc_unperm_body(%arg0: i32, %arg1: i32, %arg2: memref<8192x128xf32, #tpu.memory_space<hbm>>, %arg3: memref<32x2x128xi32, #tpu.memory_space<hbm>>, %arg4: memref<8192x128xf32, #tpu.memory_space<hbm>>, %arg5: memref<2x128xi32, #tpu.memory_space<vmem>>, %arg6: memref<128x128xf32, #tpu.memory_space<vmem>>, %arg7: memref<128x128xf32, #tpu.memory_space<vmem>>, %arg8: memref<!tpu.dma_semaphore, #tpu.memory_space<semaphore_mem>>, %arg9: memref<!tpu.dma_semaphore, #tpu.memory_space<semaphore_mem>>, %arg10: memref<!tpu.dma_semaphore, #tpu.memory_space<semaphore_mem>>, %arg11: memref<!tpu.dma_semaphore, #tpu.memory_space<semaphore_mem>>) attributes {dimension_semantics = [#tpu.dimension_semantics<core_parallel>, #tpu.dimension_semantics<subcore_parallel>], iteration_bounds = array<i64: 2, 16>, scalar_prefetch = 0 : i64, scratch_operands = 7 : i64, tpu.core_type = #tpu.core_type<sc_vector_subcore>, window_params = [{transform_indices = #map}, {transform_indices = #map1}, {transform_indices = #map}]} {
    %mul3A = arith.constant 2 : i32
    %mul3A_0 = arith.muli %arg1, %mul3A : i32
    %add3A = arith.addi %mul3A_0, %arg0 : i32
    "tpu.region"() ({
      %run_scoped3A = tpu.sem_alloc : memref<!tpu.dma_semaphore, #tpu.memory_space<semaphore_mem>>
      %dma_start3A_76 = arith.constant 0 : i32
      %dma_start3A_77 = arith.constant 0 : i32
      %dma_start3A_78 = tpu.memref_slice %arg3[%add3A, %dma_start3A_76, %dma_start3A_77] : memref<32x2x128xi32, #tpu.memory_space<hbm>> -> memref<1x2x128xi32, #tpu.memory_space<hbm>>
      %dma_start3A_79 = tpu.memref_squeeze %dma_start3A_78 : memref<1x2x128xi32, #tpu.memory_space<hbm>> -> memref<2x128xi32, #tpu.memory_space<hbm>>
      %dma_start3A_80 = arith.constant 0 : i32
      %dma_start3A_81 = arith.constant 0 : i32
      %dma_start3A_82 = tpu.memref_slice %arg3[%add3A, %dma_start3A_80, %dma_start3A_81] : memref<32x2x128xi32, #tpu.memory_space<hbm>> -> memref<1x2x128xi32, #tpu.memory_space<hbm>>
      %dma_start3A_83 = tpu.memref_squeeze %dma_start3A_82 : memref<1x2x128xi32, #tpu.memory_space<hbm>> -> memref<2x128xi32, #tpu.memory_space<hbm>>
      tpu.enqueue_dma source(%dma_start3A_83 : memref<2x128xi32, #tpu.memory_space<hbm>>) target(%arg5 : memref<2x128xi32, #tpu.memory_space<vmem>>) target_semaphore(%run_scoped3A : memref<!tpu.dma_semaphore, #tpu.memory_space<semaphore_mem>>)
      %dma_wait3A_84 = arith.constant 0 : i32
      %dma_wait3A_85 = arith.constant 0 : i32
      %dma_wait3A_86 = tpu.memref_slice %arg3[%add3A, %dma_wait3A_84, %dma_wait3A_85] : memref<32x2x128xi32, #tpu.memory_space<hbm>> -> memref<1x2x128xi32, #tpu.memory_space<hbm>>
      %dma_wait3A_87 = tpu.memref_squeeze %dma_wait3A_86 : memref<1x2x128xi32, #tpu.memory_space<hbm>> -> memref<2x128xi32, #tpu.memory_space<hbm>>
      %dma_wait3A_88 = arith.constant 0 : i32
      %dma_wait3A_89 = arith.constant 0 : i32
      %dma_wait3A_90 = tpu.memref_slice %arg3[%add3A, %dma_wait3A_88, %dma_wait3A_89] : memref<32x2x128xi32, #tpu.memory_space<hbm>> -> memref<1x2x128xi32, #tpu.memory_space<hbm>>
      %dma_wait3A_91 = tpu.memref_squeeze %dma_wait3A_90 : memref<1x2x128xi32, #tpu.memory_space<hbm>> -> memref<2x128xi32, #tpu.memory_space<hbm>>
      tpu.wait_dma2 semaphore(%run_scoped3A : memref<!tpu.dma_semaphore, #tpu.memory_space<semaphore_mem>>) src(%dma_wait3A_91 : memref<2x128xi32, #tpu.memory_space<hbm>>) dst(%arg5 : memref<2x128xi32, #tpu.memory_space<vmem>>)
      tpu.yield
    }) : () -> ()
    %mul3A_1 = arith.constant 2 : i32
    %mul3A_2 = arith.muli %add3A, %mul3A_1 : i32
    %mul3A_3 = arith.constant 128 : i32
    %mul3A_4 = arith.muli %mul3A_2, %mul3A_3 : i32
    %dma_start3A = arith.constant 0 : i32
    %dma_start3A_5 = arith.constant 0 : i32
    %dma_start3A_6 = tpu.memref_slice %arg5[%dma_start3A, %dma_start3A_5] : memref<2x128xi32, #tpu.memory_space<vmem>> -> memref<1x128xi32, #tpu.memory_space<vmem>>
    %dma_start3A_7 = tpu.memref_squeeze %dma_start3A_6 : memref<1x128xi32, #tpu.memory_space<vmem>> -> memref<128xi32, #tpu.memory_space<vmem>>
    %dma_start3A_8 = arith.constant 0 : i32
    %dma_start3A_9 = arith.constant 0 : i32
    %dma_start3A_10 = tpu.memref_slice %arg2[%dma_start3A_8, %dma_start3A_9] : memref<8192x128xf32, #tpu.memory_space<hbm>> -> memref<8192x128xf32, #tpu.memory_space<hbm>>
    tpu.enqueue_indirect_dma source(%dma_start3A_10 : memref<8192x128xf32, #tpu.memory_space<hbm>>) target(%arg6 : memref<128x128xf32, #tpu.memory_space<vmem>>) offsets(%dma_start3A_7 : memref<128xi32, #tpu.memory_space<vmem>>) semaphore(%arg8 : memref<!tpu.dma_semaphore, #tpu.memory_space<semaphore_mem>>)
    %dma_start3A_11 = arith.constant 1 : i32
    %dma_start3A_12 = arith.constant 0 : i32
    %dma_start3A_13 = tpu.memref_slice %arg5[%dma_start3A_11, %dma_start3A_12] : memref<2x128xi32, #tpu.memory_space<vmem>> -> memref<1x128xi32, #tpu.memory_space<vmem>>
    %dma_start3A_14 = tpu.memref_squeeze %dma_start3A_13 : memref<1x128xi32, #tpu.memory_space<vmem>> -> memref<128xi32, #tpu.memory_space<vmem>>
    %dma_start3A_15 = arith.constant 0 : i32
    %dma_start3A_16 = arith.constant 0 : i32
    %dma_start3A_17 = tpu.memref_slice %arg2[%dma_start3A_15, %dma_start3A_16] : memref<8192x128xf32, #tpu.memory_space<hbm>> -> memref<8192x128xf32, #tpu.memory_space<hbm>>
    tpu.enqueue_indirect_dma source(%dma_start3A_17 : memref<8192x128xf32, #tpu.memory_space<hbm>>) target(%arg7 : memref<128x128xf32, #tpu.memory_space<vmem>>) offsets(%dma_start3A_14 : memref<128xi32, #tpu.memory_space<vmem>>) semaphore(%arg9 : memref<!tpu.dma_semaphore, #tpu.memory_space<semaphore_mem>>)
    %scan3A = arith.constant 0 : i32
    %scan3A_18 = arith.constant 0 : i32
    %mul3A_19 = arith.constant 2 : i32
    %mul3A_20 = arith.muli %scan3A_18, %mul3A_19 : i32
    %add3A_21 = arith.constant 0 : i32
    %add3A_22 = arith.addi %mul3A_20, %add3A_21 : i32
    %dma_wait3A = arith.constant 0 : i32
    %dma_wait3A_23 = tpu.memref_slice %arg5[%add3A_22, %dma_wait3A] : memref<2x128xi32, #tpu.memory_space<vmem>> -> memref<1x128xi32, #tpu.memory_space<vmem>>
    %dma_wait3A_24 = tpu.memref_squeeze %dma_wait3A_23 : memref<1x128xi32, #tpu.memory_space<vmem>> -> memref<128xi32, #tpu.memory_space<vmem>>
    %dma_wait3A_25 = arith.constant 0 : i32
    %dma_wait3A_26 = arith.constant 0 : i32
    %dma_wait3A_27 = tpu.memref_slice %arg2[%dma_wait3A_25, %dma_wait3A_26] : memref<8192x128xf32, #tpu.memory_space<hbm>> -> memref<8192x128xf32, #tpu.memory_space<hbm>>
    tpu.wait_indirect_dma semaphore(%arg8 : memref<!tpu.dma_semaphore, #tpu.memory_space<semaphore_mem>>) src(%dma_wait3A_27 : memref<8192x128xf32, #tpu.memory_space<hbm>>) dst(%arg6 : memref<128x128xf32, #tpu.memory_space<vmem>>)
    %mul3A_28 = arith.constant 128 : i32
    %mul3A_29 = arith.muli %add3A_22, %mul3A_28 : i32
    %add3A_30 = arith.addi %mul3A_4, %mul3A_29 : i32
    %dma_start3A_31 = arith.constant 0 : i32
    %dma_start3A_32 = tpu.memref_slice %arg4[%add3A_30, %dma_start3A_31] : memref<8192x128xf32, #tpu.memory_space<hbm>> -> memref<128x128xf32, #tpu.memory_space<hbm>>
    %dma_start3A_33 = arith.constant 0 : i32
    %dma_start3A_34 = tpu.memref_slice %arg4[%add3A_30, %dma_start3A_33] : memref<8192x128xf32, #tpu.memory_space<hbm>> -> memref<128x128xf32, #tpu.memory_space<hbm>>
    tpu.enqueue_dma source(%arg6 : memref<128x128xf32, #tpu.memory_space<vmem>>) target(%dma_start3A_34 : memref<128x128xf32, #tpu.memory_space<hbm>>) target_semaphore(%arg10 : memref<!tpu.dma_semaphore, #tpu.memory_space<semaphore_mem>>)
    %add3A_35 = arith.constant 2 : i32
    %add3A_36 = arith.addi %add3A_22, %add3A_35 : i32
    %lt3A = arith.constant 2 : i32
    %lt3A_37 = arith.cmpi slt, %add3A_36, %lt3A : i32
    %convert_element_type3A = arith.extui %lt3A_37 : i1 to i32
    %cond3A = arith.constant 0 : i32
    %cond3A_38 = arith.cmpi ne, %convert_element_type3A, %cond3A : i32
    scf.if %cond3A_38 {
      %mul3A_76 = arith.constant 128 : i32
      %mul3A_77 = arith.muli %add3A_22, %mul3A_76 : i32
      %add3A_78 = arith.addi %mul3A_4, %mul3A_77 : i32
      %dma_wait3A_79 = arith.constant 0 : i32
      %dma_wait3A_80 = tpu.memref_slice %arg4[%add3A_78, %dma_wait3A_79] : memref<8192x128xf32, #tpu.memory_space<hbm>> -> memref<128x128xf32, #tpu.memory_space<hbm>>
      %dma_wait3A_81 = arith.constant 0 : i32
      %dma_wait3A_82 = tpu.memref_slice %arg4[%add3A_78, %dma_wait3A_81] : memref<8192x128xf32, #tpu.memory_space<hbm>> -> memref<128x128xf32, #tpu.memory_space<hbm>>
      tpu.wait_dma2 semaphore(%arg10 : memref<!tpu.dma_semaphore, #tpu.memory_space<semaphore_mem>>) src(%arg6 : memref<128x128xf32, #tpu.memory_space<vmem>>) dst(%dma_wait3A_82 : memref<128x128xf32, #tpu.memory_space<hbm>>)
      %add3A_83 = arith.constant 2 : i32
      %add3A_84 = arith.addi %add3A_22, %add3A_83 : i32
      %dma_start3A_85 = arith.constant 0 : i32
      %dma_start3A_86 = tpu.memref_slice %arg5[%add3A_84, %dma_start3A_85] : memref<2x128xi32, #tpu.memory_space<vmem>> -> memref<1x128xi32, #tpu.memory_space<vmem>>
      %dma_start3A_87 = tpu.memref_squeeze %dma_start3A_86 : memref<1x128xi32, #tpu.memory_space<vmem>> -> memref<128xi32, #tpu.memory_space<vmem>>
      %dma_start3A_88 = arith.constant 0 : i32
      %dma_start3A_89 = arith.constant 0 : i32
      %dma_start3A_90 = tpu.memref_slice %arg2[%dma_start3A_88, %dma_start3A_89] : memref<8192x128xf32, #tpu.memory_space<hbm>> -> memref<8192x128xf32, #tpu.memory_space<hbm>>
      tpu.enqueue_indirect_dma source(%dma_start3A_90 : memref<8192x128xf32, #tpu.memory_space<hbm>>) target(%arg6 : memref<128x128xf32, #tpu.memory_space<vmem>>) offsets(%dma_start3A_87 : memref<128xi32, #tpu.memory_space<vmem>>) semaphore(%arg8 : memref<!tpu.dma_semaphore, #tpu.memory_space<semaphore_mem>>)
    } else {
    }
    %mul3A_39 = arith.constant 2 : i32
    %mul3A_40 = arith.muli %scan3A_18, %mul3A_39 : i32
    %add3A_41 = arith.constant 1 : i32
    %add3A_42 = arith.addi %mul3A_40, %add3A_41 : i32
    %dma_wait3A_43 = arith.constant 0 : i32
    %dma_wait3A_44 = tpu.memref_slice %arg5[%add3A_42, %dma_wait3A_43] : memref<2x128xi32, #tpu.memory_space<vmem>> -> memref<1x128xi32, #tpu.memory_space<vmem>>
    %dma_wait3A_45 = tpu.memref_squeeze %dma_wait3A_44 : memref<1x128xi32, #tpu.memory_space<vmem>> -> memref<128xi32, #tpu.memory_space<vmem>>
    %dma_wait3A_46 = arith.constant 0 : i32
    %dma_wait3A_47 = arith.constant 0 : i32
    %dma_wait3A_48 = tpu.memref_slice %arg2[%dma_wait3A_46, %dma_wait3A_47] : memref<8192x128xf32, #tpu.memory_space<hbm>> -> memref<8192x128xf32, #tpu.memory_space<hbm>>
    tpu.wait_indirect_dma semaphore(%arg9 : memref<!tpu.dma_semaphore, #tpu.memory_space<semaphore_mem>>) src(%dma_wait3A_48 : memref<8192x128xf32, #tpu.memory_space<hbm>>) dst(%arg7 : memref<128x128xf32, #tpu.memory_space<vmem>>)
    %mul3A_49 = arith.constant 128 : i32
    %mul3A_50 = arith.muli %add3A_42, %mul3A_49 : i32
    %add3A_51 = arith.addi %mul3A_4, %mul3A_50 : i32
    %dma_start3A_52 = arith.constant 0 : i32
    %dma_start3A_53 = tpu.memref_slice %arg4[%add3A_51, %dma_start3A_52] : memref<8192x128xf32, #tpu.memory_space<hbm>> -> memref<128x128xf32, #tpu.memory_space<hbm>>
    %dma_start3A_54 = arith.constant 0 : i32
    %dma_start3A_55 = tpu.memref_slice %arg4[%add3A_51, %dma_start3A_54] : memref<8192x128xf32, #tpu.memory_space<hbm>> -> memref<128x128xf32, #tpu.memory_space<hbm>>
    tpu.enqueue_dma source(%arg7 : memref<128x128xf32, #tpu.memory_space<vmem>>) target(%dma_start3A_55 : memref<128x128xf32, #tpu.memory_space<hbm>>) target_semaphore(%arg11 : memref<!tpu.dma_semaphore, #tpu.memory_space<semaphore_mem>>)
    %add3A_56 = arith.constant 2 : i32
    %add3A_57 = arith.addi %add3A_42, %add3A_56 : i32
    %lt3A_58 = arith.constant 2 : i32
    %lt3A_59 = arith.cmpi slt, %add3A_57, %lt3A_58 : i32
    %convert_element_type3A_60 = arith.extui %lt3A_59 : i1 to i32
    %cond3A_61 = arith.constant 0 : i32
    %cond3A_62 = arith.cmpi ne, %convert_element_type3A_60, %cond3A_61 : i32
    scf.if %cond3A_62 {
      %mul3A_76 = arith.constant 128 : i32
      %mul3A_77 = arith.muli %add3A_42, %mul3A_76 : i32
      %add3A_78 = arith.addi %mul3A_4, %mul3A_77 : i32
      %dma_wait3A_79 = arith.constant 0 : i32
      %dma_wait3A_80 = tpu.memref_slice %arg4[%add3A_78, %dma_wait3A_79] : memref<8192x128xf32, #tpu.memory_space<hbm>> -> memref<128x128xf32, #tpu.memory_space<hbm>>
      %dma_wait3A_81 = arith.constant 0 : i32
      %dma_wait3A_82 = tpu.memref_slice %arg4[%add3A_78, %dma_wait3A_81] : memref<8192x128xf32, #tpu.memory_space<hbm>> -> memref<128x128xf32, #tpu.memory_space<hbm>>
      tpu.wait_dma2 semaphore(%arg11 : memref<!tpu.dma_semaphore, #tpu.memory_space<semaphore_mem>>) src(%arg7 : memref<128x128xf32, #tpu.memory_space<vmem>>) dst(%dma_wait3A_82 : memref<128x128xf32, #tpu.memory_space<hbm>>)
      %add3A_83 = arith.constant 2 : i32
      %add3A_84 = arith.addi %add3A_42, %add3A_83 : i32
      %dma_start3A_85 = arith.constant 0 : i32
      %dma_start3A_86 = tpu.memref_slice %arg5[%add3A_84, %dma_start3A_85] : memref<2x128xi32, #tpu.memory_space<vmem>> -> memref<1x128xi32, #tpu.memory_space<vmem>>
      %dma_start3A_87 = tpu.memref_squeeze %dma_start3A_86 : memref<1x128xi32, #tpu.memory_space<vmem>> -> memref<128xi32, #tpu.memory_space<vmem>>
      %dma_start3A_88 = arith.constant 0 : i32
      %dma_start3A_89 = arith.constant 0 : i32
      %dma_start3A_90 = tpu.memref_slice %arg2[%dma_start3A_88, %dma_start3A_89] : memref<8192x128xf32, #tpu.memory_space<hbm>> -> memref<8192x128xf32, #tpu.memory_space<hbm>>
      tpu.enqueue_indirect_dma source(%dma_start3A_90 : memref<8192x128xf32, #tpu.memory_space<hbm>>) target(%arg7 : memref<128x128xf32, #tpu.memory_space<vmem>>) offsets(%dma_start3A_87 : memref<128xi32, #tpu.memory_space<vmem>>) semaphore(%arg9 : memref<!tpu.dma_semaphore, #tpu.memory_space<semaphore_mem>>)
    } else {
    }
    %scan3A_63 = arith.constant 1 : i32
    %add3A_64 = arith.constant 0 : i32
    %add3A_65 = arith.addi %mul3A_4, %add3A_64 : i32
    %dma_wait3A_66 = arith.constant 0 : i32
    %dma_wait3A_67 = tpu.memref_slice %arg4[%add3A_65, %dma_wait3A_66] : memref<8192x128xf32, #tpu.memory_space<hbm>> -> memref<128x128xf32, #tpu.memory_space<hbm>>
    %dma_wait3A_68 = arith.constant 0 : i32
    %dma_wait3A_69 = tpu.memref_slice %arg4[%add3A_65, %dma_wait3A_68] : memref<8192x128xf32, #tpu.memory_space<hbm>> -> memref<128x128xf32, #tpu.memory_space<hbm>>
    tpu.wait_dma2 semaphore(%arg10 : memref<!tpu.dma_semaphore, #tpu.memory_space<semaphore_mem>>) src(%arg6 : memref<128x128xf32, #tpu.memory_space<vmem>>) dst(%dma_wait3A_69 : memref<128x128xf32, #tpu.memory_space<hbm>>)
    %add3A_70 = arith.constant 128 : i32
    %add3A_71 = arith.addi %mul3A_4, %add3A_70 : i32
    %dma_wait3A_72 = arith.constant 0 : i32
    %dma_wait3A_73 = tpu.memref_slice %arg4[%add3A_71, %dma_wait3A_72] : memref<8192x128xf32, #tpu.memory_space<hbm>> -> memref<128x128xf32, #tpu.memory_space<hbm>>
    %dma_wait3A_74 = arith.constant 0 : i32
    %dma_wait3A_75 = tpu.memref_slice %arg4[%add3A_71, %dma_wait3A_74] : memref<8192x128xf32, #tpu.memory_space<hbm>> -> memref<128x128xf32, #tpu.memory_space<hbm>>
    tpu.wait_dma2 semaphore(%arg11 : memref<!tpu.dma_semaphore, #tpu.memory_space<semaphore_mem>>) src(%arg7 : memref<128x128xf32, #tpu.memory_space<vmem>>) dst(%dma_wait3A_75 : memref<128x128xf32, #tpu.memory_space<hbm>>)
    return
  }
}

#map = affine_map<(d0, d1) -> (0, 0)>
#map1 = affine_map<(d0, d1) -> (0, 0, 0)>
module attributes {stable_mosaic.version = 14 : i64} {
  func.func @_sc_unperm_body(%arg0: i32, %arg1: i32, %arg2: memref<8192x128xf32, #tpu.memory_space<hbm>>, %arg3: memref<32x2x128xi32, #tpu.memory_space<hbm>>, %arg4: memref<8192x128xf32, #tpu.memory_space<hbm>>, %arg5: memref<2x128xi32, #tpu.memory_space<vmem>>, %arg6: memref<128x128xf32, #tpu.memory_space<vmem>>, %arg7: memref<128x128xf32, #tpu.memory_space<vmem>>, %arg8: memref<!tpu.dma_semaphore, #tpu.memory_space<semaphore_mem>>, %arg9: memref<!tpu.dma_semaphore, #tpu.memory_space<semaphore_mem>>, %arg10: memref<!tpu.dma_semaphore, #tpu.memory_space<semaphore_mem>>, %arg11: memref<!tpu.dma_semaphore, #tpu.memory_space<semaphore_mem>>) attributes {dimension_semantics = [#tpu.dimension_semantics<core_parallel>, #tpu.dimension_semantics<subcore_parallel>], iteration_bounds = array<i64: 2, 16>, scalar_prefetch = 0 : i64, scratch_operands = 7 : i64, tpu.core_type = #tpu.core_type<sc_vector_subcore>, window_params = [{transform_indices = #map}, {transform_indices = #map1}, {transform_indices = #map}]} {
    %mul3A = arith.constant 2 : i32
    %mul3A_0 = arith.muli %arg1, %mul3A : i32
    %add3A = arith.addi %mul3A_0, %arg0 : i32
    "tpu.region"() ({
      %run_scoped3A = tpu.sem_alloc : memref<!tpu.dma_semaphore, #tpu.memory_space<semaphore_mem>>
      %dma_start3A_76 = arith.constant 0 : i32
      %dma_start3A_77 = arith.constant 0 : i32
      %dma_start3A_78 = tpu.memref_slice %arg3[%add3A, %dma_start3A_76, %dma_start3A_77] : memref<32x2x128xi32, #tpu.memory_space<hbm>> -> memref<1x2x128xi32, #tpu.memory_space<hbm>>
      %dma_start3A_79 = tpu.memref_squeeze %dma_start3A_78 : memref<1x2x128xi32, #tpu.memory_space<hbm>> -> memref<2x128xi32, #tpu.memory_space<hbm>>
      %dma_start3A_80 = arith.constant 0 : i32
      %dma_start3A_81 = arith.constant 0 : i32
      %dma_start3A_82 = tpu.memref_slice %arg3[%add3A, %dma_start3A_80, %dma_start3A_81] : memref<32x2x128xi32, #tpu.memory_space<hbm>> -> memref<1x2x128xi32, #tpu.memory_space<hbm>>
      %dma_start3A_83 = tpu.memref_squeeze %dma_start3A_82 : memref<1x2x128xi32, #tpu.memory_space<hbm>> -> memref<2x128xi32, #tpu.memory_space<hbm>>
      tpu.enqueue_dma source(%dma_start3A_83 : memref<2x128xi32, #tpu.memory_space<hbm>>) target(%arg5 : memref<2x128xi32, #tpu.memory_space<vmem>>) target_semaphore(%run_scoped3A : memref<!tpu.dma_semaphore, #tpu.memory_space<semaphore_mem>>)
      %dma_wait3A_84 = arith.constant 0 : i32
      %dma_wait3A_85 = arith.constant 0 : i32
      %dma_wait3A_86 = tpu.memref_slice %arg3[%add3A, %dma_wait3A_84, %dma_wait3A_85] : memref<32x2x128xi32, #tpu.memory_space<hbm>> -> memref<1x2x128xi32, #tpu.memory_space<hbm>>
      %dma_wait3A_87 = tpu.memref_squeeze %dma_wait3A_86 : memref<1x2x128xi32, #tpu.memory_space<hbm>> -> memref<2x128xi32, #tpu.memory_space<hbm>>
      %dma_wait3A_88 = arith.constant 0 : i32
      %dma_wait3A_89 = arith.constant 0 : i32
      %dma_wait3A_90 = tpu.memref_slice %arg3[%add3A, %dma_wait3A_88, %dma_wait3A_89] : memref<32x2x128xi32, #tpu.memory_space<hbm>> -> memref<1x2x128xi32, #tpu.memory_space<hbm>>
      %dma_wait3A_91 = tpu.memref_squeeze %dma_wait3A_90 : memref<1x2x128xi32, #tpu.memory_space<hbm>> -> memref<2x128xi32, #tpu.memory_space<hbm>>
      tpu.wait_dma2 semaphore(%run_scoped3A : memref<!tpu.dma_semaphore, #tpu.memory_space<semaphore_mem>>) src(%dma_wait3A_91 : memref<2x128xi32, #tpu.memory_space<hbm>>) dst(%arg5 : memref<2x128xi32, #tpu.memory_space<vmem>>)
      tpu.yield
    }) : () -> ()
    %mul3A_1 = arith.constant 2 : i32
    %mul3A_2 = arith.muli %add3A, %mul3A_1 : i32
    %mul3A_3 = arith.constant 128 : i32
    %mul3A_4 = arith.muli %mul3A_2, %mul3A_3 : i32
    %dma_start3A = arith.constant 0 : i32
    %dma_start3A_5 = arith.constant 0 : i32
    %dma_start3A_6 = tpu.memref_slice %arg5[%dma_start3A, %dma_start3A_5] : memref<2x128xi32, #tpu.memory_space<vmem>> -> memref<1x128xi32, #tpu.memory_space<vmem>>
    %dma_start3A_7 = tpu.memref_squeeze %dma_start3A_6 : memref<1x128xi32, #tpu.memory_space<vmem>> -> memref<128xi32, #tpu.memory_space<vmem>>
    %dma_start3A_8 = arith.constant 0 : i32
    %dma_start3A_9 = arith.constant 0 : i32
    %dma_start3A_10 = tpu.memref_slice %arg2[%dma_start3A_8, %dma_start3A_9] : memref<8192x128xf32, #tpu.memory_space<hbm>> -> memref<8192x128xf32, #tpu.memory_space<hbm>>
    tpu.enqueue_indirect_dma source(%dma_start3A_10 : memref<8192x128xf32, #tpu.memory_space<hbm>>) target(%arg6 : memref<128x128xf32, #tpu.memory_space<vmem>>) offsets(%dma_start3A_7 : memref<128xi32, #tpu.memory_space<vmem>>) semaphore(%arg8 : memref<!tpu.dma_semaphore, #tpu.memory_space<semaphore_mem>>)
    %dma_start3A_11 = arith.constant 1 : i32
    %dma_start3A_12 = arith.constant 0 : i32
    %dma_start3A_13 = tpu.memref_slice %arg5[%dma_start3A_11, %dma_start3A_12] : memref<2x128xi32, #tpu.memory_space<vmem>> -> memref<1x128xi32, #tpu.memory_space<vmem>>
    %dma_start3A_14 = tpu.memref_squeeze %dma_start3A_13 : memref<1x128xi32, #tpu.memory_space<vmem>> -> memref<128xi32, #tpu.memory_space<vmem>>
    %dma_start3A_15 = arith.constant 0 : i32
    %dma_start3A_16 = arith.constant 0 : i32
    %dma_start3A_17 = tpu.memref_slice %arg2[%dma_start3A_15, %dma_start3A_16] : memref<8192x128xf32, #tpu.memory_space<hbm>> -> memref<8192x128xf32, #tpu.memory_space<hbm>>
    tpu.enqueue_indirect_dma source(%dma_start3A_17 : memref<8192x128xf32, #tpu.memory_space<hbm>>) target(%arg7 : memref<128x128xf32, #tpu.memory_space<vmem>>) offsets(%dma_start3A_14 : memref<128xi32, #tpu.memory_space<vmem>>) semaphore(%arg9 : memref<!tpu.dma_semaphore, #tpu.memory_space<semaphore_mem>>)
    %scan3A = arith.constant 0 : i32
    %scan3A_18 = arith.constant 0 : i32
    %mul3A_19 = arith.constant 2 : i32
    %mul3A_20 = arith.muli %scan3A_18, %mul3A_19 : i32
    %add3A_21 = arith.constant 0 : i32
    %add3A_22 = arith.addi %mul3A_20, %add3A_21 : i32
    %dma_wait3A = arith.constant 0 : i32
    %dma_wait3A_23 = tpu.memref_slice %arg5[%add3A_22, %dma_wait3A] : memref<2x128xi32, #tpu.memory_space<vmem>> -> memref<1x128xi32, #tpu.memory_space<vmem>>
    %dma_wait3A_24 = tpu.memref_squeeze %dma_wait3A_23 : memref<1x128xi32, #tpu.memory_space<vmem>> -> memref<128xi32, #tpu.memory_space<vmem>>
    %dma_wait3A_25 = arith.constant 0 : i32
    %dma_wait3A_26 = arith.constant 0 : i32
    %dma_wait3A_27 = tpu.memref_slice %arg2[%dma_wait3A_25, %dma_wait3A_26] : memref<8192x128xf32, #tpu.memory_space<hbm>> -> memref<8192x128xf32, #tpu.memory_space<hbm>>
    tpu.wait_indirect_dma semaphore(%arg8 : memref<!tpu.dma_semaphore, #tpu.memory_space<semaphore_mem>>) src(%dma_wait3A_27 : memref<8192x128xf32, #tpu.memory_space<hbm>>) dst(%arg6 : memref<128x128xf32, #tpu.memory_space<vmem>>)
    %mul3A_28 = arith.constant 128 : i32
    %mul3A_29 = arith.muli %add3A_22, %mul3A_28 : i32
    %add3A_30 = arith.addi %mul3A_4, %mul3A_29 : i32
    %dma_start3A_31 = arith.constant 0 : i32
    %dma_start3A_32 = tpu.memref_slice %arg4[%add3A_30, %dma_start3A_31] : memref<8192x128xf32, #tpu.memory_space<hbm>> -> memref<128x128xf32, #tpu.memory_space<hbm>>
    %dma_start3A_33 = arith.constant 0 : i32
    %dma_start3A_34 = tpu.memref_slice %arg4[%add3A_30, %dma_start3A_33] : memref<8192x128xf32, #tpu.memory_space<hbm>> -> memref<128x128xf32, #tpu.memory_space<hbm>>
    tpu.enqueue_dma source(%arg6 : memref<128x128xf32, #tpu.memory_space<vmem>>) target(%dma_start3A_34 : memref<128x128xf32, #tpu.memory_space<hbm>>) target_semaphore(%arg10 : memref<!tpu.dma_semaphore, #tpu.memory_space<semaphore_mem>>)
    %add3A_35 = arith.constant 2 : i32
    %add3A_36 = arith.addi %add3A_22, %add3A_35 : i32
    %lt3A = arith.constant 2 : i32
    %lt3A_37 = arith.cmpi slt, %add3A_36, %lt3A : i32
    %convert_element_type3A = arith.extui %lt3A_37 : i1 to i32
    %cond3A = arith.constant 0 : i32
    %cond3A_38 = arith.cmpi ne, %convert_element_type3A, %cond3A : i32
    scf.if %cond3A_38 {
      %mul3A_76 = arith.constant 128 : i32
      %mul3A_77 = arith.muli %add3A_22, %mul3A_76 : i32
      %add3A_78 = arith.addi %mul3A_4, %mul3A_77 : i32
      %dma_wait3A_79 = arith.constant 0 : i32
      %dma_wait3A_80 = tpu.memref_slice %arg4[%add3A_78, %dma_wait3A_79] : memref<8192x128xf32, #tpu.memory_space<hbm>> -> memref<128x128xf32, #tpu.memory_space<hbm>>
      %dma_wait3A_81 = arith.constant 0 : i32
      %dma_wait3A_82 = tpu.memref_slice %arg4[%add3A_78, %dma_wait3A_81] : memref<8192x128xf32, #tpu.memory_space<hbm>> -> memref<128x128xf32, #tpu.memory_space<hbm>>
      tpu.wait_dma2 semaphore(%arg10 : memref<!tpu.dma_semaphore, #tpu.memory_space<semaphore_mem>>) src(%arg6 : memref<128x128xf32, #tpu.memory_space<vmem>>) dst(%dma_wait3A_82 : memref<128x128xf32, #tpu.memory_space<hbm>>)
      %add3A_83 = arith.constant 2 : i32
      %add3A_84 = arith.addi %add3A_22, %add3A_83 : i32
      %dma_start3A_85 = arith.constant 0 : i32
      %dma_start3A_86 = tpu.memref_slice %arg5[%add3A_84, %dma_start3A_85] : memref<2x128xi32, #tpu.memory_space<vmem>> -> memref<1x128xi32, #tpu.memory_space<vmem>>
      %dma_start3A_87 = tpu.memref_squeeze %dma_start3A_86 : memref<1x128xi32, #tpu.memory_space<vmem>> -> memref<128xi32, #tpu.memory_space<vmem>>
      %dma_start3A_88 = arith.constant 0 : i32
      %dma_start3A_89 = arith.constant 0 : i32
      %dma_start3A_90 = tpu.memref_slice %arg2[%dma_start3A_88, %dma_start3A_89] : memref<8192x128xf32, #tpu.memory_space<hbm>> -> memref<8192x128xf32, #tpu.memory_space<hbm>>
      tpu.enqueue_indirect_dma source(%dma_start3A_90 : memref<8192x128xf32, #tpu.memory_space<hbm>>) target(%arg6 : memref<128x128xf32, #tpu.memory_space<vmem>>) offsets(%dma_start3A_87 : memref<128xi32, #tpu.memory_space<vmem>>) semaphore(%arg8 : memref<!tpu.dma_semaphore, #tpu.memory_space<semaphore_mem>>)
    } else {
    }
    %mul3A_39 = arith.constant 2 : i32
    %mul3A_40 = arith.muli %scan3A_18, %mul3A_39 : i32
    %add3A_41 = arith.constant 1 : i32
    %add3A_42 = arith.addi %mul3A_40, %add3A_41 : i32
    %dma_wait3A_43 = arith.constant 0 : i32
    %dma_wait3A_44 = tpu.memref_slice %arg5[%add3A_42, %dma_wait3A_43] : memref<2x128xi32, #tpu.memory_space<vmem>> -> memref<1x128xi32, #tpu.memory_space<vmem>>
    %dma_wait3A_45 = tpu.memref_squeeze %dma_wait3A_44 : memref<1x128xi32, #tpu.memory_space<vmem>> -> memref<128xi32, #tpu.memory_space<vmem>>
    %dma_wait3A_46 = arith.constant 0 : i32
    %dma_wait3A_47 = arith.constant 0 : i32
    %dma_wait3A_48 = tpu.memref_slice %arg2[%dma_wait3A_46, %dma_wait3A_47] : memref<8192x128xf32, #tpu.memory_space<hbm>> -> memref<8192x128xf32, #tpu.memory_space<hbm>>
    tpu.wait_indirect_dma semaphore(%arg9 : memref<!tpu.dma_semaphore, #tpu.memory_space<semaphore_mem>>) src(%dma_wait3A_48 : memref<8192x128xf32, #tpu.memory_space<hbm>>) dst(%arg7 : memref<128x128xf32, #tpu.memory_space<vmem>>)
    %mul3A_49 = arith.constant 128 : i32
    %mul3A_50 = arith.muli %add3A_42, %mul3A_49 : i32
    %add3A_51 = arith.addi %mul3A_4, %mul3A_50 : i32
    %dma_start3A_52 = arith.constant 0 : i32
    %dma_start3A_53 = tpu.memref_slice %arg4[%add3A_51, %dma_start3A_52] : memref<8192x128xf32, #tpu.memory_space<hbm>> -> memref<128x128xf32, #tpu.memory_space<hbm>>
    %dma_start3A_54 = arith.constant 0 : i32
    %dma_start3A_55 = tpu.memref_slice %arg4[%add3A_51, %dma_start3A_54] : memref<8192x128xf32, #tpu.memory_space<hbm>> -> memref<128x128xf32, #tpu.memory_space<hbm>>
    tpu.enqueue_dma source(%arg7 : memref<128x128xf32, #tpu.memory_space<vmem>>) target(%dma_start3A_55 : memref<128x128xf32, #tpu.memory_space<hbm>>) target_semaphore(%arg11 : memref<!tpu.dma_semaphore, #tpu.memory_space<semaphore_mem>>)
    %add3A_56 = arith.constant 2 : i32
    %add3A_57 = arith.addi %add3A_42, %add3A_56 : i32
    %lt3A_58 = arith.constant 2 : i32
    %lt3A_59 = arith.cmpi slt, %add3A_57, %lt3A_58 : i32
    %convert_element_type3A_60 = arith.extui %lt3A_59 : i1 to i32
    %cond3A_61 = arith.constant 0 : i32
    %cond3A_62 = arith.cmpi ne, %convert_element_type3A_60, %cond3A_61 : i32
    scf.if %cond3A_62 {
      %mul3A_76 = arith.constant 128 : i32
      %mul3A_77 = arith.muli %add3A_42, %mul3A_76 : i32
      %add3A_78 = arith.addi %mul3A_4, %mul3A_77 : i32
      %dma_wait3A_79 = arith.constant 0 : i32
      %dma_wait3A_80 = tpu.memref_slice %arg4[%add3A_78, %dma_wait3A_79] : memref<8192x128xf32, #tpu.memory_space<hbm>> -> memref<128x128xf32, #tpu.memory_space<hbm>>
      %dma_wait3A_81 = arith.constant 0 : i32
      %dma_wait3A_82 = tpu.memref_slice %arg4[%add3A_78, %dma_wait3A_81] : memref<8192x128xf32, #tpu.memory_space<hbm>> -> memref<128x128xf32, #tpu.memory_space<hbm>>
      tpu.wait_dma2 semaphore(%arg11 : memref<!tpu.dma_semaphore, #tpu.memory_space<semaphore_mem>>) src(%arg7 : memref<128x128xf32, #tpu.memory_space<vmem>>) dst(%dma_wait3A_82 : memref<128x128xf32, #tpu.memory_space<hbm>>)
      %add3A_83 = arith.constant 2 : i32
      %add3A_84 = arith.addi %add3A_42, %add3A_83 : i32
      %dma_start3A_85 = arith.constant 0 : i32
      %dma_start3A_86 = tpu.memref_slice %arg5[%add3A_84, %dma_start3A_85] : memref<2x128xi32, #tpu.memory_space<vmem>> -> memref<1x128xi32, #tpu.memory_space<vmem>>
      %dma_start3A_87 = tpu.memref_squeeze %dma_start3A_86 : memref<1x128xi32, #tpu.memory_space<vmem>> -> memref<128xi32, #tpu.memory_space<vmem>>
      %dma_start3A_88 = arith.constant 0 : i32
      %dma_start3A_89 = arith.constant 0 : i32
      %dma_start3A_90 = tpu.memref_slice %arg2[%dma_start3A_88, %dma_start3A_89] : memref<8192x128xf32, #tpu.memory_space<hbm>> -> memref<8192x128xf32, #tpu.memory_space<hbm>>
      tpu.enqueue_indirect_dma source(%dma_start3A_90 : memref<8192x128xf32, #tpu.memory_space<hbm>>) target(%arg7 : memref<128x128xf32, #tpu.memory_space<vmem>>) offsets(%dma_start3A_87 : memref<128xi32, #tpu.memory_space<vmem>>) semaphore(%arg9 : memref<!tpu.dma_semaphore, #tpu.memory_space<semaphore_mem>>)
    } else {
    }
    %scan3A_63 = arith.constant 1 : i32
    %add3A_64 = arith.constant 0 : i32
    %add3A_65 = arith.addi %mul3A_4, %add3A_64 : i32
    %dma_wait3A_66 = arith.constant 0 : i32
    %dma_wait3A_67 = tpu.memref_slice %arg4[%add3A_65, %dma_wait3A_66] : memref<8192x128xf32, #tpu.memory_space<hbm>> -> memref<128x128xf32, #tpu.memory_space<hbm>>
    %dma_wait3A_68 = arith.constant 0 : i32
    %dma_wait3A_69 = tpu.memref_slice %arg4[%add3A_65, %dma_wait3A_68] : memref<8192x128xf32, #tpu.memory_space<hbm>> -> memref<128x128xf32, #tpu.memory_space<hbm>>
    tpu.wait_dma2 semaphore(%arg10 : memref<!tpu.dma_semaphore, #tpu.memory_space<semaphore_mem>>) src(%arg6 : memref<128x128xf32, #tpu.memory_space<vmem>>) dst(%dma_wait3A_69 : memref<128x128xf32, #tpu.memory_space<hbm>>)
    %add3A_70 = arith.constant 128 : i32
    %add3A_71 = arith.addi %mul3A_4, %add3A_70 : i32
    %dma_wait3A_72 = arith.constant 0 : i32
    %dma_wait3A_73 = tpu.memref_slice %arg4[%add3A_71, %dma_wait3A_72] : memref<8192x128xf32, #tpu.memory_space<hbm>> -> memref<128x128xf32, #tpu.memory_space<hbm>>
    %dma_wait3A_74 = arith.constant 0 : i32
    %dma_wait3A_75 = tpu.memref_slice %arg4[%add3A_71, %dma_wait3A_74] : memref<8192x128xf32, #tpu.memory_space<hbm>> -> memref<128x128xf32, #tpu.memory_space<hbm>>
    tpu.wait_dma2 semaphore(%arg11 : memref<!tpu.dma_semaphore, #tpu.memory_space<semaphore_mem>>) src(%arg7 : memref<128x128xf32, #tpu.memory_space<vmem>>) dst(%dma_wait3A_75 : memref<128x128xf32, #tpu.memory_space<hbm>>)
    return
  }
}

module attributes {stable_mosaic.version = 14 : i64} {
  func.func @_gru_body(%arg0: i32, %arg1: i32, %arg2: memref<2xi32, #tpu.memory_space<smem>>, %arg3: memref<1x4096x128xf32, #tpu.memory_space<vmem>>, %arg4: memref<4096x128xf32, #tpu.memory_space<vmem>>, %arg5: memref<4096x128xf32, #tpu.memory_space<vmem>>, %arg6: memref<1x4096x1xi32, #tpu.memory_space<vmem>>, %arg7: memref<384x384xbf16, #tpu.memory_space<vmem>>, %arg8: memref<128x384xbf16, #tpu.memory_space<vmem>>, %arg9: memref<1x384xf32, #tpu.memory_space<vmem>>, %arg10: memref<1x384xf32, #tpu.memory_space<vmem>>, %arg11: memref<4096x128xf32, #tpu.memory_space<vmem>>, %arg12: memref<4096x384xf32, #tpu.memory_space<vmem>>) attributes {dimension_semantics = [#tpu.dimension_semantics<arbitrary>, #tpu.dimension_semantics<arbitrary>], iteration_bounds = array<i64: 2, 10>, scalar_prefetch = 1 : i64, scratch_operands = 1 : i64, tpu.core_type = #tpu.core_type<tc>, window_params = [{transform_indices = @transform_0, window_bounds = array<i64: 1, 4096, 128>}, {transform_indices = @transform_1, window_bounds = array<i64: 4096, 128>}, {transform_indices = @transform_2, window_bounds = array<i64: 4096, 128>}, {transform_indices = @transform_3, window_bounds = array<i64: 1, 4096, 1>}, {pipeline_mode = #tpu.pipeline_mode<synchronous>, transform_indices = @transform_4, window_bounds = array<i64: 384, 384>}, {pipeline_mode = #tpu.pipeline_mode<synchronous>, transform_indices = @transform_5, window_bounds = array<i64: 128, 384>}, {pipeline_mode = #tpu.pipeline_mode<synchronous>, transform_indices = @transform_6, window_bounds = array<i64: 1, 384>}, {pipeline_mode = #tpu.pipeline_mode<synchronous>, transform_indices = @transform_7, window_bounds = array<i64: 1, 384>}, {transform_indices = @transform_8, window_bounds = array<i64: 4096, 128>}]} {
    %get3A = arith.index_cast %arg0 : i32 to index
    %get3A_0 = memref.load %arg2[%get3A] : memref<2xi32, #tpu.memory_space<smem>>
    %eq3A = arith.constant 0 : i32
    %eq3A_1 = arith.cmpi eq, %arg1, %eq3A : i32
    %convert_element_type3A = arith.extui %eq3A_1 : i1 to i32
    %cond3A = arith.constant 0 : i32
    %cond3A_2 = arith.cmpi ne, %convert_element_type3A, %cond3A : i32
    scf.if %cond3A_2 {
      %broadcast_in_dim3A = arith.constant 0.000000e+00 : f32
      %broadcast_in_dim3A_12 = vector.broadcast %broadcast_in_dim3A : f32 to vector<4096x128xf32>
      %swap3A = arith.constant 0 : index
      %swap3A_13 = arith.constant 0 : index
      %swap3A_14 = vector.load %arg11[%swap3A, %swap3A_13] : memref<4096x128xf32, #tpu.memory_space<vmem>>, vector<4096x128xf32>
      tpu.vector_store %arg11[%swap3A, %swap3A_13], %broadcast_in_dim3A_12 {strides = array<i32>} : memref<4096x128xf32, #tpu.memory_space<vmem>>, vector<4096x128xf32>,
    } else {
    }
    %eq3A_3 = arith.constant 0 : i32
    %eq3A_4 = arith.cmpi eq, %arg1, %eq3A_3 : i32
    %gt3A = arith.constant 0 : i32
    %gt3A_5 = arith.cmpi sgt, %get3A_0, %gt3A : i32
    %and3A = arith.andi %eq3A_4, %gt3A_5 : i1
    %convert_element_type3A_6 = arith.extui %and3A : i1 to i32
    %cond3A_7 = arith.constant 0 : i32
    %cond3A_8 = arith.cmpi ne, %convert_element_type3A_6, %cond3A_7 : i32
    scf.if %cond3A_8 {
      %get3A_12 = arith.constant 0 : index
      %get3A_13 = arith.constant 0 : index
      %get3A_14 = vector.load %arg4[%get3A_12, %get3A_13] : memref<4096x128xf32, #tpu.memory_space<vmem>>, vector<4096x128xf32>
      %convert_element_type3A_15 = arith.truncf %get3A_14 : vector<4096x128xf32> to vector<4096x128xbf16>
      %get3A_16 = arith.constant 0 : index
      %get3A_17 = arith.constant 0 : index
      %get3A_18 = vector.load %arg5[%get3A_16, %get3A_17] : memref<4096x128xf32, #tpu.memory_space<vmem>>, vector<4096x128xf32>
      %convert_element_type3A_19 = arith.truncf %get3A_18 : vector<4096x128xf32> to vector<4096x128xbf16>
      %get3A_20 = arith.constant 0 : index
      %get3A_21 = arith.constant 0 : index
      %get3A_22 = vector.load %arg7[%get3A_20, %get3A_21] : memref<384x384xbf16, #tpu.memory_space<vmem>>, vector<128x384xbf16>
      %dot_general3A = arith.constant dense<0.000000e+00> : vector<4096x384xf32>
      %dot_general3A_23 = tpu.matmul %convert_element_type3A_15, %get3A_22, %dot_general3A {dimension_numbers = #tpu.dot_dimension_numbers<[1], [0], [0], [1], [0, 0, 1, 1], [], []>, transpose_lhs_hint = false} : vector<4096x128xbf16>, vector<128x384xbf16>, vector<4096x384xf32> -> vector<4096x384xf32>
      %get3A_24 = arith.constant 128 : index
      %get3A_25 = arith.constant 0 : index
      %get3A_26 = vector.load %arg7[%get3A_24, %get3A_25] : memref<384x384xbf16, #tpu.memory_space<vmem>>, vector<128x384xbf16>
      %dot_general3A_27 = arith.constant dense<0.000000e+00> : vector<4096x384xf32>
      %dot_general3A_28 = tpu.matmul %convert_element_type3A_19, %get3A_26, %dot_general3A_27 {dimension_numbers = #tpu.dot_dimension_numbers<[1], [0], [0], [1], [0, 0, 1, 1], [], []>, transpose_lhs_hint = false} : vector<4096x128xbf16>, vector<128x384xbf16>, vector<4096x384xf32> -> vector<4096x384xf32>
      %add3A = arith.addf %dot_general3A_23, %dot_general3A_28 : vector<4096x384xf32>
      %get3A_29 = arith.constant 0 : index
      %get3A_30 = arith.constant 0 : index
      %get3A_31 = vector.load %arg9[%get3A_29, %get3A_30] : memref<1x384xf32, #tpu.memory_space<vmem>>, vector<1x384xf32>
      %add3A_32 = vector.broadcast %get3A_31 : vector<1x384xf32> to vector<4096x384xf32>
      %add3A_33 = arith.addf %add3A, %add3A_32 : vector<4096x384xf32>
      %swap3A = arith.constant 0 : index
      %swap3A_34 = arith.constant 0 : index
      %swap3A_35 = vector.load %arg12[%swap3A, %swap3A_34] : memref<4096x384xf32, #tpu.memory_space<vmem>>, vector<4096x384xf32>
      tpu.vector_store %arg12[%swap3A, %swap3A_34], %add3A_33 {strides = array<i32>} : memref<4096x384xf32, #tpu.memory_space<vmem>>, vector<4096x384xf32>,
    } else {
    }
    %lt3A = arith.cmpi slt, %arg1, %get3A_0 : i32
    %convert_element_type3A_9 = arith.extui %lt3A : i1 to i32
    %cond3A_10 = arith.constant 0 : i32
    %cond3A_11 = arith.cmpi ne, %convert_element_type3A_9, %cond3A_10 : i32
    scf.if %cond3A_11 {
      %get3A_12 = arith.constant 0 : index
      %get3A_13 = arith.constant 0 : index
      %get3A_14 = vector.load %arg11[%get3A_12, %get3A_13] : memref<4096x128xf32, #tpu.memory_space<vmem>>, vector<4096x128xf32>
      %get3A_15 = arith.constant 0 : index
      %get3A_16 = arith.constant 0 : index
      %get3A_17 = arith.constant 0 : index
      %get3A_18 = vector.load %arg3[%get3A_15, %get3A_16, %get3A_17] : memref<1x4096x128xf32, #tpu.memory_space<vmem>>, vector<1x4096x128xf32>
      %get3A_19 = vector.shape_cast %get3A_18 : vector<1x4096x128xf32> to vector<4096x128xf32>
      %convert_element_type3A_20 = arith.truncf %get3A_19 : vector<4096x128xf32> to vector<4096x128xbf16>
      %get3A_21 = arith.constant 0 : index
      %get3A_22 = arith.constant 0 : index
      %get3A_23 = vector.load %arg12[%get3A_21, %get3A_22] : memref<4096x384xf32, #tpu.memory_space<vmem>>, vector<4096x384xf32>
      %get3A_24 = arith.constant 256 : index
      %get3A_25 = arith.constant 0 : index
      %get3A_26 = vector.load %arg7[%get3A_24, %get3A_25] : memref<384x384xbf16, #tpu.memory_space<vmem>>, vector<128x384xbf16>
      %dot_general3A = arith.constant dense<0.000000e+00> : vector<4096x384xf32>
      %dot_general3A_27 = tpu.matmul %convert_element_type3A_20, %get3A_26, %dot_general3A {dimension_numbers = #tpu.dot_dimension_numbers<[1], [0], [0], [1], [0, 0, 1, 1], [], []>, transpose_lhs_hint = false} : vector<4096x128xbf16>, vector<128x384xbf16>, vector<4096x384xf32> -> vector<4096x384xf32>
      %add3A = arith.addf %get3A_23, %dot_general3A_27 : vector<4096x384xf32>
      %convert_element_type3A_28 = arith.truncf %get3A_14 : vector<4096x128xf32> to vector<4096x128xbf16>
      %get3A_29 = arith.constant 0 : index
      %get3A_30 = arith.constant 0 : index
      %get3A_31 = vector.load %arg8[%get3A_29, %get3A_30] : memref<128x384xbf16, #tpu.memory_space<vmem>>, vector<128x384xbf16>
      %dot_general3A_32 = arith.constant dense<0.000000e+00> : vector<4096x384xf32>
      %dot_general3A_33 = tpu.matmul %convert_element_type3A_28, %get3A_31, %dot_general3A_32 {dimension_numbers = #tpu.dot_dimension_numbers<[1], [0], [0], [1], [0, 0, 1, 1], [], []>, transpose_lhs_hint = false} : vector<4096x128xbf16>, vector<128x384xbf16>, vector<4096x384xf32> -> vector<4096x384xf32>
      %get3A_34 = arith.constant 0 : index
      %get3A_35 = arith.constant 0 : index
      %get3A_36 = vector.load %arg10[%get3A_34, %get3A_35] : memref<1x384xf32, #tpu.memory_space<vmem>>, vector<1x384xf32>
      %add3A_37 = vector.broadcast %get3A_36 : vector<1x384xf32> to vector<4096x384xf32>
      %add3A_38 = arith.addf %dot_general3A_33, %add3A_37 : vector<4096x384xf32>
      %slice3A = vector.extract_strided_slice %add3A {offsets = [0, 0], sizes = [4096, 128], strides = [1, 1]} : vector<4096x384xf32> to vector<4096x128xf32>
      %slice3A_39 = vector.extract_strided_slice %add3A {offsets = [0, 128], sizes = [4096, 128], strides = [1, 1]} : vector<4096x384xf32> to vector<4096x128xf32>
      %slice3A_40 = vector.extract_strided_slice %add3A {offsets = [0, 256], sizes = [4096, 128], strides = [1, 1]} : vector<4096x384xf32> to vector<4096x128xf32>
      %slice3A_41 = vector.extract_strided_slice %add3A_38 {offsets = [0, 0], sizes = [4096, 128], strides = [1, 1]} : vector<4096x384xf32> to vector<4096x128xf32>
      %slice3A_42 = vector.extract_strided_slice %add3A_38 {offsets = [0, 128], sizes = [4096, 128], strides = [1, 1]} : vector<4096x384xf32> to vector<4096x128xf32>
      %slice3A_43 = vector.extract_strided_slice %add3A_38 {offsets = [0, 256], sizes = [4096, 128], strides = [1, 1]} : vector<4096x384xf32> to vector<4096x128xf32>
      %add3A_44 = arith.addf %slice3A, %slice3A_41 : vector<4096x128xf32>
      %mul3A = arith.constant 5.000000e-01 : f32
      %mul3A_45 = vector.broadcast %mul3A : f32 to vector<4096x128xf32>
      %mul3A_46 = arith.mulf %mul3A_45, %add3A_44 : vector<4096x128xf32>
      %tanh3A = math.tanh %mul3A_46 : vector<4096x128xf32>
      %mul3A_47 = arith.constant 5.000000e-01 : f32
      %mul3A_48 = vector.broadcast %mul3A_47 : f32 to vector<4096x128xf32>
      %mul3A_49 = arith.mulf %mul3A_48, %tanh3A : vector<4096x128xf32>
      %add3A_50 = arith.constant 5.000000e-01 : f32
      %add3A_51 = vector.broadcast %add3A_50 : f32 to vector<4096x128xf32>
      %add3A_52 = arith.addf %mul3A_49, %add3A_51 : vector<4096x128xf32>
      %add3A_53 = arith.addf %slice3A_39, %slice3A_42 : vector<4096x128xf32>
      %mul3A_54 = arith.constant 5.000000e-01 : f32
      %mul3A_55 = vector.broadcast %mul3A_54 : f32 to vector<4096x128xf32>
      %mul3A_56 = arith.mulf %mul3A_55, %add3A_53 : vector<4096x128xf32>
      %tanh3A_57 = math.tanh %mul3A_56 : vector<4096x128xf32>
      %mul3A_58 = arith.constant 5.000000e-01 : f32
      %mul3A_59 = vector.broadcast %mul3A_58 : f32 to vector<4096x128xf32>
      %mul3A_60 = arith.mulf %mul3A_59, %tanh3A_57 : vector<4096x128xf32>
      %add3A_61 = arith.constant 5.000000e-01 : f32
      %add3A_62 = vector.broadcast %add3A_61 : f32 to vector<4096x128xf32>
      %add3A_63 = arith.addf %mul3A_60, %add3A_62 : vector<4096x128xf32>
      %mul3A_64 = arith.mulf %add3A_52, %slice3A_43 : vector<4096x128xf32>
      %add3A_65 = arith.addf %slice3A_40, %mul3A_64 : vector<4096x128xf32>
      %tanh3A_66 = math.tanh %add3A_65 : vector<4096x128xf32>
      %sub3A = arith.constant 1.000000e+00 : f32
      %sub3A_67 = vector.broadcast %sub3A : f32 to vector<4096x128xf32>
      %sub3A_68 = arith.subf %sub3A_67, %add3A_63 : vector<4096x128xf32>
      %mul3A_69 = arith.mulf %sub3A_68, %tanh3A_66 : vector<4096x128xf32>
      %mul3A_70 = arith.mulf %add3A_63, %get3A_14 : vector<4096x128xf32>
      %add3A_71 = arith.addf %mul3A_69, %mul3A_70 : vector<4096x128xf32>
      %get3A_72 = arith.constant 0 : index
      %get3A_73 = arith.constant 0 : index
      %get3A_74 = arith.constant 0 : index
      %get3A_75 = vector.load %arg6[%get3A_72, %get3A_73, %get3A_74] : memref<1x4096x1xi32, #tpu.memory_space<vmem>>, vector<1x4096x1xi32>
      %get3A_76 = vector.shape_cast %get3A_75 : vector<1x4096x1xi32> to vector<4096x1xi32>
      %gt3A_77 = vector.broadcast %arg1 : i32 to vector<4096x1xi32>
      %gt3A_78 = arith.cmpi sgt, %get3A_76, %gt3A_77 : vector<4096x1xi32>
      %broadcast_in_dim3A = vector.shape_cast %gt3A_78 : vector<4096x1xi1> to vector<4096x1xi1>
      %broadcast_in_dim3A_79 = vector.broadcast %broadcast_in_dim3A : vector<4096x1xi1> to vector<4096x128xi1>
      %select_n3A = arith.select %broadcast_in_dim3A_79, %add3A_71, %get3A_14 : vector<4096x128xi1>, vector<4096x128xf32>
      %swap3A = arith.constant 0 : index
      %swap3A_80 = arith.constant 0 : index
      %swap3A_81 = vector.load %arg11[%swap3A, %swap3A_80] : memref<4096x128xf32, #tpu.memory_space<vmem>>, vector<4096x128xf32>
      tpu.vector_store %arg11[%swap3A, %swap3A_80], %select_n3A {strides = array<i32>} : memref<4096x128xf32, #tpu.memory_space<vmem>>, vector<4096x128xf32>,
    } else {
    }
    return
  }
  func.func @transform_0(%arg0: i32, %arg1: i32, %arg2: memref<2xi32, #tpu.memory_space<smem>>) -> (i32, i32, i32) {
    %get3A = arith.index_cast %arg0 : i32 to index
    %get3A_0 = memref.load %arg2[%get3A] : memref<2xi32, #tpu.memory_space<smem>>
    %sub3A = arith.constant 1 : i32
    %sub3A_1 = arith.subi %get3A_0, %sub3A : i32
    %min3A = arith.minsi %arg1, %sub3A_1 : i32
    %max3A = arith.constant 0 : i32
    %max3A_2 = arith.maxsi %min3A, %max3A : i32
    %c0_i32 = arith.constant 0 : i32
    %c0_i32_3 = arith.constant 0 : i32
    return %max3A_2, %arg0, %c0_i32 : i32, i32, i32
  }
  func.func @transform_1(%arg0: i32, %arg1: i32, %arg2: memref<2xi32, #tpu.memory_space<smem>>) -> (i32, i32) {
    %c0_i32 = arith.constant 0 : i32
    %c0_i32_0 = arith.constant 0 : i32
    return %arg0, %c0_i32 : i32, i32
  }
  func.func @transform_2(%arg0: i32, %arg1: i32, %arg2: memref<2xi32, #tpu.memory_space<smem>>) -> (i32, i32) {
    %c0_i32 = arith.constant 0 : i32
    %c0_i32_0 = arith.constant 0 : i32
    return %arg0, %c0_i32 : i32, i32
  }
  func.func @transform_3(%arg0: i32, %arg1: i32, %arg2: memref<2xi32, #tpu.memory_space<smem>>) -> (i32, i32, i32) {
    %c0_i32 = arith.constant 0 : i32
    %c0_i32_0 = arith.constant 0 : i32
    %c0_i32_1 = arith.constant 0 : i32
    return %arg0, %c0_i32, %c0_i32_0 : i32, i32, i32
  }
  func.func @transform_4(%arg0: i32, %arg1: i32, %arg2: memref<2xi32, #tpu.memory_space<smem>>) -> (i32, i32) {
    %c0_i32 = arith.constant 0 : i32
    %c0_i32_0 = arith.constant 0 : i32
    %c0_i32_1 = arith.constant 0 : i32
    return %c0_i32, %c0_i32_0 : i32, i32
  }
  func.func @transform_5(%arg0: i32, %arg1: i32, %arg2: memref<2xi32, #tpu.memory_space<smem>>) -> (i32, i32) {
    %c0_i32 = arith.constant 0 : i32
    %c0_i32_0 = arith.constant 0 : i32
    %c0_i32_1 = arith.constant 0 : i32
    return %c0_i32, %c0_i32_0 : i32, i32
  }
  func.func @transform_6(%arg0: i32, %arg1: i32, %arg2: memref<2xi32, #tpu.memory_space<smem>>) -> (i32, i32) {
    %c0_i32 = arith.constant 0 : i32
    %c0_i32_0 = arith.constant 0 : i32
    %c0_i32_1 = arith.constant 0 : i32
    return %c0_i32, %c0_i32_0 : i32, i32
  }
  func.func @transform_7(%arg0: i32, %arg1: i32, %arg2: memref<2xi32, #tpu.memory_space<smem>>) -> (i32, i32) {
    %c0_i32 = arith.constant 0 : i32
    %c0_i32_0 = arith.constant 0 : i32
    %c0_i32_1 = arith.constant 0 : i32
    return %c0_i32, %c0_i32_0 : i32, i32
  }
  func.func @transform_8(%arg0: i32, %arg1: i32, %arg2: memref<2xi32, #tpu.memory_space<smem>>) -> (i32, i32) {
    %c0_i32 = arith.constant 0 : i32
    %c0_i32_0 = arith.constant 0 : i32
    return %arg0, %c0_i32 : i32, i32
  }
}

</mosaic_0001>

<sc_bundles>
// kernel: kernel.11.cloned.1.call-start
scs
__scs_entry_jumppad:
0x0: {  	(pc) =	sbr.rel $0x88, $3  }
0x1: {  	(tag) =	ssettag $0x0;
	lr =	simm.s32 $0x1  }
0x2: {  	[smem:$0x3F98] =	sst lr;
	_ =	strace $0xD0000000  }
0x3: {  	_ = 	snop  }
0x4: {  	_ = 	snop  }
0x5: {  	_ = 	snop  }
0x6: {  	_ = 	snop  }
0x7: {  	_ = 	snop  }
__scs_overlays_trampoline_lowered:
0x8: {  	[smem:$0x3FA7] =	sst s0  }
0x9: {  	[smem:$0x3FA8] =	sst s1  }
0xa: {  	[smem:$0x3FA9] =	sst s2  }
0xb: {  	[smem:$0x3FAA] =	sst s3  }
0xc: {  	[smem:$0x3FAB] =	sst s4  }
0xd: {  	[smem:$0x3FAC] =	sst s5  }
0xe: {  	[smem:$0x3FAD] =	sst s6  }
0xf: {  	[smem:$0x3FAE] =	sst s7  }
0x10: {  	[smem:$0x3FAF] =	sst s8  }
0x11: {  	[smem:$0x3FB0] =	sst s9;
	s0 =	simm.s32 @!p0 $0x0  }
0x12: {  	s1 =	sld [smem:$0x3F96];
	s0 =	simm.s32 @p0 $0x1  }
0x13: {  	[smem:$0x3FB1] =	sst s0;
	s0 =	simm.s32 @!p1 $0x0  }
0x14: {  	s2 =	sld [smem:$0x3F95];
	s0 =	simm.s32 @p1 $0x1  }
0x15: {  	[smem:$0x3FB2] =	sst s0;
	s0 =	simm.s32 @!p2 $0x0  }
0x16: {  	s3 =	sld [smem:$0x3FDB];
	s0 =	simm.s32 @p2 $0x1  }
0x17: {  	s4 =	simm.s32 $0x1BF5;
	[smem:$0x3FB4] =	sst s0  }
0x18: {  	s0 =	sld [smem:$0x3F97];
	_ =	swait.ge [sflag:s4], $0x0  }
0x19: {  	s7 =	sld [smem:$0x3F98]  }
0x1a: {  	s8 =	sadd.s32 $0xFFFFE003, lr  }
0x1b: {  	s9 =	sadd.s32 $0xFFFFFEF7, lr;
	s5 =	simm.s32 $0xFFFFFFFF;
	p2 =	slt.u32 s8, $0xFFFFF086  }
0x1c: {  	p1 =	slt.u32 s9, $0xF7A;
	s5 =	simm.s32 @!p2 $0x0  }
0x1d: {  	s5 =	simm.s32 @p1 $0x1;
	p0 =	seq.s32 s7, s2  }
0x1e: {  	s7 =	smul.u32 @!p0 $0xF7A, s2;
	p2 =	seq.s32 @!p0 s5, $0x0  }
0x1f: {  	s9 =	smul.u32 $0xF7A, s1;
	s8 =	simm.s32 @!p0 $0x1BF5;
	p2 =	por !p2, p0  }
0x20: {  	[sflag:s8] =	ssyncset.s32 @!p0 $0xFFFFF086;
	s6 =	sadd.s32 @!p0 s3, s7;
	s7 =	simm.s32 @!p0 $0x108  }
0x21: {  	s3 =	sadd.s32 s3, s9;
	s6 =	sadd.s32 @!p0 $0x88, s6;
	s7 =	simm.s32 @p2 $0x1082  }
0x22: {  	[simem:s7], [sflag:s8] =	dma.local @!p0 [hbm:s6], $0xF7A  }
0x23: {  	s9 =	sor.u32 $0xD0000000, s2;
	s6 =	simm.s32 $0x108;
	_ =	swait.ge @!p0 [sflag:s8], $0x0  }
0x24: {  	s3 =	sadd.s32 $0x88, s3;
	s6 =	simm.s32 @!p1 $0x1082;
	[sflag:s4] =	ssyncset.s32 $0xFFFFF086  }
0x25: {  	[simem:s6], [sflag:s4] =	dma.local [hbm:s3], $0xF7A  }
0x26: {  	[smem:$0x3F98] =	sst s1;
	(tag) =	ssettag s2;
	_ =	strace s9  }
0x27: {  	s1 =	sld [smem:$0x3FA8]  }
0x28: {  	s2 =	sld [smem:$0x3FA9]  }
0x29: {  	s4 =	sld [smem:$0x3FAB]  }
0x2a: {  	p0 =	seq.s32 s5, $0x0;
	s5 =	sld [smem:$0x3FAC]  }
0x2b: {  	s6 =	sld [smem:$0x3FAD]  }
0x2c: {  	s7 =	sld [smem:$0x3FAE]  }
0x2d: {  	s3 =	simm.s32 $0x108;
	s8 =	sld [smem:$0x3FAF]  }
0x2e: {  	s3 =	simm.s32 @!p0 $0x1082;
	s9 =	sld [smem:$0x3FB0]  }
0x2f: {  	lr =	sadd.s32 s0, s3;
	s0 =	sld [smem:$0x3FA7]  }
0x30: {  	s3 =	sld [smem:$0x3FAA]  }
0x31: {  	[smem:$0x3FB3] =	sst s10  }
0x32: {  	s10 =	sld [smem:$0x3FB1];
	_ =	sdelay $0x3  }
0x33: {  	p0 =	seq.s32 s10, $0x1;
	s10 =	sld [smem:$0x3FB3];
	_ =	sdelay $0x3  }
0x34: {  	[smem:$0x3FB3] =	sst s10  }
0x35: {  	s10 =	sld [smem:$0x3FB2];
	_ =	sdelay $0x3  }
0x36: {  	p1 =	seq.s32 s10, $0x1;
	s10 =	sld [smem:$0x3FB3];
	_ =	sdelay $0x3  }
0x37: {  	[smem:$0x3FB3] =	sst s10  }
0x38: {  	s10 =	sld [smem:$0x3FB4]  }
0x39: {  	_ = 	snop;
	(pc) =	sbr.ind lr, $3  }
0x3a: {  	_ = 	snop  }
0x3b: {  	_ = 	snop  }
0x3c: {  	p2 =	seq.s32 s10, $0x1;
	s10 =	sld [smem:$0x3FB3]  }
0x3d: {  	_ =	shalt  }
0x3e: {  	_ =	shalt  }
0x3f: {  	_ =	shalt  }
0x40: {  	_ =	shalt  }
0x41: {  	_ =	shalt  }
0x42: {  	_ =	shalt  }
0x43: {  	_ =	shalt  }
0x44: {  	_ =	shalt  }
0x45: {  	_ =	shalt  }
0x46: {  	_ =	shalt  }
0x47: {  	_ =	shalt  }
0x48: {  	_ =	shalt  }
0x49: {  	_ =	shalt  }
0x4a: {  	_ =	shalt  }
0x4b: {  	_ =	shalt  }
0x4c: {  	_ =	shalt  }
0x4d: {  	_ =	shalt  }
0x4e: {  	_ =	shalt  }
0x4f: {  	_ =	shalt  }
0x50: {  	_ =	shalt  }
0x51: {  	_ =	shalt  }
0x52: {  	_ =	shalt  }
0x53: {  	_ =	shalt  }
0x54: {  	_ =	shalt  }
0x55: {  	_ =	shalt  }
0x56: {  	_ =	shalt  }
0x57: {  	_ =	shalt  }
0x58: {  	_ =	shalt  }
0x59: {  	_ =	shalt  }
0x5a: {  	_ =	shalt  }
0x5b: {  	_ =	shalt  }
0x5c: {  	_ =	shalt  }
0x5d: {  	_ =	shalt  }
0x5e: {  	_ =	shalt  }
0x5f: {  	_ =	shalt  }
0x60: {  	_ =	shalt  }
0x61: {  	_ =	shalt  }
0x62: {  	_ =	shalt  }
0x63: {  	_ =	shalt  }
0x64: {  	_ =	shalt  }
0x65: {  	_ =	shalt  }
0x66: {  	_ =	shalt  }
0x67: {  	_ =	shalt  }
0x68: {  	_ =	shalt  }
0x69: {  	_ =	shalt  }
0x6a: {  	_ =	shalt  }
0x6b: {  	_ =	shalt  }
0x6c: {  	_ =	shalt  }
0x6d: {  	_ =	shalt  }
0x6e: {  	_ =	shalt  }
0x6f: {  	_ =	shalt  }
0x70: {  	_ =	shalt  }
0x71: {  	_ =	shalt  }
0x72: {  	_ =	shalt  }
0x73: {  	_ =	shalt  }
0x74: {  	_ =	shalt  }
0x75: {  	_ =	shalt  }
0x76: {  	_ =	shalt  }
0x77: {  	_ =	shalt  }
0x78: {  	_ =	shalt  }
0x79: {  	_ =	shalt  }
0x7a: {  	_ =	shalt  }
0x7b: {  	_ =	shalt  }
0x7c: {  	_ =	shalt  }
0x7d: {  	_ =	shalt  }
0x7e: {  	_ =	shalt  }
0x7f: {  	_ =	shalt  }
0x80: {  	_ =	shalt  }
0x81: {  	_ =	shalt  }
0x82: {  	_ =	shalt  }
0x83: {  	_ =	shalt  }
0x84: {  	_ =	shalt  }
0x85: {  	_ =	shalt  }
0x86: {  	_ =	shalt  }
0x87: {  	_ =	shalt  }
.Lfunc_end0:
.L_simem_size_0:
called_computation.1_lowered:
.L_overlay_start_0:
0x88: {  	s2 =	sld [smem:$0x3FD9]  }
0x89: {  	s3 =	sld [smem:$0x3FFE];
	_ =	sdelay $0x1  }
0x8a: {  	s1 =	srdreg.scid  }
0x8b: {  	s0 =	sand.u32 $0x1, s1  }
0x8c: {  	s17 =	sshll.u32 s0, $0xA;
	s2 =	sadd.s32 s3, s2  }
0x8d: {  	s2 =	sadd.s32 s2, s17  }
0x8e: {  	[smem:$0x3FBF] =	sst s2  }
0x8f: {  	_ = 	snop  }
0x90: {  	s4 =	sld [smem:$0x3FC6]  }
0x91: {  	s5 =	sld [smem:$0x3FC5]  }
0x92: {  	s18 =	sld [smem:$0x3FD0];
	(tm) =	ssettm $0x1  }
0x93: {  	s19 =	sld [smem:$0x3FFB];
	_ =	sdelay $0x3  }
0x94: {  	_ =	strace s19  }
0x95: {  	s2 =	sld [smem:$0x3FFC];
	_ =	sdelay $0x3  }
0x96: {  	_ =	strace s2  }
0x97: {  	s2 =	sld [smem:$0x3FFD];
	_ =	sdelay $0x3  }
0x98: {  	_ =	strace s2  }
0x99: {  	_ =	strace $0x8FFFFFFF  }
0x9a: {  	s20 =	sld [smem:$0x3FDB];
	_ =	sdelay $0x1  }
0x9b: {  	s6 =	simm.s32 $_scs_section_size  }
0x9c: {  	s7 =	simm.s32 $_size__tile_overlayer_lowered;
	s8 =	simm.s32 $_tile_overlayer_lowered  }
0x9d: {  	s9 =	simm.s32 $0x1BFF;
	s21 =	sshll.u32 s8, $0x1;
	s6 =	sadd.s32 s6, s20  }
0x9e: {  	s22 =	simm.s32 $0x0;
	s7 =	sshll.u32 s7, $0x1;
	s8 =	sadd.s32 s21, s6  }
0x9f: {  	[timem:s22], [sflag:s9] =	dma.local [hbm:s8], s7  }
0xa0: {  	_ =	swait.ge [sflag:s9], s7  }
0xa1: {  	s7 =	ssub.s32 $0x0, s7;
	[sflag:s9] =	ssyncset.done $0x0  }
0xa2: {  	[sflag:s9] =	ssyncadd.s32 s7;
	_ =	sdelay $0x1  }
0xa3: {  	s23 =	simm.s32 $0x1B8B  }
0xa4: {  	_ =	swait.ge [sflag:s23], $0x1  }
0xa5: {  	[sflag:s23] =	ssyncset.done $0x0  }
0xa6: {  	[sflag:s23] =	ssyncadd.s32 $0xFFFFFFFF  }
0xa7: {  	s7 =	sld [smem:$0x0]  }
0xa8: {  	s8 =	sand.u32 $0xFFFFFFFE, s1  }
0xa9: {  	p0 =	sne.s32 s1, s8  }
0xaa: {  	s8 =	sshll.u32 @p0 s8, $0xE  }
0xab: {  	s8 =	sadd.s32 @p0 $0x11B8D, s8;
	s9 =	sshll.u32 @p0 s7, $0x11  }
0xac: {  	s8 =	sor.u32 @p0 s9, s8  }
0xad: {  	[sflag:s8] =	ssyncadd.remote.s32 @p0 $0x1;
	_ =	sdelay $0x1  }
0xae: {  	s8 =	simm.s32 @p0 $0x1B8D  }
0xaf: {  	_ =	swait.eq @p0 [sflag:s8], $0x1  }
0xb0: {  	[sflag:s8] =	ssyncadd.s32 @p0 $0xFFFFFFFF  }
0xb1: {  	s9 =	sshll.u32 @!p0 s1, $0xE  }
0xb2: {  	s9 =	sor.u32 @!p0 $0x4000, s9;
	s8 =	simm.s32 @!p0 $0x1B8D  }
0xb3: {  	s7 =	sshll.u32 @!p0 s7, $0x11;
	s9 =	sadd.s32 @!p0 $0x11B8D, s9;
	_ =	swait.eq @!p0 [sflag:s8], $0x1  }
0xb4: {  	s7 =	sor.u32 @!p0 s7, s9;
	[sflag:s8] =	ssyncadd.s32 @!p0 $0xFFFFFFFF  }
0xb5: {  	s25 =	simm.s32 $0x1B8E;
	s24 =	sld [smem:$0x3FFE];
	[sflag:s7] =	ssyncadd.remote.s32 @!p0 $0x1  }
0xb6: {  	s26 =	simm.s32 $execute0_lowered;
	[smem:$0x3FD2] =	sst s25  }
0xb7: {  	s8 =	sshll.u32 s26, $0x1;
	_ =	strace $0x80000049;
	[dreg:$0x1] =	wrdreg $0xFFFFFFFF  }
0xb8: {  	s28 =	simm.s32 $_size_execute0_lowered;
	s6 =	sadd.s32 s6, s8;
	[dreg:$0x0] =	wrdreg $0x0  }
0xb9: {  	s8 =	sshll.u32 s28, $0x1;
	[dreg:$0x2] =	wrdreg s6  }
0xba: {  	[dreg:$0x3] =	wrdreg s8  }
0xbb: {  	[dreg:$0x4] =	wrdreg $0xC0  }
0xbc: {  	_ =	task [dreg:s22], $0x5FFFF  }
0xbd: {  	[dreg:$0x1] =	wrdreg $0xFFFFFFFF  }
0xbe: {  	[dreg:$0x0] =	wrdreg $0x60  }
0xbf: {  	[dreg:$0x2] =	wrdreg s4  }
0xc0: {  	[dreg:$0x3] =	wrdreg s5  }
0xc1: {  	[dreg:$0x4] =	wrdreg s24  }
0xc2: {  	[dreg:$0x5] =	wrdreg s18  }
0xc3: {  	[dreg:$0x6] =	wrdreg $0x9  }
0xc4: {  	_ =	task.clear_ibuf [dreg:s22], $0x7FFFF;
	_ =	strace $0x90000049  }
0xc5: {  	s29 =	simm.s32 $0x9;
	_ =	strace $0x8000004B  }
0xc6: {  	_ =	swait.ge [sflag:s29], $0x1  }
0xc7: {  	[sflag:s29] =	ssyncadd.s32 $0xFFFFFFFF  }
0xc8: {  	_ =	strace $0x9000004B  }
0xc9: {  	_ =	sfence  }
0xca: {  	s30 =	sld [smem:$0x0];
	_ =	sdelay $0x2  }
0xcb: {  	s31 =	sshll.u32 s1, $0xD;
	s1 =	sshrl.u32 s1, $0x2  }
0xcc: {  	s4 =	sand.u32 $0x4000, s31;
	s1 =	sadd.s32 s1, s30  }
0xcd: {  	s0 =	sor.u32 s4, s0;
	s1 =	sshll.u32 s1, $0x11  }
0xce: {  	s0 =	sor.u32 s1, s0  }
0xcf: {  	s0 =	sadd.s32 $0x8F2B, s0  }
0xd0: {  	[sflag:s0] =	ssyncadd.remote.s32 $0x1  }
0xd1: {  	_ =	sfence.sel $0xFFFF  }
0xd2: {  	[dreg:$0x0] =	wrdreg $0xFFFFFFFF;
	(pc) =	sbr.abs _section_cstart, $3  }
0xd3: {  	[dreg:$0x1] =	wrdreg $0xFFFFFFFF  }
0xd4: {  	_ =	task.clear_ibuf [dreg:s22], $0x2FFFF;
	_ =	strace $0x9FFFFFFF  }
0xd5: {  	(tm) =	ssettm $0x7FFFFFFF  }
tec
execute0_lowered:
.L_overlay_start_1:
0x0: {  	(tag) =	ssettag $0x1  }
0x1: {  	s4 =	rddreg [dreg:$0x0]  }
0x2: {  	s6 =	rddreg [dreg:$0x2]  }
0x3: {  	s17 =	rddreg [dreg:$0x3];
	s3 =	simm.s32 $0x0  }
0x4: {  	s9 =	simm.s32 $0x100;
	[smem:$0x7FF] =	sst s3  }
0x5: {  	s10 =	simm.s32 $0x180;
	_ =	strace $0x8000004A;
	[dreg:$0x9] =	wrdreg s9  }
0x6: {  	s11 =	simm.s32 $0x200;
	[dreg:$0xa] =	wrdreg s10  }
0x7: {  	s12 =	simm.s32 $0x280;
	[dreg:$0xb] =	wrdreg s11  }
0x8: {  	s13 =	simm.s32 $0xE80;
	[dreg:$0xc] =	wrdreg s12  }
0x9: {  	s14 =	simm.s32 $0x300;
	[dreg:$0xd] =	wrdreg s13  }
0xa: {  	s15 =	simm.s32 $0xF00;
	[dreg:$0xe] =	wrdreg s14  }
0xb: {  	s16 =	simm.s32 $0x380;
	[dreg:$0xf] =	wrdreg s15  }
0xc: {  	s18 =	simm.s32 $0xF80;
	[dreg:$0x10] =	wrdreg s16  }
0xd: {  	s19 =	simm.s32 $0x400;
	[dreg:$0x11] =	wrdreg s18  }
0xe: {  	s20 =	simm.s32 $0x1000;
	[dreg:$0x12] =	wrdreg s19  }
0xf: {  	s0 =	srdreg.scid;
	s21 =	simm.s32 $0x480;
	[dreg:$0x13] =	wrdreg s20  }
0x10: {  	s2 =	stileid.u32;
	s22 =	simm.s32 $0x1080;
	[dreg:$0x14] =	wrdreg s21  }
0x11: {  	s23 =	simm.s32 $0x500;
	s24 =	simm.s32 $0x1100;
	[dreg:$0x15] =	wrdreg s22  }
0x12: {  	s25 =	simm.s32 $0x580;
	s26 =	simm.s32 $0x1180;
	[dreg:$0x16] =	wrdreg s23  }
0x13: {  	s28 =	simm.s32 $0x3;
	s29 =	simm.s32 $0x4;
	[dreg:$0x17] =	wrdreg s24  }
0x14: {  	p0 =	por $0x0, $0x0;
	s30 =	simm.s32 $0x5;
	[dreg:$0x18] =	wrdreg s25  }
0x15: {  	s31 =	simm.s32 $0xC00;
	[dreg:$0x19] =	wrdreg s26;
	s9 =	simm.s32 $0x680  }
0x16: {  	s0 =	sand.u32 $0x1, s0;
	s11 =	simm.s32 $0x1280;
	[dreg:$0x1c] =	wrdreg s9  }
0x17: {  	s1 =	sshll.u32 s2, $0x1;
	s12 =	simm.s32 $0x700;
	[dreg:$0x1d] =	wrdreg s11  }
0x18: {  	s1 =	sor.u32 s0, s1;
	s13 =	simm.s32 $0x1300;
	[dreg:$0x1e] =	wrdreg s12  }
0x19: {  	s16 =	sadd.s32 $0x1ADC00, s6;
	s14 =	simm.s32 $0x780;
	[dreg:$0x1f] =	wrdreg s13  }
0x1a: {  	s0 =	ssub.s32 $0x2, s0;
	s15 =	simm.s32 $0x1380;
	[smem:$0x7EE] =	sst s14  }
0x1b: {  	s18 =	simm.s32 $0x800;
	s19 =	simm.s32 $0x1400;
	[smem:$0x7EF] =	sst s15  }
0x1c: {  	s20 =	simm.s32 $0x880;
	s21 =	simm.s32 $0x1480;
	[smem:$0x7F0] =	sst s18  }
0x1d: {  	s22 =	simm.s32 $0x9B00;
	s23 =	simm.s32 $0x900;
	[smem:$0x7F1] =	sst s19  }
0x1e: {  	s24 =	simm.s32 $0x1500;
	s25 =	simm.s32 $0x980;
	[smem:$0x7F2] =	sst s20  }
0x1f: {  	s26 =	simm.s32 $0x1580;
	s7 =	smul.u32 $0x180, s1;
	[smem:$0x7F3] =	sst s21  }
0x20: {  	s1 =	sshll.u32 s1, $0x5;
	s10 =	sshrl.u32 s0, $0x1;
	[smem:$0x7F4] =	sst s23  }
0x21: {  	s9 =	simm.s32 $0xB;
	s11 =	simm.s32 $0x1B00;
	[smem:$0x7F5] =	sst s24  }
0x22: {  	s21 =	simm.s32 $0xDB00;
	s20 =	simm.s32 $0x11B00;
	[smem:$0x7F6] =	sst s25  }
0x23: {  	s14 =	simm.s32 $0x1;
	[smem:$0x7F7] =	sst s26;
	s13 =	simm.s32 $0x1600  }
0x24: {  	s12 =	simm.s32 $0x6;
	s18 =	simm.s32 $0x1680;
	[smem:$0x7F8] =	sst s13  }
0x25: {  	s15 =	simm.s32 $0x2;
	s19 =	simm.s32 $0x1700;
	[smem:$0x7F9] =	sst s18  }
0x26: {  	s23 =	simm.s32 $0x1780;
	s24 =	simm.s32 $0x8;
	[smem:$0x7FA] =	sst s19  }
0x27: {  	s25 =	simm.s32 $0xC80;
	s26 =	simm.s32 $0xD80;
	[smem:$0x7FB] =	sst s23  }
0x28: {  	s1 =	sadd.s32 s1, s6;
	s0 =	ssub.s32 s0, s10;
	[smem:$0x7FC] =	sst s25  }
0x29: {  	s10 =	simm.s32 $0x5B00;
	s13 =	simm.s32 $0x7;
	[smem:$0x7FD] =	sst s26  }
0x2a: {  	s25 =	simm.s32 $0x9;
	s26 =	simm.s32 $0xA;
	s18 =	simm.s32 $0x1A00  }
0x2b: {  	s19 =	simm.s32 $0x1A80;
	s7 =	sadd.s32 s7, s6;
	s5 =	sadd.s32 $0x1800, s1  }
0x2c: {  	s0 =	smax.u32 s0, $0x1;
	s8 =	sadd.s32 $0x18AC00, s7;
	[dreg:$0x7] =	wrdreg s5  }
0x2d: {  	s7 =	sadd.s32 $0x7C00, s7;
	p1 =	sne.s32 s0, $0x1;
	[dreg:$0x5] =	wrdreg s8  }
.Ltmp0:
0x2e: {  	s5 =	simm.s32 $0x600;
	[dreg:$0x6] =	wrdreg s7;
	(pc) =	sbr.rel @!p1 .LBB2_1-.Ltmp0, $4  }
0x2f: {  	s23 =	simm.s32 $0xD00;
	s8 =	sadd.s32 $0x1400, s1;
	[dreg:$0x1a] =	wrdreg s5  }
0x30: {  	s6 =	sadd.s32 $0x18DC00, s6;
	[dreg:$0x8] =	wrdreg s8;
	s8 =	simm.s32 $0x1200  }
0x31: {  	s5 =	simm.s32 $0xE00;
	s7 =	simm.s32 $0x80;
	[dreg:$0x1b] =	wrdreg s8  }
0x32: {  	s8 =	sadd.s32 $0x400, s1;
	s1 =	sadd.s32 $0xFFFFFFFF, s0;
	s0 =	rddreg [dreg:$0x5]  }
0x33: {  	[tilespmem:s3], [sflag:$0xB] =	stream.linear.gather [hbm4b:s0+s3], $0xA00, $0x38;
	[tilespmem:$0x15B00] =	vst v63  }
0x34: {  	_ =	swait.ge [sflag:s9], $0xA00  }
0x35: {  	[sflag:s9] =	ssyncset.done $0x0  }
0x36: {  	s2 =	rddreg [dreg:$0x6];
	[sflag:s9] =	ssyncadd.s32 $0xFFFFF600  }
0x37: {  	[tilespmem:s5], [sflag:$0xB] =	stream.linear.gather [hbm4b:s2+s3], $0xA00, $0x38;
	[tilespmem:$0x15B00] =	vst v63  }
0x38: {  	_ =	swait.ge [sflag:s9], $0xA00  }
0x39: {  	[sflag:s9] =	ssyncset.done $0x0  }
0x3a: {  	[sflag:s9] =	ssyncadd.s32 $0xFFFFF600  }
0x3b: {  	[tilespmem:s11], [sflag:$0x1] =	stream.indirect.gather [hbm4b:s4+s7], $0x80, s3, s7, $0xb8;
	[tilespmem:$0x15B00] =	vst v63  }
0x3c: {  	_ = 	snop  }
0x3d: {  	[tilespmem:s10], [sflag:$0x2] =	stream.indirect.gather [hbm4b:s4+s7], $0x80, s7, s7, $0xb8;
	[tilespmem:$0x15B00] =	vst v63  }
0x3e: {  	s0 =	rddreg [dreg:$0x9]  }
0x3f: {  	[tilespmem:s22], [sflag:$0x3] =	stream.indirect.gather [hbm4b:s4+s7], $0x80, s0, s7, $0xb8;
	[tilespmem:$0x15B00] =	vst v63  }
0x40: {  	s2 =	smov.u32 s1;
	s1 =	rddreg [dreg:$0xa]  }
0x41: {  	[tilespmem:s21], [sflag:$0x4] =	stream.indirect.gather [hbm4b:s4+s7], $0x80, s1, s7, $0xb8;
	[tilespmem:$0x15B00] =	vst v63  }
0x42: {  	s0 =	rddreg [dreg:$0xb]  }
0x43: {  	[tilespmem:s20], [sflag:$0x5] =	stream.indirect.gather [hbm4b:s4+s7], $0x80, s0, s7, $0xb8;
	[tilespmem:$0x15B00] =	vst v63  }
0x44: {  	_ =	swait.ge [sflag:s14], $0x4000  }
0x45: {  	[sflag:s14] =	ssyncset.done $0x0  }
0x46: {  	[sflag:s14] =	ssyncadd.s32 $0xFFFFC000  }
0x47: {  	[hbm4b:s16+s7] =	stream.indirect.scatter [tilespmem:s11], [sflag:$0x6], $0x80, s5, s7, $0xb8;
	[tilespmem:$0x15B00] =	vst v63  }
0x48: {  	_ =	swait.ge [sflag:s12], $0x4000  }
0x49: {  	[sflag:s12] =	ssyncset.done $0x0  }
0x4a: {  	s1 =	rddreg [dreg:$0xc];
	[sflag:s12] =	ssyncadd.s32 $0xFFFFC000  }
0x4b: {  	[tilespmem:s11], [sflag:$0x1] =	stream.indirect.gather [hbm4b:s4+s7], $0x80, s1, s7, $0xb8;
	[tilespmem:$0x15B00] =	vst v63  }
0x4c: {  	_ =	swait.ge [sflag:s15], $0x4000  }
0x4d: {  	[sflag:s15] =	ssyncset.done $0x0  }
0x4e: {  	s1 =	rddreg [dreg:$0xd];
	[sflag:s15] =	ssyncadd.s32 $0xFFFFC000  }
0x4f: {  	[hbm4b:s16+s7] =	stream.indirect.scatter [tilespmem:s10], [sflag:$0x7], $0x80, s1, s7, $0xb8;
	[tilespmem:$0x15B00] =	vst v63  }
0x50: {  	_ =	swait.ge [sflag:s13], $0x4000  }
0x51: {  	[sflag:s13] =	ssyncset.done $0x0  }
0x52: {  	s1 =	rddreg [dreg:$0xe];
	[sflag:s13] =	ssyncadd.s32 $0xFFFFC000  }
0x53: {  	[tilespmem:s10], [sflag:$0x2] =	stream.indirect.gather [hbm4b:s4+s7], $0x80, s1, s7, $0xb8;
	[tilespmem:$0x15B00] =	vst v63  }
0x54: {  	_ =	swait.ge [sflag:s28], $0x4000  }
0x55: {  	[sflag:s28] =	ssyncset.done $0x0  }
0x56: {  	s1 =	rddreg [dreg:$0xf];
	[sflag:s28] =	ssyncadd.s32 $0xFFFFC000  }
0x57: {  	[hbm4b:s16+s7] =	stream.indirect.scatter [tilespmem:s22], [sflag:$0x8], $0x80, s1, s7, $0xb8;
	[tilespmem:$0x15B00] =	vst v63  }
0x58: {  	_ =	swait.ge [sflag:s24], $0x4000  }
0x59: {  	[sflag:s24] =	ssyncset.done $0x0  }
0x5a: {  	s1 =	rddreg [dreg:$0x10];
	[sflag:s24] =	ssyncadd.s32 $0xFFFFC000  }
0x5b: {  	[tilespmem:s22], [sflag:$0x3] =	stream.indirect.gather [hbm4b:s4+s7], $0x80, s1, s7, $0xb8;
	[tilespmem:$0x15B00] =	vst v63  }
0x5c: {  	_ =	swait.ge [sflag:s29], $0x4000  }
0x5d: {  	[sflag:s29] =	ssyncset.done $0x0  }
0x5e: {  	s1 =	rddreg [dreg:$0x11];
	[sflag:s29] =	ssyncadd.s32 $0xFFFFC000  }
0x5f: {  	[hbm4b:s16+s7] =	stream.indirect.scatter [tilespmem:s21], [sflag:$0x9], $0x80, s1, s7, $0xb8;
	[tilespmem:$0x15B00] =	vst v63  }
0x60: {  	_ =	swait.ge [sflag:s25], $0x4000  }
0x61: {  	[sflag:s25] =	ssyncset.done $0x0  }
0x62: {  	s1 =	rddreg [dreg:$0x12];
	[sflag:s25] =	ssyncadd.s32 $0xFFFFC000  }
0x63: {  	[tilespmem:s21], [sflag:$0x4] =	stream.indirect.gather [hbm4b:s4+s7], $0x80, s1, s7, $0xb8;
	[tilespmem:$0x15B00] =	vst v63  }
0x64: {  	_ =	swait.ge [sflag:s30], $0x4000  }
0x65: {  	[sflag:s30] =	ssyncset.done $0x0  }
0x66: {  	s1 =	rddreg [dreg:$0x13];
	[sflag:s30] =	ssyncadd.s32 $0xFFFFC000  }
0x67: {  	[hbm4b:s16+s7] =	stream.indirect.scatter [tilespmem:s20], [sflag:$0xA], $0x80, s1, s7, $0xb8;
	[tilespmem:$0x15B00] =	vst v63  }
0x68: {  	_ =	swait.ge [sflag:s26], $0x4000  }
0x69: {  	[sflag:s26] =	ssyncset.done $0x0  }
0x6a: {  	s1 =	rddreg [dreg:$0x14];
	[sflag:s26] =	ssyncadd.s32 $0xFFFFC000  }
0x6b: {  	[tilespmem:s20], [sflag:$0x5] =	stream.indirect.gather [hbm4b:s4+s7], $0x80, s1, s7, $0xb8;
	[tilespmem:$0x15B00] =	vst v63  }
0x6c: {  	_ =	swait.ge [sflag:s14], $0x4000  }
0x6d: {  	[sflag:s14] =	ssyncset.done $0x0  }
0x6e: {  	s1 =	rddreg [dreg:$0x15];
	[sflag:s14] =	ssyncadd.s32 $0xFFFFC000  }
0x6f: {  	[hbm4b:s16+s7] =	stream.indirect.scatter [tilespmem:s11], [sflag:$0x6], $0x80, s1, s7, $0xb8;
	[tilespmem:$0x15B00] =	vst v63  }
0x70: {  	_ =	swait.ge [sflag:s12], $0x4000  }
0x71: {  	[sflag:s12] =	ssyncset.done $0x0  }
0x72: {  	s1 =	rddreg [dreg:$0x16];
	[sflag:s12] =	ssyncadd.s32 $0xFFFFC000  }
0x73: {  	[tilespmem:s11], [sflag:$0x1] =	stream.indirect.gather [hbm4b:s4+s7], $0x80, s1, s7, $0xb8;
	[tilespmem:$0x15B00] =	vst v63  }
0x74: {  	_ =	swait.ge [sflag:s15], $0x4000  }
0x75: {  	[sflag:s15] =	ssyncset.done $0x0  }
0x76: {  	s1 =	rddreg [dreg:$0x17];
	[sflag:s15] =	ssyncadd.s32 $0xFFFFC000  }
0x77: {  	[hbm4b:s16+s7] =	stream.indirect.scatter [tilespmem:s10], [sflag:$0x7], $0x80, s1, s7, $0xb8;
	[tilespmem:$0x15B00] =	vst v63  }
0x78: {  	_ =	swait.ge [sflag:s13], $0x4000  }
0x79: {  	[sflag:s13] =	ssyncset.done $0x0  }
0x7a: {  	s1 =	rddreg [dreg:$0x18];
	[sflag:s13] =	ssyncadd.s32 $0xFFFFC000  }
0x7b: {  	[tilespmem:s10], [sflag:$0x2] =	stream.indirect.gather [hbm4b:s4+s7], $0x80, s1, s7, $0xb8;
	[tilespmem:$0x15B00] =	vst v63  }
0x7c: {  	_ =	swait.ge [sflag:s28], $0x4000  }
0x7d: {  	[sflag:s28] =	ssyncset.done $0x0  }
0x7e: {  	s1 =	rddreg [dreg:$0x19];
	[sflag:s28] =	ssyncadd.s32 $0xFFFFC000  }
0x7f: {  	[hbm4b:s16+s7] =	stream.indirect.scatter [tilespmem:s22], [sflag:$0x8], $0x80, s1, s7, $0xb8;
	[tilespmem:$0x15B00] =	vst v63  }
0x80: {  	_ =	swait.ge [sflag:s24], $0x4000  }
0x81: {  	[sflag:s24] =	ssyncset.done $0x0  }
0x82: {  	s1 =	rddreg [dreg:$0x1a];
	[sflag:s24] =	ssyncadd.s32 $0xFFFFC000  }
0x83: {  	[tilespmem:s22], [sflag:$0x3] =	stream.indirect.gather [hbm4b:s4+s7], $0x80, s1, s7, $0xb8;
	[tilespmem:$0x15B00] =	vst v63  }
0x84: {  	_ =	swait.ge [sflag:s29], $0x4000  }
0x85: {  	[sflag:s29] =	ssyncset.done $0x0  }
0x86: {  	s1 =	rddreg [dreg:$0x1b];
	[sflag:s29] =	ssyncadd.s32 $0xFFFFC000  }
0x87: {  	[hbm4b:s16+s7] =	stream.indirect.scatter [tilespmem:s21], [sflag:$0x9], $0x80, s1, s7, $0xb8;
	[tilespmem:$0x15B00] =	vst v63  }
0x88: {  	_ =	swait.ge [sflag:s25], $0x4000  }
0x89: {  	[sflag:s25] =	ssyncset.done $0x0  }
0x8a: {  	s1 =	rddreg [dreg:$0x1c];
	[sflag:s25] =	ssyncadd.s32 $0xFFFFC000  }
0x8b: {  	[tilespmem:s21], [sflag:$0x4] =	stream.indirect.gather [hbm4b:s4+s7], $0x80, s1, s7, $0xb8;
	[tilespmem:$0x15B00] =	vst v63  }
0x8c: {  	_ =	swait.ge [sflag:s30], $0x4000  }
0x8d: {  	[sflag:s30] =	ssyncset.done $0x0  }
0x8e: {  	s1 =	rddreg [dreg:$0x1d];
	[sflag:s30] =	ssyncadd.s32 $0xFFFFC000  }
0x8f: {  	[hbm4b:s16+s7] =	stream.indirect.scatter [tilespmem:s20], [sflag:$0xA], $0x80, s1, s7, $0xb8;
	[tilespmem:$0x15B00] =	vst v63  }
0x90: {  	_ =	swait.ge [sflag:s26], $0x4000  }
0x91: {  	[sflag:s26] =	ssyncset.done $0x0  }
0x92: {  	s1 =	rddreg [dreg:$0x1e];
	[sflag:s26] =	ssyncadd.s32 $0xFFFFC000  }
0x93: {  	[tilespmem:s20], [sflag:$0x5] =	stream.indirect.gather [hbm4b:s4+s7], $0x80, s1, s7, $0xb8;
	[tilespmem:$0x15B00] =	vst v63  }
0x94: {  	_ =	swait.ge [sflag:s14], $0x4000  }
0x95: {  	[sflag:s14] =	ssyncset.done $0x0  }
0x96: {  	s1 =	rddreg [dreg:$0x1f];
	[sflag:s14] =	ssyncadd.s32 $0xFFFFC000  }
0x97: {  	[hbm4b:s16+s7] =	stream.indirect.scatter [tilespmem:s11], [sflag:$0x6], $0x80, s1, s7, $0xb8;
	[tilespmem:$0x15B00] =	vst v63  }
0x98: {  	_ =	swait.ge [sflag:s12], $0x4000  }
0x99: {  	s1 =	sld [smem:$0x7EE]  }
0x9a: {  	[sflag:s12] =	ssyncset.done $0x0  }
0x9b: {  	[sflag:s12] =	ssyncadd.s32 $0xFFFFC000  }
0x9c: {  	[tilespmem:s11], [sflag:$0x1] =	stream.indirect.gather [hbm4b:s4+s7], $0x80, s1, s7, $0xb8;
	[tilespmem:$0x15B00] =	vst v63  }
0x9d: {  	_ =	swait.ge [sflag:s15], $0x4000  }
0x9e: {  	s1 =	sld [smem:$0x7EF]  }
0x9f: {  	[sflag:s15] =	ssyncset.done $0x0  }
0xa0: {  	[sflag:s15] =	ssyncadd.s32 $0xFFFFC000  }
0xa1: {  	[hbm4b:s16+s7] =	stream.indirect.scatter [tilespmem:s10], [sflag:$0x7], $0x80, s1, s7, $0xb8;
	[tilespmem:$0x15B00] =	vst v63  }
0xa2: {  	_ =	swait.ge [sflag:s13], $0x4000  }
0xa3: {  	s1 =	sld [smem:$0x7F0]  }
0xa4: {  	[sflag:s13] =	ssyncset.done $0x0  }
0xa5: {  	[sflag:s13] =	ssyncadd.s32 $0xFFFFC000  }
0xa6: {  	[tilespmem:s10], [sflag:$0x2] =	stream.indirect.gather [hbm4b:s4+s7], $0x80, s1, s7, $0xb8;
	[tilespmem:$0x15B00] =	vst v63  }
0xa7: {  	_ =	swait.ge [sflag:s28], $0x4000  }
0xa8: {  	s1 =	sld [smem:$0x7F1]  }
0xa9: {  	[sflag:s28] =	ssyncset.done $0x0  }
0xaa: {  	[sflag:s28] =	ssyncadd.s32 $0xFFFFC000  }
0xab: {  	[hbm4b:s16+s7] =	stream.indirect.scatter [tilespmem:s22], [sflag:$0x8], $0x80, s1, s7, $0xb8;
	[tilespmem:$0x15B00] =	vst v63  }
0xac: {  	_ =	swait.ge [sflag:s24], $0x4000  }
0xad: {  	s1 =	sld [smem:$0x7F2]  }
0xae: {  	[sflag:s24] =	ssyncset.done $0x0  }
0xaf: {  	[sflag:s24] =	ssyncadd.s32 $0xFFFFC000  }
0xb0: {  	[tilespmem:s22], [sflag:$0x3] =	stream.indirect.gather [hbm4b:s4+s7], $0x80, s1, s7, $0xb8;
	[tilespmem:$0x15B00] =	vst v63  }
0xb1: {  	_ =	swait.ge [sflag:s29], $0x4000  }
0xb2: {  	s1 =	sld [smem:$0x7F3]  }
0xb3: {  	[sflag:s29] =	ssyncset.done $0x0  }
0xb4: {  	[sflag:s29] =	ssyncadd.s32 $0xFFFFC000  }
0xb5: {  	[hbm4b:s16+s7] =	stream.indirect.scatter [tilespmem:s21], [sflag:$0x9], $0x80, s1, s7, $0xb8;
	[tilespmem:$0x15B00] =	vst v63  }
0xb6: {  	_ =	swait.ge [sflag:s25], $0x4000  }
0xb7: {  	s1 =	sld [smem:$0x7F4]  }
0xb8: {  	[sflag:s25] =	ssyncset.done $0x0  }
0xb9: {  	[sflag:s25] =	ssyncadd.s32 $0xFFFFC000  }
0xba: {  	[tilespmem:s21], [sflag:$0x4] =	stream.indirect.gather [hbm4b:s4+s7], $0x80, s1, s7, $0xb8;
	[tilespmem:$0x15B00] =	vst v63  }
0xbb: {  	_ =	swait.ge [sflag:s30], $0x4000  }
0xbc: {  	s1 =	sld [smem:$0x7F5]  }
0xbd: {  	[sflag:s30] =	ssyncset.done $0x0  }
0xbe: {  	[sflag:s30] =	ssyncadd.s32 $0xFFFFC000  }
0xbf: {  	[hbm4b:s16+s7] =	stream.indirect.scatter [tilespmem:s20], [sflag:$0xA], $0x80, s1, s7, $0xb8;
	[tilespmem:$0x15B00] =	vst v63  }
0xc0: {  	_ =	swait.ge [sflag:s26], $0x4000  }
0xc1: {  	s1 =	sld [smem:$0x7F6]  }
0xc2: {  	[sflag:s26] =	ssyncset.done $0x0  }
0xc3: {  	[sflag:s26] =	ssyncadd.s32 $0xFFFFC000  }
0xc4: {  	[tilespmem:s20], [sflag:$0x5] =	stream.indirect.gather [hbm4b:s4+s7], $0x80, s1, s7, $0xb8;
	[tilespmem:$0x15B00] =	vst v63  }
0xc5: {  	_ =	swait.ge [sflag:s14], $0x4000  }
0xc6: {  	s1 =	sld [smem:$0x7F7]  }
0xc7: {  	[sflag:s14] =	ssyncset.done $0x0  }
0xc8: {  	[sflag:s14] =	ssyncadd.s32 $0xFFFFC000  }
0xc9: {  	[hbm4b:s16+s7] =	stream.indirect.scatter [tilespmem:s11], [sflag:$0x6], $0x80, s1, s7, $0xb8;
	[tilespmem:$0x15B00] =	vst v63  }
0xca: {  	_ =	swait.ge [sflag:s15], $0x4000  }
0xcb: {  	s1 =	sld [smem:$0x7F8]  }
0xcc: {  	[sflag:s15] =	ssyncset.done $0x0  }
0xcd: {  	[sflag:s15] =	ssyncadd.s32 $0xFFFFC000  }
0xce: {  	[hbm4b:s16+s7] =	stream.indirect.scatter [tilespmem:s10], [sflag:$0x7], $0x80, s1, s7, $0xb8;
	[tilespmem:$0x15B00] =	vst v63  }
0xcf: {  	_ =	swait.ge [sflag:s28], $0x4000  }
0xd0: {  	s1 =	sld [smem:$0x7F9]  }
0xd1: {  	[sflag:s28] =	ssyncset.done $0x0  }
0xd2: {  	[sflag:s28] =	ssyncadd.s32 $0xFFFFC000  }
0xd3: {  	[hbm4b:s16+s7] =	stream.indirect.scatter [tilespmem:s22], [sflag:$0x8], $0x80, s1, s7, $0xb8;
	[tilespmem:$0x15B00] =	vst v63  }
0xd4: {  	_ =	swait.ge [sflag:s29], $0x4000  }
0xd5: {  	s1 =	sld [smem:$0x7FA]  }
0xd6: {  	[sflag:s29] =	ssyncset.done $0x0  }
0xd7: {  	[sflag:s29] =	ssyncadd.s32 $0xFFFFC000  }
0xd8: {  	[hbm4b:s16+s7] =	stream.indirect.scatter [tilespmem:s21], [sflag:$0x9], $0x80, s1, s7, $0xb8;
	[tilespmem:$0x15B00] =	vst v63  }
0xd9: {  	_ =	swait.ge [sflag:s30], $0x4000  }
0xda: {  	s1 =	sld [smem:$0x7FB]  }
0xdb: {  	[sflag:s30] =	ssyncset.done $0x0  }
0xdc: {  	[sflag:s30] =	ssyncadd.s32 $0xFFFFC000  }
0xdd: {  	[hbm4b:s16+s7] =	stream.indirect.scatter [tilespmem:s20], [sflag:$0xA], $0x80, s1, s7, $0xb8;
	[tilespmem:$0x15B00] =	vst v63  }
0xde: {  	_ =	swait.ge [sflag:s12], $0x4000  }
0xdf: {  	[sflag:s12] =	ssyncset.done $0x0  }
0xe0: {  	[sflag:s12] =	ssyncadd.s32 $0xFFFFC000  }
0xe1: {  	_ =	swait.ge [sflag:s13], $0x4000  }
0xe2: {  	[sflag:s13] =	ssyncset.done $0x0  }
0xe3: {  	[sflag:s13] =	ssyncadd.s32 $0xFFFFC000  }
0xe4: {  	_ =	swait.ge [sflag:s24], $0x4000  }
0xe5: {  	[sflag:s24] =	ssyncset.done $0x0  }
0xe6: {  	[sflag:s24] =	ssyncadd.s32 $0xFFFFC000  }
0xe7: {  	_ =	swait.ge [sflag:s25], $0x4000  }
0xe8: {  	[sflag:s25] =	ssyncset.done $0x0  }
0xe9: {  	[sflag:s25] =	ssyncadd.s32 $0xFFFFC000  }
0xea: {  	_ =	swait.ge [sflag:s26], $0x4000  }
0xeb: {  	[sflag:s26] =	ssyncset.done $0x0  }
0xec: {  	s1 =	rddreg [dreg:$0x7];
	[sflag:s26] =	ssyncadd.s32 $0xFFFFC000  }
0xed: {  	[tilespmem:s31], [sflag:$0xB] =	stream.linear.gather [hbm4b:s1+s3], $0x100, $0x38;
	[tilespmem:$0x15B00] =	vst v63  }
0xee: {  	_ =	swait.ge [sflag:s9], $0x100  }
0xef: {  	[sflag:s9] =	ssyncset.done $0x0  }
0xf0: {  	[sflag:s9] =	ssyncadd.s32 $0xFFFFFF00  }
0xf1: {  	[tilespmem:s18], [sflag:$0xB] =	stream.linear.gather [hbm4b:s8+s3], $0x100, $0x38;
	[tilespmem:$0x15B00] =	vst v63  }
0xf2: {  	_ =	swait.ge [sflag:s9], $0x100  }
0xf3: {  	[sflag:s9] =	ssyncset.done $0x0  }
0xf4: {  	s1 =	sld [smem:$0x7FC];
	[sflag:s9] =	ssyncadd.s32 $0xFFFFFF00  }
0xf5: {  	[tilespmem:s11], [sflag:$0x1] =	stream.indirect.gather [hbm4b:s4+s7], $0x80, s31, s7, $0xb8;
	[tilespmem:$0x15B00] =	vst v63  }
0xf6: {  	_ = 	snop  }
0xf7: {  	[tilespmem:s10], [sflag:$0x2] =	stream.indirect.gather [hbm4b:s4+s7], $0x80, s1, s7, $0xb8;
	[tilespmem:$0x15B00] =	vst v63  }
0xf8: {  	_ =	swait.ge [sflag:s14], $0x4000  }
0xf9: {  	[sflag:s14] =	ssyncset.done $0x0  }
0xfa: {  	[sflag:s14] =	ssyncadd.s32 $0xFFFFC000  }
0xfb: {  	[hbm4b:s17+s7] =	stream.indirect.scatter [tilespmem:s11], [sflag:$0x6], $0x80, s18, s7, $0xb8;
	[tilespmem:$0x15B00] =	vst v63  }
0xfc: {  	_ =	swait.ge [sflag:s15], $0x4000  }
0xfd: {  	[sflag:s15] =	ssyncset.done $0x0  }
0xfe: {  	[sflag:s15] =	ssyncadd.s32 $0xFFFFC000  }
0xff: {  	[hbm4b:s17+s7] =	stream.indirect.scatter [tilespmem:s10], [sflag:$0x7], $0x80, s19, s7, $0xb8;
	[tilespmem:$0x15B00] =	vst v63  }
0x100: {  	_ =	swait.ge [sflag:s12], $0x4000  }
0x101: {  	[sflag:s12] =	ssyncset.done $0x0  }
0x102: {  	[sflag:s12] =	ssyncadd.s32 $0xFFFFC000  }
0x103: {  	_ =	swait.ge [sflag:s13], $0x4000  }
0x104: {  	[sflag:s13] =	ssyncset.done $0x0  }
0x105: {  	s1 =	rddreg [dreg:$0x8];
	[sflag:s13] =	ssyncadd.s32 $0xFFFFC000  }
0x106: {  	[tilespmem:s23], [sflag:$0xB] =	stream.linear.gather [hbm4b:s1+s3], $0x100, $0x38;
	[tilespmem:$0x15B00] =	vst v63  }
0x107: {  	_ =	swait.ge [sflag:s9], $0x100  }
0x108: {  	[sflag:s9] =	ssyncset.done $0x0  }
0x109: {  	[sflag:s9] =	ssyncadd.s32 $0xFFFFFF00  }
0x10a: {  	[tilespmem:s18], [sflag:$0xB] =	stream.linear.gather [hbm4b:s8+s3], $0x100, $0x38;
	[tilespmem:$0x15B00] =	vst v63  }
0x10b: {  	_ =	swait.ge [sflag:s9], $0x100  }
0x10c: {  	[sflag:s9] =	ssyncset.done $0x0  }
0x10d: {  	s0 =	sld [smem:$0x7FD];
	[sflag:s9] =	ssyncadd.s32 $0xFFFFFF00  }
0x10e: {  	s1 =	rddreg [dreg:$0x1]  }
0x10f: {  	[tilespmem:s11], [sflag:$0x1] =	stream.indirect.gather [hbm4b:s1+s7], $0x80, s23, s7, $0xb8;
	[tilespmem:$0x15B00] =	vst v63  }
0x110: {  	_ = 	snop  }
0x111: {  	[tilespmem:s10], [sflag:$0x2] =	stream.indirect.gather [hbm4b:s1+s7], $0x80, s0, s7, $0xb8;
	[tilespmem:$0x15B00] =	vst v63  }
0x112: {  	_ =	swait.ge [sflag:s14], $0x4000  }
0x113: {  	[sflag:s14] =	ssyncset.done $0x0  }
0x114: {  	[sflag:s14] =	ssyncadd.s32 $0xFFFFC000  }
0x115: {  	[hbm4b:s6+s7] =	stream.indirect.scatter [tilespmem:s11], [sflag:$0x6], $0x80, s18, s7, $0xb8;
	[tilespmem:$0x15B00] =	vst v63  }
0x116: {  	_ =	swait.ge [sflag:s15], $0x4000  }
0x117: {  	[sflag:s15] =	ssyncset.done $0x0  }
0x118: {  	p1 =	sne.s32 s2, $0x1;
	[sflag:s15] =	ssyncadd.s32 $0xFFFFC000  }
0x119: {  	[hbm4b:s6+s7] =	stream.indirect.scatter [tilespmem:s10], [sflag:$0x7], $0x80, s19, s7, $0xb8;
	[tilespmem:$0x15B00] =	vst v63  }
.Ltmp1:
0x11a: {  	_ =	swait.ge [sflag:s12], $0x4000;
	(pc) =	sbr.rel @!p1 .LBB2_3-.Ltmp1, $4  }
0x11b: {  	[sflag:s12] =	ssyncset.done $0x0  }
0x11c: {  	[sflag:s12] =	ssyncadd.s32 $0xFFFFC000  }
0x11d: {  	p0 =	por $0x1, $0x1;
	_ =	swait.ge [sflag:s13], $0x4000  }
0x11e: {  	s1 =	sadd.s32 $0xFFFFFFFF, s2;
	s0 =	rddreg [dreg:$0x5];
	[sflag:s13] =	ssyncset.done $0x0  }
.LBB2_4:
0x11f: {  	[sflag:s13] =	ssyncadd.s32 $0xFFFFC000  }
0x120: {  	[tilespmem:s3], [sflag:$0xB] =	stream.linear.gather [hbm4b:s0+s3], $0xA00, $0x38;
	[tilespmem:$0x15B00] =	vst v63  }
0x121: {  	_ =	swait.ge [sflag:s9], $0xA00  }
0x122: {  	[sflag:s9] =	ssyncset.done $0x0  }
0x123: {  	s2 =	rddreg [dreg:$0x6];
	[sflag:s9] =	ssyncadd.s32 $0xFFFFF600  }
0x124: {  	[tilespmem:s5], [sflag:$0xB] =	stream.linear.gather [hbm4b:s2+s3], $0xA00, $0x38;
	[tilespmem:$0x15B00] =	vst v63  }
0x125: {  	_ =	swait.ge [sflag:s9], $0xA00  }
0x126: {  	[sflag:s9] =	ssyncset.done $0x0  }
0x127: {  	[sflag:s9] =	ssyncadd.s32 $0xFFFFF600  }
0x128: {  	[tilespmem:s11], [sflag:$0x1] =	stream.indirect.gather [hbm4b:s4+s7], $0x80, s3, s7, $0xb8;
	[tilespmem:$0x15B00] =	vst v63  }
0x129: {  	_ = 	snop  }
0x12a: {  	[tilespmem:s10], [sflag:$0x2] =	stream.indirect.gather [hbm4b:s4+s7], $0x80, s7, s7, $0xb8;
	[tilespmem:$0x15B00] =	vst v63  }
0x12b: {  	s0 =	rddreg [dreg:$0x9]  }
0x12c: {  	[tilespmem:s22], [sflag:$0x3] =	stream.indirect.gather [hbm4b:s4+s7], $0x80, s0, s7, $0xb8;
	[tilespmem:$0x15B00] =	vst v63  }
0x12d: {  	s2 =	rddreg [dreg:$0xa]  }
0x12e: {  	[tilespmem:s21], [sflag:$0x4] =	stream.indirect.gather [hbm4b:s4+s7], $0x80, s2, s7, $0xb8;
	[tilespmem:$0x15B00] =	vst v63  }
0x12f: {  	s0 =	rddreg [dreg:$0xb]  }
0x130: {  	[tilespmem:s20], [sflag:$0x5] =	stream.indirect.gather [hbm4b:s4+s7], $0x80, s0, s7, $0xb8;
	[tilespmem:$0x15B00] =	vst v63  }
0x131: {  	_ =	swait.ge [sflag:s14], $0x4000  }
0x132: {  	[sflag:s14] =	ssyncset.done $0x0  }
0x133: {  	[sflag:s14] =	ssyncadd.s32 $0xFFFFC000  }
0x134: {  	[hbm4b:s16+s7] =	stream.indirect.scatter [tilespmem:s11], [sflag:$0x6], $0x80, s5, s7, $0xb8;
	[tilespmem:$0x15B00] =	vst v63  }
0x135: {  	_ =	swait.ge [sflag:s12], $0x4000  }
0x136: {  	[sflag:s12] =	ssyncset.done $0x0  }
0x137: {  	s2 =	rddreg [dreg:$0xc];
	[sflag:s12] =	ssyncadd.s32 $0xFFFFC000  }
0x138: {  	[tilespmem:s11], [sflag:$0x1] =	stream.indirect.gather [hbm4b:s4+s7], $0x80, s2, s7, $0xb8;
	[tilespmem:$0x15B00] =	vst v63  }
0x139: {  	_ =	swait.ge [sflag:s15], $0x4000  }
0x13a: {  	[sflag:s15] =	ssyncset.done $0x0  }
0x13b: {  	s2 =	rddreg [dreg:$0xd];
	[sflag:s15] =	ssyncadd.s32 $0xFFFFC000  }
0x13c: {  	[hbm4b:s16+s7] =	stream.indirect.scatter [tilespmem:s10], [sflag:$0x7], $0x80, s2, s7, $0xb8;
	[tilespmem:$0x15B00] =	vst v63  }
0x13d: {  	_ =	swait.ge [sflag:s13], $0x4000  }
0x13e: {  	[sflag:s13] =	ssyncset.done $0x0  }
0x13f: {  	s2 =	rddreg [dreg:$0xe];
	[sflag:s13] =	ssyncadd.s32 $0xFFFFC000  }
0x140: {  	[tilespmem:s10], [sflag:$0x2] =	stream.indirect.gather [hbm4b:s4+s7], $0x80, s2, s7, $0xb8;
	[tilespmem:$0x15B00] =	vst v63  }
0x141: {  	_ =	swait.ge [sflag:s28], $0x4000  }
0x142: {  	[sflag:s28] =	ssyncset.done $0x0  }
0x143: {  	s2 =	rddreg [dreg:$0xf];
	[sflag:s28] =	ssyncadd.s32 $0xFFFFC000  }
0x144: {  	[hbm4b:s16+s7] =	stream.indirect.scatter [tilespmem:s22], [sflag:$0x8], $0x80, s2, s7, $0xb8;
	[tilespmem:$0x15B00] =	vst v63  }
0x145: {  	_ =	swait.ge [sflag:s24], $0x4000  }
0x146: {  	[sflag:s24] =	ssyncset.done $0x0  }
0x147: {  	s2 =	rddreg [dreg:$0x10];
	[sflag:s24] =	ssyncadd.s32 $0xFFFFC000  }
0x148: {  	[tilespmem:s22], [sflag:$0x3] =	stream.indirect.gather [hbm4b:s4+s7], $0x80, s2, s7, $0xb8;
	[tilespmem:$0x15B00] =	vst v63  }
0x149: {  	_ =	swait.ge [sflag:s29], $0x4000  }
0x14a: {  	[sflag:s29] =	ssyncset.done $0x0  }
0x14b: {  	s2 =	rddreg [dreg:$0x11];
	[sflag:s29] =	ssyncadd.s32 $0xFFFFC000  }
0x14c: {  	[hbm4b:s16+s7] =	stream.indirect.scatter [tilespmem:s21], [sflag:$0x9], $0x80, s2, s7, $0xb8;
	[tilespmem:$0x15B00] =	vst v63  }
0x14d: {  	_ =	swait.ge [sflag:s25], $0x4000  }
0x14e: {  	[sflag:s25] =	ssyncset.done $0x0  }
0x14f: {  	s2 =	rddreg [dreg:$0x12];
	[sflag:s25] =	ssyncadd.s32 $0xFFFFC000  }
0x150: {  	[tilespmem:s21], [sflag:$0x4] =	stream.indirect.gather [hbm4b:s4+s7], $0x80, s2, s7, $0xb8;
	[tilespmem:$0x15B00] =	vst v63  }
0x151: {  	_ =	swait.ge [sflag:s30], $0x4000  }
0x152: {  	[sflag:s30] =	ssyncset.done $0x0  }
0x153: {  	s2 =	rddreg [dreg:$0x13];
	[sflag:s30] =	ssyncadd.s32 $0xFFFFC000  }
0x154: {  	[hbm4b:s16+s7] =	stream.indirect.scatter [tilespmem:s20], [sflag:$0xA], $0x80, s2, s7, $0xb8;
	[tilespmem:$0x15B00] =	vst v63  }
0x155: {  	_ =	swait.ge [sflag:s26], $0x4000  }
0x156: {  	[sflag:s26] =	ssyncset.done $0x0  }
0x157: {  	s2 =	rddreg [dreg:$0x14];
	[sflag:s26] =	ssyncadd.s32 $0xFFFFC000  }
0x158: {  	[tilespmem:s20], [sflag:$0x5] =	stream.indirect.gather [hbm4b:s4+s7], $0x80, s2, s7, $0xb8;
	[tilespmem:$0x15B00] =	vst v63  }
0x159: {  	_ =	swait.ge [sflag:s14], $0x4000  }
0x15a: {  	[sflag:s14] =	ssyncset.done $0x0  }
0x15b: {  	s2 =	rddreg [dreg:$0x15];
	[sflag:s14] =	ssyncadd.s32 $0xFFFFC000  }
0x15c: {  	[hbm4b:s16+s7] =	stream.indirect.scatter [tilespmem:s11], [sflag:$0x6], $0x80, s2, s7, $0xb8;
	[tilespmem:$0x15B00] =	vst v63  }
0x15d: {  	_ =	swait.ge [sflag:s12], $0x4000  }
0x15e: {  	[sflag:s12] =	ssyncset.done $0x0  }
0x15f: {  	s2 =	rddreg [dreg:$0x16];
	[sflag:s12] =	ssyncadd.s32 $0xFFFFC000  }
0x160: {  	[tilespmem:s11], [sflag:$0x1] =	stream.indirect.gather [hbm4b:s4+s7], $0x80, s2, s7, $0xb8;
	[tilespmem:$0x15B00] =	vst v63  }
0x161: {  	_ =	swait.ge [sflag:s15], $0x4000  }
0x162: {  	[sflag:s15] =	ssyncset.done $0x0  }
0x163: {  	s2 =	rddreg [dreg:$0x17];
	[sflag:s15] =	ssyncadd.s32 $0xFFFFC000  }
0x164: {  	[hbm4b:s16+s7] =	stream.indirect.scatter [tilespmem:s10], [sflag:$0x7], $0x80, s2, s7, $0xb8;
	[tilespmem:$0x15B00] =	vst v63  }
0x165: {  	_ =	swait.ge [sflag:s13], $0x4000  }
0x166: {  	[sflag:s13] =	ssyncset.done $0x0  }
0x167: {  	s2 =	rddreg [dreg:$0x18];
	[sflag:s13] =	ssyncadd.s32 $0xFFFFC000  }
0x168: {  	[tilespmem:s10], [sflag:$0x2] =	stream.indirect.gather [hbm4b:s4+s7], $0x80, s2, s7, $0xb8;
	[tilespmem:$0x15B00] =	vst v63  }
0x169: {  	_ =	swait.ge [sflag:s28], $0x4000  }
0x16a: {  	[sflag:s28] =	ssyncset.done $0x0  }
0x16b: {  	s2 =	rddreg [dreg:$0x19];
	[sflag:s28] =	ssyncadd.s32 $0xFFFFC000  }
0x16c: {  	[hbm4b:s16+s7] =	stream.indirect.scatter [tilespmem:s22], [sflag:$0x8], $0x80, s2, s7, $0xb8;
	[tilespmem:$0x15B00] =	vst v63  }
0x16d: {  	_ =	swait.ge [sflag:s24], $0x4000  }
0x16e: {  	[sflag:s24] =	ssyncset.done $0x0  }
0x16f: {  	s2 =	rddreg [dreg:$0x1a];
	[sflag:s24] =	ssyncadd.s32 $0xFFFFC000  }
0x170: {  	[tilespmem:s22], [sflag:$0x3] =	stream.indirect.gather [hbm4b:s4+s7], $0x80, s2, s7, $0xb8;
	[tilespmem:$0x15B00] =	vst v63  }
0x171: {  	_ =	swait.ge [sflag:s29], $0x4000  }
0x172: {  	[sflag:s29] =	ssyncset.done $0x0  }
0x173: {  	s2 =	rddreg [dreg:$0x1b];
	[sflag:s29] =	ssyncadd.s32 $0xFFFFC000  }
0x174: {  	[hbm4b:s16+s7] =	stream.indirect.scatter [tilespmem:s21], [sflag:$0x9], $0x80, s2, s7, $0xb8;
	[tilespmem:$0x15B00] =	vst v63  }
0x175: {  	_ =	swait.ge [sflag:s25], $0x4000  }
0x176: {  	[sflag:s25] =	ssyncset.done $0x0  }
0x177: {  	s2 =	rddreg [dreg:$0x1c];
	[sflag:s25] =	ssyncadd.s32 $0xFFFFC000  }
0x178: {  	[tilespmem:s21], [sflag:$0x4] =	stream.indirect.gather [hbm4b:s4+s7], $0x80, s2, s7, $0xb8;
	[tilespmem:$0x15B00] =	vst v63  }
0x179: {  	_ =	swait.ge [sflag:s30], $0x4000  }
0x17a: {  	[sflag:s30] =	ssyncset.done $0x0  }
0x17b: {  	s2 =	rddreg [dreg:$0x1d];
	[sflag:s30] =	ssyncadd.s32 $0xFFFFC000  }
0x17c: {  	[hbm4b:s16+s7] =	stream.indirect.scatter [tilespmem:s20], [sflag:$0xA], $0x80, s2, s7, $0xb8;
	[tilespmem:$0x15B00] =	vst v63  }
0x17d: {  	_ =	swait.ge [sflag:s26], $0x4000  }
0x17e: {  	[sflag:s26] =	ssyncset.done $0x0  }
0x17f: {  	s2 =	rddreg [dreg:$0x1e];
	[sflag:s26] =	ssyncadd.s32 $0xFFFFC000  }
0x180: {  	[tilespmem:s20], [sflag:$0x5] =	stream.indirect.gather [hbm4b:s4+s7], $0x80, s2, s7, $0xb8;
	[tilespmem:$0x15B00] =	vst v63  }
0x181: {  	_ =	swait.ge [sflag:s14], $0x4000  }
0x182: {  	[sflag:s14] =	ssyncset.done $0x0  }
0x183: {  	s2 =	rddreg [dreg:$0x1f];
	[sflag:s14] =	ssyncadd.s32 $0xFFFFC000  }
0x184: {  	[hbm4b:s16+s7] =	stream.indirect.scatter [tilespmem:s11], [sflag:$0x6], $0x80, s2, s7, $0xb8;
	[tilespmem:$0x15B00] =	vst v63  }
0x185: {  	_ =	swait.ge [sflag:s12], $0x4000  }
0x186: {  	s2 =	sld [smem:$0x7EE]  }
0x187: {  	[sflag:s12] =	ssyncset.done $0x0  }
0x188: {  	[sflag:s12] =	ssyncadd.s32 $0xFFFFC000  }
0x189: {  	[tilespmem:s11], [sflag:$0x1] =	stream.indirect.gather [hbm4b:s4+s7], $0x80, s2, s7, $0xb8;
	[tilespmem:$0x15B00] =	vst v63  }
0x18a: {  	_ =	swait.ge [sflag:s15], $0x4000  }
0x18b: {  	s2 =	sld [smem:$0x7EF]  }
0x18c: {  	[sflag:s15] =	ssyncset.done $0x0  }
0x18d: {  	[sflag:s15] =	ssyncadd.s32 $0xFFFFC000  }
0x18e: {  	[hbm4b:s16+s7] =	stream.indirect.scatter [tilespmem:s10], [sflag:$0x7], $0x80, s2, s7, $0xb8;
	[tilespmem:$0x15B00] =	vst v63  }
0x18f: {  	_ =	swait.ge [sflag:s13], $0x4000  }
0x190: {  	s2 =	sld [smem:$0x7F0]  }
0x191: {  	[sflag:s13] =	ssyncset.done $0x0  }
0x192: {  	[sflag:s13] =	ssyncadd.s32 $0xFFFFC000  }
0x193: {  	[tilespmem:s10], [sflag:$0x2] =	stream.indirect.gather [hbm4b:s4+s7], $0x80, s2, s7, $0xb8;
	[tilespmem:$0x15B00] =	vst v63  }
0x194: {  	_ =	swait.ge [sflag:s28], $0x4000  }
0x195: {  	s2 =	sld [smem:$0x7F1]  }
0x196: {  	[sflag:s28] =	ssyncset.done $0x0  }
0x197: {  	[sflag:s28] =	ssyncadd.s32 $0xFFFFC000  }
0x198: {  	[hbm4b:s16+s7] =	stream.indirect.scatter [tilespmem:s22], [sflag:$0x8], $0x80, s2, s7, $0xb8;
	[tilespmem:$0x15B00] =	vst v63  }
0x199: {  	_ =	swait.ge [sflag:s24], $0x4000  }
0x19a: {  	s2 =	sld [smem:$0x7F2]  }
0x19b: {  	[sflag:s24] =	ssyncset.done $0x0  }
0x19c: {  	[sflag:s24] =	ssyncadd.s32 $0xFFFFC000  }
0x19d: {  	[tilespmem:s22], [sflag:$0x3] =	stream.indirect.gather [hbm4b:s4+s7], $0x80, s2, s7, $0xb8;
	[tilespmem:$0x15B00] =	vst v63  }
0x19e: {  	_ =	swait.ge [sflag:s29], $0x4000  }
0x19f: {  	s2 =	sld [smem:$0x7F3]  }
0x1a0: {  	[sflag:s29] =	ssyncset.done $0x0  }
0x1a1: {  	[sflag:s29] =	ssyncadd.s32 $0xFFFFC000  }
0x1a2: {  	[hbm4b:s16+s7] =	stream.indirect.scatter [tilespmem:s21], [sflag:$0x9], $0x80, s2, s7, $0xb8;
	[tilespmem:$0x15B00] =	vst v63  }
0x1a3: {  	_ =	swait.ge [sflag:s25], $0x4000  }
0x1a4: {  	s2 =	sld [smem:$0x7F4]  }
0x1a5: {  	[sflag:s25] =	ssyncset.done $0x0  }
0x1a6: {  	[sflag:s25] =	ssyncadd.s32 $0xFFFFC000  }
0x1a7: {  	[tilespmem:s21], [sflag:$0x4] =	stream.indirect.gather [hbm4b:s4+s7], $0x80, s2, s7, $0xb8;
	[tilespmem:$0x15B00] =	vst v63  }
0x1a8: {  	_ =	swait.ge [sflag:s30], $0x4000  }
0x1a9: {  	s2 =	sld [smem:$0x7F5]  }
0x1aa: {  	[sflag:s30] =	ssyncset.done $0x0  }
0x1ab: {  	[sflag:s30] =	ssyncadd.s32 $0xFFFFC000  }
0x1ac: {  	[hbm4b:s16+s7] =	stream.indirect.scatter [tilespmem:s20], [sflag:$0xA], $0x80, s2, s7, $0xb8;
	[tilespmem:$0x15B00] =	vst v63  }
0x1ad: {  	_ =	swait.ge [sflag:s26], $0x4000  }
0x1ae: {  	s2 =	sld [smem:$0x7F6]  }
0x1af: {  	[sflag:s26] =	ssyncset.done $0x0  }
0x1b0: {  	[sflag:s26] =	ssyncadd.s32 $0xFFFFC000  }
0x1b1: {  	[tilespmem:s20], [sflag:$0x5] =	stream.indirect.gather [hbm4b:s4+s7], $0x80, s2, s7, $0xb8;
	[tilespmem:$0x15B00] =	vst v63  }
0x1b2: {  	_ =	swait.ge [sflag:s14], $0x4000  }
0x1b3: {  	s2 =	sld [smem:$0x7F7]  }
0x1b4: {  	[sflag:s14] =	ssyncset.done $0x0  }
0x1b5: {  	[sflag:s14] =	ssyncadd.s32 $0xFFFFC000  }
0x1b6: {  	[hbm4b:s16+s7] =	stream.indirect.scatter [tilespmem:s11], [sflag:$0x6], $0x80, s2, s7, $0xb8;
	[tilespmem:$0x15B00] =	vst v63  }
0x1b7: {  	_ =	swait.ge [sflag:s15], $0x4000  }
0x1b8: {  	s2 =	sld [smem:$0x7F8]  }
0x1b9: {  	[sflag:s15] =	ssyncset.done $0x0  }
0x1ba: {  	[sflag:s15] =	ssyncadd.s32 $0xFFFFC000  }
0x1bb: {  	[hbm4b:s16+s7] =	stream.indirect.scatter [tilespmem:s10], [sflag:$0x7], $0x80, s2, s7, $0xb8;
	[tilespmem:$0x15B00] =	vst v63  }
0x1bc: {  	_ =	swait.ge [sflag:s28], $0x4000  }
0x1bd: {  	s2 =	sld [smem:$0x7F9]  }
0x1be: {  	[sflag:s28] =	ssyncset.done $0x0  }
0x1bf: {  	[sflag:s28] =	ssyncadd.s32 $0xFFFFC000  }
0x1c0: {  	[hbm4b:s16+s7] =	stream.indirect.scatter [tilespmem:s22], [sflag:$0x8], $0x80, s2, s7, $0xb8;
	[tilespmem:$0x15B00] =	vst v63  }
0x1c1: {  	_ =	swait.ge [sflag:s29], $0x4000  }
0x1c2: {  	s2 =	sld [smem:$0x7FA]  }
0x1c3: {  	[sflag:s29] =	ssyncset.done $0x0  }
0x1c4: {  	[sflag:s29] =	ssyncadd.s32 $0xFFFFC000  }
0x1c5: {  	[hbm4b:s16+s7] =	stream.indirect.scatter [tilespmem:s21], [sflag:$0x9], $0x80, s2, s7, $0xb8;
	[tilespmem:$0x15B00] =	vst v63  }
0x1c6: {  	_ =	swait.ge [sflag:s30], $0x4000  }
0x1c7: {  	s2 =	sld [smem:$0x7FB]  }
0x1c8: {  	[sflag:s30] =	ssyncset.done $0x0  }
0x1c9: {  	[sflag:s30] =	ssyncadd.s32 $0xFFFFC000  }
0x1ca: {  	[hbm4b:s16+s7] =	stream.indirect.scatter [tilespmem:s20], [sflag:$0xA], $0x80, s2, s7, $0xb8;
	[tilespmem:$0x15B00] =	vst v63  }
0x1cb: {  	_ =	swait.ge [sflag:s12], $0x4000  }
0x1cc: {  	[sflag:s12] =	ssyncset.done $0x0  }
0x1cd: {  	[sflag:s12] =	ssyncadd.s32 $0xFFFFC000  }
0x1ce: {  	_ =	swait.ge [sflag:s13], $0x4000  }
0x1cf: {  	[sflag:s13] =	ssyncset.done $0x0  }
0x1d0: {  	[sflag:s13] =	ssyncadd.s32 $0xFFFFC000  }
0x1d1: {  	_ =	swait.ge [sflag:s24], $0x4000  }
0x1d2: {  	[sflag:s24] =	ssyncset.done $0x0  }
0x1d3: {  	[sflag:s24] =	ssyncadd.s32 $0xFFFFC000  }
0x1d4: {  	_ =	swait.ge [sflag:s25], $0x4000  }
0x1d5: {  	[sflag:s25] =	ssyncset.done $0x0  }
0x1d6: {  	[sflag:s25] =	ssyncadd.s32 $0xFFFFC000  }
0x1d7: {  	_ =	swait.ge [sflag:s26], $0x4000  }
0x1d8: {  	[sflag:s26] =	ssyncset.done $0x0  }
0x1d9: {  	s2 =	rddreg [dreg:$0x7];
	[sflag:s26] =	ssyncadd.s32 $0xFFFFC000  }
0x1da: {  	[tilespmem:s31], [sflag:$0xB] =	stream.linear.gather [hbm4b:s2+s3], $0x100, $0x38;
	[tilespmem:$0x15B00] =	vst v63  }
0x1db: {  	_ =	swait.ge [sflag:s9], $0x100  }
0x1dc: {  	[sflag:s9] =	ssyncset.done $0x0  }
0x1dd: {  	[sflag:s9] =	ssyncadd.s32 $0xFFFFFF00  }
0x1de: {  	[tilespmem:s18], [sflag:$0xB] =	stream.linear.gather [hbm4b:s8+s3], $0x100, $0x38;
	[tilespmem:$0x15B00] =	vst v63  }
0x1df: {  	_ =	swait.ge [sflag:s9], $0x100  }
0x1e0: {  	[sflag:s9] =	ssyncset.done $0x0  }
0x1e1: {  	s2 =	sld [smem:$0x7FC];
	[sflag:s9] =	ssyncadd.s32 $0xFFFFFF00  }
0x1e2: {  	[tilespmem:s11], [sflag:$0x1] =	stream.indirect.gather [hbm4b:s4+s7], $0x80, s31, s7, $0xb8;
	[tilespmem:$0x15B00] =	vst v63  }
0x1e3: {  	_ = 	snop  }
0x1e4: {  	[tilespmem:s10], [sflag:$0x2] =	stream.indirect.gather [hbm4b:s4+s7], $0x80, s2, s7, $0xb8;
	[tilespmem:$0x15B00] =	vst v63  }
0x1e5: {  	_ =	swait.ge [sflag:s14], $0x4000  }
0x1e6: {  	[sflag:s14] =	ssyncset.done $0x0  }
0x1e7: {  	[sflag:s14] =	ssyncadd.s32 $0xFFFFC000  }
0x1e8: {  	[hbm4b:s17+s7] =	stream.indirect.scatter [tilespmem:s11], [sflag:$0x6], $0x80, s18, s7, $0xb8;
	[tilespmem:$0x15B00] =	vst v63  }
0x1e9: {  	_ =	swait.ge [sflag:s15], $0x4000  }
0x1ea: {  	[sflag:s15] =	ssyncset.done $0x0  }
0x1eb: {  	[sflag:s15] =	ssyncadd.s32 $0xFFFFC000  }
0x1ec: {  	[hbm4b:s17+s7] =	stream.indirect.scatter [tilespmem:s10], [sflag:$0x7], $0x80, s19, s7, $0xb8;
	[tilespmem:$0x15B00] =	vst v63  }
0x1ed: {  	_ =	swait.ge [sflag:s12], $0x4000  }
0x1ee: {  	[sflag:s12] =	ssyncset.done $0x0  }
0x1ef: {  	[sflag:s12] =	ssyncadd.s32 $0xFFFFC000  }
0x1f0: {  	_ =	swait.ge [sflag:s13], $0x4000  }
0x1f1: {  	[sflag:s13] =	ssyncset.done $0x0  }
0x1f2: {  	s2 =	rddreg [dreg:$0x8];
	[sflag:s13] =	ssyncadd.s32 $0xFFFFC000  }
0x1f3: {  	[tilespmem:s23], [sflag:$0xB] =	stream.linear.gather [hbm4b:s2+s3], $0x100, $0x38;
	[tilespmem:$0x15B00] =	vst v63  }
0x1f4: {  	_ =	swait.ge [sflag:s9], $0x100  }
0x1f5: {  	[sflag:s9] =	ssyncset.done $0x0  }
0x1f6: {  	[sflag:s9] =	ssyncadd.s32 $0xFFFFFF00  }
0x1f7: {  	[tilespmem:s18], [sflag:$0xB] =	stream.linear.gather [hbm4b:s8+s3], $0x100, $0x38;
	[tilespmem:$0x15B00] =	vst v63  }
0x1f8: {  	_ =	swait.ge [sflag:s9], $0x100  }
0x1f9: {  	[sflag:s9] =	ssyncset.done $0x0  }
0x1fa: {  	s0 =	sld [smem:$0x7FD];
	[sflag:s9] =	ssyncadd.s32 $0xFFFFFF00  }
0x1fb: {  	s2 =	rddreg [dreg:$0x1]  }
0x1fc: {  	[tilespmem:s11], [sflag:$0x1] =	stream.indirect.gather [hbm4b:s2+s7], $0x80, s23, s7, $0xb8;
	[tilespmem:$0x15B00] =	vst v63  }
0x1fd: {  	_ = 	snop  }
0x1fe: {  	[tilespmem:s10], [sflag:$0x2] =	stream.indirect.gather [hbm4b:s2+s7], $0x80, s0, s7, $0xb8;
	[tilespmem:$0x15B00] =	vst v63  }
0x1ff: {  	_ =	swait.ge [sflag:s14], $0x4000  }
0x200: {  	[sflag:s14] =	ssyncset.done $0x0  }
0x201: {  	[sflag:s14] =	ssyncadd.s32 $0xFFFFC000  }
0x202: {  	[hbm4b:s6+s7] =	stream.indirect.scatter [tilespmem:s11], [sflag:$0x6], $0x80, s18, s7, $0xb8;
	[tilespmem:$0x15B00] =	vst v63  }
0x203: {  	_ =	swait.ge [sflag:s15], $0x4000  }
0x204: {  	[sflag:s15] =	ssyncset.done $0x0  }
0x205: {  	p1 =	sne.s32 s1, $0x1;
	[sflag:s15] =	ssyncadd.s32 $0xFFFFC000  }
0x206: {  	[hbm4b:s6+s7] =	stream.indirect.scatter [tilespmem:s10], [sflag:$0x7], $0x80, s19, s7, $0xb8;
	[tilespmem:$0x15B00] =	vst v63  }
.Ltmp2:
0x207: {  	_ =	swait.ge [sflag:s12], $0x4000;
	(pc) =	sbr.rel @p1 .LBB2_4-.Ltmp2, $4  }
0x208: {  	[sflag:s12] =	ssyncset.done $0x0  }
0x209: {  	[sflag:s12] =	ssyncadd.s32 $0xFFFFC000  }
0x20a: {  	_ =	swait.ge [sflag:s13], $0x4000  }
0x20b: {  	s1 =	sadd.s32 $0xFFFFFFFF, s1;
	s0 =	rddreg [dreg:$0x5];
	[sflag:s13] =	ssyncset.done $0x0  }
0x20c: {  	s19 =	rddreg [dreg:$0x1];
	s2 =	stileid.u32  }
.LBB2_6:
0x20d: {  	[sflag:s13] =	ssyncadd.s32 @p0 $0xFFFFC000  }
0x20e: {  	[tilespmem:s3], [sflag:$0xB] =	stream.linear.gather [hbm4b:s0+s3], $0xA00, $0x38;
	[tilespmem:$0x15B00] =	vst v63  }
0x20f: {  	_ =	swait.ge [sflag:s9], $0xA00  }
0x210: {  	[sflag:s9] =	ssyncset.done $0x0  }
0x211: {  	s1 =	rddreg [dreg:$0x6];
	[sflag:s9] =	ssyncadd.s32 $0xFFFFF600  }
0x212: {  	[tilespmem:s5], [sflag:$0xB] =	stream.linear.gather [hbm4b:s1+s3], $0xA00, $0x38;
	[tilespmem:$0x15B00] =	vst v63  }
0x213: {  	_ =	swait.ge [sflag:s9], $0xA00  }
0x214: {  	[sflag:s9] =	ssyncset.done $0x0  }
0x215: {  	[sflag:s9] =	ssyncadd.s32 $0xFFFFF600  }
0x216: {  	[tilespmem:s11], [sflag:$0x1] =	stream.indirect.gather [hbm4b:s4+s7], $0x80, s3, s7, $0xb8;
	[tilespmem:$0x15B00] =	vst v63  }
0x217: {  	_ = 	snop  }
0x218: {  	[tilespmem:s10], [sflag:$0x2] =	stream.indirect.gather [hbm4b:s4+s7], $0x80, s7, s7, $0xb8;
	[tilespmem:$0x15B00] =	vst v63  }
0x219: {  	s23 =	rddreg [dreg:$0x9]  }
0x21a: {  	[tilespmem:s22], [sflag:$0x3] =	stream.indirect.gather [hbm4b:s4+s7], $0x80, s23, s7, $0xb8;
	[tilespmem:$0x15B00] =	vst v63  }
0x21b: {  	s1 =	rddreg [dreg:$0xa]  }
0x21c: {  	[tilespmem:s21], [sflag:$0x4] =	stream.indirect.gather [hbm4b:s4+s7], $0x80, s1, s7, $0xb8;
	[tilespmem:$0x15B00] =	vst v63  }
0x21d: {  	s31 =	rddreg [dreg:$0xb]  }
0x21e: {  	[tilespmem:s20], [sflag:$0x5] =	stream.indirect.gather [hbm4b:s4+s7], $0x80, s31, s7, $0xb8;
	[tilespmem:$0x15B00] =	vst v63  }
0x21f: {  	_ =	swait.ge [sflag:s14], $0x4000  }
0x220: {  	[sflag:s14] =	ssyncset.done $0x0  }
0x221: {  	[sflag:s14] =	ssyncadd.s32 $0xFFFFC000  }
0x222: {  	[hbm4b:s16+s7] =	stream.indirect.scatter [tilespmem:s11], [sflag:$0x6], $0x80, s5, s7, $0xb8;
	[tilespmem:$0x15B00] =	vst v63  }
0x223: {  	_ =	swait.ge [sflag:s12], $0x4000  }
0x224: {  	[sflag:s12] =	ssyncset.done $0x0  }
0x225: {  	s23 =	rddreg [dreg:$0xc];
	[sflag:s12] =	ssyncadd.s32 $0xFFFFC000  }
0x226: {  	[tilespmem:s11], [sflag:$0x1] =	stream.indirect.gather [hbm4b:s4+s7], $0x80, s23, s7, $0xb8;
	[tilespmem:$0x15B00] =	vst v63  }
0x227: {  	_ =	swait.ge [sflag:s15], $0x4000  }
0x228: {  	[sflag:s15] =	ssyncset.done $0x0  }
0x229: {  	s31 =	rddreg [dreg:$0xd];
	[sflag:s15] =	ssyncadd.s32 $0xFFFFC000  }
0x22a: {  	[hbm4b:s16+s7] =	stream.indirect.scatter [tilespmem:s10], [sflag:$0x7], $0x80, s31, s7, $0xb8;
	[tilespmem:$0x15B00] =	vst v63  }
0x22b: {  	_ =	swait.ge [sflag:s13], $0x4000  }
0x22c: {  	[sflag:s13] =	ssyncset.done $0x0  }
0x22d: {  	s1 =	rddreg [dreg:$0xe];
	[sflag:s13] =	ssyncadd.s32 $0xFFFFC000  }
0x22e: {  	[tilespmem:s10], [sflag:$0x2] =	stream.indirect.gather [hbm4b:s4+s7], $0x80, s1, s7, $0xb8;
	[tilespmem:$0x15B00] =	vst v63  }
0x22f: {  	_ =	swait.ge [sflag:s28], $0x4000  }
0x230: {  	[sflag:s28] =	ssyncset.done $0x0  }
0x231: {  	s5 =	rddreg [dreg:$0xf];
	[sflag:s28] =	ssyncadd.s32 $0xFFFFC000  }
0x232: {  	[hbm4b:s16+s7] =	stream.indirect.scatter [tilespmem:s22], [sflag:$0x8], $0x80, s5, s7, $0xb8;
	[tilespmem:$0x15B00] =	vst v63  }
0x233: {  	_ =	swait.ge [sflag:s24], $0x4000  }
0x234: {  	[sflag:s24] =	ssyncset.done $0x0  }
0x235: {  	s23 =	rddreg [dreg:$0x10];
	[sflag:s24] =	ssyncadd.s32 $0xFFFFC000  }
0x236: {  	[tilespmem:s22], [sflag:$0x3] =	stream.indirect.gather [hbm4b:s4+s7], $0x80, s23, s7, $0xb8;
	[tilespmem:$0x15B00] =	vst v63  }
0x237: {  	_ =	swait.ge [sflag:s29], $0x4000  }
0x238: {  	[sflag:s29] =	ssyncset.done $0x0  }
0x239: {  	s31 =	rddreg [dreg:$0x11];
	[sflag:s29] =	ssyncadd.s32 $0xFFFFC000  }
0x23a: {  	[hbm4b:s16+s7] =	stream.indirect.scatter [tilespmem:s21], [sflag:$0x9], $0x80, s31, s7, $0xb8;
	[tilespmem:$0x15B00] =	vst v63  }
0x23b: {  	_ =	swait.ge [sflag:s25], $0x4000  }
0x23c: {  	[sflag:s25] =	ssyncset.done $0x0  }
0x23d: {  	s1 =	rddreg [dreg:$0x12];
	[sflag:s25] =	ssyncadd.s32 $0xFFFFC000  }
0x23e: {  	[tilespmem:s21], [sflag:$0x4] =	stream.indirect.gather [hbm4b:s4+s7], $0x80, s1, s7, $0xb8;
	[tilespmem:$0x15B00] =	vst v63  }
0x23f: {  	_ =	swait.ge [sflag:s30], $0x4000  }
0x240: {  	[sflag:s30] =	ssyncset.done $0x0  }
0x241: {  	s5 =	rddreg [dreg:$0x13];
	[sflag:s30] =	ssyncadd.s32 $0xFFFFC000  }
0x242: {  	[hbm4b:s16+s7] =	stream.indirect.scatter [tilespmem:s20], [sflag:$0xA], $0x80, s5, s7, $0xb8;
	[tilespmem:$0x15B00] =	vst v63  }
0x243: {  	_ =	swait.ge [sflag:s26], $0x4000  }
0x244: {  	[sflag:s26] =	ssyncset.done $0x0  }
0x245: {  	s23 =	rddreg [dreg:$0x14];
	[sflag:s26] =	ssyncadd.s32 $0xFFFFC000  }
0x246: {  	[tilespmem:s20], [sflag:$0x5] =	stream.indirect.gather [hbm4b:s4+s7], $0x80, s23, s7, $0xb8;
	[tilespmem:$0x15B00] =	vst v63  }
0x247: {  	_ =	swait.ge [sflag:s14], $0x4000  }
0x248: {  	[sflag:s14] =	ssyncset.done $0x0  }
0x249: {  	s31 =	rddreg [dreg:$0x15];
	[sflag:s14] =	ssyncadd.s32 $0xFFFFC000  }
0x24a: {  	[hbm4b:s16+s7] =	stream.indirect.scatter [tilespmem:s11], [sflag:$0x6], $0x80, s31, s7, $0xb8;
	[tilespmem:$0x15B00] =	vst v63  }
0x24b: {  	_ =	swait.ge [sflag:s12], $0x4000  }
0x24c: {  	[sflag:s12] =	ssyncset.done $0x0  }
0x24d: {  	s1 =	rddreg [dreg:$0x16];
	[sflag:s12] =	ssyncadd.s32 $0xFFFFC000  }
0x24e: {  	[tilespmem:s11], [sflag:$0x1] =	stream.indirect.gather [hbm4b:s4+s7], $0x80, s1, s7, $0xb8;
	[tilespmem:$0x15B00] =	vst v63  }
0x24f: {  	_ =	swait.ge [sflag:s15], $0x4000  }
0x250: {  	[sflag:s15] =	ssyncset.done $0x0  }
0x251: {  	s5 =	rddreg [dreg:$0x17];
	[sflag:s15] =	ssyncadd.s32 $0xFFFFC000  }
0x252: {  	[hbm4b:s16+s7] =	stream.indirect.scatter [tilespmem:s10], [sflag:$0x7], $0x80, s5, s7, $0xb8;
	[tilespmem:$0x15B00] =	vst v63  }
0x253: {  	_ =	swait.ge [sflag:s13], $0x4000  }
0x254: {  	[sflag:s13] =	ssyncset.done $0x0  }
0x255: {  	s23 =	rddreg [dreg:$0x18];
	[sflag:s13] =	ssyncadd.s32 $0xFFFFC000  }
0x256: {  	[tilespmem:s10], [sflag:$0x2] =	stream.indirect.gather [hbm4b:s4+s7], $0x80, s23, s7, $0xb8;
	[tilespmem:$0x15B00] =	vst v63  }
0x257: {  	_ =	swait.ge [sflag:s28], $0x4000  }
0x258: {  	[sflag:s28] =	ssyncset.done $0x0  }
0x259: {  	s31 =	rddreg [dreg:$0x19];
	[sflag:s28] =	ssyncadd.s32 $0xFFFFC000  }
0x25a: {  	[hbm4b:s16+s7] =	stream.indirect.scatter [tilespmem:s22], [sflag:$0x8], $0x80, s31, s7, $0xb8;
	[tilespmem:$0x15B00] =	vst v63  }
0x25b: {  	_ =	swait.ge [sflag:s24], $0x4000  }
0x25c: {  	[sflag:s24] =	ssyncset.done $0x0  }
0x25d: {  	s1 =	rddreg [dreg:$0x1a];
	[sflag:s24] =	ssyncadd.s32 $0xFFFFC000  }
0x25e: {  	[tilespmem:s22], [sflag:$0x3] =	stream.indirect.gather [hbm4b:s4+s7], $0x80, s1, s7, $0xb8;
	[tilespmem:$0x15B00] =	vst v63  }
0x25f: {  	_ =	swait.ge [sflag:s29], $0x4000  }
0x260: {  	[sflag:s29] =	ssyncset.done $0x0  }
0x261: {  	s5 =	rddreg [dreg:$0x1b];
	[sflag:s29] =	ssyncadd.s32 $0xFFFFC000  }
0x262: {  	[hbm4b:s16+s7] =	stream.indirect.scatter [tilespmem:s21], [sflag:$0x9], $0x80, s5, s7, $0xb8;
	[tilespmem:$0x15B00] =	vst v63  }
0x263: {  	_ =	swait.ge [sflag:s25], $0x4000  }
0x264: {  	[sflag:s25] =	ssyncset.done $0x0  }
0x265: {  	s23 =	rddreg [dreg:$0x1c];
	[sflag:s25] =	ssyncadd.s32 $0xFFFFC000  }
0x266: {  	[tilespmem:s21], [sflag:$0x4] =	stream.indirect.gather [hbm4b:s4+s7], $0x80, s23, s7, $0xb8;
	[tilespmem:$0x15B00] =	vst v63  }
0x267: {  	_ =	swait.ge [sflag:s30], $0x4000  }
0x268: {  	[sflag:s30] =	ssyncset.done $0x0  }
0x269: {  	s31 =	rddreg [dreg:$0x1d];
	[sflag:s30] =	ssyncadd.s32 $0xFFFFC000  }
0x26a: {  	[hbm4b:s16+s7] =	stream.indirect.scatter [tilespmem:s20], [sflag:$0xA], $0x80, s31, s7, $0xb8;
	[tilespmem:$0x15B00] =	vst v63  }
0x26b: {  	_ =	swait.ge [sflag:s26], $0x4000  }
0x26c: {  	[sflag:s26] =	ssyncset.done $0x0  }
0x26d: {  	s1 =	rddreg [dreg:$0x1e];
	[sflag:s26] =	ssyncadd.s32 $0xFFFFC000  }
0x26e: {  	[tilespmem:s20], [sflag:$0x5] =	stream.indirect.gather [hbm4b:s4+s7], $0x80, s1, s7, $0xb8;
	[tilespmem:$0x15B00] =	vst v63  }
0x26f: {  	_ =	swait.ge [sflag:s14], $0x4000  }
0x270: {  	[sflag:s14] =	ssyncset.done $0x0  }
0x271: {  	s5 =	rddreg [dreg:$0x1f];
	[sflag:s14] =	ssyncadd.s32 $0xFFFFC000  }
0x272: {  	[hbm4b:s16+s7] =	stream.indirect.scatter [tilespmem:s11], [sflag:$0x6], $0x80, s5, s7, $0xb8;
	[tilespmem:$0x15B00] =	vst v63  }
0x273: {  	_ =	swait.ge [sflag:s12], $0x4000  }
0x274: {  	s23 =	sld [smem:$0x7EE]  }
0x275: {  	[sflag:s12] =	ssyncset.done $0x0  }
0x276: {  	[sflag:s12] =	ssyncadd.s32 $0xFFFFC000  }
0x277: {  	[tilespmem:s11], [sflag:$0x1] =	stream.indirect.gather [hbm4b:s4+s7], $0x80, s23, s7, $0xb8;
	[tilespmem:$0x15B00] =	vst v63  }
0x278: {  	_ =	swait.ge [sflag:s15], $0x4000  }
0x279: {  	s31 =	sld [smem:$0x7EF]  }
0x27a: {  	[sflag:s15] =	ssyncset.done $0x0  }
0x27b: {  	[sflag:s15] =	ssyncadd.s32 $0xFFFFC000  }
0x27c: {  	[hbm4b:s16+s7] =	stream.indirect.scatter [tilespmem:s10], [sflag:$0x7], $0x80, s31, s7, $0xb8;
	[tilespmem:$0x15B00] =	vst v63  }
0x27d: {  	_ =	swait.ge [sflag:s13], $0x4000  }
0x27e: {  	s1 =	sld [smem:$0x7F0]  }
0x27f: {  	[sflag:s13] =	ssyncset.done $0x0  }
0x280: {  	[sflag:s13] =	ssyncadd.s32 $0xFFFFC000  }
0x281: {  	[tilespmem:s10], [sflag:$0x2] =	stream.indirect.gather [hbm4b:s4+s7], $0x80, s1, s7, $0xb8;
	[tilespmem:$0x15B00] =	vst v63  }
0x282: {  	_ =	swait.ge [sflag:s28], $0x4000  }
0x283: {  	s5 =	sld [smem:$0x7F1]  }
0x284: {  	[sflag:s28] =	ssyncset.done $0x0  }
0x285: {  	[sflag:s28] =	ssyncadd.s32 $0xFFFFC000  }
0x286: {  	[hbm4b:s16+s7] =	stream.indirect.scatter [tilespmem:s22], [sflag:$0x8], $0x80, s5, s7, $0xb8;
	[tilespmem:$0x15B00] =	vst v63  }
0x287: {  	_ =	swait.ge [sflag:s24], $0x4000  }
0x288: {  	s23 =	sld [smem:$0x7F2]  }
0x289: {  	[sflag:s24] =	ssyncset.done $0x0  }
0x28a: {  	[sflag:s24] =	ssyncadd.s32 $0xFFFFC000  }
0x28b: {  	[tilespmem:s22], [sflag:$0x3] =	stream.indirect.gather [hbm4b:s4+s7], $0x80, s23, s7, $0xb8;
	[tilespmem:$0x15B00] =	vst v63  }
0x28c: {  	_ =	swait.ge [sflag:s29], $0x4000  }
0x28d: {  	s31 =	sld [smem:$0x7F3]  }
0x28e: {  	[sflag:s29] =	ssyncset.done $0x0  }
0x28f: {  	[sflag:s29] =	ssyncadd.s32 $0xFFFFC000  }
0x290: {  	[hbm4b:s16+s7] =	stream.indirect.scatter [tilespmem:s21], [sflag:$0x9], $0x80, s31, s7, $0xb8;
	[tilespmem:$0x15B00] =	vst v63  }
0x291: {  	_ =	swait.ge [sflag:s25], $0x4000  }
0x292: {  	s1 =	sld [smem:$0x7F4]  }
0x293: {  	[sflag:s25] =	ssyncset.done $0x0  }
0x294: {  	[sflag:s25] =	ssyncadd.s32 $0xFFFFC000  }
0x295: {  	[tilespmem:s21], [sflag:$0x4] =	stream.indirect.gather [hbm4b:s4+s7], $0x80, s1, s7, $0xb8;
	[tilespmem:$0x15B00] =	vst v63  }
0x296: {  	_ =	swait.ge [sflag:s30], $0x4000  }
0x297: {  	s5 =	sld [smem:$0x7F5]  }
0x298: {  	[sflag:s30] =	ssyncset.done $0x0  }
0x299: {  	[sflag:s30] =	ssyncadd.s32 $0xFFFFC000  }
0x29a: {  	[hbm4b:s16+s7] =	stream.indirect.scatter [tilespmem:s20], [sflag:$0xA], $0x80, s5, s7, $0xb8;
	[tilespmem:$0x15B00] =	vst v63  }
0x29b: {  	_ =	swait.ge [sflag:s26], $0x4000  }
0x29c: {  	s23 =	sld [smem:$0x7F6]  }
0x29d: {  	[sflag:s26] =	ssyncset.done $0x0  }
0x29e: {  	[sflag:s26] =	ssyncadd.s32 $0xFFFFC000  }
0x29f: {  	[tilespmem:s20], [sflag:$0x5] =	stream.indirect.gather [hbm4b:s4+s7], $0x80, s23, s7, $0xb8;
	[tilespmem:$0x15B00] =	vst v63  }
0x2a0: {  	_ =	swait.ge [sflag:s14], $0x4000  }
0x2a1: {  	s31 =	sld [smem:$0x7F7]  }
0x2a2: {  	[sflag:s14] =	ssyncset.done $0x0  }
0x2a3: {  	[sflag:s14] =	ssyncadd.s32 $0xFFFFC000  }
0x2a4: {  	[hbm4b:s16+s7] =	stream.indirect.scatter [tilespmem:s11], [sflag:$0x6], $0x80, s31, s7, $0xb8;
	[tilespmem:$0x15B00] =	vst v63  }
0x2a5: {  	_ =	swait.ge [sflag:s15], $0x4000  }
0x2a6: {  	s1 =	sld [smem:$0x7F8]  }
0x2a7: {  	[sflag:s15] =	ssyncset.done $0x0  }
0x2a8: {  	[sflag:s15] =	ssyncadd.s32 $0xFFFFC000  }
0x2a9: {  	[hbm4b:s16+s7] =	stream.indirect.scatter [tilespmem:s10], [sflag:$0x7], $0x80, s1, s7, $0xb8;
	[tilespmem:$0x15B00] =	vst v63  }
0x2aa: {  	_ =	swait.ge [sflag:s28], $0x4000  }
0x2ab: {  	s5 =	sld [smem:$0x7F9]  }
0x2ac: {  	[sflag:s28] =	ssyncset.done $0x0  }
0x2ad: {  	[sflag:s28] =	ssyncadd.s32 $0xFFFFC000  }
0x2ae: {  	[hbm4b:s16+s7] =	stream.indirect.scatter [tilespmem:s22], [sflag:$0x8], $0x80, s5, s7, $0xb8;
	[tilespmem:$0x15B00] =	vst v63  }
0x2af: {  	_ =	swait.ge [sflag:s29], $0x4000  }
0x2b0: {  	s22 =	sld [smem:$0x7FA]  }
0x2b1: {  	[sflag:s29] =	ssyncset.done $0x0  }
0x2b2: {  	[sflag:s29] =	ssyncadd.s32 $0xFFFFC000  }
0x2b3: {  	[hbm4b:s16+s7] =	stream.indirect.scatter [tilespmem:s21], [sflag:$0x9], $0x80, s22, s7, $0xb8;
	[tilespmem:$0x15B00] =	vst v63  }
0x2b4: {  	_ =	swait.ge [sflag:s30], $0x4000  }
0x2b5: {  	s23 =	sld [smem:$0x7FB]  }
0x2b6: {  	[sflag:s30] =	ssyncset.done $0x0  }
0x2b7: {  	[sflag:s30] =	ssyncadd.s32 $0xFFFFC000  }
0x2b8: {  	[hbm4b:s16+s7] =	stream.indirect.scatter [tilespmem:s20], [sflag:$0xA], $0x80, s23, s7, $0xb8;
	[tilespmem:$0x15B00] =	vst v63  }
0x2b9: {  	_ =	swait.ge [sflag:s12], $0x4000  }
0x2ba: {  	[sflag:s12] =	ssyncset.done $0x0  }
0x2bb: {  	[sflag:s12] =	ssyncadd.s32 $0xFFFFC000  }
0x2bc: {  	_ =	swait.ge [sflag:s13], $0x4000  }
0x2bd: {  	[sflag:s13] =	ssyncset.done $0x0  }
0x2be: {  	[sflag:s13] =	ssyncadd.s32 $0xFFFFC000  }
0x2bf: {  	_ =	swait.ge [sflag:s24], $0x4000  }
0x2c0: {  	[sflag:s24] =	ssyncset.done $0x0  }
0x2c1: {  	[sflag:s24] =	ssyncadd.s32 $0xFFFFC000  }
0x2c2: {  	_ =	swait.ge [sflag:s25], $0x4000  }
0x2c3: {  	[sflag:s25] =	ssyncset.done $0x0  }
0x2c4: {  	[sflag:s25] =	ssyncadd.s32 $0xFFFFC000  }
0x2c5: {  	_ =	swait.ge [sflag:s26], $0x4000  }
0x2c6: {  	[sflag:s26] =	ssyncset.done $0x0  }
0x2c7: {  	s25 =	simm.s32 $0xC00;
	s24 =	rddreg [dreg:$0x7];
	[sflag:s26] =	ssyncadd.s32 $0xFFFFC000  }
0x2c8: {  	[tilespmem:s25], [sflag:$0xB] =	stream.linear.gather [hbm4b:s24+s3], $0x100, $0x38;
	[tilespmem:$0x15B00] =	vst v63  }
0x2c9: {  	_ =	swait.ge [sflag:s9], $0x100  }
0x2ca: {  	[sflag:s9] =	ssyncset.done $0x0  }
0x2cb: {  	[sflag:s9] =	ssyncadd.s32 $0xFFFFFF00  }
0x2cc: {  	[tilespmem:s18], [sflag:$0xB] =	stream.linear.gather [hbm4b:s8+s3], $0x100, $0x38;
	[tilespmem:$0x15B00] =	vst v63  }
0x2cd: {  	_ =	swait.ge [sflag:s9], $0x100  }
0x2ce: {  	[sflag:s9] =	ssyncset.done $0x0  }
0x2cf: {  	s26 =	sld [smem:$0x7FC];
	[sflag:s9] =	ssyncadd.s32 $0xFFFFFF00  }
0x2d0: {  	[tilespmem:s11], [sflag:$0x1] =	stream.indirect.gather [hbm4b:s4+s7], $0x80, s25, s7, $0xb8;
	[tilespmem:$0x15B00] =	vst v63  }
0x2d1: {  	_ = 	snop  }
0x2d2: {  	[tilespmem:s10], [sflag:$0x2] =	stream.indirect.gather [hbm4b:s4+s7], $0x80, s26, s7, $0xb8;
	[tilespmem:$0x15B00] =	vst v63  }
0x2d3: {  	_ =	swait.ge [sflag:s14], $0x4000  }
0x2d4: {  	[sflag:s14] =	ssyncset.done $0x0  }
0x2d5: {  	[sflag:s14] =	ssyncadd.s32 $0xFFFFC000  }
0x2d6: {  	[hbm4b:s17+s7] =	stream.indirect.scatter [tilespmem:s11], [sflag:$0x6], $0x80, s18, s7, $0xb8;
	[tilespmem:$0x15B00] =	vst v63  }
0x2d7: {  	_ =	swait.ge [sflag:s15], $0x4000  }
0x2d8: {  	[sflag:s15] =	ssyncset.done $0x0  }
0x2d9: {  	s28 =	simm.s32 $0x1A80;
	[sflag:s15] =	ssyncadd.s32 $0xFFFFC000  }
0x2da: {  	[hbm4b:s17+s7] =	stream.indirect.scatter [tilespmem:s10], [sflag:$0x7], $0x80, s28, s7, $0xb8;
	[tilespmem:$0x15B00] =	vst v63  }
0x2db: {  	_ =	swait.ge [sflag:s12], $0x4000  }
0x2dc: {  	[sflag:s12] =	ssyncset.done $0x0  }
0x2dd: {  	[sflag:s12] =	ssyncadd.s32 $0xFFFFC000  }
0x2de: {  	_ =	swait.ge [sflag:s13], $0x4000  }
0x2df: {  	[sflag:s13] =	ssyncset.done $0x0  }
0x2e0: {  	s30 =	simm.s32 $0xD00;
	s29 =	rddreg [dreg:$0x8];
	[sflag:s13] =	ssyncadd.s32 $0xFFFFC000  }
0x2e1: {  	[tilespmem:s30], [sflag:$0xB] =	stream.linear.gather [hbm4b:s29+s3], $0x100, $0x38;
	[tilespmem:$0x15B00] =	vst v63  }
0x2e2: {  	_ =	swait.ge [sflag:s9], $0x100  }
0x2e3: {  	[sflag:s9] =	ssyncset.done $0x0  }
0x2e4: {  	[sflag:s9] =	ssyncadd.s32 $0xFFFFFF00  }
0x2e5: {  	[tilespmem:s18], [sflag:$0xB] =	stream.linear.gather [hbm4b:s8+s3], $0x100, $0x38;
	[tilespmem:$0x15B00] =	vst v63  }
0x2e6: {  	_ =	swait.ge [sflag:s9], $0x100  }
0x2e7: {  	[sflag:s9] =	ssyncset.done $0x0  }
0x2e8: {  	s31 =	sld [smem:$0x7FD];
	[sflag:s9] =	ssyncadd.s32 $0xFFFFFF00  }
0x2e9: {  	[tilespmem:s11], [sflag:$0x1] =	stream.indirect.gather [hbm4b:s19+s7], $0x80, s30, s7, $0xb8;
	[tilespmem:$0x15B00] =	vst v63  }
0x2ea: {  	_ = 	snop  }
0x2eb: {  	[tilespmem:s10], [sflag:$0x2] =	stream.indirect.gather [hbm4b:s19+s7], $0x80, s31, s7, $0xb8;
	[tilespmem:$0x15B00] =	vst v63  }
0x2ec: {  	_ =	swait.ge [sflag:s14], $0x4000  }
0x2ed: {  	[sflag:s14] =	ssyncset.done $0x0  }
0x2ee: {  	[sflag:s14] =	ssyncadd.s32 $0xFFFFC000  }
0x2ef: {  	[hbm4b:s6+s7] =	stream.indirect.scatter [tilespmem:s11], [sflag:$0x6], $0x80, s18, s7, $0xb8;
	[tilespmem:$0x15B00] =	vst v63  }
0x2f0: {  	_ =	swait.ge [sflag:s15], $0x4000  }
0x2f1: {  	[sflag:s15] =	ssyncset.done $0x0  }
0x2f2: {  	[sflag:s15] =	ssyncadd.s32 $0xFFFFC000  }
0x2f3: {  	[hbm4b:s6+s7] =	stream.indirect.scatter [tilespmem:s10], [sflag:$0x7], $0x80, s28, s7, $0xb8;
	[tilespmem:$0x15B00] =	vst v63  }
0x2f4: {  	_ =	swait.ge [sflag:s12], $0x4000  }
0x2f5: {  	[sflag:s12] =	ssyncset.done $0x0  }
0x2f6: {  	[sflag:s12] =	ssyncadd.s32 $0xFFFFC000  }
0x2f7: {  	_ =	swait.ge [sflag:s13], $0x4000  }
0x2f8: {  	[sflag:s13] =	ssyncset.done $0x0  }
0x2f9: {  	[sflag:s13] =	ssyncadd.s32 $0xFFFFC000  }
0x2fa: {  	_ =	sfence.sel $0x180000  }
0x2fb: {  	[bflag:$0x0] =	sbarrier.arrive $0xFFFF  }
0x2fc: {  	_ =	strace $0x9000004A  }
0x2fd: {  	[bflag:$0x2] =	sbarrier.arrive $0xFFFF  }
0x2fe: {  	p0 =	sne.s32 s2, $0x0;
	s0 =	rddreg [dreg:$0x4]  }
0x2ff: {  	s0 =	sadd.s32 @!p0 $0x100000, s0  }
0x300: {  	[sflag:s0] =	ssyncadd.tile.s32 @!p0 $0x1;
	_ =	shalt  }
.LBB2_1:
.Ltmp3:
0x301: {  	(pc) =	sbr.rel .LBB2_6-.Ltmp3, $2  }
0x302: {  	_ =	sdelay $0x2  }
0x303: {  	s19 =	rddreg [dreg:$0x1]  }
.LBB2_3:
.Ltmp4:
0x304: {  	(pc) =	sbr.rel .LBB2_6-.Ltmp4, $2  }
0x305: {  	_ =	sdelay $0x2  }
0x306: {  	s19 =	rddreg [dreg:$0x1];
	s2 =	stileid.u32  }
.Lfunc_end2:
_tile_overlayer_lowered:
.L_overlay_start_2:
0x307: {  	(tag) =	ssettag $0x2  }
0x308: {  	s0 =	rddreg [dreg:$0x0];
	s2 =	stileid.u32  }
0x309: {  	s1 =	rddreg [dreg:$0x1];
	p0 =	sne.s32 s2, $0x0  }
0x30a: {  	s3 =	rddreg [dreg:$0x2];
	[bflag:$0x3] =	sbarrier.arrive $0xFFFF;
	s2 =	simm.s32 @!p0 $0x1C0B  }
0x30b: {  	[timem:s3], [sflag:s2] =	dma.local @!p0 [hbm:s0], s1  }
0x30c: {  	s0 =	simm.s32 @!p0 $0xB  }
0x30d: {  	_ =	swait.ge @!p0 [sflag:s0], s1  }
0x30e: {  	s1 =	ssub.s32 @!p0 $0x0, s1;
	[sflag:s0] =	ssyncset.done @!p0 $0x0  }
0x30f: {  	[sflag:s0] =	ssyncadd.s32 @!p0 s1  }
0x310: {  	[bflag:$0x3] =	sbarrier.arrive $0xFFFF  }
0x311: {  	_ =	shalt  }

// kernel: kernel.14.cloned.1.call-start
scs
__scs_entry_jumppad:
0x0: {  	(pc) =	sbr.rel $0x88, $3  }
0x1: {  	(tag) =	ssettag $0x0;
	lr =	simm.s32 $0x1  }
0x2: {  	[smem:$0x3F98] =	sst lr;
	_ =	strace $0xD0000000  }
0x3: {  	_ = 	snop  }
0x4: {  	_ = 	snop  }
0x5: {  	_ = 	snop  }
0x6: {  	_ = 	snop  }
0x7: {  	_ = 	snop  }
__scs_overlays_trampoline_lowered:
0x8: {  	[smem:$0x3FA7] =	sst s0  }
0x9: {  	[smem:$0x3FA8] =	sst s1  }
0xa: {  	[smem:$0x3FA9] =	sst s2  }
0xb: {  	[smem:$0x3FAA] =	sst s3  }
0xc: {  	[smem:$0x3FAB] =	sst s4  }
0xd: {  	[smem:$0x3FAC] =	sst s5  }
0xe: {  	[smem:$0x3FAD] =	sst s6  }
0xf: {  	[smem:$0x3FAE] =	sst s7  }
0x10: {  	[smem:$0x3FAF] =	sst s8  }
0x11: {  	[smem:$0x3FB0] =	sst s9;
	s0 =	simm.s32 @!p0 $0x0  }
0x12: {  	s1 =	sld [smem:$0x3F96];
	s0 =	simm.s32 @p0 $0x1  }
0x13: {  	[smem:$0x3FB1] =	sst s0;
	s0 =	simm.s32 @!p1 $0x0  }
0x14: {  	s2 =	sld [smem:$0x3F95];
	s0 =	simm.s32 @p1 $0x1  }
0x15: {  	[smem:$0x3FB2] =	sst s0;
	s0 =	simm.s32 @!p2 $0x0  }
0x16: {  	s3 =	sld [smem:$0x3FDB];
	s0 =	simm.s32 @p2 $0x1  }
0x17: {  	s4 =	simm.s32 $0x1BF5;
	[smem:$0x3FB4] =	sst s0  }
0x18: {  	s0 =	sld [smem:$0x3F97];
	_ =	swait.ge [sflag:s4], $0x0  }
0x19: {  	s7 =	sld [smem:$0x3F98]  }
0x1a: {  	s8 =	sadd.s32 $0xFFFFE003, lr  }
0x1b: {  	s9 =	sadd.s32 $0xFFFFFEF7, lr;
	s5 =	simm.s32 $0xFFFFFFFF;
	p2 =	slt.u32 s8, $0xFFFFF086  }
0x1c: {  	p1 =	slt.u32 s9, $0xF7A;
	s5 =	simm.s32 @!p2 $0x0  }
0x1d: {  	s5 =	simm.s32 @p1 $0x1;
	p0 =	seq.s32 s7, s2  }
0x1e: {  	s7 =	smul.u32 @!p0 $0xF7A, s2;
	p2 =	seq.s32 @!p0 s5, $0x0  }
0x1f: {  	s9 =	smul.u32 $0xF7A, s1;
	s8 =	simm.s32 @!p0 $0x1BF5;
	p2 =	por !p2, p0  }
0x20: {  	[sflag:s8] =	ssyncset.s32 @!p0 $0xFFFFF086;
	s6 =	sadd.s32 @!p0 s3, s7;
	s7 =	simm.s32 @!p0 $0x108  }
0x21: {  	s3 =	sadd.s32 s3, s9;
	s6 =	sadd.s32 @!p0 $0x88, s6;
	s7 =	simm.s32 @p2 $0x1082  }
0x22: {  	[simem:s7], [sflag:s8] =	dma.local @!p0 [hbm:s6], $0xF7A  }
0x23: {  	s9 =	sor.u32 $0xD0000000, s2;
	s6 =	simm.s32 $0x108;
	_ =	swait.ge @!p0 [sflag:s8], $0x0  }
0x24: {  	s3 =	sadd.s32 $0x88, s3;
	s6 =	simm.s32 @!p1 $0x1082;
	[sflag:s4] =	ssyncset.s32 $0xFFFFF086  }
0x25: {  	[simem:s6], [sflag:s4] =	dma.local [hbm:s3], $0xF7A  }
0x26: {  	[smem:$0x3F98] =	sst s1;
	(tag) =	ssettag s2;
	_ =	strace s9  }
0x27: {  	s1 =	sld [smem:$0x3FA8]  }
0x28: {  	s2 =	sld [smem:$0x3FA9]  }
0x29: {  	s4 =	sld [smem:$0x3FAB]  }
0x2a: {  	p0 =	seq.s32 s5, $0x0;
	s5 =	sld [smem:$0x3FAC]  }
0x2b: {  	s6 =	sld [smem:$0x3FAD]  }
0x2c: {  	s7 =	sld [smem:$0x3FAE]  }
0x2d: {  	s3 =	simm.s32 $0x108;
	s8 =	sld [smem:$0x3FAF]  }
0x2e: {  	s3 =	simm.s32 @!p0 $0x1082;
	s9 =	sld [smem:$0x3FB0]  }
0x2f: {  	lr =	sadd.s32 s0, s3;
	s0 =	sld [smem:$0x3FA7]  }
0x30: {  	s3 =	sld [smem:$0x3FAA]  }
0x31: {  	[smem:$0x3FB3] =	sst s10  }
0x32: {  	s10 =	sld [smem:$0x3FB1];
	_ =	sdelay $0x3  }
0x33: {  	p0 =	seq.s32 s10, $0x1;
	s10 =	sld [smem:$0x3FB3];
	_ =	sdelay $0x3  }
0x34: {  	[smem:$0x3FB3] =	sst s10  }
0x35: {  	s10 =	sld [smem:$0x3FB2];
	_ =	sdelay $0x3  }
0x36: {  	p1 =	seq.s32 s10, $0x1;
	s10 =	sld [smem:$0x3FB3];
	_ =	sdelay $0x3  }
0x37: {  	[smem:$0x3FB3] =	sst s10  }
0x38: {  	s10 =	sld [smem:$0x3FB4]  }
0x39: {  	_ = 	snop;
	(pc) =	sbr.ind lr, $3  }
0x3a: {  	_ = 	snop  }
0x3b: {  	_ = 	snop  }
0x3c: {  	p2 =	seq.s32 s10, $0x1;
	s10 =	sld [smem:$0x3FB3]  }
0x3d: {  	_ =	shalt  }
0x3e: {  	_ =	shalt  }
0x3f: {  	_ =	shalt  }
0x40: {  	_ =	shalt  }
0x41: {  	_ =	shalt  }
0x42: {  	_ =	shalt  }
0x43: {  	_ =	shalt  }
0x44: {  	_ =	shalt  }
0x45: {  	_ =	shalt  }
0x46: {  	_ =	shalt  }
0x47: {  	_ =	shalt  }
0x48: {  	_ =	shalt  }
0x49: {  	_ =	shalt  }
0x4a: {  	_ =	shalt  }
0x4b: {  	_ =	shalt  }
0x4c: {  	_ =	shalt  }
0x4d: {  	_ =	shalt  }
0x4e: {  	_ =	shalt  }
0x4f: {  	_ =	shalt  }
0x50: {  	_ =	shalt  }
0x51: {  	_ =	shalt  }
0x52: {  	_ =	shalt  }
0x53: {  	_ =	shalt  }
0x54: {  	_ =	shalt  }
0x55: {  	_ =	shalt  }
0x56: {  	_ =	shalt  }
0x57: {  	_ =	shalt  }
0x58: {  	_ =	shalt  }
0x59: {  	_ =	shalt  }
0x5a: {  	_ =	shalt  }
0x5b: {  	_ =	shalt  }
0x5c: {  	_ =	shalt  }
0x5d: {  	_ =	shalt  }
0x5e: {  	_ =	shalt  }
0x5f: {  	_ =	shalt  }
0x60: {  	_ =	shalt  }
0x61: {  	_ =	shalt  }
0x62: {  	_ =	shalt  }
0x63: {  	_ =	shalt  }
0x64: {  	_ =	shalt  }
0x65: {  	_ =	shalt  }
0x66: {  	_ =	shalt  }
0x67: {  	_ =	shalt  }
0x68: {  	_ =	shalt  }
0x69: {  	_ =	shalt  }
0x6a: {  	_ =	shalt  }
0x6b: {  	_ =	shalt  }
0x6c: {  	_ =	shalt  }
0x6d: {  	_ =	shalt  }
0x6e: {  	_ =	shalt  }
0x6f: {  	_ =	shalt  }
0x70: {  	_ =	shalt  }
0x71: {  	_ =	shalt  }
0x72: {  	_ =	shalt  }
0x73: {  	_ =	shalt  }
0x74: {  	_ =	shalt  }
0x75: {  	_ =	shalt  }
0x76: {  	_ =	shalt  }
0x77: {  	_ =	shalt  }
0x78: {  	_ =	shalt  }
0x79: {  	_ =	shalt  }
0x7a: {  	_ =	shalt  }
0x7b: {  	_ =	shalt  }
0x7c: {  	_ =	shalt  }
0x7d: {  	_ =	shalt  }
0x7e: {  	_ =	shalt  }
0x7f: {  	_ =	shalt  }
0x80: {  	_ =	shalt  }
0x81: {  	_ =	shalt  }
0x82: {  	_ =	shalt  }
0x83: {  	_ =	shalt  }
0x84: {  	_ =	shalt  }
0x85: {  	_ =	shalt  }
0x86: {  	_ =	shalt  }
0x87: {  	_ =	shalt  }
.Lfunc_end0:
.L_simem_size_0:
called_computation.2_lowered:
.L_overlay_start_0:
0x88: {  	s2 =	sld [smem:$0x3FD9]  }
0x89: {  	s3 =	sld [smem:$0x3FFE];
	_ =	sdelay $0x1  }
0x8a: {  	s1 =	srdreg.scid  }
0x8b: {  	s0 =	sand.u32 $0x1, s1  }
0x8c: {  	s17 =	sshll.u32 s0, $0xA;
	s2 =	sadd.s32 s3, s2  }
0x8d: {  	s2 =	sadd.s32 s2, s17  }
0x8e: {  	[smem:$0x3FBF] =	sst s2  }
0x8f: {  	_ = 	snop  }
0x90: {  	(tm) =	ssettm $0x1  }
0x91: {  	s18 =	sld [smem:$0x3FFB];
	_ =	sdelay $0x3  }
0x92: {  	_ =	strace s18  }
0x93: {  	s2 =	sld [smem:$0x3FFC];
	_ =	sdelay $0x3  }
0x94: {  	_ =	strace s2  }
0x95: {  	s2 =	sld [smem:$0x3FFD];
	_ =	sdelay $0x3  }
0x96: {  	_ =	strace s2  }
0x97: {  	_ =	strace $0x8FFFFFFF  }
0x98: {  	s19 =	sld [smem:$0x3FDB];
	_ =	sdelay $0x1  }
0x99: {  	s20 =	simm.s32 $_scs_section_size  }
0x9a: {  	s4 =	simm.s32 $_size__tile_overlayer_lowered;
	s5 =	simm.s32 $_tile_overlayer_lowered  }
0x9b: {  	s6 =	simm.s32 $0x1BFF;
	s21 =	sshll.u32 s5, $0x1;
	s3 =	sadd.s32 s20, s19  }
0x9c: {  	s22 =	simm.s32 $0x0;
	s4 =	sshll.u32 s4, $0x1;
	s5 =	sadd.s32 s21, s3  }
0x9d: {  	[timem:s22], [sflag:s6] =	dma.local [hbm:s5], s4  }
0x9e: {  	_ =	swait.ge [sflag:s6], s4  }
0x9f: {  	s4 =	ssub.s32 $0x0, s4;
	[sflag:s6] =	ssyncset.done $0x0  }
0xa0: {  	[sflag:s6] =	ssyncadd.s32 s4;
	_ =	sdelay $0x1  }
0xa1: {  	s23 =	simm.s32 $0x1B8B  }
0xa2: {  	_ =	swait.ge [sflag:s23], $0x1  }
0xa3: {  	[sflag:s23] =	ssyncset.done $0x0  }
0xa4: {  	[sflag:s23] =	ssyncadd.s32 $0xFFFFFFFF  }
0xa5: {  	s4 =	sld [smem:$0x0]  }
0xa6: {  	s5 =	sand.u32 $0xFFFFFFFE, s1  }
0xa7: {  	p0 =	sne.s32 s1, s5  }
0xa8: {  	s5 =	sshll.u32 @p0 s5, $0xE  }
0xa9: {  	s5 =	sadd.s32 @p0 $0x11B8D, s5;
	s6 =	sshll.u32 @p0 s4, $0x11  }
0xaa: {  	s5 =	sor.u32 @p0 s6, s5  }
0xab: {  	[sflag:s5] =	ssyncadd.remote.s32 @p0 $0x1;
	_ =	sdelay $0x1  }
0xac: {  	s5 =	simm.s32 @p0 $0x1B8D  }
0xad: {  	_ =	swait.eq @p0 [sflag:s5], $0x1  }
0xae: {  	[sflag:s5] =	ssyncadd.s32 @p0 $0xFFFFFFFF  }
0xaf: {  	s6 =	sshll.u32 @!p0 s1, $0xE  }
0xb0: {  	s6 =	sor.u32 @!p0 $0x4000, s6;
	s5 =	simm.s32 @!p0 $0x1B8D  }
0xb1: {  	s4 =	sshll.u32 @!p0 s4, $0x11;
	s6 =	sadd.s32 @!p0 $0x11B8D, s6;
	_ =	swait.eq @!p0 [sflag:s5], $0x1  }
0xb2: {  	s4 =	sor.u32 @!p0 s4, s6;
	[sflag:s5] =	ssyncadd.s32 @!p0 $0xFFFFFFFF  }
0xb3: {  	s25 =	simm.s32 $0x1B8E;
	s24 =	sld [smem:$0x3FFE];
	[sflag:s4] =	ssyncadd.remote.s32 @!p0 $0x1  }
0xb4: {  	s26 =	simm.s32 $execute0_lowered;
	[smem:$0x3FD2] =	sst s25  }
0xb5: {  	s5 =	sshll.u32 s26, $0x1;
	_ =	strace $0x8000004C;
	[dreg:$0x1] =	wrdreg $0xFFFFFFFF  }
0xb6: {  	s28 =	simm.s32 $_size_execute0_lowered;
	s3 =	sadd.s32 s3, s5;
	[dreg:$0x0] =	wrdreg $0x0  }
0xb7: {  	s5 =	sshll.u32 s28, $0x1;
	[dreg:$0x2] =	wrdreg s3  }
0xb8: {  	[dreg:$0x3] =	wrdreg s5  }
0xb9: {  	[dreg:$0x4] =	wrdreg $0xC0  }
0xba: {  	_ =	task [dreg:s22], $0x5FFFF  }
0xbb: {  	[dreg:$0x1] =	wrdreg $0xFFFFFFFF  }
0xbc: {  	[dreg:$0x0] =	wrdreg $0x60  }
0xbd: {  	[dreg:$0x2] =	wrdreg s24  }
0xbe: {  	[dreg:$0x3] =	wrdreg $0xA  }
0xbf: {  	_ =	task.clear_ibuf [dreg:s22], $0x4FFFF;
	_ =	strace $0x9000004C  }
0xc0: {  	s29 =	simm.s32 $0xA;
	_ =	strace $0x8000004E  }
0xc1: {  	_ =	swait.ge [sflag:s29], $0x1  }
0xc2: {  	[sflag:s29] =	ssyncadd.s32 $0xFFFFFFFF  }
0xc3: {  	_ =	strace $0x9000004E  }
0xc4: {  	_ =	sfence  }
0xc5: {  	s30 =	sld [smem:$0x0];
	_ =	sdelay $0x2  }
0xc6: {  	s31 =	sshll.u32 s1, $0xD;
	s1 =	sshrl.u32 s1, $0x2  }
0xc7: {  	s4 =	sand.u32 $0x4000, s31;
	s1 =	sadd.s32 s1, s30  }
0xc8: {  	s0 =	sor.u32 s4, s0;
	s1 =	sshll.u32 s1, $0x11  }
0xc9: {  	s0 =	sor.u32 s1, s0  }
0xca: {  	s0 =	sadd.s32 $0x8F2B, s0  }
0xcb: {  	[sflag:s0] =	ssyncadd.remote.s32 $0x1  }
0xcc: {  	_ =	sfence.sel $0xFFFF  }
0xcd: {  	[dreg:$0x0] =	wrdreg $0xFFFFFFFF;
	(pc) =	sbr.abs _section_cstart, $3  }
0xce: {  	[dreg:$0x1] =	wrdreg $0xFFFFFFFF  }
0xcf: {  	_ =	task.clear_ibuf [dreg:s22], $0x2FFFF;
	_ =	strace $0x9FFFFFFF  }
0xd0: {  	(tm) =	ssettm $0x7FFFFFFF  }
0xd1: {  	_ =	shalt  }
tec
execute0_lowered:
.L_overlay_start_1:
0x0: {  	(tag) =	ssettag $0x1  }
0x1: {  	s1 =	srdreg.scid  }
0x2: {  	s0 =	stileid.u32;
	s12 =	sand.u32 $0x1, s1  }
0x3: {  	s31 =	sshll.u32 s0, $0x9;
	s2 =	sshll.u32 s12, $0x8  }
0x4: {  	s11 =	sor.u32 s2, s31  }
0x5: {  	s10 =	rddreg [dreg:$0x0];
	s2 =	simm.s32 $0x0;
	s3 =	sshrl.u32 s11, $0x3  }
0x6: {  	s4 =	simm.s32 $0x5;
	[smem:$0x7FF] =	sst s2;
	s3 =	sadd.s32 s3, s10  }
0x7: {  	s1 =	rddreg [dreg:$0x1];
	_ =	strace $0x8000004D;
	s3 =	sadd.s32 $0x800, s3  }
0x8: {  	[tilespmem:s2], [sflag:$0x5] =	stream.linear.gather [hbm4b:s3+s2], $0x100, $0x38;
	[tilespmem:$0x8100] =	vst v63  }
0x9: {  	_ =	swait.ge [sflag:s4], $0x100  }
0xa: {  	s6 =	simm.s32 $0x80;
	[sflag:s4] =	ssyncset.done $0x0  }
0xb: {  	s7 =	simm.s32 $0x100;
	s5 =	sadd.s32 $0xAC00, s10;
	[sflag:s4] =	ssyncadd.s32 $0xFFFFFF00  }
0xc: {  	[tilespmem:s7], [sflag:$0x1] =	stream.indirect.gather [hbm4b:s5+s6], $0x80, s2, s6, $0xb8;
	[tilespmem:$0x8100] =	vst v63  }
0xd: {  	s8 =	simm.s32 $0x4100;
	s9 =	simm.s32 $0x1  }
0xe: {  	[tilespmem:s8], [sflag:$0x2] =	stream.indirect.gather [hbm4b:s5+s6], $0x80, s6, s6, $0xb8;
	[tilespmem:$0x8100] =	vst v63  }
0xf: {  	s14 =	ssub.s32 $0x2, s12;
	s11 =	sshll.u32 s11, $0x4;
	_ =	swait.ge [sflag:s9], $0x4000  }
0x10: {  	s15 =	sshrl.u32 s14, $0x1;
	s13 =	sadd.s32 s11, s10;
	[sflag:s9] =	ssyncset.done $0x0  }
0x11: {  	s11 =	simm.s32 $0x2;
	s10 =	sadd.s32 $0x2AC00, s13;
	[sflag:s9] =	ssyncadd.s32 $0xFFFFC000  }
0x12: {  	[hbm4b:s10+s2] =	stream.linear.scatter [tilespmem:s7], [sflag:$0x3], $0x4000, $0x38;
	[tilespmem:$0x8100] =	vst v63  }
0x13: {  	s14 =	ssub.s32 s14, s15;
	_ =	swait.ge [sflag:s11], $0x4000  }
0x14: {  	s15 =	smax.u32 s14, $0x1;
	s12 =	sadd.s32 $0x2B400, s13;
	[sflag:s11] =	ssyncset.done $0x0  }
0x15: {  	s13 =	simm.s32 $0x3;
	p0 =	sne.s32 s15, $0x1;
	[sflag:s11] =	ssyncadd.s32 $0xFFFFC000  }
0x16: {  	[hbm4b:s12+s2] =	stream.linear.scatter [tilespmem:s8], [sflag:$0x4], $0x4000, $0x38;
	[tilespmem:$0x8100] =	vst v63  }
.Ltmp0:
0x17: {  	_ =	swait.ge [sflag:s13], $0x4000;
	(pc) =	sbr.rel @!p0 .LBB2_2-.Ltmp0, $4  }
0x18: {  	[sflag:s13] =	ssyncset.done $0x0  }
0x19: {  	s14 =	simm.s32 $0x4;
	[sflag:s13] =	ssyncadd.s32 $0xFFFFC000  }
0x1a: {  	_ =	swait.ge [sflag:s14], $0x4000  }
0x1b: {  	s15 =	sadd.s32 $0xFFFFFFFF, s15;
	[sflag:s14] =	ssyncset.done $0x0  }
.LBB2_1:
0x1c: {  	p0 =	sne.s32 s15, $0x1;
	s15 =	sadd.s32 $0xFFFFFFFF, s15;
	[sflag:s14] =	ssyncadd.s32 $0xFFFFC000  }
0x1d: {  	[tilespmem:s2], [sflag:$0x5] =	stream.linear.gather [hbm4b:s3+s2], $0x100, $0x38;
	[tilespmem:$0x8100] =	vst v63  }
0x1e: {  	_ =	swait.ge [sflag:s4], $0x100  }
0x1f: {  	[sflag:s4] =	ssyncset.done $0x0  }
0x20: {  	[sflag:s4] =	ssyncadd.s32 $0xFFFFFF00  }
0x21: {  	[tilespmem:s7], [sflag:$0x1] =	stream.indirect.gather [hbm4b:s5+s6], $0x80, s2, s6, $0xb8;
	[tilespmem:$0x8100] =	vst v63  }
0x22: {  	_ = 	snop  }
0x23: {  	[tilespmem:s8], [sflag:$0x2] =	stream.indirect.gather [hbm4b:s5+s6], $0x80, s6, s6, $0xb8;
	[tilespmem:$0x8100] =	vst v63  }
0x24: {  	_ =	swait.ge [sflag:s9], $0x4000  }
0x25: {  	[sflag:s9] =	ssyncset.done $0x0  }
0x26: {  	[sflag:s9] =	ssyncadd.s32 $0xFFFFC000  }
0x27: {  	[hbm4b:s10+s2] =	stream.linear.scatter [tilespmem:s7], [sflag:$0x3], $0x4000, $0x38;
	[tilespmem:$0x8100] =	vst v63  }
0x28: {  	_ =	swait.ge [sflag:s11], $0x4000  }
0x29: {  	[sflag:s11] =	ssyncset.done $0x0  }
0x2a: {  	[sflag:s11] =	ssyncadd.s32 $0xFFFFC000  }
0x2b: {  	[hbm4b:s12+s2] =	stream.linear.scatter [tilespmem:s8], [sflag:$0x4], $0x4000, $0x38;
	[tilespmem:$0x8100] =	vst v63  }
.Ltmp1:
0x2c: {  	_ =	swait.ge [sflag:s13], $0x4000;
	(pc) =	sbr.rel @p0 .LBB2_1-.Ltmp1, $4  }
0x2d: {  	[sflag:s13] =	ssyncset.done $0x0  }
0x2e: {  	[sflag:s13] =	ssyncadd.s32 $0xFFFFC000  }
0x2f: {  	_ =	swait.ge [sflag:s14], $0x4000  }
0x30: {  	[sflag:s14] =	ssyncset.done $0x0  }
.LBB2_2:
0x31: {  	[sflag:s14] =	ssyncadd.s32 $0xFFFFC000  }
0x32: {  	_ =	sfence.sel $0x180000  }
0x33: {  	[bflag:$0x0] =	sbarrier.arrive $0xFFFF  }
0x34: {  	p0 =	sne.s32 s0, $0x0;
	_ =	strace $0x9000004D  }
0x35: {  	s0 =	sadd.s32 @!p0 $0x100000, s1;
	[bflag:$0x2] =	sbarrier.arrive $0xFFFF  }
0x36: {  	[sflag:s0] =	ssyncadd.tile.s32 @!p0 $0x1;
	_ =	shalt  }
.Lfunc_end2:
_tile_overlayer_lowered:
.L_overlay_start_2:
0x37: {  	(tag) =	ssettag $0x2  }
0x38: {  	s0 =	rddreg [dreg:$0x0];
	s2 =	stileid.u32  }
0x39: {  	s1 =	rddreg [dreg:$0x1];
	p0 =	sne.s32 s2, $0x0  }
0x3a: {  	s3 =	rddreg [dreg:$0x2];
	[bflag:$0x3] =	sbarrier.arrive $0xFFFF;
	s2 =	simm.s32 @!p0 $0x1C05  }
0x3b: {  	[timem:s3], [sflag:s2] =	dma.local @!p0 [hbm:s0], s1  }
0x3c: {  	s0 =	simm.s32 @!p0 $0x5  }
0x3d: {  	_ =	swait.ge @!p0 [sflag:s0], s1  }
0x3e: {  	s1 =	ssub.s32 @!p0 $0x0, s1;
	[sflag:s0] =	ssyncset.done @!p0 $0x0  }
0x3f: {  	[sflag:s0] =	ssyncadd.s32 @!p0 s1  }
0x40: {  	[bflag:$0x3] =	sbarrier.arrive $0xFFFF  }
0x41: {  	_ =	shalt  }

// kernel: kernel.17.cloned.1.call-start
scs
__scs_entry_jumppad:
0x0: {  	(pc) =	sbr.rel $0x88, $3  }
0x1: {  	(tag) =	ssettag $0x0;
	lr =	simm.s32 $0x1  }
0x2: {  	[smem:$0x3F98] =	sst lr;
	_ =	strace $0xD0000000  }
0x3: {  	_ = 	snop  }
0x4: {  	_ = 	snop  }
0x5: {  	_ = 	snop  }
0x6: {  	_ = 	snop  }
0x7: {  	_ = 	snop  }
__scs_overlays_trampoline_lowered:
0x8: {  	[smem:$0x3FA7] =	sst s0  }
0x9: {  	[smem:$0x3FA8] =	sst s1  }
0xa: {  	[smem:$0x3FA9] =	sst s2  }
0xb: {  	[smem:$0x3FAA] =	sst s3  }
0xc: {  	[smem:$0x3FAB] =	sst s4  }
0xd: {  	[smem:$0x3FAC] =	sst s5  }
0xe: {  	[smem:$0x3FAD] =	sst s6  }
0xf: {  	[smem:$0x3FAE] =	sst s7  }
0x10: {  	[smem:$0x3FAF] =	sst s8  }
0x11: {  	[smem:$0x3FB0] =	sst s9;
	s0 =	simm.s32 @!p0 $0x0  }
0x12: {  	s1 =	sld [smem:$0x3F96];
	s0 =	simm.s32 @p0 $0x1  }
0x13: {  	[smem:$0x3FB1] =	sst s0;
	s0 =	simm.s32 @!p1 $0x0  }
0x14: {  	s2 =	sld [smem:$0x3F95];
	s0 =	simm.s32 @p1 $0x1  }
0x15: {  	[smem:$0x3FB2] =	sst s0;
	s0 =	simm.s32 @!p2 $0x0  }
0x16: {  	s3 =	sld [smem:$0x3FDB];
	s0 =	simm.s32 @p2 $0x1  }
0x17: {  	s4 =	simm.s32 $0x1BF5;
	[smem:$0x3FB4] =	sst s0  }
0x18: {  	s0 =	sld [smem:$0x3F97];
	_ =	swait.ge [sflag:s4], $0x0  }
0x19: {  	s7 =	sld [smem:$0x3F98]  }
0x1a: {  	s8 =	sadd.s32 $0xFFFFE003, lr  }
0x1b: {  	s9 =	sadd.s32 $0xFFFFFEF7, lr;
	s5 =	simm.s32 $0xFFFFFFFF;
	p2 =	slt.u32 s8, $0xFFFFF086  }
0x1c: {  	p1 =	slt.u32 s9, $0xF7A;
	s5 =	simm.s32 @!p2 $0x0  }
0x1d: {  	s5 =	simm.s32 @p1 $0x1;
	p0 =	seq.s32 s7, s2  }
0x1e: {  	s7 =	smul.u32 @!p0 $0xF7A, s2;
	p2 =	seq.s32 @!p0 s5, $0x0  }
0x1f: {  	s9 =	smul.u32 $0xF7A, s1;
	s8 =	simm.s32 @!p0 $0x1BF5;
	p2 =	por !p2, p0  }
0x20: {  	[sflag:s8] =	ssyncset.s32 @!p0 $0xFFFFF086;
	s6 =	sadd.s32 @!p0 s3, s7;
	s7 =	simm.s32 @!p0 $0x108  }
0x21: {  	s3 =	sadd.s32 s3, s9;
	s6 =	sadd.s32 @!p0 $0x88, s6;
	s7 =	simm.s32 @p2 $0x1082  }
0x22: {  	[simem:s7], [sflag:s8] =	dma.local @!p0 [hbm:s6], $0xF7A  }
0x23: {  	s9 =	sor.u32 $0xD0000000, s2;
	s6 =	simm.s32 $0x108;
	_ =	swait.ge @!p0 [sflag:s8], $0x0  }
0x24: {  	s3 =	sadd.s32 $0x88, s3;
	s6 =	simm.s32 @!p1 $0x1082;
	[sflag:s4] =	ssyncset.s32 $0xFFFFF086  }
0x25: {  	[simem:s6], [sflag:s4] =	dma.local [hbm:s3], $0xF7A  }
0x26: {  	[smem:$0x3F98] =	sst s1;
	(tag) =	ssettag s2;
	_ =	strace s9  }
0x27: {  	s1 =	sld [smem:$0x3FA8]  }
0x28: {  	s2 =	sld [smem:$0x3FA9]  }
0x29: {  	s4 =	sld [smem:$0x3FAB]  }
0x2a: {  	p0 =	seq.s32 s5, $0x0;
	s5 =	sld [smem:$0x3FAC]  }
0x2b: {  	s6 =	sld [smem:$0x3FAD]  }
0x2c: {  	s7 =	sld [smem:$0x3FAE]  }
0x2d: {  	s3 =	simm.s32 $0x108;
	s8 =	sld [smem:$0x3FAF]  }
0x2e: {  	s3 =	simm.s32 @!p0 $0x1082;
	s9 =	sld [smem:$0x3FB0]  }
0x2f: {  	lr =	sadd.s32 s0, s3;
	s0 =	sld [smem:$0x3FA7]  }
0x30: {  	s3 =	sld [smem:$0x3FAA]  }
0x31: {  	[smem:$0x3FB3] =	sst s10  }
0x32: {  	s10 =	sld [smem:$0x3FB1];
	_ =	sdelay $0x3  }
0x33: {  	p0 =	seq.s32 s10, $0x1;
	s10 =	sld [smem:$0x3FB3];
	_ =	sdelay $0x3  }
0x34: {  	[smem:$0x3FB3] =	sst s10  }
0x35: {  	s10 =	sld [smem:$0x3FB2];
	_ =	sdelay $0x3  }
0x36: {  	p1 =	seq.s32 s10, $0x1;
	s10 =	sld [smem:$0x3FB3];
	_ =	sdelay $0x3  }
0x37: {  	[smem:$0x3FB3] =	sst s10  }
0x38: {  	s10 =	sld [smem:$0x3FB4]  }
0x39: {  	_ = 	snop;
	(pc) =	sbr.ind lr, $3  }
0x3a: {  	_ = 	snop  }
0x3b: {  	_ = 	snop  }
0x3c: {  	p2 =	seq.s32 s10, $0x1;
	s10 =	sld [smem:$0x3FB3]  }
0x3d: {  	_ =	shalt  }
0x3e: {  	_ =	shalt  }
0x3f: {  	_ =	shalt  }
0x40: {  	_ =	shalt  }
0x41: {  	_ =	shalt  }
0x42: {  	_ =	shalt  }
0x43: {  	_ =	shalt  }
0x44: {  	_ =	shalt  }
0x45: {  	_ =	shalt  }
0x46: {  	_ =	shalt  }
0x47: {  	_ =	shalt  }
0x48: {  	_ =	shalt  }
0x49: {  	_ =	shalt  }
0x4a: {  	_ =	shalt  }
0x4b: {  	_ =	shalt  }
0x4c: {  	_ =	shalt  }
0x4d: {  	_ =	shalt  }
0x4e: {  	_ =	shalt  }
0x4f: {  	_ =	shalt  }
0x50: {  	_ =	shalt  }
0x51: {  	_ =	shalt  }
0x52: {  	_ =	shalt  }
0x53: {  	_ =	shalt  }
0x54: {  	_ =	shalt  }
0x55: {  	_ =	shalt  }
0x56: {  	_ =	shalt  }
0x57: {  	_ =	shalt  }
0x58: {  	_ =	shalt  }
0x59: {  	_ =	shalt  }
0x5a: {  	_ =	shalt  }
0x5b: {  	_ =	shalt  }
0x5c: {  	_ =	shalt  }
0x5d: {  	_ =	shalt  }
0x5e: {  	_ =	shalt  }
0x5f: {  	_ =	shalt  }
0x60: {  	_ =	shalt  }
0x61: {  	_ =	shalt  }
0x62: {  	_ =	shalt  }
0x63: {  	_ =	shalt  }
0x64: {  	_ =	shalt  }
0x65: {  	_ =	shalt  }
0x66: {  	_ =	shalt  }
0x67: {  	_ =	shalt  }
0x68: {  	_ =	shalt  }
0x69: {  	_ =	shalt  }
0x6a: {  	_ =	shalt  }
0x6b: {  	_ =	shalt  }
0x6c: {  	_ =	shalt  }
0x6d: {  	_ =	shalt  }
0x6e: {  	_ =	shalt  }
0x6f: {  	_ =	shalt  }
0x70: {  	_ =	shalt  }
0x71: {  	_ =	shalt  }
0x72: {  	_ =	shalt  }
0x73: {  	_ =	shalt  }
0x74: {  	_ =	shalt  }
0x75: {  	_ =	shalt  }
0x76: {  	_ =	shalt  }
0x77: {  	_ =	shalt  }
0x78: {  	_ =	shalt  }
0x79: {  	_ =	shalt  }
0x7a: {  	_ =	shalt  }
0x7b: {  	_ =	shalt  }
0x7c: {  	_ =	shalt  }
0x7d: {  	_ =	shalt  }
0x7e: {  	_ =	shalt  }
0x7f: {  	_ =	shalt  }
0x80: {  	_ =	shalt  }
0x81: {  	_ =	shalt  }
0x82: {  	_ =	shalt  }
0x83: {  	_ =	shalt  }
0x84: {  	_ =	shalt  }
0x85: {  	_ =	shalt  }
0x86: {  	_ =	shalt  }
0x87: {  	_ =	shalt  }
.Lfunc_end0:
.L_simem_size_0:
called_computation.3_lowered:
.L_overlay_start_0:
0x88: {  	s2 =	sld [smem:$0x3FD9]  }
0x89: {  	s3 =	sld [smem:$0x3FFE];
	_ =	sdelay $0x1  }
0x8a: {  	s1 =	srdreg.scid  }
0x8b: {  	s0 =	sand.u32 $0x1, s1  }
0x8c: {  	s17 =	sshll.u32 s0, $0xA;
	s2 =	sadd.s32 s3, s2  }
0x8d: {  	s2 =	sadd.s32 s2, s17  }
0x8e: {  	[smem:$0x3FBF] =	sst s2  }
0x8f: {  	_ = 	snop  }
0x90: {  	s18 =	sld [smem:$0x3FD0];
	(tm) =	ssettm $0x1  }
0x91: {  	s19 =	sld [smem:$0x3FFB];
	_ =	sdelay $0x3  }
0x92: {  	_ =	strace s19  }
0x93: {  	s2 =	sld [smem:$0x3FFC];
	_ =	sdelay $0x3  }
0x94: {  	_ =	strace s2  }
0x95: {  	s2 =	sld [smem:$0x3FFD];
	_ =	sdelay $0x3  }
0x96: {  	_ =	strace s2  }
0x97: {  	_ =	strace $0x8FFFFFFF  }
0x98: {  	s20 =	sld [smem:$0x3FDB];
	_ =	sdelay $0x1  }
0x99: {  	s4 =	simm.s32 $_scs_section_size  }
0x9a: {  	s5 =	simm.s32 $_size__tile_overlayer_lowered;
	s6 =	simm.s32 $_tile_overlayer_lowered  }
0x9b: {  	s7 =	simm.s32 $0x1BFF;
	s21 =	sshll.u32 s6, $0x1;
	s4 =	sadd.s32 s4, s20  }
0x9c: {  	s22 =	simm.s32 $0x0;
	s5 =	sshll.u32 s5, $0x1;
	s6 =	sadd.s32 s21, s4  }
0x9d: {  	[timem:s22], [sflag:s7] =	dma.local [hbm:s6], s5  }
0x9e: {  	_ =	swait.ge [sflag:s7], s5  }
0x9f: {  	s5 =	ssub.s32 $0x0, s5;
	[sflag:s7] =	ssyncset.done $0x0  }
0xa0: {  	[sflag:s7] =	ssyncadd.s32 s5;
	_ =	sdelay $0x1  }
0xa1: {  	s23 =	simm.s32 $0x1B8B  }
0xa2: {  	_ =	swait.ge [sflag:s23], $0x1  }
0xa3: {  	[sflag:s23] =	ssyncset.done $0x0  }
0xa4: {  	[sflag:s23] =	ssyncadd.s32 $0xFFFFFFFF  }
0xa5: {  	s5 =	sld [smem:$0x0]  }
0xa6: {  	s6 =	sand.u32 $0xFFFFFFFE, s1  }
0xa7: {  	p0 =	sne.s32 s1, s6  }
0xa8: {  	s6 =	sshll.u32 @p0 s6, $0xE  }
0xa9: {  	s6 =	sadd.s32 @p0 $0x11B8D, s6;
	s7 =	sshll.u32 @p0 s5, $0x11  }
0xaa: {  	s6 =	sor.u32 @p0 s7, s6  }
0xab: {  	[sflag:s6] =	ssyncadd.remote.s32 @p0 $0x1;
	_ =	sdelay $0x1  }
0xac: {  	s6 =	simm.s32 @p0 $0x1B8D  }
0xad: {  	_ =	swait.eq @p0 [sflag:s6], $0x1  }
0xae: {  	[sflag:s6] =	ssyncadd.s32 @p0 $0xFFFFFFFF  }
0xaf: {  	s7 =	sshll.u32 @!p0 s1, $0xE  }
0xb0: {  	s7 =	sor.u32 @!p0 $0x4000, s7;
	s6 =	simm.s32 @!p0 $0x1B8D  }
0xb1: {  	s5 =	sshll.u32 @!p0 s5, $0x11;
	s7 =	sadd.s32 @!p0 $0x11B8D, s7;
	_ =	swait.eq @!p0 [sflag:s6], $0x1  }
0xb2: {  	s5 =	sor.u32 @!p0 s5, s7;
	[sflag:s6] =	ssyncadd.s32 @!p0 $0xFFFFFFFF  }
0xb3: {  	s25 =	simm.s32 $0x1B8E;
	s24 =	sld [smem:$0x3FFE];
	[sflag:s5] =	ssyncadd.remote.s32 @!p0 $0x1  }
0xb4: {  	s26 =	simm.s32 $execute0_lowered;
	[smem:$0x3FD2] =	sst s25  }
0xb5: {  	s6 =	sshll.u32 s26, $0x1;
	_ =	strace $0x8000004F;
	[dreg:$0x1] =	wrdreg $0xFFFFFFFF  }
0xb6: {  	s28 =	simm.s32 $_size_execute0_lowered;
	s4 =	sadd.s32 s4, s6;
	[dreg:$0x0] =	wrdreg $0x0  }
0xb7: {  	s6 =	sshll.u32 s28, $0x1;
	[dreg:$0x2] =	wrdreg s4  }
0xb8: {  	[dreg:$0x3] =	wrdreg s6  }
0xb9: {  	[dreg:$0x4] =	wrdreg $0xC0  }
0xba: {  	_ =	task [dreg:s22], $0x5FFFF  }
0xbb: {  	[dreg:$0x1] =	wrdreg $0xFFFFFFFF  }
0xbc: {  	[dreg:$0x0] =	wrdreg $0x60  }
0xbd: {  	[dreg:$0x2] =	wrdreg s18  }
0xbe: {  	[dreg:$0x3] =	wrdreg s24  }
0xbf: {  	[dreg:$0x4] =	wrdreg $0x9  }
0xc0: {  	_ =	task.clear_ibuf [dreg:s22], $0x5FFFF;
	_ =	strace $0x9000004F  }
0xc1: {  	s29 =	simm.s32 $0x9;
	_ =	strace $0x80000051  }
0xc2: {  	_ =	swait.ge [sflag:s29], $0x1  }
0xc3: {  	[sflag:s29] =	ssyncadd.s32 $0xFFFFFFFF  }
0xc4: {  	_ =	strace $0x90000051  }
0xc5: {  	_ =	sfence  }
0xc6: {  	s30 =	sld [smem:$0x0];
	_ =	sdelay $0x2  }
0xc7: {  	s31 =	sshll.u32 s1, $0xD;
	s1 =	sshrl.u32 s1, $0x2  }
0xc8: {  	s4 =	sand.u32 $0x4000, s31;
	s1 =	sadd.s32 s1, s30  }
0xc9: {  	s0 =	sor.u32 s4, s0;
	s1 =	sshll.u32 s1, $0x11  }
0xca: {  	s0 =	sor.u32 s1, s0  }
0xcb: {  	s0 =	sadd.s32 $0x8F2B, s0  }
0xcc: {  	[sflag:s0] =	ssyncadd.remote.s32 $0x1  }
0xcd: {  	_ =	sfence.sel $0xFFFF  }
0xce: {  	[dreg:$0x0] =	wrdreg $0xFFFFFFFF;
	(pc) =	sbr.abs _section_cstart, $3  }
0xcf: {  	[dreg:$0x1] =	wrdreg $0xFFFFFFFF  }
0xd0: {  	_ =	task.clear_ibuf [dreg:s22], $0x2FFFF;
	_ =	strace $0x9FFFFFFF  }
0xd1: {  	(tm) =	ssettm $0x7FFFFFFF  }
tec
execute0_lowered:
.L_overlay_start_1:
0x0: {  	(tag) =	ssettag $0x1  }
0x1: {  	s1 =	srdreg.scid  }
0x2: {  	s0 =	stileid.u32;
	s12 =	sand.u32 $0x1, s1  }
0x3: {  	s31 =	sshll.u32 s0, $0x9;
	s3 =	sshll.u32 s12, $0x8  }
0x4: {  	s2 =	rddreg [dreg:$0x0];
	s11 =	sor.u32 s3, s31  }
0x5: {  	s10 =	rddreg [dreg:$0x1];
	s3 =	simm.s32 $0x0;
	s4 =	sshrl.u32 s11, $0x3  }
0x6: {  	s5 =	simm.s32 $0x5;
	[smem:$0x7FF] =	sst s3;
	s4 =	sadd.s32 s4, s10  }
0x7: {  	s1 =	rddreg [dreg:$0x2];
	_ =	strace $0x80000050;
	s4 =	sadd.s32 $0x400, s4  }
0x8: {  	[tilespmem:s3], [sflag:$0x5] =	stream.linear.gather [hbm4b:s4+s3], $0x100, $0x38;
	[tilespmem:$0x8100] =	vst v63  }
0x9: {  	_ =	swait.ge [sflag:s5], $0x100  }
0xa: {  	[sflag:s5] =	ssyncset.done $0x0  }
0xb: {  	s6 =	simm.s32 $0x80;
	s7 =	simm.s32 $0x100;
	[sflag:s5] =	ssyncadd.s32 $0xFFFFFF00  }
0xc: {  	[tilespmem:s7], [sflag:$0x1] =	stream.indirect.gather [hbm4b:s2+s6], $0x80, s3, s6, $0xb8;
	[tilespmem:$0x8100] =	vst v63  }
0xd: {  	s8 =	simm.s32 $0x4100;
	s9 =	simm.s32 $0x1  }
0xe: {  	[tilespmem:s8], [sflag:$0x2] =	stream.indirect.gather [hbm4b:s2+s6], $0x80, s6, s6, $0xb8;
	[tilespmem:$0x8100] =	vst v63  }
0xf: {  	s14 =	ssub.s32 $0x2, s12;
	s11 =	sshll.u32 s11, $0x4;
	_ =	swait.ge [sflag:s9], $0x4000  }
0x10: {  	s15 =	sshrl.u32 s14, $0x1;
	s13 =	sadd.s32 s11, s10;
	[sflag:s9] =	ssyncset.done $0x0  }
0x11: {  	s11 =	simm.s32 $0x2;
	s10 =	sadd.s32 $0x4AC00, s13;
	[sflag:s9] =	ssyncadd.s32 $0xFFFFC000  }
0x12: {  	[hbm4b:s10+s3] =	stream.linear.scatter [tilespmem:s7], [sflag:$0x3], $0x4000, $0x38;
	[tilespmem:$0x8100] =	vst v63  }
0x13: {  	s14 =	ssub.s32 s14, s15;
	_ =	swait.ge [sflag:s11], $0x4000  }
0x14: {  	s15 =	smax.u32 s14, $0x1;
	s12 =	sadd.s32 $0x4B400, s13;
	[sflag:s11] =	ssyncset.done $0x0  }
0x15: {  	s13 =	simm.s32 $0x3;
	p0 =	sne.s32 s15, $0x1;
	[sflag:s11] =	ssyncadd.s32 $0xFFFFC000  }
0x16: {  	[hbm4b:s12+s3] =	stream.linear.scatter [tilespmem:s8], [sflag:$0x4], $0x4000, $0x38;
	[tilespmem:$0x8100] =	vst v63  }
.Ltmp0:
0x17: {  	_ =	swait.ge [sflag:s13], $0x4000;
	(pc) =	sbr.rel @!p0 .LBB2_2-.Ltmp0, $4  }
0x18: {  	[sflag:s13] =	ssyncset.done $0x0  }
0x19: {  	s14 =	simm.s32 $0x4;
	[sflag:s13] =	ssyncadd.s32 $0xFFFFC000  }
0x1a: {  	_ =	swait.ge [sflag:s14], $0x4000  }
0x1b: {  	s15 =	sadd.s32 $0xFFFFFFFF, s15;
	[sflag:s14] =	ssyncset.done $0x0  }
.LBB2_1:
0x1c: {  	p0 =	sne.s32 s15, $0x1;
	s15 =	sadd.s32 $0xFFFFFFFF, s15;
	[sflag:s14] =	ssyncadd.s32 $0xFFFFC000  }
0x1d: {  	[tilespmem:s3], [sflag:$0x5] =	stream.linear.gather [hbm4b:s4+s3], $0x100, $0x38;
	[tilespmem:$0x8100] =	vst v63  }
0x1e: {  	_ =	swait.ge [sflag:s5], $0x100  }
0x1f: {  	[sflag:s5] =	ssyncset.done $0x0  }
0x20: {  	[sflag:s5] =	ssyncadd.s32 $0xFFFFFF00  }
0x21: {  	[tilespmem:s7], [sflag:$0x1] =	stream.indirect.gather [hbm4b:s2+s6], $0x80, s3, s6, $0xb8;
	[tilespmem:$0x8100] =	vst v63  }
0x22: {  	_ = 	snop  }
0x23: {  	[tilespmem:s8], [sflag:$0x2] =	stream.indirect.gather [hbm4b:s2+s6], $0x80, s6, s6, $0xb8;
	[tilespmem:$0x8100] =	vst v63  }
0x24: {  	_ =	swait.ge [sflag:s9], $0x4000  }
0x25: {  	[sflag:s9] =	ssyncset.done $0x0  }
0x26: {  	[sflag:s9] =	ssyncadd.s32 $0xFFFFC000  }
0x27: {  	[hbm4b:s10+s3] =	stream.linear.scatter [tilespmem:s7], [sflag:$0x3], $0x4000, $0x38;
	[tilespmem:$0x8100] =	vst v63  }
0x28: {  	_ =	swait.ge [sflag:s11], $0x4000  }
0x29: {  	[sflag:s11] =	ssyncset.done $0x0  }
0x2a: {  	[sflag:s11] =	ssyncadd.s32 $0xFFFFC000  }
0x2b: {  	[hbm4b:s12+s3] =	stream.linear.scatter [tilespmem:s8], [sflag:$0x4], $0x4000, $0x38;
	[tilespmem:$0x8100] =	vst v63  }
.Ltmp1:
0x2c: {  	_ =	swait.ge [sflag:s13], $0x4000;
	(pc) =	sbr.rel @p0 .LBB2_1-.Ltmp1, $4  }
0x2d: {  	[sflag:s13] =	ssyncset.done $0x0  }
0x2e: {  	[sflag:s13] =	ssyncadd.s32 $0xFFFFC000  }
0x2f: {  	_ =	swait.ge [sflag:s14], $0x4000  }
0x30: {  	[sflag:s14] =	ssyncset.done $0x0  }
.LBB2_2:
0x31: {  	[sflag:s14] =	ssyncadd.s32 $0xFFFFC000  }
0x32: {  	_ =	sfence.sel $0x180000  }
0x33: {  	[bflag:$0x0] =	sbarrier.arrive $0xFFFF  }
0x34: {  	p0 =	sne.s32 s0, $0x0;
	_ =	strace $0x90000050  }
0x35: {  	s0 =	sadd.s32 @!p0 $0x100000, s1;
	[bflag:$0x2] =	sbarrier.arrive $0xFFFF  }
0x36: {  	[sflag:s0] =	ssyncadd.tile.s32 @!p0 $0x1;
	_ =	shalt  }
.Lfunc_end2:
_tile_overlayer_lowered:
.L_overlay_start_2:
0x37: {  	(tag) =	ssettag $0x2  }
0x38: {  	s0 =	rddreg [dreg:$0x0];
	s2 =	stileid.u32  }
0x39: {  	s1 =	rddreg [dreg:$0x1];
	p0 =	sne.s32 s2, $0x0  }
0x3a: {  	s3 =	rddreg [dreg:$0x2];
	[bflag:$0x3] =	sbarrier.arrive $0xFFFF;
	s2 =	simm.s32 @!p0 $0x1C05  }
0x3b: {  	[timem:s3], [sflag:s2] =	dma.local @!p0 [hbm:s0], s1  }
0x3c: {  	s0 =	simm.s32 @!p0 $0x5  }
0x3d: {  	_ =	swait.ge @!p0 [sflag:s0], s1  }
0x3e: {  	s1 =	ssub.s32 @!p0 $0x0, s1;
	[sflag:s0] =	ssyncset.done @!p0 $0x0  }
0x3f: {  	[sflag:s0] =	ssyncadd.s32 @!p0 s1  }
0x40: {  	[bflag:$0x3] =	sbarrier.arrive $0xFFFF  }
0x41: {  	_ =	shalt  }

// kernel: kernel.8.cloned.1.call-start
scs
__scs_entry_jumppad:
0x0: {  	(pc) =	sbr.rel $0x88, $3  }
0x1: {  	(tag) =	ssettag $0x0;
	lr =	simm.s32 $0x1  }
0x2: {  	[smem:$0x3F98] =	sst lr;
	_ =	strace $0xD0000000  }
0x3: {  	_ = 	snop  }
0x4: {  	_ = 	snop  }
0x5: {  	_ = 	snop  }
0x6: {  	_ = 	snop  }
0x7: {  	_ = 	snop  }
__scs_overlays_trampoline_lowered:
0x8: {  	[smem:$0x3FA7] =	sst s0  }
0x9: {  	[smem:$0x3FA8] =	sst s1  }
0xa: {  	[smem:$0x3FA9] =	sst s2  }
0xb: {  	[smem:$0x3FAA] =	sst s3  }
0xc: {  	[smem:$0x3FAB] =	sst s4  }
0xd: {  	[smem:$0x3FAC] =	sst s5  }
0xe: {  	[smem:$0x3FAD] =	sst s6  }
0xf: {  	[smem:$0x3FAE] =	sst s7  }
0x10: {  	[smem:$0x3FAF] =	sst s8  }
0x11: {  	[smem:$0x3FB0] =	sst s9;
	s0 =	simm.s32 @!p0 $0x0  }
0x12: {  	s1 =	sld [smem:$0x3F96];
	s0 =	simm.s32 @p0 $0x1  }
0x13: {  	[smem:$0x3FB1] =	sst s0;
	s0 =	simm.s32 @!p1 $0x0  }
0x14: {  	s2 =	sld [smem:$0x3F95];
	s0 =	simm.s32 @p1 $0x1  }
0x15: {  	[smem:$0x3FB2] =	sst s0;
	s0 =	simm.s32 @!p2 $0x0  }
0x16: {  	s3 =	sld [smem:$0x3FDB];
	s0 =	simm.s32 @p2 $0x1  }
0x17: {  	s4 =	simm.s32 $0x1BF5;
	[smem:$0x3FB4] =	sst s0  }
0x18: {  	s0 =	sld [smem:$0x3F97];
	_ =	swait.ge [sflag:s4], $0x0  }
0x19: {  	s7 =	sld [smem:$0x3F98]  }
0x1a: {  	s8 =	sadd.s32 $0xFFFFE003, lr  }
0x1b: {  	s9 =	sadd.s32 $0xFFFFFEF7, lr;
	s5 =	simm.s32 $0xFFFFFFFF;
	p2 =	slt.u32 s8, $0xFFFFF086  }
0x1c: {  	p1 =	slt.u32 s9, $0xF7A;
	s5 =	simm.s32 @!p2 $0x0  }
0x1d: {  	s5 =	simm.s32 @p1 $0x1;
	p0 =	seq.s32 s7, s2  }
0x1e: {  	s7 =	smul.u32 @!p0 $0xF7A, s2;
	p2 =	seq.s32 @!p0 s5, $0x0  }
0x1f: {  	s9 =	smul.u32 $0xF7A, s1;
	s8 =	simm.s32 @!p0 $0x1BF5;
	p2 =	por !p2, p0  }
0x20: {  	[sflag:s8] =	ssyncset.s32 @!p0 $0xFFFFF086;
	s6 =	sadd.s32 @!p0 s3, s7;
	s7 =	simm.s32 @!p0 $0x108  }
0x21: {  	s3 =	sadd.s32 s3, s9;
	s6 =	sadd.s32 @!p0 $0x88, s6;
	s7 =	simm.s32 @p2 $0x1082  }
0x22: {  	[simem:s7], [sflag:s8] =	dma.local @!p0 [hbm:s6], $0xF7A  }
0x23: {  	s9 =	sor.u32 $0xD0000000, s2;
	s6 =	simm.s32 $0x108;
	_ =	swait.ge @!p0 [sflag:s8], $0x0  }
0x24: {  	s3 =	sadd.s32 $0x88, s3;
	s6 =	simm.s32 @!p1 $0x1082;
	[sflag:s4] =	ssyncset.s32 $0xFFFFF086  }
0x25: {  	[simem:s6], [sflag:s4] =	dma.local [hbm:s3], $0xF7A  }
0x26: {  	[smem:$0x3F98] =	sst s1;
	(tag) =	ssettag s2;
	_ =	strace s9  }
0x27: {  	s1 =	sld [smem:$0x3FA8]  }
0x28: {  	s2 =	sld [smem:$0x3FA9]  }
0x29: {  	s4 =	sld [smem:$0x3FAB]  }
0x2a: {  	p0 =	seq.s32 s5, $0x0;
	s5 =	sld [smem:$0x3FAC]  }
0x2b: {  	s6 =	sld [smem:$0x3FAD]  }
0x2c: {  	s7 =	sld [smem:$0x3FAE]  }
0x2d: {  	s3 =	simm.s32 $0x108;
	s8 =	sld [smem:$0x3FAF]  }
0x2e: {  	s3 =	simm.s32 @!p0 $0x1082;
	s9 =	sld [smem:$0x3FB0]  }
0x2f: {  	lr =	sadd.s32 s0, s3;
	s0 =	sld [smem:$0x3FA7]  }
0x30: {  	s3 =	sld [smem:$0x3FAA]  }
0x31: {  	[smem:$0x3FB3] =	sst s10  }
0x32: {  	s10 =	sld [smem:$0x3FB1];
	_ =	sdelay $0x3  }
0x33: {  	p0 =	seq.s32 s10, $0x1;
	s10 =	sld [smem:$0x3FB3];
	_ =	sdelay $0x3  }
0x34: {  	[smem:$0x3FB3] =	sst s10  }
0x35: {  	s10 =	sld [smem:$0x3FB2];
	_ =	sdelay $0x3  }
0x36: {  	p1 =	seq.s32 s10, $0x1;
	s10 =	sld [smem:$0x3FB3];
	_ =	sdelay $0x3  }
0x37: {  	[smem:$0x3FB3] =	sst s10  }
0x38: {  	s10 =	sld [smem:$0x3FB4]  }
0x39: {  	_ = 	snop;
	(pc) =	sbr.ind lr, $3  }
0x3a: {  	_ = 	snop  }
0x3b: {  	_ = 	snop  }
0x3c: {  	p2 =	seq.s32 s10, $0x1;
	s10 =	sld [smem:$0x3FB3]  }
0x3d: {  	_ =	shalt  }
0x3e: {  	_ =	shalt  }
0x3f: {  	_ =	shalt  }
0x40: {  	_ =	shalt  }
0x41: {  	_ =	shalt  }
0x42: {  	_ =	shalt  }
0x43: {  	_ =	shalt  }
0x44: {  	_ =	shalt  }
0x45: {  	_ =	shalt  }
0x46: {  	_ =	shalt  }
0x47: {  	_ =	shalt  }
0x48: {  	_ =	shalt  }
0x49: {  	_ =	shalt  }
0x4a: {  	_ =	shalt  }
0x4b: {  	_ =	shalt  }
0x4c: {  	_ =	shalt  }
0x4d: {  	_ =	shalt  }
0x4e: {  	_ =	shalt  }
0x4f: {  	_ =	shalt  }
0x50: {  	_ =	shalt  }
0x51: {  	_ =	shalt  }
0x52: {  	_ =	shalt  }
0x53: {  	_ =	shalt  }
0x54: {  	_ =	shalt  }
0x55: {  	_ =	shalt  }
0x56: {  	_ =	shalt  }
0x57: {  	_ =	shalt  }
0x58: {  	_ =	shalt  }
0x59: {  	_ =	shalt  }
0x5a: {  	_ =	shalt  }
0x5b: {  	_ =	shalt  }
0x5c: {  	_ =	shalt  }
0x5d: {  	_ =	shalt  }
0x5e: {  	_ =	shalt  }
0x5f: {  	_ =	shalt  }
0x60: {  	_ =	shalt  }
0x61: {  	_ =	shalt  }
0x62: {  	_ =	shalt  }
0x63: {  	_ =	shalt  }
0x64: {  	_ =	shalt  }
0x65: {  	_ =	shalt  }
0x66: {  	_ =	shalt  }
0x67: {  	_ =	shalt  }
0x68: {  	_ =	shalt  }
0x69: {  	_ =	shalt  }
0x6a: {  	_ =	shalt  }
0x6b: {  	_ =	shalt  }
0x6c: {  	_ =	shalt  }
0x6d: {  	_ =	shalt  }
0x6e: {  	_ =	shalt  }
0x6f: {  	_ =	shalt  }
0x70: {  	_ =	shalt  }
0x71: {  	_ =	shalt  }
0x72: {  	_ =	shalt  }
0x73: {  	_ =	shalt  }
0x74: {  	_ =	shalt  }
0x75: {  	_ =	shalt  }
0x76: {  	_ =	shalt  }
0x77: {  	_ =	shalt  }
0x78: {  	_ =	shalt  }
0x79: {  	_ =	shalt  }
0x7a: {  	_ =	shalt  }
0x7b: {  	_ =	shalt  }
0x7c: {  	_ =	shalt  }
0x7d: {  	_ =	shalt  }
0x7e: {  	_ =	shalt  }
0x7f: {  	_ =	shalt  }
0x80: {  	_ =	shalt  }
0x81: {  	_ =	shalt  }
0x82: {  	_ =	shalt  }
0x83: {  	_ =	shalt  }
0x84: {  	_ =	shalt  }
0x85: {  	_ =	shalt  }
0x86: {  	_ =	shalt  }
0x87: {  	_ =	shalt  }
.Lfunc_end0:
.L_simem_size_0:
called_computation_lowered:
.L_overlay_start_0:
0x88: {  	s2 =	sld [smem:$0x3FD9]  }
0x89: {  	s3 =	sld [smem:$0x3FFE];
	_ =	sdelay $0x1  }
0x8a: {  	s1 =	srdreg.scid  }
0x8b: {  	s0 =	sand.u32 $0x1, s1  }
0x8c: {  	s17 =	sshll.u32 s0, $0xA;
	s2 =	sadd.s32 s3, s2  }
0x8d: {  	s2 =	sadd.s32 s2, s17  }
0x8e: {  	[smem:$0x3FBF] =	sst s2  }
0x8f: {  	_ = 	snop  }
0x90: {  	s2 =	sld [smem:$0x3FC6]  }
0x91: {  	s18 =	sld [smem:$0x3FC5];
	(tm) =	ssettm $0x1  }
0x92: {  	s4 =	sld [smem:$0x3FFB];
	_ =	sdelay $0x3  }
0x93: {  	_ =	strace s4  }
0x94: {  	s4 =	sld [smem:$0x3FFC];
	_ =	sdelay $0x3  }
0x95: {  	_ =	strace s4  }
0x96: {  	s4 =	sld [smem:$0x3FFD];
	_ =	sdelay $0x3  }
0x97: {  	_ =	strace s4  }
0x98: {  	_ =	strace $0x8FFFFFFF  }
0x99: {  	s19 =	sld [smem:$0x3FDB];
	_ =	sdelay $0x1  }
0x9a: {  	s5 =	simm.s32 $_scs_section_size  }
0x9b: {  	s6 =	simm.s32 $_size__tile_overlayer_lowered;
	s7 =	simm.s32 $_tile_overlayer_lowered  }
0x9c: {  	s22 =	simm.s32 $0x1BFF;
	s21 =	sshll.u32 s7, $0x1;
	s4 =	sadd.s32 s5, s19  }
0x9d: {  	s8 =	simm.s32 $0x0;
	s20 =	sshll.u32 s6, $0x1;
	s6 =	sadd.s32 s21, s4  }
0x9e: {  	[timem:s8], [sflag:s22] =	dma.local [hbm:s6], s20  }
0x9f: {  	_ =	swait.ge [sflag:s22], s20  }
0xa0: {  	s5 =	ssub.s32 $0x0, s20;
	[sflag:s22] =	ssyncset.done $0x0  }
0xa1: {  	[sflag:s22] =	ssyncadd.s32 s5;
	_ =	sdelay $0x1  }
0xa2: {  	s23 =	simm.s32 $0x1B8B  }
0xa3: {  	_ =	swait.ge [sflag:s23], $0x1  }
0xa4: {  	[sflag:s23] =	ssyncset.done $0x0  }
0xa5: {  	s25 =	simm.s32 $0x1B8E;
	s24 =	sld [smem:$0x3FFE];
	[sflag:s23] =	ssyncadd.s32 $0xFFFFFFFF  }
0xa6: {  	s26 =	simm.s32 $execute0_lowered;
	[smem:$0x3FD2] =	sst s25  }
0xa7: {  	s6 =	sshll.u32 s26, $0x1;
	_ =	strace $0x80000046;
	[dreg:$0x1] =	wrdreg $0xFFFFFFFF  }
0xa8: {  	s28 =	simm.s32 $_size_execute0_lowered;
	s4 =	sadd.s32 s4, s6;
	[dreg:$0x0] =	wrdreg $0x0  }
0xa9: {  	s6 =	sshll.u32 s28, $0x1;
	[dreg:$0x2] =	wrdreg s4  }
0xaa: {  	[dreg:$0x3] =	wrdreg s6  }
0xab: {  	[dreg:$0x4] =	wrdreg $0xC0  }
0xac: {  	_ =	task [dreg:s8], $0x5FFFF  }
0xad: {  	[dreg:$0x1] =	wrdreg $0xFFFFFFFF  }
0xae: {  	[dreg:$0x0] =	wrdreg $0x60  }
0xaf: {  	[dreg:$0x2] =	wrdreg s2  }
0xb0: {  	[dreg:$0x3] =	wrdreg s18  }
0xb1: {  	[dreg:$0x4] =	wrdreg s24  }
0xb2: {  	[dreg:$0x5] =	wrdreg $0xA  }
0xb3: {  	_ =	task.clear_ibuf [dreg:s8], $0x6FFFF;
	_ =	strace $0x90000046  }
0xb4: {  	s29 =	simm.s32 $0xA;
	_ =	strace $0x80000048  }
0xb5: {  	_ =	swait.ge [sflag:s29], $0x1  }
0xb6: {  	[sflag:s29] =	ssyncadd.s32 $0xFFFFFFFF  }
0xb7: {  	_ =	strace $0x90000048  }
0xb8: {  	_ =	sfence  }
0xb9: {  	s30 =	sld [smem:$0x0];
	_ =	sdelay $0x2  }
0xba: {  	s31 =	sshll.u32 s1, $0xD;
	s1 =	sshrl.u32 s1, $0x2  }
0xbb: {  	s3 =	sand.u32 $0x4000, s31;
	s1 =	sadd.s32 s1, s30  }
0xbc: {  	s0 =	sor.u32 s3, s0;
	s1 =	sshll.u32 s1, $0x11  }
0xbd: {  	s0 =	sor.u32 s1, s0  }
0xbe: {  	s0 =	sadd.s32 $0x8F2B, s0  }
0xbf: {  	[sflag:s0] =	ssyncadd.remote.s32 $0x1  }
0xc0: {  	_ =	sfence.sel $0xFFFF  }
0xc1: {  	[dreg:$0x0] =	wrdreg $0xFFFFFFFF;
	(pc) =	sbr.abs _section_cstart, $3  }
0xc2: {  	[dreg:$0x1] =	wrdreg $0xFFFFFFFF  }
0xc3: {  	_ =	task.clear_ibuf [dreg:s8], $0x2FFFF;
	_ =	strace $0x9FFFFFFF  }
0xc4: {  	(tm) =	ssettm $0x7FFFFFFF  }
0xc5: {  	_ =	shalt  }
tec
execute0_lowered:
.L_overlay_start_1:
0x0: {  	(tag) =	ssettag $0x1  }
0x1: {  	s4 =	rddreg [dreg:$0x0]  }
0x2: {  	s5 =	rddreg [dreg:$0x2];
	s3 =	simm.s32 $0x0  }
0x3: {  	s10 =	simm.s32 $0x100;
	[smem:$0x7FF] =	sst s3  }
0x4: {  	s11 =	simm.s32 $0x180;
	_ =	strace $0x80000047;
	[dreg:$0x8] =	wrdreg s10  }
0x5: {  	s12 =	simm.s32 $0x200;
	[dreg:$0x9] =	wrdreg s11  }
0x6: {  	s13 =	simm.s32 $0x280;
	[dreg:$0xa] =	wrdreg s12  }
0x7: {  	s14 =	simm.s32 $0xE80;
	[dreg:$0xb] =	wrdreg s13  }
0x8: {  	s15 =	simm.s32 $0x300;
	[dreg:$0xc] =	wrdreg s14  }
0x9: {  	s16 =	simm.s32 $0xF00;
	[dreg:$0xd] =	wrdreg s15  }
0xa: {  	s17 =	simm.s32 $0x380;
	[dreg:$0xe] =	wrdreg s16  }
0xb: {  	s18 =	simm.s32 $0xF80;
	[dreg:$0xf] =	wrdreg s17  }
0xc: {  	s19 =	simm.s32 $0x400;
	[dreg:$0x10] =	wrdreg s18  }
0xd: {  	s20 =	simm.s32 $0x1000;
	[dreg:$0x11] =	wrdreg s19  }
0xe: {  	s21 =	simm.s32 $0x480;
	[dreg:$0x12] =	wrdreg s20  }
0xf: {  	s22 =	simm.s32 $0x1080;
	[dreg:$0x13] =	wrdreg s21  }
0x10: {  	s0 =	srdreg.scid;
	s23 =	simm.s32 $0x500;
	[dreg:$0x14] =	wrdreg s22  }
0x11: {  	s2 =	stileid.u32;
	s24 =	simm.s32 $0x1100;
	[dreg:$0x15] =	wrdreg s23  }
0x12: {  	s25 =	simm.s32 $0x580;
	s26 =	simm.s32 $0x1180;
	[dreg:$0x16] =	wrdreg s24  }
0x13: {  	s28 =	simm.s32 $0x3;
	s29 =	simm.s32 $0x4;
	[dreg:$0x17] =	wrdreg s25  }
0x14: {  	p0 =	por $0x0, $0x0;
	[dreg:$0x18] =	wrdreg s26;
	s10 =	simm.s32 $0x680  }
0x15: {  	s30 =	simm.s32 $0x5;
	s11 =	simm.s32 $0x1280;
	[dreg:$0x1b] =	wrdreg s10  }
0x16: {  	s31 =	simm.s32 $0xC00;
	s12 =	simm.s32 $0x700;
	[dreg:$0x1c] =	wrdreg s11  }
0x17: {  	s0 =	sand.u32 $0x1, s0;
	s13 =	simm.s32 $0x1300;
	[dreg:$0x1d] =	wrdreg s12  }
0x18: {  	s1 =	sshll.u32 s2, $0x1;
	s14 =	simm.s32 $0x780;
	[dreg:$0x1e] =	wrdreg s13  }
0x19: {  	s1 =	sor.u32 s0, s1;
	s15 =	simm.s32 $0x1380;
	[dreg:$0x1f] =	wrdreg s14  }
0x1a: {  	s16 =	sadd.s32 $0x4AC00, s5;
	s18 =	simm.s32 $0x800;
	[smem:$0x7EF] =	sst s15  }
0x1b: {  	s0 =	ssub.s32 $0x2, s0;
	s19 =	simm.s32 $0x1400;
	[smem:$0x7F0] =	sst s18  }
0x1c: {  	s17 =	simm.s32 $0xE00;
	s20 =	simm.s32 $0x880;
	[smem:$0x7F1] =	sst s19  }
0x1d: {  	s21 =	simm.s32 $0x1480;
	s22 =	simm.s32 $0x9B00;
	[smem:$0x7F2] =	sst s20  }
0x1e: {  	s23 =	simm.s32 $0x900;
	s24 =	simm.s32 $0x1500;
	[smem:$0x7F3] =	sst s21  }
0x1f: {  	s25 =	simm.s32 $0x980;
	s26 =	simm.s32 $0x1580;
	[smem:$0x7F4] =	sst s23  }
0x20: {  	s6 =	smul.u32 $0x180, s1;
	s1 =	sshll.u32 s1, $0x5;
	[smem:$0x7F5] =	sst s24  }
0x21: {  	s11 =	simm.s32 $0x1B00;
	s10 =	simm.s32 $0x5B00;
	[smem:$0x7F6] =	sst s25  }
0x22: {  	s21 =	simm.s32 $0xDB00;
	[smem:$0x7F7] =	sst s26;
	s13 =	simm.s32 $0x1600  }
0x23: {  	s20 =	simm.s32 $0x11B00;
	s18 =	simm.s32 $0x1680;
	[smem:$0x7F8] =	sst s13  }
0x24: {  	s14 =	simm.s32 $0x1;
	s19 =	simm.s32 $0x1700;
	[smem:$0x7F9] =	sst s18  }
0x25: {  	s12 =	simm.s32 $0x6;
	s23 =	simm.s32 $0x1780;
	[smem:$0x7FA] =	sst s19  }
0x26: {  	s15 =	simm.s32 $0x2;
	s25 =	simm.s32 $0xC80;
	[smem:$0x7FB] =	sst s23  }
0x27: {  	s26 =	simm.s32 $0xD80;
	s1 =	sadd.s32 s1, s5;
	[smem:$0x7FC] =	sst s25  }
0x28: {  	s24 =	simm.s32 $0x8;
	[smem:$0x7FD] =	sst s26;
	s8 =	sadd.s32 $0x1000, s1  }
0x29: {  	s13 =	simm.s32 $0x7;
	[dreg:$0x6] =	wrdreg s8;
	s8 =	simm.s32 $0x600  }
0x2a: {  	s25 =	simm.s32 $0x9;
	[dreg:$0x19] =	wrdreg s8;
	s8 =	sshrl.u32 s0, $0x1  }
0x2b: {  	s26 =	simm.s32 $0xA;
	s18 =	simm.s32 $0x1A00;
	s0 =	ssub.s32 s0, s8  }
0x2c: {  	s19 =	simm.s32 $0x1A80;
	s23 =	simm.s32 $0xD00;
	s0 =	smax.u32 s0, $0x1  }
0x2d: {  	s6 =	sadd.s32 s6, s5;
	s9 =	sadd.s32 $0xC00, s1;
	p1 =	sne.s32 s0, $0x1  }
.Ltmp0:
0x2e: {  	s7 =	sadd.s32 $0x1C00, s6;
	[dreg:$0x7] =	wrdreg s9;
	(pc) =	sbr.rel @!p1 .LBB2_1-.Ltmp0, $4  }
0x2f: {  	s6 =	sadd.s32 $0x4C00, s6;
	s9 =	simm.s32 $0x1200;
	[dreg:$0x4] =	wrdreg s7  }
0x30: {  	[dreg:$0x5] =	wrdreg s6;
	s6 =	sadd.s32 $0xAC00, s5;
	s5 =	sadd.s32 $0x2AC00, s5  }
0x31: {  	[dreg:$0x1a] =	wrdreg s9;
	s9 =	simm.s32 $0xB;
	s7 =	simm.s32 $0x80  }
0x32: {  	s8 =	sadd.s32 $0x800, s1;
	s1 =	sadd.s32 $0xFFFFFFFF, s0;
	s0 =	rddreg [dreg:$0x4]  }
0x33: {  	[tilespmem:s3], [sflag:$0xB] =	stream.linear.gather [hbm4b:s0+s3], $0xA00, $0x38;
	[tilespmem:$0x15B00] =	vst v63  }
0x34: {  	_ =	swait.ge [sflag:s9], $0xA00  }
0x35: {  	[sflag:s9] =	ssyncset.done $0x0  }
0x36: {  	s2 =	rddreg [dreg:$0x5];
	[sflag:s9] =	ssyncadd.s32 $0xFFFFF600  }
0x37: {  	[tilespmem:s17], [sflag:$0xB] =	stream.linear.gather [hbm4b:s2+s3], $0xA00, $0x38;
	[tilespmem:$0x15B00] =	vst v63  }
0x38: {  	_ =	swait.ge [sflag:s9], $0xA00  }
0x39: {  	[sflag:s9] =	ssyncset.done $0x0  }
0x3a: {  	[sflag:s9] =	ssyncadd.s32 $0xFFFFF600  }
0x3b: {  	[tilespmem:s11], [sflag:$0x1] =	stream.indirect.gather [hbm4b:s4+s7], $0x80, s3, s7, $0xb8;
	[tilespmem:$0x15B00] =	vst v63  }
0x3c: {  	_ = 	snop  }
0x3d: {  	[tilespmem:s10], [sflag:$0x2] =	stream.indirect.gather [hbm4b:s4+s7], $0x80, s7, s7, $0xb8;
	[tilespmem:$0x15B00] =	vst v63  }
0x3e: {  	s0 =	rddreg [dreg:$0x8]  }
0x3f: {  	[tilespmem:s22], [sflag:$0x3] =	stream.indirect.gather [hbm4b:s4+s7], $0x80, s0, s7, $0xb8;
	[tilespmem:$0x15B00] =	vst v63  }
0x40: {  	s2 =	smov.u32 s1;
	s1 =	rddreg [dreg:$0x9]  }
0x41: {  	[tilespmem:s21], [sflag:$0x4] =	stream.indirect.gather [hbm4b:s4+s7], $0x80, s1, s7, $0xb8;
	[tilespmem:$0x15B00] =	vst v63  }
0x42: {  	s0 =	rddreg [dreg:$0xa]  }
0x43: {  	[tilespmem:s20], [sflag:$0x5] =	stream.indirect.gather [hbm4b:s4+s7], $0x80, s0, s7, $0xb8;
	[tilespmem:$0x15B00] =	vst v63  }
0x44: {  	_ =	swait.ge [sflag:s14], $0x4000  }
0x45: {  	[sflag:s14] =	ssyncset.done $0x0  }
0x46: {  	[sflag:s14] =	ssyncadd.s32 $0xFFFFC000  }
0x47: {  	[hbm4b:s16+s7] =	stream.indirect.scatter [tilespmem:s11], [sflag:$0x6], $0x80, s17, s7, $0xb8;
	[tilespmem:$0x15B00] =	vst v63  }
0x48: {  	_ =	swait.ge [sflag:s12], $0x4000  }
0x49: {  	[sflag:s12] =	ssyncset.done $0x0  }
0x4a: {  	s1 =	rddreg [dreg:$0xb];
	[sflag:s12] =	ssyncadd.s32 $0xFFFFC000  }
0x4b: {  	[tilespmem:s11], [sflag:$0x1] =	stream.indirect.gather [hbm4b:s4+s7], $0x80, s1, s7, $0xb8;
	[tilespmem:$0x15B00] =	vst v63  }
0x4c: {  	_ =	swait.ge [sflag:s15], $0x4000  }
0x4d: {  	[sflag:s15] =	ssyncset.done $0x0  }
0x4e: {  	s1 =	rddreg [dreg:$0xc];
	[sflag:s15] =	ssyncadd.s32 $0xFFFFC000  }
0x4f: {  	[hbm4b:s16+s7] =	stream.indirect.scatter [tilespmem:s10], [sflag:$0x7], $0x80, s1, s7, $0xb8;
	[tilespmem:$0x15B00] =	vst v63  }
0x50: {  	_ =	swait.ge [sflag:s13], $0x4000  }
0x51: {  	[sflag:s13] =	ssyncset.done $0x0  }
0x52: {  	s1 =	rddreg [dreg:$0xd];
	[sflag:s13] =	ssyncadd.s32 $0xFFFFC000  }
0x53: {  	[tilespmem:s10], [sflag:$0x2] =	stream.indirect.gather [hbm4b:s4+s7], $0x80, s1, s7, $0xb8;
	[tilespmem:$0x15B00] =	vst v63  }
0x54: {  	_ =	swait.ge [sflag:s28], $0x4000  }
0x55: {  	[sflag:s28] =	ssyncset.done $0x0  }
0x56: {  	s1 =	rddreg [dreg:$0xe];
	[sflag:s28] =	ssyncadd.s32 $0xFFFFC000  }
0x57: {  	[hbm4b:s16+s7] =	stream.indirect.scatter [tilespmem:s22], [sflag:$0x8], $0x80, s1, s7, $0xb8;
	[tilespmem:$0x15B00] =	vst v63  }
0x58: {  	_ =	swait.ge [sflag:s24], $0x4000  }
0x59: {  	[sflag:s24] =	ssyncset.done $0x0  }
0x5a: {  	s1 =	rddreg [dreg:$0xf];
	[sflag:s24] =	ssyncadd.s32 $0xFFFFC000  }
0x5b: {  	[tilespmem:s22], [sflag:$0x3] =	stream.indirect.gather [hbm4b:s4+s7], $0x80, s1, s7, $0xb8;
	[tilespmem:$0x15B00] =	vst v63  }
0x5c: {  	_ =	swait.ge [sflag:s29], $0x4000  }
0x5d: {  	[sflag:s29] =	ssyncset.done $0x0  }
0x5e: {  	s1 =	rddreg [dreg:$0x10];
	[sflag:s29] =	ssyncadd.s32 $0xFFFFC000  }
0x5f: {  	[hbm4b:s16+s7] =	stream.indirect.scatter [tilespmem:s21], [sflag:$0x9], $0x80, s1, s7, $0xb8;
	[tilespmem:$0x15B00] =	vst v63  }
0x60: {  	_ =	swait.ge [sflag:s25], $0x4000  }
0x61: {  	[sflag:s25] =	ssyncset.done $0x0  }
0x62: {  	s1 =	rddreg [dreg:$0x11];
	[sflag:s25] =	ssyncadd.s32 $0xFFFFC000  }
0x63: {  	[tilespmem:s21], [sflag:$0x4] =	stream.indirect.gather [hbm4b:s4+s7], $0x80, s1, s7, $0xb8;
	[tilespmem:$0x15B00] =	vst v63  }
0x64: {  	_ =	swait.ge [sflag:s30], $0x4000  }
0x65: {  	[sflag:s30] =	ssyncset.done $0x0  }
0x66: {  	s1 =	rddreg [dreg:$0x12];
	[sflag:s30] =	ssyncadd.s32 $0xFFFFC000  }
0x67: {  	[hbm4b:s16+s7] =	stream.indirect.scatter [tilespmem:s20], [sflag:$0xA], $0x80, s1, s7, $0xb8;
	[tilespmem:$0x15B00] =	vst v63  }
0x68: {  	_ =	swait.ge [sflag:s26], $0x4000  }
0x69: {  	[sflag:s26] =	ssyncset.done $0x0  }
0x6a: {  	s1 =	rddreg [dreg:$0x13];
	[sflag:s26] =	ssyncadd.s32 $0xFFFFC000  }
0x6b: {  	[tilespmem:s20], [sflag:$0x5] =	stream.indirect.gather [hbm4b:s4+s7], $0x80, s1, s7, $0xb8;
	[tilespmem:$0x15B00] =	vst v63  }
0x6c: {  	_ =	swait.ge [sflag:s14], $0x4000  }
0x6d: {  	[sflag:s14] =	ssyncset.done $0x0  }
0x6e: {  	s1 =	rddreg [dreg:$0x14];
	[sflag:s14] =	ssyncadd.s32 $0xFFFFC000  }
0x6f: {  	[hbm4b:s16+s7] =	stream.indirect.scatter [tilespmem:s11], [sflag:$0x6], $0x80, s1, s7, $0xb8;
	[tilespmem:$0x15B00] =	vst v63  }
0x70: {  	_ =	swait.ge [sflag:s12], $0x4000  }
0x71: {  	[sflag:s12] =	ssyncset.done $0x0  }
0x72: {  	s1 =	rddreg [dreg:$0x15];
	[sflag:s12] =	ssyncadd.s32 $0xFFFFC000  }
0x73: {  	[tilespmem:s11], [sflag:$0x1] =	stream.indirect.gather [hbm4b:s4+s7], $0x80, s1, s7, $0xb8;
	[tilespmem:$0x15B00] =	vst v63  }
0x74: {  	_ =	swait.ge [sflag:s15], $0x4000  }
0x75: {  	[sflag:s15] =	ssyncset.done $0x0  }
0x76: {  	s1 =	rddreg [dreg:$0x16];
	[sflag:s15] =	ssyncadd.s32 $0xFFFFC000  }
0x77: {  	[hbm4b:s16+s7] =	stream.indirect.scatter [tilespmem:s10], [sflag:$0x7], $0x80, s1, s7, $0xb8;
	[tilespmem:$0x15B00] =	vst v63  }
0x78: {  	_ =	swait.ge [sflag:s13], $0x4000  }
0x79: {  	[sflag:s13] =	ssyncset.done $0x0  }
0x7a: {  	s1 =	rddreg [dreg:$0x17];
	[sflag:s13] =	ssyncadd.s32 $0xFFFFC000  }
0x7b: {  	[tilespmem:s10], [sflag:$0x2] =	stream.indirect.gather [hbm4b:s4+s7], $0x80, s1, s7, $0xb8;
	[tilespmem:$0x15B00] =	vst v63  }
0x7c: {  	_ =	swait.ge [sflag:s28], $0x4000  }
0x7d: {  	[sflag:s28] =	ssyncset.done $0x0  }
0x7e: {  	s1 =	rddreg [dreg:$0x18];
	[sflag:s28] =	ssyncadd.s32 $0xFFFFC000  }
0x7f: {  	[hbm4b:s16+s7] =	stream.indirect.scatter [tilespmem:s22], [sflag:$0x8], $0x80, s1, s7, $0xb8;
	[tilespmem:$0x15B00] =	vst v63  }
0x80: {  	_ =	swait.ge [sflag:s24], $0x4000  }
0x81: {  	[sflag:s24] =	ssyncset.done $0x0  }
0x82: {  	s1 =	rddreg [dreg:$0x19];
	[sflag:s24] =	ssyncadd.s32 $0xFFFFC000  }
0x83: {  	[tilespmem:s22], [sflag:$0x3] =	stream.indirect.gather [hbm4b:s4+s7], $0x80, s1, s7, $0xb8;
	[tilespmem:$0x15B00] =	vst v63  }
0x84: {  	_ =	swait.ge [sflag:s29], $0x4000  }
0x85: {  	[sflag:s29] =	ssyncset.done $0x0  }
0x86: {  	s1 =	rddreg [dreg:$0x1a];
	[sflag:s29] =	ssyncadd.s32 $0xFFFFC000  }
0x87: {  	[hbm4b:s16+s7] =	stream.indirect.scatter [tilespmem:s21], [sflag:$0x9], $0x80, s1, s7, $0xb8;
	[tilespmem:$0x15B00] =	vst v63  }
0x88: {  	_ =	swait.ge [sflag:s25], $0x4000  }
0x89: {  	[sflag:s25] =	ssyncset.done $0x0  }
0x8a: {  	s1 =	rddreg [dreg:$0x1b];
	[sflag:s25] =	ssyncadd.s32 $0xFFFFC000  }
0x8b: {  	[tilespmem:s21], [sflag:$0x4] =	stream.indirect.gather [hbm4b:s4+s7], $0x80, s1, s7, $0xb8;
	[tilespmem:$0x15B00] =	vst v63  }
0x8c: {  	_ =	swait.ge [sflag:s30], $0x4000  }
0x8d: {  	[sflag:s30] =	ssyncset.done $0x0  }
0x8e: {  	s1 =	rddreg [dreg:$0x1c];
	[sflag:s30] =	ssyncadd.s32 $0xFFFFC000  }
0x8f: {  	[hbm4b:s16+s7] =	stream.indirect.scatter [tilespmem:s20], [sflag:$0xA], $0x80, s1, s7, $0xb8;
	[tilespmem:$0x15B00] =	vst v63  }
0x90: {  	_ =	swait.ge [sflag:s26], $0x4000  }
0x91: {  	[sflag:s26] =	ssyncset.done $0x0  }
0x92: {  	s1 =	rddreg [dreg:$0x1d];
	[sflag:s26] =	ssyncadd.s32 $0xFFFFC000  }
0x93: {  	[tilespmem:s20], [sflag:$0x5] =	stream.indirect.gather [hbm4b:s4+s7], $0x80, s1, s7, $0xb8;
	[tilespmem:$0x15B00] =	vst v63  }
0x94: {  	_ =	swait.ge [sflag:s14], $0x4000  }
0x95: {  	[sflag:s14] =	ssyncset.done $0x0  }
0x96: {  	s1 =	rddreg [dreg:$0x1e];
	[sflag:s14] =	ssyncadd.s32 $0xFFFFC000  }
0x97: {  	[hbm4b:s16+s7] =	stream.indirect.scatter [tilespmem:s11], [sflag:$0x6], $0x80, s1, s7, $0xb8;
	[tilespmem:$0x15B00] =	vst v63  }
0x98: {  	_ =	swait.ge [sflag:s12], $0x4000  }
0x99: {  	[sflag:s12] =	ssyncset.done $0x0  }
0x9a: {  	s1 =	rddreg [dreg:$0x1f];
	[sflag:s12] =	ssyncadd.s32 $0xFFFFC000  }
0x9b: {  	[tilespmem:s11], [sflag:$0x1] =	stream.indirect.gather [hbm4b:s4+s7], $0x80, s1, s7, $0xb8;
	[tilespmem:$0x15B00] =	vst v63  }
0x9c: {  	_ =	swait.ge [sflag:s15], $0x4000  }
0x9d: {  	s1 =	sld [smem:$0x7EF]  }
0x9e: {  	[sflag:s15] =	ssyncset.done $0x0  }
0x9f: {  	[sflag:s15] =	ssyncadd.s32 $0xFFFFC000  }
0xa0: {  	[hbm4b:s16+s7] =	stream.indirect.scatter [tilespmem:s10], [sflag:$0x7], $0x80, s1, s7, $0xb8;
	[tilespmem:$0x15B00] =	vst v63  }
0xa1: {  	_ =	swait.ge [sflag:s13], $0x4000  }
0xa2: {  	s1 =	sld [smem:$0x7F0]  }
0xa3: {  	[sflag:s13] =	ssyncset.done $0x0  }
0xa4: {  	[sflag:s13] =	ssyncadd.s32 $0xFFFFC000  }
0xa5: {  	[tilespmem:s10], [sflag:$0x2] =	stream.indirect.gather [hbm4b:s4+s7], $0x80, s1, s7, $0xb8;
	[tilespmem:$0x15B00] =	vst v63  }
0xa6: {  	_ =	swait.ge [sflag:s28], $0x4000  }
0xa7: {  	s1 =	sld [smem:$0x7F1]  }
0xa8: {  	[sflag:s28] =	ssyncset.done $0x0  }
0xa9: {  	[sflag:s28] =	ssyncadd.s32 $0xFFFFC000  }
0xaa: {  	[hbm4b:s16+s7] =	stream.indirect.scatter [tilespmem:s22], [sflag:$0x8], $0x80, s1, s7, $0xb8;
	[tilespmem:$0x15B00] =	vst v63  }
0xab: {  	_ =	swait.ge [sflag:s24], $0x4000  }
0xac: {  	s1 =	sld [smem:$0x7F2]  }
0xad: {  	[sflag:s24] =	ssyncset.done $0x0  }
0xae: {  	[sflag:s24] =	ssyncadd.s32 $0xFFFFC000  }
0xaf: {  	[tilespmem:s22], [sflag:$0x3] =	stream.indirect.gather [hbm4b:s4+s7], $0x80, s1, s7, $0xb8;
	[tilespmem:$0x15B00] =	vst v63  }
0xb0: {  	_ =	swait.ge [sflag:s29], $0x4000  }
0xb1: {  	s1 =	sld [smem:$0x7F3]  }
0xb2: {  	[sflag:s29] =	ssyncset.done $0x0  }
0xb3: {  	[sflag:s29] =	ssyncadd.s32 $0xFFFFC000  }
0xb4: {  	[hbm4b:s16+s7] =	stream.indirect.scatter [tilespmem:s21], [sflag:$0x9], $0x80, s1, s7, $0xb8;
	[tilespmem:$0x15B00] =	vst v63  }
0xb5: {  	_ =	swait.ge [sflag:s25], $0x4000  }
0xb6: {  	s1 =	sld [smem:$0x7F4]  }
0xb7: {  	[sflag:s25] =	ssyncset.done $0x0  }
0xb8: {  	[sflag:s25] =	ssyncadd.s32 $0xFFFFC000  }
0xb9: {  	[tilespmem:s21], [sflag:$0x4] =	stream.indirect.gather [hbm4b:s4+s7], $0x80, s1, s7, $0xb8;
	[tilespmem:$0x15B00] =	vst v63  }
0xba: {  	_ =	swait.ge [sflag:s30], $0x4000  }
0xbb: {  	s1 =	sld [smem:$0x7F5]  }
0xbc: {  	[sflag:s30] =	ssyncset.done $0x0  }
0xbd: {  	[sflag:s30] =	ssyncadd.s32 $0xFFFFC000  }
0xbe: {  	[hbm4b:s16+s7] =	stream.indirect.scatter [tilespmem:s20], [sflag:$0xA], $0x80, s1, s7, $0xb8;
	[tilespmem:$0x15B00] =	vst v63  }
0xbf: {  	_ =	swait.ge [sflag:s26], $0x4000  }
0xc0: {  	s1 =	sld [smem:$0x7F6]  }
0xc1: {  	[sflag:s26] =	ssyncset.done $0x0  }
0xc2: {  	[sflag:s26] =	ssyncadd.s32 $0xFFFFC000  }
0xc3: {  	[tilespmem:s20], [sflag:$0x5] =	stream.indirect.gather [hbm4b:s4+s7], $0x80, s1, s7, $0xb8;
	[tilespmem:$0x15B00] =	vst v63  }
0xc4: {  	_ =	swait.ge [sflag:s14], $0x4000  }
0xc5: {  	s1 =	sld [smem:$0x7F7]  }
0xc6: {  	[sflag:s14] =	ssyncset.done $0x0  }
0xc7: {  	[sflag:s14] =	ssyncadd.s32 $0xFFFFC000  }
0xc8: {  	[hbm4b:s16+s7] =	stream.indirect.scatter [tilespmem:s11], [sflag:$0x6], $0x80, s1, s7, $0xb8;
	[tilespmem:$0x15B00] =	vst v63  }
0xc9: {  	_ =	swait.ge [sflag:s15], $0x4000  }
0xca: {  	s1 =	sld [smem:$0x7F8]  }
0xcb: {  	[sflag:s15] =	ssyncset.done $0x0  }
0xcc: {  	[sflag:s15] =	ssyncadd.s32 $0xFFFFC000  }
0xcd: {  	[hbm4b:s16+s7] =	stream.indirect.scatter [tilespmem:s10], [sflag:$0x7], $0x80, s1, s7, $0xb8;
	[tilespmem:$0x15B00] =	vst v63  }
0xce: {  	_ =	swait.ge [sflag:s28], $0x4000  }
0xcf: {  	s1 =	sld [smem:$0x7F9]  }
0xd0: {  	[sflag:s28] =	ssyncset.done $0x0  }
0xd1: {  	[sflag:s28] =	ssyncadd.s32 $0xFFFFC000  }
0xd2: {  	[hbm4b:s16+s7] =	stream.indirect.scatter [tilespmem:s22], [sflag:$0x8], $0x80, s1, s7, $0xb8;
	[tilespmem:$0x15B00] =	vst v63  }
0xd3: {  	_ =	swait.ge [sflag:s29], $0x4000  }
0xd4: {  	s1 =	sld [smem:$0x7FA]  }
0xd5: {  	[sflag:s29] =	ssyncset.done $0x0  }
0xd6: {  	[sflag:s29] =	ssyncadd.s32 $0xFFFFC000  }
0xd7: {  	[hbm4b:s16+s7] =	stream.indirect.scatter [tilespmem:s21], [sflag:$0x9], $0x80, s1, s7, $0xb8;
	[tilespmem:$0x15B00] =	vst v63  }
0xd8: {  	_ =	swait.ge [sflag:s30], $0x4000  }
0xd9: {  	s1 =	sld [smem:$0x7FB]  }
0xda: {  	[sflag:s30] =	ssyncset.done $0x0  }
0xdb: {  	[sflag:s30] =	ssyncadd.s32 $0xFFFFC000  }
0xdc: {  	[hbm4b:s16+s7] =	stream.indirect.scatter [tilespmem:s20], [sflag:$0xA], $0x80, s1, s7, $0xb8;
	[tilespmem:$0x15B00] =	vst v63  }
0xdd: {  	_ =	swait.ge [sflag:s12], $0x4000  }
0xde: {  	[sflag:s12] =	ssyncset.done $0x0  }
0xdf: {  	[sflag:s12] =	ssyncadd.s32 $0xFFFFC000  }
0xe0: {  	_ =	swait.ge [sflag:s13], $0x4000  }
0xe1: {  	[sflag:s13] =	ssyncset.done $0x0  }
0xe2: {  	[sflag:s13] =	ssyncadd.s32 $0xFFFFC000  }
0xe3: {  	_ =	swait.ge [sflag:s24], $0x4000  }
0xe4: {  	[sflag:s24] =	ssyncset.done $0x0  }
0xe5: {  	[sflag:s24] =	ssyncadd.s32 $0xFFFFC000  }
0xe6: {  	_ =	swait.ge [sflag:s25], $0x4000  }
0xe7: {  	[sflag:s25] =	ssyncset.done $0x0  }
0xe8: {  	[sflag:s25] =	ssyncadd.s32 $0xFFFFC000  }
0xe9: {  	_ =	swait.ge [sflag:s26], $0x4000  }
0xea: {  	[sflag:s26] =	ssyncset.done $0x0  }
0xeb: {  	s1 =	rddreg [dreg:$0x6];
	[sflag:s26] =	ssyncadd.s32 $0xFFFFC000  }
0xec: {  	[tilespmem:s31], [sflag:$0xB] =	stream.linear.gather [hbm4b:s1+s3], $0x100, $0x38;
	[tilespmem:$0x15B00] =	vst v63  }
0xed: {  	_ =	swait.ge [sflag:s9], $0x100  }
0xee: {  	[sflag:s9] =	ssyncset.done $0x0  }
0xef: {  	[sflag:s9] =	ssyncadd.s32 $0xFFFFFF00  }
0xf0: {  	[tilespmem:s18], [sflag:$0xB] =	stream.linear.gather [hbm4b:s8+s3], $0x100, $0x38;
	[tilespmem:$0x15B00] =	vst v63  }
0xf1: {  	_ =	swait.ge [sflag:s9], $0x100  }
0xf2: {  	[sflag:s9] =	ssyncset.done $0x0  }
0xf3: {  	s1 =	sld [smem:$0x7FC];
	[sflag:s9] =	ssyncadd.s32 $0xFFFFFF00  }
0xf4: {  	[tilespmem:s11], [sflag:$0x1] =	stream.indirect.gather [hbm4b:s4+s7], $0x80, s31, s7, $0xb8;
	[tilespmem:$0x15B00] =	vst v63  }
0xf5: {  	_ = 	snop  }
0xf6: {  	[tilespmem:s10], [sflag:$0x2] =	stream.indirect.gather [hbm4b:s4+s7], $0x80, s1, s7, $0xb8;
	[tilespmem:$0x15B00] =	vst v63  }
0xf7: {  	_ =	swait.ge [sflag:s14], $0x4000  }
0xf8: {  	[sflag:s14] =	ssyncset.done $0x0  }
0xf9: {  	[sflag:s14] =	ssyncadd.s32 $0xFFFFC000  }
0xfa: {  	[hbm4b:s6+s7] =	stream.indirect.scatter [tilespmem:s11], [sflag:$0x6], $0x80, s18, s7, $0xb8;
	[tilespmem:$0x15B00] =	vst v63  }
0xfb: {  	_ =	swait.ge [sflag:s15], $0x4000  }
0xfc: {  	[sflag:s15] =	ssyncset.done $0x0  }
0xfd: {  	[sflag:s15] =	ssyncadd.s32 $0xFFFFC000  }
0xfe: {  	[hbm4b:s6+s7] =	stream.indirect.scatter [tilespmem:s10], [sflag:$0x7], $0x80, s19, s7, $0xb8;
	[tilespmem:$0x15B00] =	vst v63  }
0xff: {  	_ =	swait.ge [sflag:s12], $0x4000  }
0x100: {  	[sflag:s12] =	ssyncset.done $0x0  }
0x101: {  	[sflag:s12] =	ssyncadd.s32 $0xFFFFC000  }
0x102: {  	_ =	swait.ge [sflag:s13], $0x4000  }
0x103: {  	[sflag:s13] =	ssyncset.done $0x0  }
0x104: {  	s1 =	rddreg [dreg:$0x7];
	[sflag:s13] =	ssyncadd.s32 $0xFFFFC000  }
0x105: {  	[tilespmem:s23], [sflag:$0xB] =	stream.linear.gather [hbm4b:s1+s3], $0x100, $0x38;
	[tilespmem:$0x15B00] =	vst v63  }
0x106: {  	_ =	swait.ge [sflag:s9], $0x100  }
0x107: {  	[sflag:s9] =	ssyncset.done $0x0  }
0x108: {  	[sflag:s9] =	ssyncadd.s32 $0xFFFFFF00  }
0x109: {  	[tilespmem:s18], [sflag:$0xB] =	stream.linear.gather [hbm4b:s8+s3], $0x100, $0x38;
	[tilespmem:$0x15B00] =	vst v63  }
0x10a: {  	_ =	swait.ge [sflag:s9], $0x100  }
0x10b: {  	[sflag:s9] =	ssyncset.done $0x0  }
0x10c: {  	s0 =	sld [smem:$0x7FD];
	[sflag:s9] =	ssyncadd.s32 $0xFFFFFF00  }
0x10d: {  	s1 =	rddreg [dreg:$0x1]  }
0x10e: {  	[tilespmem:s11], [sflag:$0x1] =	stream.indirect.gather [hbm4b:s1+s7], $0x80, s23, s7, $0xb8;
	[tilespmem:$0x15B00] =	vst v63  }
0x10f: {  	_ = 	snop  }
0x110: {  	[tilespmem:s10], [sflag:$0x2] =	stream.indirect.gather [hbm4b:s1+s7], $0x80, s0, s7, $0xb8;
	[tilespmem:$0x15B00] =	vst v63  }
0x111: {  	_ =	swait.ge [sflag:s14], $0x4000  }
0x112: {  	[sflag:s14] =	ssyncset.done $0x0  }
0x113: {  	[sflag:s14] =	ssyncadd.s32 $0xFFFFC000  }
0x114: {  	[hbm4b:s5+s7] =	stream.indirect.scatter [tilespmem:s11], [sflag:$0x6], $0x80, s18, s7, $0xb8;
	[tilespmem:$0x15B00] =	vst v63  }
0x115: {  	_ =	swait.ge [sflag:s15], $0x4000  }
0x116: {  	[sflag:s15] =	ssyncset.done $0x0  }
0x117: {  	p1 =	sne.s32 s2, $0x1;
	[sflag:s15] =	ssyncadd.s32 $0xFFFFC000  }
0x118: {  	[hbm4b:s5+s7] =	stream.indirect.scatter [tilespmem:s10], [sflag:$0x7], $0x80, s19, s7, $0xb8;
	[tilespmem:$0x15B00] =	vst v63  }
.Ltmp1:
0x119: {  	_ =	swait.ge [sflag:s12], $0x4000;
	(pc) =	sbr.rel @!p1 .LBB2_3-.Ltmp1, $4  }
0x11a: {  	[sflag:s12] =	ssyncset.done $0x0  }
0x11b: {  	[sflag:s12] =	ssyncadd.s32 $0xFFFFC000  }
0x11c: {  	p0 =	por $0x1, $0x1;
	_ =	swait.ge [sflag:s13], $0x4000  }
0x11d: {  	s1 =	sadd.s32 $0xFFFFFFFF, s2;
	s0 =	rddreg [dreg:$0x4];
	[sflag:s13] =	ssyncset.done $0x0  }
.LBB2_4:
0x11e: {  	[sflag:s13] =	ssyncadd.s32 $0xFFFFC000  }
0x11f: {  	[tilespmem:s3], [sflag:$0xB] =	stream.linear.gather [hbm4b:s0+s3], $0xA00, $0x38;
	[tilespmem:$0x15B00] =	vst v63  }
0x120: {  	_ =	swait.ge [sflag:s9], $0xA00  }
0x121: {  	[sflag:s9] =	ssyncset.done $0x0  }
0x122: {  	s2 =	rddreg [dreg:$0x5];
	[sflag:s9] =	ssyncadd.s32 $0xFFFFF600  }
0x123: {  	[tilespmem:s17], [sflag:$0xB] =	stream.linear.gather [hbm4b:s2+s3], $0xA00, $0x38;
	[tilespmem:$0x15B00] =	vst v63  }
0x124: {  	_ =	swait.ge [sflag:s9], $0xA00  }
0x125: {  	[sflag:s9] =	ssyncset.done $0x0  }
0x126: {  	[sflag:s9] =	ssyncadd.s32 $0xFFFFF600  }
0x127: {  	[tilespmem:s11], [sflag:$0x1] =	stream.indirect.gather [hbm4b:s4+s7], $0x80, s3, s7, $0xb8;
	[tilespmem:$0x15B00] =	vst v63  }
0x128: {  	_ = 	snop  }
0x129: {  	[tilespmem:s10], [sflag:$0x2] =	stream.indirect.gather [hbm4b:s4+s7], $0x80, s7, s7, $0xb8;
	[tilespmem:$0x15B00] =	vst v63  }
0x12a: {  	s0 =	rddreg [dreg:$0x8]  }
0x12b: {  	[tilespmem:s22], [sflag:$0x3] =	stream.indirect.gather [hbm4b:s4+s7], $0x80, s0, s7, $0xb8;
	[tilespmem:$0x15B00] =	vst v63  }
0x12c: {  	s2 =	rddreg [dreg:$0x9]  }
0x12d: {  	[tilespmem:s21], [sflag:$0x4] =	stream.indirect.gather [hbm4b:s4+s7], $0x80, s2, s7, $0xb8;
	[tilespmem:$0x15B00] =	vst v63  }
0x12e: {  	s0 =	rddreg [dreg:$0xa]  }
0x12f: {  	[tilespmem:s20], [sflag:$0x5] =	stream.indirect.gather [hbm4b:s4+s7], $0x80, s0, s7, $0xb8;
	[tilespmem:$0x15B00] =	vst v63  }
0x130: {  	_ =	swait.ge [sflag:s14], $0x4000  }
0x131: {  	[sflag:s14] =	ssyncset.done $0x0  }
0x132: {  	[sflag:s14] =	ssyncadd.s32 $0xFFFFC000  }
0x133: {  	[hbm4b:s16+s7] =	stream.indirect.scatter [tilespmem:s11], [sflag:$0x6], $0x80, s17, s7, $0xb8;
	[tilespmem:$0x15B00] =	vst v63  }
0x134: {  	_ =	swait.ge [sflag:s12], $0x4000  }
0x135: {  	[sflag:s12] =	ssyncset.done $0x0  }
0x136: {  	s2 =	rddreg [dreg:$0xb];
	[sflag:s12] =	ssyncadd.s32 $0xFFFFC000  }
0x137: {  	[tilespmem:s11], [sflag:$0x1] =	stream.indirect.gather [hbm4b:s4+s7], $0x80, s2, s7, $0xb8;
	[tilespmem:$0x15B00] =	vst v63  }
0x138: {  	_ =	swait.ge [sflag:s15], $0x4000  }
0x139: {  	[sflag:s15] =	ssyncset.done $0x0  }
0x13a: {  	s2 =	rddreg [dreg:$0xc];
	[sflag:s15] =	ssyncadd.s32 $0xFFFFC000  }
0x13b: {  	[hbm4b:s16+s7] =	stream.indirect.scatter [tilespmem:s10], [sflag:$0x7], $0x80, s2, s7, $0xb8;
	[tilespmem:$0x15B00] =	vst v63  }
0x13c: {  	_ =	swait.ge [sflag:s13], $0x4000  }
0x13d: {  	[sflag:s13] =	ssyncset.done $0x0  }
0x13e: {  	s2 =	rddreg [dreg:$0xd];
	[sflag:s13] =	ssyncadd.s32 $0xFFFFC000  }
0x13f: {  	[tilespmem:s10], [sflag:$0x2] =	stream.indirect.gather [hbm4b:s4+s7], $0x80, s2, s7, $0xb8;
	[tilespmem:$0x15B00] =	vst v63  }
0x140: {  	_ =	swait.ge [sflag:s28], $0x4000  }
0x141: {  	[sflag:s28] =	ssyncset.done $0x0  }
0x142: {  	s2 =	rddreg [dreg:$0xe];
	[sflag:s28] =	ssyncadd.s32 $0xFFFFC000  }
0x143: {  	[hbm4b:s16+s7] =	stream.indirect.scatter [tilespmem:s22], [sflag:$0x8], $0x80, s2, s7, $0xb8;
	[tilespmem:$0x15B00] =	vst v63  }
0x144: {  	_ =	swait.ge [sflag:s24], $0x4000  }
0x145: {  	[sflag:s24] =	ssyncset.done $0x0  }
0x146: {  	s2 =	rddreg [dreg:$0xf];
	[sflag:s24] =	ssyncadd.s32 $0xFFFFC000  }
0x147: {  	[tilespmem:s22], [sflag:$0x3] =	stream.indirect.gather [hbm4b:s4+s7], $0x80, s2, s7, $0xb8;
	[tilespmem:$0x15B00] =	vst v63  }
0x148: {  	_ =	swait.ge [sflag:s29], $0x4000  }
0x149: {  	[sflag:s29] =	ssyncset.done $0x0  }
0x14a: {  	s2 =	rddreg [dreg:$0x10];
	[sflag:s29] =	ssyncadd.s32 $0xFFFFC000  }
0x14b: {  	[hbm4b:s16+s7] =	stream.indirect.scatter [tilespmem:s21], [sflag:$0x9], $0x80, s2, s7, $0xb8;
	[tilespmem:$0x15B00] =	vst v63  }
0x14c: {  	_ =	swait.ge [sflag:s25], $0x4000  }
0x14d: {  	[sflag:s25] =	ssyncset.done $0x0  }
0x14e: {  	s2 =	rddreg [dreg:$0x11];
	[sflag:s25] =	ssyncadd.s32 $0xFFFFC000  }
0x14f: {  	[tilespmem:s21], [sflag:$0x4] =	stream.indirect.gather [hbm4b:s4+s7], $0x80, s2, s7, $0xb8;
	[tilespmem:$0x15B00] =	vst v63  }
0x150: {  	_ =	swait.ge [sflag:s30], $0x4000  }
0x151: {  	[sflag:s30] =	ssyncset.done $0x0  }
0x152: {  	s2 =	rddreg [dreg:$0x12];
	[sflag:s30] =	ssyncadd.s32 $0xFFFFC000  }
0x153: {  	[hbm4b:s16+s7] =	stream.indirect.scatter [tilespmem:s20], [sflag:$0xA], $0x80, s2, s7, $0xb8;
	[tilespmem:$0x15B00] =	vst v63  }
0x154: {  	_ =	swait.ge [sflag:s26], $0x4000  }
0x155: {  	[sflag:s26] =	ssyncset.done $0x0  }
0x156: {  	s2 =	rddreg [dreg:$0x13];
	[sflag:s26] =	ssyncadd.s32 $0xFFFFC000  }
0x157: {  	[tilespmem:s20], [sflag:$0x5] =	stream.indirect.gather [hbm4b:s4+s7], $0x80, s2, s7, $0xb8;
	[tilespmem:$0x15B00] =	vst v63  }
0x158: {  	_ =	swait.ge [sflag:s14], $0x4000  }
0x159: {  	[sflag:s14] =	ssyncset.done $0x0  }
0x15a: {  	s2 =	rddreg [dreg:$0x14];
	[sflag:s14] =	ssyncadd.s32 $0xFFFFC000  }
0x15b: {  	[hbm4b:s16+s7] =	stream.indirect.scatter [tilespmem:s11], [sflag:$0x6], $0x80, s2, s7, $0xb8;
	[tilespmem:$0x15B00] =	vst v63  }
0x15c: {  	_ =	swait.ge [sflag:s12], $0x4000  }
0x15d: {  	[sflag:s12] =	ssyncset.done $0x0  }
0x15e: {  	s2 =	rddreg [dreg:$0x15];
	[sflag:s12] =	ssyncadd.s32 $0xFFFFC000  }
0x15f: {  	[tilespmem:s11], [sflag:$0x1] =	stream.indirect.gather [hbm4b:s4+s7], $0x80, s2, s7, $0xb8;
	[tilespmem:$0x15B00] =	vst v63  }
0x160: {  	_ =	swait.ge [sflag:s15], $0x4000  }
0x161: {  	[sflag:s15] =	ssyncset.done $0x0  }
0x162: {  	s2 =	rddreg [dreg:$0x16];
	[sflag:s15] =	ssyncadd.s32 $0xFFFFC000  }
0x163: {  	[hbm4b:s16+s7] =	stream.indirect.scatter [tilespmem:s10], [sflag:$0x7], $0x80, s2, s7, $0xb8;
	[tilespmem:$0x15B00] =	vst v63  }
0x164: {  	_ =	swait.ge [sflag:s13], $0x4000  }
0x165: {  	[sflag:s13] =	ssyncset.done $0x0  }
0x166: {  	s2 =	rddreg [dreg:$0x17];
	[sflag:s13] =	ssyncadd.s32 $0xFFFFC000  }
0x167: {  	[tilespmem:s10], [sflag:$0x2] =	stream.indirect.gather [hbm4b:s4+s7], $0x80, s2, s7, $0xb8;
	[tilespmem:$0x15B00] =	vst v63  }
0x168: {  	_ =	swait.ge [sflag:s28], $0x4000  }
0x169: {  	[sflag:s28] =	ssyncset.done $0x0  }
0x16a: {  	s2 =	rddreg [dreg:$0x18];
	[sflag:s28] =	ssyncadd.s32 $0xFFFFC000  }
0x16b: {  	[hbm4b:s16+s7] =	stream.indirect.scatter [tilespmem:s22], [sflag:$0x8], $0x80, s2, s7, $0xb8;
	[tilespmem:$0x15B00] =	vst v63  }
0x16c: {  	_ =	swait.ge [sflag:s24], $0x4000  }
0x16d: {  	[sflag:s24] =	ssyncset.done $0x0  }
0x16e: {  	s2 =	rddreg [dreg:$0x19];
	[sflag:s24] =	ssyncadd.s32 $0xFFFFC000  }
0x16f: {  	[tilespmem:s22], [sflag:$0x3] =	stream.indirect.gather [hbm4b:s4+s7], $0x80, s2, s7, $0xb8;
	[tilespmem:$0x15B00] =	vst v63  }
0x170: {  	_ =	swait.ge [sflag:s29], $0x4000  }
0x171: {  	[sflag:s29] =	ssyncset.done $0x0  }
0x172: {  	s2 =	rddreg [dreg:$0x1a];
	[sflag:s29] =	ssyncadd.s32 $0xFFFFC000  }
0x173: {  	[hbm4b:s16+s7] =	stream.indirect.scatter [tilespmem:s21], [sflag:$0x9], $0x80, s2, s7, $0xb8;
	[tilespmem:$0x15B00] =	vst v63  }
0x174: {  	_ =	swait.ge [sflag:s25], $0x4000  }
0x175: {  	[sflag:s25] =	ssyncset.done $0x0  }
0x176: {  	s2 =	rddreg [dreg:$0x1b];
	[sflag:s25] =	ssyncadd.s32 $0xFFFFC000  }
0x177: {  	[tilespmem:s21], [sflag:$0x4] =	stream.indirect.gather [hbm4b:s4+s7], $0x80, s2, s7, $0xb8;
	[tilespmem:$0x15B00] =	vst v63  }
0x178: {  	_ =	swait.ge [sflag:s30], $0x4000  }
0x179: {  	[sflag:s30] =	ssyncset.done $0x0  }
0x17a: {  	s2 =	rddreg [dreg:$0x1c];
	[sflag:s30] =	ssyncadd.s32 $0xFFFFC000  }
0x17b: {  	[hbm4b:s16+s7] =	stream.indirect.scatter [tilespmem:s20], [sflag:$0xA], $0x80, s2, s7, $0xb8;
	[tilespmem:$0x15B00] =	vst v63  }
0x17c: {  	_ =	swait.ge [sflag:s26], $0x4000  }
0x17d: {  	[sflag:s26] =	ssyncset.done $0x0  }
0x17e: {  	s2 =	rddreg [dreg:$0x1d];
	[sflag:s26] =	ssyncadd.s32 $0xFFFFC000  }
0x17f: {  	[tilespmem:s20], [sflag:$0x5] =	stream.indirect.gather [hbm4b:s4+s7], $0x80, s2, s7, $0xb8;
	[tilespmem:$0x15B00] =	vst v63  }
0x180: {  	_ =	swait.ge [sflag:s14], $0x4000  }
0x181: {  	[sflag:s14] =	ssyncset.done $0x0  }
0x182: {  	s2 =	rddreg [dreg:$0x1e];
	[sflag:s14] =	ssyncadd.s32 $0xFFFFC000  }
0x183: {  	[hbm4b:s16+s7] =	stream.indirect.scatter [tilespmem:s11], [sflag:$0x6], $0x80, s2, s7, $0xb8;
	[tilespmem:$0x15B00] =	vst v63  }
0x184: {  	_ =	swait.ge [sflag:s12], $0x4000  }
0x185: {  	[sflag:s12] =	ssyncset.done $0x0  }
0x186: {  	s2 =	rddreg [dreg:$0x1f];
	[sflag:s12] =	ssyncadd.s32 $0xFFFFC000  }
0x187: {  	[tilespmem:s11], [sflag:$0x1] =	stream.indirect.gather [hbm4b:s4+s7], $0x80, s2, s7, $0xb8;
	[tilespmem:$0x15B00] =	vst v63  }
0x188: {  	_ =	swait.ge [sflag:s15], $0x4000  }
0x189: {  	s2 =	sld [smem:$0x7EF]  }
0x18a: {  	[sflag:s15] =	ssyncset.done $0x0  }
0x18b: {  	[sflag:s15] =	ssyncadd.s32 $0xFFFFC000  }
0x18c: {  	[hbm4b:s16+s7] =	stream.indirect.scatter [tilespmem:s10], [sflag:$0x7], $0x80, s2, s7, $0xb8;
	[tilespmem:$0x15B00] =	vst v63  }
0x18d: {  	_ =	swait.ge [sflag:s13], $0x4000  }
0x18e: {  	s2 =	sld [smem:$0x7F0]  }
0x18f: {  	[sflag:s13] =	ssyncset.done $0x0  }
0x190: {  	[sflag:s13] =	ssyncadd.s32 $0xFFFFC000  }
0x191: {  	[tilespmem:s10], [sflag:$0x2] =	stream.indirect.gather [hbm4b:s4+s7], $0x80, s2, s7, $0xb8;
	[tilespmem:$0x15B00] =	vst v63  }
0x192: {  	_ =	swait.ge [sflag:s28], $0x4000  }
0x193: {  	s2 =	sld [smem:$0x7F1]  }
0x194: {  	[sflag:s28] =	ssyncset.done $0x0  }
0x195: {  	[sflag:s28] =	ssyncadd.s32 $0xFFFFC000  }
0x196: {  	[hbm4b:s16+s7] =	stream.indirect.scatter [tilespmem:s22], [sflag:$0x8], $0x80, s2, s7, $0xb8;
	[tilespmem:$0x15B00] =	vst v63  }
0x197: {  	_ =	swait.ge [sflag:s24], $0x4000  }
0x198: {  	s2 =	sld [smem:$0x7F2]  }
0x199: {  	[sflag:s24] =	ssyncset.done $0x0  }
0x19a: {  	[sflag:s24] =	ssyncadd.s32 $0xFFFFC000  }
0x19b: {  	[tilespmem:s22], [sflag:$0x3] =	stream.indirect.gather [hbm4b:s4+s7], $0x80, s2, s7, $0xb8;
	[tilespmem:$0x15B00] =	vst v63  }
0x19c: {  	_ =	swait.ge [sflag:s29], $0x4000  }
0x19d: {  	s2 =	sld [smem:$0x7F3]  }
0x19e: {  	[sflag:s29] =	ssyncset.done $0x0  }
0x19f: {  	[sflag:s29] =	ssyncadd.s32 $0xFFFFC000  }
0x1a0: {  	[hbm4b:s16+s7] =	stream.indirect.scatter [tilespmem:s21], [sflag:$0x9], $0x80, s2, s7, $0xb8;
	[tilespmem:$0x15B00] =	vst v63  }
0x1a1: {  	_ =	swait.ge [sflag:s25], $0x4000  }
0x1a2: {  	s2 =	sld [smem:$0x7F4]  }
0x1a3: {  	[sflag:s25] =	ssyncset.done $0x0  }
0x1a4: {  	[sflag:s25] =	ssyncadd.s32 $0xFFFFC000  }
0x1a5: {  	[tilespmem:s21], [sflag:$0x4] =	stream.indirect.gather [hbm4b:s4+s7], $0x80, s2, s7, $0xb8;
	[tilespmem:$0x15B00] =	vst v63  }
0x1a6: {  	_ =	swait.ge [sflag:s30], $0x4000  }
0x1a7: {  	s2 =	sld [smem:$0x7F5]  }
0x1a8: {  	[sflag:s30] =	ssyncset.done $0x0  }
0x1a9: {  	[sflag:s30] =	ssyncadd.s32 $0xFFFFC000  }
0x1aa: {  	[hbm4b:s16+s7] =	stream.indirect.scatter [tilespmem:s20], [sflag:$0xA], $0x80, s2, s7, $0xb8;
	[tilespmem:$0x15B00] =	vst v63  }
0x1ab: {  	_ =	swait.ge [sflag:s26], $0x4000  }
0x1ac: {  	s2 =	sld [smem:$0x7F6]  }
0x1ad: {  	[sflag:s26] =	ssyncset.done $0x0  }
0x1ae: {  	[sflag:s26] =	ssyncadd.s32 $0xFFFFC000  }
0x1af: {  	[tilespmem:s20], [sflag:$0x5] =	stream.indirect.gather [hbm4b:s4+s7], $0x80, s2, s7, $0xb8;
	[tilespmem:$0x15B00] =	vst v63  }
0x1b0: {  	_ =	swait.ge [sflag:s14], $0x4000  }
0x1b1: {  	s2 =	sld [smem:$0x7F7]  }
0x1b2: {  	[sflag:s14] =	ssyncset.done $0x0  }
0x1b3: {  	[sflag:s14] =	ssyncadd.s32 $0xFFFFC000  }
0x1b4: {  	[hbm4b:s16+s7] =	stream.indirect.scatter [tilespmem:s11], [sflag:$0x6], $0x80, s2, s7, $0xb8;
	[tilespmem:$0x15B00] =	vst v63  }
0x1b5: {  	_ =	swait.ge [sflag:s15], $0x4000  }
0x1b6: {  	s2 =	sld [smem:$0x7F8]  }
0x1b7: {  	[sflag:s15] =	ssyncset.done $0x0  }
0x1b8: {  	[sflag:s15] =	ssyncadd.s32 $0xFFFFC000  }
0x1b9: {  	[hbm4b:s16+s7] =	stream.indirect.scatter [tilespmem:s10], [sflag:$0x7], $0x80, s2, s7, $0xb8;
	[tilespmem:$0x15B00] =	vst v63  }
0x1ba: {  	_ =	swait.ge [sflag:s28], $0x4000  }
0x1bb: {  	s2 =	sld [smem:$0x7F9]  }
0x1bc: {  	[sflag:s28] =	ssyncset.done $0x0  }
0x1bd: {  	[sflag:s28] =	ssyncadd.s32 $0xFFFFC000  }
0x1be: {  	[hbm4b:s16+s7] =	stream.indirect.scatter [tilespmem:s22], [sflag:$0x8], $0x80, s2, s7, $0xb8;
	[tilespmem:$0x15B00] =	vst v63  }
0x1bf: {  	_ =	swait.ge [sflag:s29], $0x4000  }
0x1c0: {  	s2 =	sld [smem:$0x7FA]  }
0x1c1: {  	[sflag:s29] =	ssyncset.done $0x0  }
0x1c2: {  	[sflag:s29] =	ssyncadd.s32 $0xFFFFC000  }
0x1c3: {  	[hbm4b:s16+s7] =	stream.indirect.scatter [tilespmem:s21], [sflag:$0x9], $0x80, s2, s7, $0xb8;
	[tilespmem:$0x15B00] =	vst v63  }
0x1c4: {  	_ =	swait.ge [sflag:s30], $0x4000  }
0x1c5: {  	s2 =	sld [smem:$0x7FB]  }
0x1c6: {  	[sflag:s30] =	ssyncset.done $0x0  }
0x1c7: {  	[sflag:s30] =	ssyncadd.s32 $0xFFFFC000  }
0x1c8: {  	[hbm4b:s16+s7] =	stream.indirect.scatter [tilespmem:s20], [sflag:$0xA], $0x80, s2, s7, $0xb8;
	[tilespmem:$0x15B00] =	vst v63  }
0x1c9: {  	_ =	swait.ge [sflag:s12], $0x4000  }
0x1ca: {  	[sflag:s12] =	ssyncset.done $0x0  }
0x1cb: {  	[sflag:s12] =	ssyncadd.s32 $0xFFFFC000  }
0x1cc: {  	_ =	swait.ge [sflag:s13], $0x4000  }
0x1cd: {  	[sflag:s13] =	ssyncset.done $0x0  }
0x1ce: {  	[sflag:s13] =	ssyncadd.s32 $0xFFFFC000  }
0x1cf: {  	_ =	swait.ge [sflag:s24], $0x4000  }
0x1d0: {  	[sflag:s24] =	ssyncset.done $0x0  }
0x1d1: {  	[sflag:s24] =	ssyncadd.s32 $0xFFFFC000  }
0x1d2: {  	_ =	swait.ge [sflag:s25], $0x4000  }
0x1d3: {  	[sflag:s25] =	ssyncset.done $0x0  }
0x1d4: {  	[sflag:s25] =	ssyncadd.s32 $0xFFFFC000  }
0x1d5: {  	_ =	swait.ge [sflag:s26], $0x4000  }
0x1d6: {  	[sflag:s26] =	ssyncset.done $0x0  }
0x1d7: {  	s2 =	rddreg [dreg:$0x6];
	[sflag:s26] =	ssyncadd.s32 $0xFFFFC000  }
0x1d8: {  	[tilespmem:s31], [sflag:$0xB] =	stream.linear.gather [hbm4b:s2+s3], $0x100, $0x38;
	[tilespmem:$0x15B00] =	vst v63  }
0x1d9: {  	_ =	swait.ge [sflag:s9], $0x100  }
0x1da: {  	[sflag:s9] =	ssyncset.done $0x0  }
0x1db: {  	[sflag:s9] =	ssyncadd.s32 $0xFFFFFF00  }
0x1dc: {  	[tilespmem:s18], [sflag:$0xB] =	stream.linear.gather [hbm4b:s8+s3], $0x100, $0x38;
	[tilespmem:$0x15B00] =	vst v63  }
0x1dd: {  	_ =	swait.ge [sflag:s9], $0x100  }
0x1de: {  	[sflag:s9] =	ssyncset.done $0x0  }
0x1df: {  	s2 =	sld [smem:$0x7FC];
	[sflag:s9] =	ssyncadd.s32 $0xFFFFFF00  }
0x1e0: {  	[tilespmem:s11], [sflag:$0x1] =	stream.indirect.gather [hbm4b:s4+s7], $0x80, s31, s7, $0xb8;
	[tilespmem:$0x15B00] =	vst v63  }
0x1e1: {  	_ = 	snop  }
0x1e2: {  	[tilespmem:s10], [sflag:$0x2] =	stream.indirect.gather [hbm4b:s4+s7], $0x80, s2, s7, $0xb8;
	[tilespmem:$0x15B00] =	vst v63  }
0x1e3: {  	_ =	swait.ge [sflag:s14], $0x4000  }
0x1e4: {  	[sflag:s14] =	ssyncset.done $0x0  }
0x1e5: {  	[sflag:s14] =	ssyncadd.s32 $0xFFFFC000  }
0x1e6: {  	[hbm4b:s6+s7] =	stream.indirect.scatter [tilespmem:s11], [sflag:$0x6], $0x80, s18, s7, $0xb8;
	[tilespmem:$0x15B00] =	vst v63  }
0x1e7: {  	_ =	swait.ge [sflag:s15], $0x4000  }
0x1e8: {  	[sflag:s15] =	ssyncset.done $0x0  }
0x1e9: {  	[sflag:s15] =	ssyncadd.s32 $0xFFFFC000  }
0x1ea: {  	[hbm4b:s6+s7] =	stream.indirect.scatter [tilespmem:s10], [sflag:$0x7], $0x80, s19, s7, $0xb8;
	[tilespmem:$0x15B00] =	vst v63  }
0x1eb: {  	_ =	swait.ge [sflag:s12], $0x4000  }
0x1ec: {  	[sflag:s12] =	ssyncset.done $0x0  }
0x1ed: {  	[sflag:s12] =	ssyncadd.s32 $0xFFFFC000  }
0x1ee: {  	_ =	swait.ge [sflag:s13], $0x4000  }
0x1ef: {  	[sflag:s13] =	ssyncset.done $0x0  }
0x1f0: {  	s2 =	rddreg [dreg:$0x7];
	[sflag:s13] =	ssyncadd.s32 $0xFFFFC000  }
0x1f1: {  	[tilespmem:s23], [sflag:$0xB] =	stream.linear.gather [hbm4b:s2+s3], $0x100, $0x38;
	[tilespmem:$0x15B00] =	vst v63  }
0x1f2: {  	_ =	swait.ge [sflag:s9], $0x100  }
0x1f3: {  	[sflag:s9] =	ssyncset.done $0x0  }
0x1f4: {  	[sflag:s9] =	ssyncadd.s32 $0xFFFFFF00  }
0x1f5: {  	[tilespmem:s18], [sflag:$0xB] =	stream.linear.gather [hbm4b:s8+s3], $0x100, $0x38;
	[tilespmem:$0x15B00] =	vst v63  }
0x1f6: {  	_ =	swait.ge [sflag:s9], $0x100  }
0x1f7: {  	[sflag:s9] =	ssyncset.done $0x0  }
0x1f8: {  	s0 =	sld [smem:$0x7FD];
	[sflag:s9] =	ssyncadd.s32 $0xFFFFFF00  }
0x1f9: {  	s2 =	rddreg [dreg:$0x1]  }
0x1fa: {  	[tilespmem:s11], [sflag:$0x1] =	stream.indirect.gather [hbm4b:s2+s7], $0x80, s23, s7, $0xb8;
	[tilespmem:$0x15B00] =	vst v63  }
0x1fb: {  	_ = 	snop  }
0x1fc: {  	[tilespmem:s10], [sflag:$0x2] =	stream.indirect.gather [hbm4b:s2+s7], $0x80, s0, s7, $0xb8;
	[tilespmem:$0x15B00] =	vst v63  }
0x1fd: {  	_ =	swait.ge [sflag:s14], $0x4000  }
0x1fe: {  	[sflag:s14] =	ssyncset.done $0x0  }
0x1ff: {  	[sflag:s14] =	ssyncadd.s32 $0xFFFFC000  }
0x200: {  	[hbm4b:s5+s7] =	stream.indirect.scatter [tilespmem:s11], [sflag:$0x6], $0x80, s18, s7, $0xb8;
	[tilespmem:$0x15B00] =	vst v63  }
0x201: {  	_ =	swait.ge [sflag:s15], $0x4000  }
0x202: {  	[sflag:s15] =	ssyncset.done $0x0  }
0x203: {  	p1 =	sne.s32 s1, $0x1;
	[sflag:s15] =	ssyncadd.s32 $0xFFFFC000  }
0x204: {  	[hbm4b:s5+s7] =	stream.indirect.scatter [tilespmem:s10], [sflag:$0x7], $0x80, s19, s7, $0xb8;
	[tilespmem:$0x15B00] =	vst v63  }
.Ltmp2:
0x205: {  	_ =	swait.ge [sflag:s12], $0x4000;
	(pc) =	sbr.rel @p1 .LBB2_4-.Ltmp2, $4  }
0x206: {  	[sflag:s12] =	ssyncset.done $0x0  }
0x207: {  	[sflag:s12] =	ssyncadd.s32 $0xFFFFC000  }
0x208: {  	_ =	swait.ge [sflag:s13], $0x4000  }
0x209: {  	s1 =	sadd.s32 $0xFFFFFFFF, s1;
	s0 =	rddreg [dreg:$0x4];
	[sflag:s13] =	ssyncset.done $0x0  }
0x20a: {  	s19 =	rddreg [dreg:$0x1];
	s2 =	stileid.u32  }
.LBB2_6:
0x20b: {  	[sflag:s13] =	ssyncadd.s32 @p0 $0xFFFFC000  }
0x20c: {  	[tilespmem:s3], [sflag:$0xB] =	stream.linear.gather [hbm4b:s0+s3], $0xA00, $0x38;
	[tilespmem:$0x15B00] =	vst v63  }
0x20d: {  	_ =	swait.ge [sflag:s9], $0xA00  }
0x20e: {  	[sflag:s9] =	ssyncset.done $0x0  }
0x20f: {  	s1 =	rddreg [dreg:$0x5];
	[sflag:s9] =	ssyncadd.s32 $0xFFFFF600  }
0x210: {  	[tilespmem:s17], [sflag:$0xB] =	stream.linear.gather [hbm4b:s1+s3], $0xA00, $0x38;
	[tilespmem:$0x15B00] =	vst v63  }
0x211: {  	_ =	swait.ge [sflag:s9], $0xA00  }
0x212: {  	[sflag:s9] =	ssyncset.done $0x0  }
0x213: {  	[sflag:s9] =	ssyncadd.s32 $0xFFFFF600  }
0x214: {  	[tilespmem:s11], [sflag:$0x1] =	stream.indirect.gather [hbm4b:s4+s7], $0x80, s3, s7, $0xb8;
	[tilespmem:$0x15B00] =	vst v63  }
0x215: {  	_ = 	snop  }
0x216: {  	[tilespmem:s10], [sflag:$0x2] =	stream.indirect.gather [hbm4b:s4+s7], $0x80, s7, s7, $0xb8;
	[tilespmem:$0x15B00] =	vst v63  }
0x217: {  	s23 =	rddreg [dreg:$0x8]  }
0x218: {  	[tilespmem:s22], [sflag:$0x3] =	stream.indirect.gather [hbm4b:s4+s7], $0x80, s23, s7, $0xb8;
	[tilespmem:$0x15B00] =	vst v63  }
0x219: {  	s1 =	rddreg [dreg:$0x9]  }
0x21a: {  	[tilespmem:s21], [sflag:$0x4] =	stream.indirect.gather [hbm4b:s4+s7], $0x80, s1, s7, $0xb8;
	[tilespmem:$0x15B00] =	vst v63  }
0x21b: {  	s31 =	rddreg [dreg:$0xa]  }
0x21c: {  	[tilespmem:s20], [sflag:$0x5] =	stream.indirect.gather [hbm4b:s4+s7], $0x80, s31, s7, $0xb8;
	[tilespmem:$0x15B00] =	vst v63  }
0x21d: {  	_ =	swait.ge [sflag:s14], $0x4000  }
0x21e: {  	[sflag:s14] =	ssyncset.done $0x0  }
0x21f: {  	[sflag:s14] =	ssyncadd.s32 $0xFFFFC000  }
0x220: {  	[hbm4b:s16+s7] =	stream.indirect.scatter [tilespmem:s11], [sflag:$0x6], $0x80, s17, s7, $0xb8;
	[tilespmem:$0x15B00] =	vst v63  }
0x221: {  	_ =	swait.ge [sflag:s12], $0x4000  }
0x222: {  	[sflag:s12] =	ssyncset.done $0x0  }
0x223: {  	s23 =	rddreg [dreg:$0xb];
	[sflag:s12] =	ssyncadd.s32 $0xFFFFC000  }
0x224: {  	[tilespmem:s11], [sflag:$0x1] =	stream.indirect.gather [hbm4b:s4+s7], $0x80, s23, s7, $0xb8;
	[tilespmem:$0x15B00] =	vst v63  }
0x225: {  	_ =	swait.ge [sflag:s15], $0x4000  }
0x226: {  	[sflag:s15] =	ssyncset.done $0x0  }
0x227: {  	s31 =	rddreg [dreg:$0xc];
	[sflag:s15] =	ssyncadd.s32 $0xFFFFC000  }
0x228: {  	[hbm4b:s16+s7] =	stream.indirect.scatter [tilespmem:s10], [sflag:$0x7], $0x80, s31, s7, $0xb8;
	[tilespmem:$0x15B00] =	vst v63  }
0x229: {  	_ =	swait.ge [sflag:s13], $0x4000  }
0x22a: {  	[sflag:s13] =	ssyncset.done $0x0  }
0x22b: {  	s1 =	rddreg [dreg:$0xd];
	[sflag:s13] =	ssyncadd.s32 $0xFFFFC000  }
0x22c: {  	[tilespmem:s10], [sflag:$0x2] =	stream.indirect.gather [hbm4b:s4+s7], $0x80, s1, s7, $0xb8;
	[tilespmem:$0x15B00] =	vst v63  }
0x22d: {  	_ =	swait.ge [sflag:s28], $0x4000  }
0x22e: {  	[sflag:s28] =	ssyncset.done $0x0  }
0x22f: {  	s17 =	rddreg [dreg:$0xe];
	[sflag:s28] =	ssyncadd.s32 $0xFFFFC000  }
0x230: {  	[hbm4b:s16+s7] =	stream.indirect.scatter [tilespmem:s22], [sflag:$0x8], $0x80, s17, s7, $0xb8;
	[tilespmem:$0x15B00] =	vst v63  }
0x231: {  	_ =	swait.ge [sflag:s24], $0x4000  }
0x232: {  	[sflag:s24] =	ssyncset.done $0x0  }
0x233: {  	s23 =	rddreg [dreg:$0xf];
	[sflag:s24] =	ssyncadd.s32 $0xFFFFC000  }
0x234: {  	[tilespmem:s22], [sflag:$0x3] =	stream.indirect.gather [hbm4b:s4+s7], $0x80, s23, s7, $0xb8;
	[tilespmem:$0x15B00] =	vst v63  }
0x235: {  	_ =	swait.ge [sflag:s29], $0x4000  }
0x236: {  	[sflag:s29] =	ssyncset.done $0x0  }
0x237: {  	s31 =	rddreg [dreg:$0x10];
	[sflag:s29] =	ssyncadd.s32 $0xFFFFC000  }
0x238: {  	[hbm4b:s16+s7] =	stream.indirect.scatter [tilespmem:s21], [sflag:$0x9], $0x80, s31, s7, $0xb8;
	[tilespmem:$0x15B00] =	vst v63  }
0x239: {  	_ =	swait.ge [sflag:s25], $0x4000  }
0x23a: {  	[sflag:s25] =	ssyncset.done $0x0  }
0x23b: {  	s1 =	rddreg [dreg:$0x11];
	[sflag:s25] =	ssyncadd.s32 $0xFFFFC000  }
0x23c: {  	[tilespmem:s21], [sflag:$0x4] =	stream.indirect.gather [hbm4b:s4+s7], $0x80, s1, s7, $0xb8;
	[tilespmem:$0x15B00] =	vst v63  }
0x23d: {  	_ =	swait.ge [sflag:s30], $0x4000  }
0x23e: {  	[sflag:s30] =	ssyncset.done $0x0  }
0x23f: {  	s17 =	rddreg [dreg:$0x12];
	[sflag:s30] =	ssyncadd.s32 $0xFFFFC000  }
0x240: {  	[hbm4b:s16+s7] =	stream.indirect.scatter [tilespmem:s20], [sflag:$0xA], $0x80, s17, s7, $0xb8;
	[tilespmem:$0x15B00] =	vst v63  }
0x241: {  	_ =	swait.ge [sflag:s26], $0x4000  }
0x242: {  	[sflag:s26] =	ssyncset.done $0x0  }
0x243: {  	s23 =	rddreg [dreg:$0x13];
	[sflag:s26] =	ssyncadd.s32 $0xFFFFC000  }
0x244: {  	[tilespmem:s20], [sflag:$0x5] =	stream.indirect.gather [hbm4b:s4+s7], $0x80, s23, s7, $0xb8;
	[tilespmem:$0x15B00] =	vst v63  }
0x245: {  	_ =	swait.ge [sflag:s14], $0x4000  }
0x246: {  	[sflag:s14] =	ssyncset.done $0x0  }
0x247: {  	s31 =	rddreg [dreg:$0x14];
	[sflag:s14] =	ssyncadd.s32 $0xFFFFC000  }
0x248: {  	[hbm4b:s16+s7] =	stream.indirect.scatter [tilespmem:s11], [sflag:$0x6], $0x80, s31, s7, $0xb8;
	[tilespmem:$0x15B00] =	vst v63  }
0x249: {  	_ =	swait.ge [sflag:s12], $0x4000  }
0x24a: {  	[sflag:s12] =	ssyncset.done $0x0  }
0x24b: {  	s1 =	rddreg [dreg:$0x15];
	[sflag:s12] =	ssyncadd.s32 $0xFFFFC000  }
0x24c: {  	[tilespmem:s11], [sflag:$0x1] =	stream.indirect.gather [hbm4b:s4+s7], $0x80, s1, s7, $0xb8;
	[tilespmem:$0x15B00] =	vst v63  }
0x24d: {  	_ =	swait.ge [sflag:s15], $0x4000  }
0x24e: {  	[sflag:s15] =	ssyncset.done $0x0  }
0x24f: {  	s17 =	rddreg [dreg:$0x16];
	[sflag:s15] =	ssyncadd.s32 $0xFFFFC000  }
0x250: {  	[hbm4b:s16+s7] =	stream.indirect.scatter [tilespmem:s10], [sflag:$0x7], $0x80, s17, s7, $0xb8;
	[tilespmem:$0x15B00] =	vst v63  }
0x251: {  	_ =	swait.ge [sflag:s13], $0x4000  }
0x252: {  	[sflag:s13] =	ssyncset.done $0x0  }
0x253: {  	s23 =	rddreg [dreg:$0x17];
	[sflag:s13] =	ssyncadd.s32 $0xFFFFC000  }
0x254: {  	[tilespmem:s10], [sflag:$0x2] =	stream.indirect.gather [hbm4b:s4+s7], $0x80, s23, s7, $0xb8;
	[tilespmem:$0x15B00] =	vst v63  }
0x255: {  	_ =	swait.ge [sflag:s28], $0x4000  }
0x256: {  	[sflag:s28] =	ssyncset.done $0x0  }
0x257: {  	s31 =	rddreg [dreg:$0x18];
	[sflag:s28] =	ssyncadd.s32 $0xFFFFC000  }
0x258: {  	[hbm4b:s16+s7] =	stream.indirect.scatter [tilespmem:s22], [sflag:$0x8], $0x80, s31, s7, $0xb8;
	[tilespmem:$0x15B00] =	vst v63  }
0x259: {  	_ =	swait.ge [sflag:s24], $0x4000  }
0x25a: {  	[sflag:s24] =	ssyncset.done $0x0  }
0x25b: {  	s1 =	rddreg [dreg:$0x19];
	[sflag:s24] =	ssyncadd.s32 $0xFFFFC000  }
0x25c: {  	[tilespmem:s22], [sflag:$0x3] =	stream.indirect.gather [hbm4b:s4+s7], $0x80, s1, s7, $0xb8;
	[tilespmem:$0x15B00] =	vst v63  }
0x25d: {  	_ =	swait.ge [sflag:s29], $0x4000  }
0x25e: {  	[sflag:s29] =	ssyncset.done $0x0  }
0x25f: {  	s17 =	rddreg [dreg:$0x1a];
	[sflag:s29] =	ssyncadd.s32 $0xFFFFC000  }
0x260: {  	[hbm4b:s16+s7] =	stream.indirect.scatter [tilespmem:s21], [sflag:$0x9], $0x80, s17, s7, $0xb8;
	[tilespmem:$0x15B00] =	vst v63  }
0x261: {  	_ =	swait.ge [sflag:s25], $0x4000  }
0x262: {  	[sflag:s25] =	ssyncset.done $0x0  }
0x263: {  	s23 =	rddreg [dreg:$0x1b];
	[sflag:s25] =	ssyncadd.s32 $0xFFFFC000  }
0x264: {  	[tilespmem:s21], [sflag:$0x4] =	stream.indirect.gather [hbm4b:s4+s7], $0x80, s23, s7, $0xb8;
	[tilespmem:$0x15B00] =	vst v63  }
0x265: {  	_ =	swait.ge [sflag:s30], $0x4000  }
0x266: {  	[sflag:s30] =	ssyncset.done $0x0  }
0x267: {  	s31 =	rddreg [dreg:$0x1c];
	[sflag:s30] =	ssyncadd.s32 $0xFFFFC000  }
0x268: {  	[hbm4b:s16+s7] =	stream.indirect.scatter [tilespmem:s20], [sflag:$0xA], $0x80, s31, s7, $0xb8;
	[tilespmem:$0x15B00] =	vst v63  }
0x269: {  	_ =	swait.ge [sflag:s26], $0x4000  }
0x26a: {  	[sflag:s26] =	ssyncset.done $0x0  }
0x26b: {  	s1 =	rddreg [dreg:$0x1d];
	[sflag:s26] =	ssyncadd.s32 $0xFFFFC000  }
0x26c: {  	[tilespmem:s20], [sflag:$0x5] =	stream.indirect.gather [hbm4b:s4+s7], $0x80, s1, s7, $0xb8;
	[tilespmem:$0x15B00] =	vst v63  }
0x26d: {  	_ =	swait.ge [sflag:s14], $0x4000  }
0x26e: {  	[sflag:s14] =	ssyncset.done $0x0  }
0x26f: {  	s17 =	rddreg [dreg:$0x1e];
	[sflag:s14] =	ssyncadd.s32 $0xFFFFC000  }
0x270: {  	[hbm4b:s16+s7] =	stream.indirect.scatter [tilespmem:s11], [sflag:$0x6], $0x80, s17, s7, $0xb8;
	[tilespmem:$0x15B00] =	vst v63  }
0x271: {  	_ =	swait.ge [sflag:s12], $0x4000  }
0x272: {  	[sflag:s12] =	ssyncset.done $0x0  }
0x273: {  	s23 =	rddreg [dreg:$0x1f];
	[sflag:s12] =	ssyncadd.s32 $0xFFFFC000  }
0x274: {  	[tilespmem:s11], [sflag:$0x1] =	stream.indirect.gather [hbm4b:s4+s7], $0x80, s23, s7, $0xb8;
	[tilespmem:$0x15B00] =	vst v63  }
0x275: {  	_ =	swait.ge [sflag:s15], $0x4000  }
0x276: {  	s31 =	sld [smem:$0x7EF]  }
0x277: {  	[sflag:s15] =	ssyncset.done $0x0  }
0x278: {  	[sflag:s15] =	ssyncadd.s32 $0xFFFFC000  }
0x279: {  	[hbm4b:s16+s7] =	stream.indirect.scatter [tilespmem:s10], [sflag:$0x7], $0x80, s31, s7, $0xb8;
	[tilespmem:$0x15B00] =	vst v63  }
0x27a: {  	_ =	swait.ge [sflag:s13], $0x4000  }
0x27b: {  	s1 =	sld [smem:$0x7F0]  }
0x27c: {  	[sflag:s13] =	ssyncset.done $0x0  }
0x27d: {  	[sflag:s13] =	ssyncadd.s32 $0xFFFFC000  }
0x27e: {  	[tilespmem:s10], [sflag:$0x2] =	stream.indirect.gather [hbm4b:s4+s7], $0x80, s1, s7, $0xb8;
	[tilespmem:$0x15B00] =	vst v63  }
0x27f: {  	_ =	swait.ge [sflag:s28], $0x4000  }
0x280: {  	s17 =	sld [smem:$0x7F1]  }
0x281: {  	[sflag:s28] =	ssyncset.done $0x0  }
0x282: {  	[sflag:s28] =	ssyncadd.s32 $0xFFFFC000  }
0x283: {  	[hbm4b:s16+s7] =	stream.indirect.scatter [tilespmem:s22], [sflag:$0x8], $0x80, s17, s7, $0xb8;
	[tilespmem:$0x15B00] =	vst v63  }
0x284: {  	_ =	swait.ge [sflag:s24], $0x4000  }
0x285: {  	s23 =	sld [smem:$0x7F2]  }
0x286: {  	[sflag:s24] =	ssyncset.done $0x0  }
0x287: {  	[sflag:s24] =	ssyncadd.s32 $0xFFFFC000  }
0x288: {  	[tilespmem:s22], [sflag:$0x3] =	stream.indirect.gather [hbm4b:s4+s7], $0x80, s23, s7, $0xb8;
	[tilespmem:$0x15B00] =	vst v63  }
0x289: {  	_ =	swait.ge [sflag:s29], $0x4000  }
0x28a: {  	s31 =	sld [smem:$0x7F3]  }
0x28b: {  	[sflag:s29] =	ssyncset.done $0x0  }
0x28c: {  	[sflag:s29] =	ssyncadd.s32 $0xFFFFC000  }
0x28d: {  	[hbm4b:s16+s7] =	stream.indirect.scatter [tilespmem:s21], [sflag:$0x9], $0x80, s31, s7, $0xb8;
	[tilespmem:$0x15B00] =	vst v63  }
0x28e: {  	_ =	swait.ge [sflag:s25], $0x4000  }
0x28f: {  	s1 =	sld [smem:$0x7F4]  }
0x290: {  	[sflag:s25] =	ssyncset.done $0x0  }
0x291: {  	[sflag:s25] =	ssyncadd.s32 $0xFFFFC000  }
0x292: {  	[tilespmem:s21], [sflag:$0x4] =	stream.indirect.gather [hbm4b:s4+s7], $0x80, s1, s7, $0xb8;
	[tilespmem:$0x15B00] =	vst v63  }
0x293: {  	_ =	swait.ge [sflag:s30], $0x4000  }
0x294: {  	s17 =	sld [smem:$0x7F5]  }
0x295: {  	[sflag:s30] =	ssyncset.done $0x0  }
0x296: {  	[sflag:s30] =	ssyncadd.s32 $0xFFFFC000  }
0x297: {  	[hbm4b:s16+s7] =	stream.indirect.scatter [tilespmem:s20], [sflag:$0xA], $0x80, s17, s7, $0xb8;
	[tilespmem:$0x15B00] =	vst v63  }
0x298: {  	_ =	swait.ge [sflag:s26], $0x4000  }
0x299: {  	s23 =	sld [smem:$0x7F6]  }
0x29a: {  	[sflag:s26] =	ssyncset.done $0x0  }
0x29b: {  	[sflag:s26] =	ssyncadd.s32 $0xFFFFC000  }
0x29c: {  	[tilespmem:s20], [sflag:$0x5] =	stream.indirect.gather [hbm4b:s4+s7], $0x80, s23, s7, $0xb8;
	[tilespmem:$0x15B00] =	vst v63  }
0x29d: {  	_ =	swait.ge [sflag:s14], $0x4000  }
0x29e: {  	s31 =	sld [smem:$0x7F7]  }
0x29f: {  	[sflag:s14] =	ssyncset.done $0x0  }
0x2a0: {  	[sflag:s14] =	ssyncadd.s32 $0xFFFFC000  }
0x2a1: {  	[hbm4b:s16+s7] =	stream.indirect.scatter [tilespmem:s11], [sflag:$0x6], $0x80, s31, s7, $0xb8;
	[tilespmem:$0x15B00] =	vst v63  }
0x2a2: {  	_ =	swait.ge [sflag:s15], $0x4000  }
0x2a3: {  	s1 =	sld [smem:$0x7F8]  }
0x2a4: {  	[sflag:s15] =	ssyncset.done $0x0  }
0x2a5: {  	[sflag:s15] =	ssyncadd.s32 $0xFFFFC000  }
0x2a6: {  	[hbm4b:s16+s7] =	stream.indirect.scatter [tilespmem:s10], [sflag:$0x7], $0x80, s1, s7, $0xb8;
	[tilespmem:$0x15B00] =	vst v63  }
0x2a7: {  	_ =	swait.ge [sflag:s28], $0x4000  }
0x2a8: {  	s17 =	sld [smem:$0x7F9]  }
0x2a9: {  	[sflag:s28] =	ssyncset.done $0x0  }
0x2aa: {  	[sflag:s28] =	ssyncadd.s32 $0xFFFFC000  }
0x2ab: {  	[hbm4b:s16+s7] =	stream.indirect.scatter [tilespmem:s22], [sflag:$0x8], $0x80, s17, s7, $0xb8;
	[tilespmem:$0x15B00] =	vst v63  }
0x2ac: {  	_ =	swait.ge [sflag:s29], $0x4000  }
0x2ad: {  	s22 =	sld [smem:$0x7FA]  }
0x2ae: {  	[sflag:s29] =	ssyncset.done $0x0  }
0x2af: {  	[sflag:s29] =	ssyncadd.s32 $0xFFFFC000  }
0x2b0: {  	[hbm4b:s16+s7] =	stream.indirect.scatter [tilespmem:s21], [sflag:$0x9], $0x80, s22, s7, $0xb8;
	[tilespmem:$0x15B00] =	vst v63  }
0x2b1: {  	_ =	swait.ge [sflag:s30], $0x4000  }
0x2b2: {  	s23 =	sld [smem:$0x7FB]  }
0x2b3: {  	[sflag:s30] =	ssyncset.done $0x0  }
0x2b4: {  	[sflag:s30] =	ssyncadd.s32 $0xFFFFC000  }
0x2b5: {  	[hbm4b:s16+s7] =	stream.indirect.scatter [tilespmem:s20], [sflag:$0xA], $0x80, s23, s7, $0xb8;
	[tilespmem:$0x15B00] =	vst v63  }
0x2b6: {  	_ =	swait.ge [sflag:s12], $0x4000  }
0x2b7: {  	[sflag:s12] =	ssyncset.done $0x0  }
0x2b8: {  	[sflag:s12] =	ssyncadd.s32 $0xFFFFC000  }
0x2b9: {  	_ =	swait.ge [sflag:s13], $0x4000  }
0x2ba: {  	[sflag:s13] =	ssyncset.done $0x0  }
0x2bb: {  	[sflag:s13] =	ssyncadd.s32 $0xFFFFC000  }
0x2bc: {  	_ =	swait.ge [sflag:s24], $0x4000  }
0x2bd: {  	[sflag:s24] =	ssyncset.done $0x0  }
0x2be: {  	[sflag:s24] =	ssyncadd.s32 $0xFFFFC000  }
0x2bf: {  	_ =	swait.ge [sflag:s25], $0x4000  }
0x2c0: {  	[sflag:s25] =	ssyncset.done $0x0  }
0x2c1: {  	[sflag:s25] =	ssyncadd.s32 $0xFFFFC000  }
0x2c2: {  	_ =	swait.ge [sflag:s26], $0x4000  }
0x2c3: {  	[sflag:s26] =	ssyncset.done $0x0  }
0x2c4: {  	s25 =	simm.s32 $0xC00;
	s24 =	rddreg [dreg:$0x6];
	[sflag:s26] =	ssyncadd.s32 $0xFFFFC000  }
0x2c5: {  	[tilespmem:s25], [sflag:$0xB] =	stream.linear.gather [hbm4b:s24+s3], $0x100, $0x38;
	[tilespmem:$0x15B00] =	vst v63  }
0x2c6: {  	_ =	swait.ge [sflag:s9], $0x100  }
0x2c7: {  	[sflag:s9] =	ssyncset.done $0x0  }
0x2c8: {  	[sflag:s9] =	ssyncadd.s32 $0xFFFFFF00  }
0x2c9: {  	[tilespmem:s18], [sflag:$0xB] =	stream.linear.gather [hbm4b:s8+s3], $0x100, $0x38;
	[tilespmem:$0x15B00] =	vst v63  }
0x2ca: {  	_ =	swait.ge [sflag:s9], $0x100  }
0x2cb: {  	[sflag:s9] =	ssyncset.done $0x0  }
0x2cc: {  	s26 =	sld [smem:$0x7FC];
	[sflag:s9] =	ssyncadd.s32 $0xFFFFFF00  }
0x2cd: {  	[tilespmem:s11], [sflag:$0x1] =	stream.indirect.gather [hbm4b:s4+s7], $0x80, s25, s7, $0xb8;
	[tilespmem:$0x15B00] =	vst v63  }
0x2ce: {  	_ = 	snop  }
0x2cf: {  	[tilespmem:s10], [sflag:$0x2] =	stream.indirect.gather [hbm4b:s4+s7], $0x80, s26, s7, $0xb8;
	[tilespmem:$0x15B00] =	vst v63  }
0x2d0: {  	_ =	swait.ge [sflag:s14], $0x4000  }
0x2d1: {  	[sflag:s14] =	ssyncset.done $0x0  }
0x2d2: {  	[sflag:s14] =	ssyncadd.s32 $0xFFFFC000  }
0x2d3: {  	[hbm4b:s6+s7] =	stream.indirect.scatter [tilespmem:s11], [sflag:$0x6], $0x80, s18, s7, $0xb8;
	[tilespmem:$0x15B00] =	vst v63  }
0x2d4: {  	_ =	swait.ge [sflag:s15], $0x4000  }
0x2d5: {  	[sflag:s15] =	ssyncset.done $0x0  }
0x2d6: {  	s28 =	simm.s32 $0x1A80;
	[sflag:s15] =	ssyncadd.s32 $0xFFFFC000  }
0x2d7: {  	[hbm4b:s6+s7] =	stream.indirect.scatter [tilespmem:s10], [sflag:$0x7], $0x80, s28, s7, $0xb8;
	[tilespmem:$0x15B00] =	vst v63  }
0x2d8: {  	_ =	swait.ge [sflag:s12], $0x4000  }
0x2d9: {  	[sflag:s12] =	ssyncset.done $0x0  }
0x2da: {  	[sflag:s12] =	ssyncadd.s32 $0xFFFFC000  }
0x2db: {  	_ =	swait.ge [sflag:s13], $0x4000  }
0x2dc: {  	[sflag:s13] =	ssyncset.done $0x0  }
0x2dd: {  	s30 =	simm.s32 $0xD00;
	s29 =	rddreg [dreg:$0x7];
	[sflag:s13] =	ssyncadd.s32 $0xFFFFC000  }
0x2de: {  	[tilespmem:s30], [sflag:$0xB] =	stream.linear.gather [hbm4b:s29+s3], $0x100, $0x38;
	[tilespmem:$0x15B00] =	vst v63  }
0x2df: {  	_ =	swait.ge [sflag:s9], $0x100  }
0x2e0: {  	[sflag:s9] =	ssyncset.done $0x0  }
0x2e1: {  	[sflag:s9] =	ssyncadd.s32 $0xFFFFFF00  }
0x2e2: {  	[tilespmem:s18], [sflag:$0xB] =	stream.linear.gather [hbm4b:s8+s3], $0x100, $0x38;
	[tilespmem:$0x15B00] =	vst v63  }
0x2e3: {  	_ =	swait.ge [sflag:s9], $0x100  }
0x2e4: {  	[sflag:s9] =	ssyncset.done $0x0  }
0x2e5: {  	s31 =	sld [smem:$0x7FD];
	[sflag:s9] =	ssyncadd.s32 $0xFFFFFF00  }
0x2e6: {  	[tilespmem:s11], [sflag:$0x1] =	stream.indirect.gather [hbm4b:s19+s7], $0x80, s30, s7, $0xb8;
	[tilespmem:$0x15B00] =	vst v63  }
0x2e7: {  	_ = 	snop  }
0x2e8: {  	[tilespmem:s10], [sflag:$0x2] =	stream.indirect.gather [hbm4b:s19+s7], $0x80, s31, s7, $0xb8;
	[tilespmem:$0x15B00] =	vst v63  }
0x2e9: {  	_ =	swait.ge [sflag:s14], $0x4000  }
0x2ea: {  	[sflag:s14] =	ssyncset.done $0x0  }
0x2eb: {  	[sflag:s14] =	ssyncadd.s32 $0xFFFFC000  }
0x2ec: {  	[hbm4b:s5+s7] =	stream.indirect.scatter [tilespmem:s11], [sflag:$0x6], $0x80, s18, s7, $0xb8;
	[tilespmem:$0x15B00] =	vst v63  }
0x2ed: {  	_ =	swait.ge [sflag:s15], $0x4000  }
0x2ee: {  	[sflag:s15] =	ssyncset.done $0x0  }
0x2ef: {  	[sflag:s15] =	ssyncadd.s32 $0xFFFFC000  }
0x2f0: {  	[hbm4b:s5+s7] =	stream.indirect.scatter [tilespmem:s10], [sflag:$0x7], $0x80, s28, s7, $0xb8;
	[tilespmem:$0x15B00] =	vst v63  }
0x2f1: {  	_ =	swait.ge [sflag:s12], $0x4000  }
0x2f2: {  	[sflag:s12] =	ssyncset.done $0x0  }
0x2f3: {  	[sflag:s12] =	ssyncadd.s32 $0xFFFFC000  }
0x2f4: {  	_ =	swait.ge [sflag:s13], $0x4000  }
0x2f5: {  	[sflag:s13] =	ssyncset.done $0x0  }
0x2f6: {  	[sflag:s13] =	ssyncadd.s32 $0xFFFFC000  }
0x2f7: {  	_ =	sfence.sel $0x180000  }
0x2f8: {  	[bflag:$0x0] =	sbarrier.arrive $0xFFFF  }
0x2f9: {  	_ =	strace $0x90000047  }
0x2fa: {  	[bflag:$0x2] =	sbarrier.arrive $0xFFFF  }
0x2fb: {  	p0 =	sne.s32 s2, $0x0;
	s0 =	rddreg [dreg:$0x3]  }
0x2fc: {  	s0 =	sadd.s32 @!p0 $0x100000, s0  }
0x2fd: {  	[sflag:s0] =	ssyncadd.tile.s32 @!p0 $0x1;
	_ =	shalt  }
.LBB2_1:
.Ltmp3:
0x2fe: {  	(pc) =	sbr.rel .LBB2_6-.Ltmp3, $2  }
0x2ff: {  	_ =	sdelay $0x2  }
0x300: {  	s19 =	rddreg [dreg:$0x1]  }
.LBB2_3:
.Ltmp4:
0x301: {  	(pc) =	sbr.rel .LBB2_6-.Ltmp4, $2  }
0x302: {  	_ =	sdelay $0x2  }
0x303: {  	s19 =	rddreg [dreg:$0x1];
	s2 =	stileid.u32  }
.Lfunc_end2:
_tile_overlayer_lowered:
.L_overlay_start_2:
0x304: {  	(tag) =	ssettag $0x2  }
0x305: {  	s0 =	rddreg [dreg:$0x0];
	s2 =	stileid.u32  }
0x306: {  	s1 =	rddreg [dreg:$0x1];
	p0 =	sne.s32 s2, $0x0  }
0x307: {  	s3 =	rddreg [dreg:$0x2];
	[bflag:$0x3] =	sbarrier.arrive $0xFFFF;
	s2 =	simm.s32 @!p0 $0x1C0B  }
0x308: {  	[timem:s3], [sflag:s2] =	dma.local @!p0 [hbm:s0], s1  }
0x309: {  	s0 =	simm.s32 @!p0 $0xB  }
0x30a: {  	_ =	swait.ge @!p0 [sflag:s0], s1  }
0x30b: {  	s1 =	ssub.s32 @!p0 $0x0, s1;
	[sflag:s0] =	ssyncset.done @!p0 $0x0  }
0x30c: {  	[sflag:s0] =	ssyncadd.s32 @!p0 s1  }
0x30d: {  	[bflag:$0x3] =	sbarrier.arrive $0xFFFF  }
0x30e: {  	_ =	shalt  }

</sc_bundles>
